<compile_context>
chip_gen: v7x
topology: tpu7x:2x2x1
jax: 0.10.2.dev20260603
libtpu: 0.0.44.dev20260713+nightly
codegen_flags: <defaults>
</compile_context>

<pallas_src>
import functools
import math

import jax
import jax.numpy as jnp
from jax import lax
from jax.experimental import pallas as pl
from jax.experimental.pallas import tpu as pltpu
from jax.experimental.pallas import tpu_sc as plsc

N = 10000
F = 256
NQ = 8
Q = 32
E = 160000
NC = 2
NS = 16
NPH = 4
CH = 256
NBUF = 5
ET = CH
NT = 40
EPT = ET * NT
EPAD = EPT * NS
NROWS = 10112
RPT = NROWS // NS
SPT = N // NS


def _agg_body(with_counts, xs_hbm, sidx_hbm, didx_hbm, zq_hbm, z8_hbm,
              ones_hbm, sums_out, cnt_out, idxs_v, idxd_v, bufs,
              ones_v, table_sh, accum, cnt_sh, sgs, sss, scs):
    c = lax.axis_index("c")
    s = lax.axis_index("s")
    base = s * RPT

    pltpu.sync_copy(sidx_hbm.at[s], idxs_v)
    pltpu.sync_copy(didx_hbm.at[s], idxd_v)
    if with_counts:
        pltpu.sync_copy(ones_hbm, ones_v)

    for p in range(NPH):
        pltpu.sync_copy(xs_hbm.at[pl.ds((2 * p + c) * N + SPT * s, SPT)],
                        table_sh.at[pl.ds(SPT * s, SPT)])
        pltpu.sync_copy(zq_hbm, accum.at[pl.ds(base, RPT)])
        if with_counts and p == 0:
            @pl.when(c == 0)
            def _zero_cnt():
                pltpu.sync_copy(z8_hbm, cnt_sh.at[pl.ds(base, RPT)])

        plsc.subcore_barrier()

        count_this_phase = with_counts and p == 0

        def outer(i, carry):
            j0 = i * NBUF
            gd = [pltpu.async_copy(
                table_sh.at[idxs_v.at[j0 + b]], bufs[b],
                sgs[b]) for b in range(NBUF)]
            sd = []
            for b in range(NBUF):
                gd[b].wait()
                sd.append(pltpu.async_copy(
                    bufs[b], accum.at[idxd_v.at[j0 + b]],
                    sss[b], add=True))
            if count_this_phase:
                @pl.when(c == 0)
                def _cnt():
                    cd = [pltpu.async_copy(
                        ones_v, cnt_sh.at[idxd_v.at[j0 + b]],
                        scs[b % 2], add=True) for b in range(NBUF)]
                    for d in cd:
                        d.wait()
            for b in range(NBUF):
                sd[b].wait()
            return carry

        lax.fori_loop(0, NT // NBUF, outer, 0)

        plsc.subcore_barrier()

        pltpu.sync_copy(accum.at[pl.ds(base, RPT)],
                        sums_out.at[2 * p + c, pl.ds(base, RPT)])
        if count_this_phase:
            @pl.when(c == 0)
            def _wb_cnt():
                pltpu.sync_copy(cnt_sh.at[pl.ds(base, RPT)],
                                cnt_out.at[pl.ds(base, RPT)])
        if p + 1 < NPH:
            plsc.subcore_barrier()


def _make_agg(with_counts):
    mesh = plsc.VectorSubcoreMesh(core_axis_name="c", subcore_axis_name="s",
                                  num_cores=NC, num_subcores=NS)
    cnt_rows = NROWS if with_counts else 8
    out_type = (jax.ShapeDtypeStruct((NQ, NROWS, Q), jnp.float32),
                jax.ShapeDtypeStruct((cnt_rows, 8), jnp.float32))
    scratch = [
        pltpu.VMEM((NT, ET), jnp.int32),
        pltpu.VMEM((NT, ET), jnp.int32),
        [pltpu.VMEM((ET, Q), jnp.float32) for _ in range(NBUF)],
        pltpu.VMEM((ET, 8) if with_counts else (8, 8), jnp.float32),
        pltpu.VMEM_SHARED((N, Q), jnp.float32),
        pltpu.VMEM_SHARED((NROWS, Q), jnp.float32),
        pltpu.VMEM_SHARED((cnt_rows, 8), jnp.float32),
        [pltpu.SemaphoreType.DMA for _ in range(NBUF)],
        [pltpu.SemaphoreType.DMA for _ in range(NBUF)],
        [pltpu.SemaphoreType.DMA for _ in range(2)],
    ]
    return pl.kernel(functools.partial(_agg_body, with_counts),
                     out_type=out_type, mesh=mesh, scratch_types=scratch,
                     compiler_params=pltpu.CompilerParams(
                         use_tc_tiling_on_sc=False),
                     name="sage_agg_cnt" if with_counts else "sage_agg")


_agg_with_counts = _make_agg(True)
_agg_plain = _make_agg(False)


def _dense_body(apply_gelu, slices_out, sums_ref, cnt_ref, x_ref,
                wl_ref, b_ref, wr_ref, out_ref):
    ssum = jnp.concatenate([sums_ref[q] for q in range(NQ)], axis=-1)
    cnt = cnt_ref[:, 0:1]
    recip = jnp.where(cnt > 0.0, 1.0 / jnp.maximum(cnt, 1.0), 0.0)
    mean = ssum * recip
    xin = jnp.concatenate([x_ref[q] for q in range(NQ)], axis=-1)
    acc = (jnp.dot(mean, wl_ref[...], preferred_element_type=jnp.float32)
           + b_ref[0:1, :]
           + jnp.dot(xin, wr_ref[...], preferred_element_type=jnp.float32))
    if apply_gelu:
        acc = 0.5 * acc * (1.0 + lax.erf(acc * (1.0 / math.sqrt(2.0))))
    if slices_out:
        for q in range(NQ):
            out_ref[q] = acc[:, q * Q:(q + 1) * Q]
    else:
        out_ref[...] = acc


def _dense(sums, cnt, x_slices, wl_t, b_pad, wr_t, apply_gelu, slices_out):
    R = 1000
    grid = (N // R,)
    in_specs = [
        pl.BlockSpec((NQ, R, Q), lambda i: (0, i, 0)),
        pl.BlockSpec((R, 8), lambda i: (i, 0)),
        pl.BlockSpec((NQ, R, Q), lambda i: (0, i, 0)),
        pl.BlockSpec((F, F), lambda i: (0, 0)),
        pl.BlockSpec((8, F), lambda i: (0, 0)),
        pl.BlockSpec((F, F), lambda i: (0, 0)),
    ]
    if slices_out:
        out_shape = jax.ShapeDtypeStruct((NQ, N, Q), jnp.float32)
        out_spec = pl.BlockSpec((NQ, R, Q), lambda i: (0, i, 0))
    else:
        out_shape = jax.ShapeDtypeStruct((N, F), jnp.float32)
        out_spec = pl.BlockSpec((R, F), lambda i: (i, 0))
    return pl.pallas_call(
        functools.partial(_dense_body, apply_gelu, slices_out),
        grid=grid, in_specs=in_specs, out_specs=out_spec,
        out_shape=out_shape,
    )(sums, cnt, x_slices, wl_t, b_pad, wr_t)


def kernel(x, edge_index, W_l0, b_l0, W_r0, W_l1, b_l1, W_r1):
    src = edge_index[0]
    dst = edge_index[1]
    pad = EPAD - E
    src_p = jnp.concatenate([src, jnp.zeros((pad,), jnp.int32)])
    dst_p = jnp.concatenate([dst, jnp.full((pad,), N, jnp.int32)])
    sidx = src_p.reshape(NS, NT, ET)
    didx = dst_p.reshape(NS, NT, ET)

    zq = jnp.zeros((RPT, Q), jnp.float32)
    z8 = jnp.zeros((RPT, 8), jnp.float32)
    ones8 = jnp.ones((ET, 8), jnp.float32)

    x_slices = x.reshape(N, NQ, Q).transpose(1, 0, 2)
    xs = x_slices.reshape(NQ * N, Q)

    sums1, cnt = _agg_with_counts(xs, sidx, didx, zq, z8, ones8)
    h_slices = _dense(sums1, cnt, x_slices, W_l0.T,
                      jnp.broadcast_to(b_l0[None, :], (8, F)), W_r0.T,
                      apply_gelu=True, slices_out=True)
    hs = h_slices.reshape(NQ * N, Q)
    sums2, _ = _agg_plain(hs, sidx, didx, zq, z8, ones8)
    out = _dense(sums2, cnt, h_slices, W_l1.T,
                 jnp.broadcast_to(b_l1[None, :], (8, F)), W_r1.T,
                 apply_gelu=False, slices_out=False)
    return out

# --- scband reference (transcript-rebuilt; emitter-appended) ---
"""Pipeline reference for scband-sagenet-12945031430853 (READ-ONLY COPY).

The authoritative reference and input builder live on the scoring server;
editing this copy changes nothing except your own understanding.
"""

import jax, jax.numpy as jnp
import numpy as np

N = 10000
E = 160000
PLANES = [256, 256, 256]


def setup_inputs(seed: int = 0) -> dict:
    key = jax.random.key(seed)
    ks = jax.random.split(key, 8)
    x = jax.random.normal(ks[0], (N, PLANES[0]), dtype=jnp.float32)
    edge_index = jax.random.randint(ks[1], (2, E), 0, N, dtype=jnp.int32)
    # SAGEConv params per layer: lin_l (neighbor aggr, with bias), lin_r (root, no bias)
    W_l0 = jax.random.normal(ks[2], (PLANES[1], PLANES[0]), dtype=jnp.float32) * (1.0 / np.sqrt(PLANES[0]))
    b_l0 = jnp.zeros((PLANES[1],), dtype=jnp.float32)
    W_r0 = jax.random.normal(ks[3], (PLANES[1], PLANES[0]), dtype=jnp.float32) * (1.0 / np.sqrt(PLANES[0]))
    W_l1 = jax.random.normal(ks[4], (PLANES[2], PLANES[1]), dtype=jnp.float32) * (1.0 / np.sqrt(PLANES[1]))
    b_l1 = jnp.zeros((PLANES[2],), dtype=jnp.float32)
    W_r1 = jax.random.normal(ks[5], (PLANES[2], PLANES[1]), dtype=jnp.float32) * (1.0 / np.sqrt(PLANES[1]))
    return {"x": x, "edge_index": edge_index, "W_l0": W_l0, "b_l0": b_l0, "W_r0": W_r0, "W_l1": W_l1, "b_l1": b_l1, "W_r1": W_r1}


def _sage_conv(x, edge_index, W_l, b_l, W_r):
    src = edge_index[0]
    dst = edge_index[1]
    msgs = jnp.take(x, src, axis=0)
    summed = jax.ops.segment_sum(msgs, dst, num_segments=N)
    cnt = jax.ops.segment_sum(jnp.ones((E, 1), dtype=x.dtype), dst, num_segments=N)
    mean = jnp.where(cnt > 0, summed / jnp.maximum(cnt, 1.0), 0.0)
    return mean @ W_l.T + b_l + x @ W_r.T


def reference(x, edge_index, W_l0, b_l0, W_r0, W_l1, b_l1, W_r1):
    h = _sage_conv(x, edge_index, W_l0, b_l0, W_r0)
    h = jax.nn.gelu(h, approximate=False)
    h = _sage_conv(h, edge_index, W_l1, b_l1, W_r1)
    return h

if __name__ == "__main__":
    import jax
    _d = setup_inputs()
    print(jax.jit(kernel)(*tuple(_d.values())))

</pallas_src>

<mosaic_0001>
#map = affine_map<(d0, d1) -> (0, 0)>
#map1 = affine_map<(d0, d1) -> (0, 0, 0)>
module attributes {stable_mosaic.version = 14 : i64} {
  func.func @sage_agg_cnt(%arg0: i32, %arg1: i32, %arg2: memref<80000x32xf32, #tpu.memory_space<hbm>>, %arg3: memref<16x40x256xi32, #tpu.memory_space<hbm>>, %arg4: memref<16x40x256xi32, #tpu.memory_space<hbm>>, %arg5: memref<632x32xf32, #tpu.memory_space<hbm>>, %arg6: memref<632x8xf32, #tpu.memory_space<hbm>>, %arg7: memref<256x8xf32, #tpu.memory_space<hbm>>, %arg8: memref<8x10112x32xf32, #tpu.memory_space<hbm>>, %arg9: memref<10112x8xf32, #tpu.memory_space<hbm>>, %arg10: memref<40x256xi32, #tpu.memory_space<vmem>>, %arg11: memref<40x256xi32, #tpu.memory_space<vmem>>, %arg12: memref<256x32xf32, #tpu.memory_space<vmem>>, %arg13: memref<256x32xf32, #tpu.memory_space<vmem>>, %arg14: memref<256x32xf32, #tpu.memory_space<vmem>>, %arg15: memref<256x32xf32, #tpu.memory_space<vmem>>, %arg16: memref<256x32xf32, #tpu.memory_space<vmem>>, %arg17: memref<256x8xf32, #tpu.memory_space<vmem>>, %arg18: memref<10000x32xf32, #tpu.memory_space<vmem_shared>>, %arg19: memref<10112x32xf32, #tpu.memory_space<vmem_shared>>, %arg20: memref<10112x8xf32, #tpu.memory_space<vmem_shared>>, %arg21: memref<!tpu.dma_semaphore, #tpu.memory_space<semaphore_mem>>, %arg22: memref<!tpu.dma_semaphore, #tpu.memory_space<semaphore_mem>>, %arg23: memref<!tpu.dma_semaphore, #tpu.memory_space<semaphore_mem>>, %arg24: memref<!tpu.dma_semaphore, #tpu.memory_space<semaphore_mem>>, %arg25: memref<!tpu.dma_semaphore, #tpu.memory_space<semaphore_mem>>, %arg26: memref<!tpu.dma_semaphore, #tpu.memory_space<semaphore_mem>>, %arg27: memref<!tpu.dma_semaphore, #tpu.memory_space<semaphore_mem>>, %arg28: memref<!tpu.dma_semaphore, #tpu.memory_space<semaphore_mem>>, %arg29: memref<!tpu.dma_semaphore, #tpu.memory_space<semaphore_mem>>, %arg30: memref<!tpu.dma_semaphore, #tpu.memory_space<semaphore_mem>>, %arg31: memref<!tpu.dma_semaphore, #tpu.memory_space<semaphore_mem>>, %arg32: memref<!tpu.dma_semaphore, #tpu.memory_space<semaphore_mem>>) attributes {dimension_semantics = [#tpu.dimension_semantics<core_parallel>, #tpu.dimension_semantics<subcore_parallel>], iteration_bounds = array<i64: 2, 16>, scalar_prefetch = 0 : i64, scratch_operands = 23 : i64, tpu.core_type = #tpu.core_type<sc_vector_subcore>, window_params = [{transform_indices = #map}, {transform_indices = #map1}, {transform_indices = #map1}, {transform_indices = #map}, {transform_indices = #map}, {transform_indices = #map}, {transform_indices = #map1}, {transform_indices = #map}]} {
    %mul3A = arith.constant 632 : i32
    %mul3A_0 = arith.muli %arg1, %mul3A : i32
    "tpu.region"() ({
      %run_scoped3A = tpu.sem_alloc : memref<!tpu.dma_semaphore, #tpu.memory_space<semaphore_mem>>
      %dma_start3A = arith.constant 0 : i32
      %dma_start3A_84 = arith.constant 0 : i32
      %dma_start3A_85 = tpu.memref_slice %arg3[%arg1, %dma_start3A, %dma_start3A_84] : memref<16x40x256xi32, #tpu.memory_space<hbm>> -> memref<1x40x256xi32, #tpu.memory_space<hbm>>
      %dma_start3A_86 = tpu.memref_squeeze %dma_start3A_85 : memref<1x40x256xi32, #tpu.memory_space<hbm>> -> memref<40x256xi32, #tpu.memory_space<hbm>>
      %dma_start3A_87 = arith.constant 0 : i32
      %dma_start3A_88 = arith.constant 0 : i32
      %dma_start3A_89 = tpu.memref_slice %arg3[%arg1, %dma_start3A_87, %dma_start3A_88] : memref<16x40x256xi32, #tpu.memory_space<hbm>> -> memref<1x40x256xi32, #tpu.memory_space<hbm>>
      %dma_start3A_90 = tpu.memref_squeeze %dma_start3A_89 : memref<1x40x256xi32, #tpu.memory_space<hbm>> -> memref<40x256xi32, #tpu.memory_space<hbm>>
      tpu.enqueue_dma source(%dma_start3A_90 : memref<40x256xi32, #tpu.memory_space<hbm>>) target(%arg10 : memref<40x256xi32, #tpu.memory_space<vmem>>) target_semaphore(%run_scoped3A : memref<!tpu.dma_semaphore, #tpu.memory_space<semaphore_mem>>)
      %dma_wait3A = arith.constant 0 : i32
      %dma_wait3A_91 = arith.constant 0 : i32
      %dma_wait3A_92 = tpu.memref_slice %arg3[%arg1, %dma_wait3A, %dma_wait3A_91] : memref<16x40x256xi32, #tpu.memory_space<hbm>> -> memref<1x40x256xi32, #tpu.memory_space<hbm>>
      %dma_wait3A_93 = tpu.memref_squeeze %dma_wait3A_92 : memref<1x40x256xi32, #tpu.memory_space<hbm>> -> memref<40x256xi32, #tpu.memory_space<hbm>>
      %dma_wait3A_94 = arith.constant 0 : i32
      %dma_wait3A_95 = arith.constant 0 : i32
      %dma_wait3A_96 = tpu.memref_slice %arg3[%arg1, %dma_wait3A_94, %dma_wait3A_95] : memref<16x40x256xi32, #tpu.memory_space<hbm>> -> memref<1x40x256xi32, #tpu.memory_space<hbm>>
      %dma_wait3A_97 = tpu.memref_squeeze %dma_wait3A_96 : memref<1x40x256xi32, #tpu.memory_space<hbm>> -> memref<40x256xi32, #tpu.memory_space<hbm>>
      tpu.wait_dma2 semaphore(%run_scoped3A : memref<!tpu.dma_semaphore, #tpu.memory_space<semaphore_mem>>) src(%dma_wait3A_97 : memref<40x256xi32, #tpu.memory_space<hbm>>) dst(%arg10 : memref<40x256xi32, #tpu.memory_space<vmem>>)
      tpu.yield
    }) : () -> ()
    "tpu.region"() ({
      %run_scoped3A = tpu.sem_alloc : memref<!tpu.dma_semaphore, #tpu.memory_space<semaphore_mem>>
      %dma_start3A = arith.constant 0 : i32
      %dma_start3A_84 = arith.constant 0 : i32
      %dma_start3A_85 = tpu.memref_slice %arg4[%arg1, %dma_start3A, %dma_start3A_84] : memref<16x40x256xi32, #tpu.memory_space<hbm>> -> memref<1x40x256xi32, #tpu.memory_space<hbm>>
      %dma_start3A_86 = tpu.memref_squeeze %dma_start3A_85 : memref<1x40x256xi32, #tpu.memory_space<hbm>> -> memref<40x256xi32, #tpu.memory_space<hbm>>
      %dma_start3A_87 = arith.constant 0 : i32
      %dma_start3A_88 = arith.constant 0 : i32
      %dma_start3A_89 = tpu.memref_slice %arg4[%arg1, %dma_start3A_87, %dma_start3A_88] : memref<16x40x256xi32, #tpu.memory_space<hbm>> -> memref<1x40x256xi32, #tpu.memory_space<hbm>>
      %dma_start3A_90 = tpu.memref_squeeze %dma_start3A_89 : memref<1x40x256xi32, #tpu.memory_space<hbm>> -> memref<40x256xi32, #tpu.memory_space<hbm>>
      tpu.enqueue_dma source(%dma_start3A_90 : memref<40x256xi32, #tpu.memory_space<hbm>>) target(%arg11 : memref<40x256xi32, #tpu.memory_space<vmem>>) target_semaphore(%run_scoped3A : memref<!tpu.dma_semaphore, #tpu.memory_space<semaphore_mem>>)
      %dma_wait3A = arith.constant 0 : i32
      %dma_wait3A_91 = arith.constant 0 : i32
      %dma_wait3A_92 = tpu.memref_slice %arg4[%arg1, %dma_wait3A, %dma_wait3A_91] : memref<16x40x256xi32, #tpu.memory_space<hbm>> -> memref<1x40x256xi32, #tpu.memory_space<hbm>>
      %dma_wait3A_93 = tpu.memref_squeeze %dma_wait3A_92 : memref<1x40x256xi32, #tpu.memory_space<hbm>> -> memref<40x256xi32, #tpu.memory_space<hbm>>
      %dma_wait3A_94 = arith.constant 0 : i32
      %dma_wait3A_95 = arith.constant 0 : i32
      %dma_wait3A_96 = tpu.memref_slice %arg4[%arg1, %dma_wait3A_94, %dma_wait3A_95] : memref<16x40x256xi32, #tpu.memory_space<hbm>> -> memref<1x40x256xi32, #tpu.memory_space<hbm>>
      %dma_wait3A_97 = tpu.memref_squeeze %dma_wait3A_96 : memref<1x40x256xi32, #tpu.memory_space<hbm>> -> memref<40x256xi32, #tpu.memory_space<hbm>>
      tpu.wait_dma2 semaphore(%run_scoped3A : memref<!tpu.dma_semaphore, #tpu.memory_space<semaphore_mem>>) src(%dma_wait3A_97 : memref<40x256xi32, #tpu.memory_space<hbm>>) dst(%arg11 : memref<40x256xi32, #tpu.memory_space<vmem>>)
      tpu.yield
    }) : () -> ()
    "tpu.region"() ({
      %run_scoped3A = tpu.sem_alloc : memref<!tpu.dma_semaphore, #tpu.memory_space<semaphore_mem>>
      tpu.enqueue_dma source(%arg7 : memref<256x8xf32, #tpu.memory_space<hbm>>) target(%arg17 : memref<256x8xf32, #tpu.memory_space<vmem>>) target_semaphore(%run_scoped3A : memref<!tpu.dma_semaphore, #tpu.memory_space<semaphore_mem>>)
      tpu.wait_dma2 semaphore(%run_scoped3A : memref<!tpu.dma_semaphore, #tpu.memory_space<semaphore_mem>>) src(%arg7 : memref<256x8xf32, #tpu.memory_space<hbm>>) dst(%arg17 : memref<256x8xf32, #tpu.memory_space<vmem>>)
      tpu.yield
    }) : () -> ()
    %add3A = arith.constant 0 : i32
    %add3A_1 = arith.addi %add3A, %arg0 : i32
    %mul3A_2 = arith.constant 10000 : i32
    %mul3A_3 = arith.muli %add3A_1, %mul3A_2 : i32
    %mul3A_4 = arith.constant 625 : i32
    %mul3A_5 = arith.muli %mul3A_4, %arg1 : i32
    %add3A_6 = arith.addi %mul3A_3, %mul3A_5 : i32
    %mul3A_7 = arith.constant 625 : i32
    %mul3A_8 = arith.muli %mul3A_7, %arg1 : i32
    "tpu.region"() ({
      %run_scoped3A = tpu.sem_alloc : memref<!tpu.dma_semaphore, #tpu.memory_space<semaphore_mem>>
      %dma_start3A = arith.constant 0 : i32
      %dma_start3A_84 = tpu.memref_slice %arg18[%mul3A_8, %dma_start3A] : memref<10000x32xf32, #tpu.memory_space<vmem_shared>> -> memref<625x32xf32, #tpu.memory_space<vmem_shared>>
      %dma_start3A_85 = arith.constant 0 : i32
      %dma_start3A_86 = tpu.memref_slice %arg2[%add3A_6, %dma_start3A_85] : memref<80000x32xf32, #tpu.memory_space<hbm>> -> memref<625x32xf32, #tpu.memory_space<hbm>>
      tpu.enqueue_dma source(%dma_start3A_86 : memref<625x32xf32, #tpu.memory_space<hbm>>) target(%dma_start3A_84 : memref<625x32xf32, #tpu.memory_space<vmem_shared>>) target_semaphore(%run_scoped3A : memref<!tpu.dma_semaphore, #tpu.memory_space<semaphore_mem>>)
      %dma_wait3A = arith.constant 0 : i32
      %dma_wait3A_87 = tpu.memref_slice %arg18[%mul3A_8, %dma_wait3A] : memref<10000x32xf32, #tpu.memory_space<vmem_shared>> -> memref<625x32xf32, #tpu.memory_space<vmem_shared>>
      %dma_wait3A_88 = arith.constant 0 : i32
      %dma_wait3A_89 = tpu.memref_slice %arg2[%add3A_6, %dma_wait3A_88] : memref<80000x32xf32, #tpu.memory_space<hbm>> -> memref<625x32xf32, #tpu.memory_space<hbm>>
      tpu.wait_dma2 semaphore(%run_scoped3A : memref<!tpu.dma_semaphore, #tpu.memory_space<semaphore_mem>>) src(%dma_wait3A_89 : memref<625x32xf32, #tpu.memory_space<hbm>>) dst(%dma_wait3A_87 : memref<625x32xf32, #tpu.memory_space<vmem_shared>>)
      tpu.yield
    }) : () -> ()
    "tpu.region"() ({
      %run_scoped3A = tpu.sem_alloc : memref<!tpu.dma_semaphore, #tpu.memory_space<semaphore_mem>>
      %dma_start3A = arith.constant 0 : i32
      %dma_start3A_84 = tpu.memref_slice %arg19[%mul3A_0, %dma_start3A] : memref<10112x32xf32, #tpu.memory_space<vmem_shared>> -> memref<632x32xf32, #tpu.memory_space<vmem_shared>>
      tpu.enqueue_dma source(%arg5 : memref<632x32xf32, #tpu.memory_space<hbm>>) target(%dma_start3A_84 : memref<632x32xf32, #tpu.memory_space<vmem_shared>>) target_semaphore(%run_scoped3A : memref<!tpu.dma_semaphore, #tpu.memory_space<semaphore_mem>>)
      %dma_wait3A = arith.constant 0 : i32
      %dma_wait3A_85 = tpu.memref_slice %arg19[%mul3A_0, %dma_wait3A] : memref<10112x32xf32, #tpu.memory_space<vmem_shared>> -> memref<632x32xf32, #tpu.memory_space<vmem_shared>>
      tpu.wait_dma2 semaphore(%run_scoped3A : memref<!tpu.dma_semaphore, #tpu.memory_space<semaphore_mem>>) src(%arg5 : memref<632x32xf32, #tpu.memory_space<hbm>>) dst(%dma_wait3A_85 : memref<632x32xf32, #tpu.memory_space<vmem_shared>>)
      tpu.yield
    }) : () -> ()
    %eq3A = arith.constant 0 : i32
    %eq3A_9 = arith.cmpi eq, %arg0, %eq3A : i32
    %convert_element_type3A = arith.extui %eq3A_9 : i1 to i32
    %cond3A = arith.constant 0 : i32
    %cond3A_10 = arith.cmpi ne, %convert_element_type3A, %cond3A : i32
    scf.if %cond3A_10 {
      "tpu.region"() ({
        %run_scoped3A = tpu.sem_alloc : memref<!tpu.dma_semaphore, #tpu.memory_space<semaphore_mem>>
        %dma_start3A = arith.constant 0 : i32
        %dma_start3A_84 = tpu.memref_slice %arg20[%mul3A_0, %dma_start3A] : memref<10112x8xf32, #tpu.memory_space<vmem_shared>> -> memref<632x8xf32, #tpu.memory_space<vmem_shared>>
        tpu.enqueue_dma source(%arg6 : memref<632x8xf32, #tpu.memory_space<hbm>>) target(%dma_start3A_84 : memref<632x8xf32, #tpu.memory_space<vmem_shared>>) target_semaphore(%run_scoped3A : memref<!tpu.dma_semaphore, #tpu.memory_space<semaphore_mem>>)
        %dma_wait3A = arith.constant 0 : i32
        %dma_wait3A_85 = tpu.memref_slice %arg20[%mul3A_0, %dma_wait3A] : memref<10112x8xf32, #tpu.memory_space<vmem_shared>> -> memref<632x8xf32, #tpu.memory_space<vmem_shared>>
        tpu.wait_dma2 semaphore(%run_scoped3A : memref<!tpu.dma_semaphore, #tpu.memory_space<semaphore_mem>>) src(%arg6 : memref<632x8xf32, #tpu.memory_space<hbm>>) dst(%dma_wait3A_85 : memref<632x8xf32, #tpu.memory_space<vmem_shared>>)
        tpu.yield
      }) : () -> ()
    } else {
    }
    %barrier3A = arith.constant 0 : index
    tpu.barrier barrier_id(%barrier3A)
    %scan3A = arith.constant 0 : i32
    %scan3A_11 = arith.constant 0 : i32
    %scan3A_12 = arith.constant 8 : i32
    %scan3A_13 = arith.addi %scan3A_11, %scan3A_12 : i32
    %scan3A_14 = arith.constant 1 : i32
    scf.for %scan3A_84 = %scan3A_11 to %scan3A_13 step %scan3A_14  : i32 {
      %mul3A_85 = arith.constant 5 : i32
      %mul3A_86 = arith.muli %scan3A_84, %mul3A_85 : i32
      %add3A_87 = arith.constant 0 : i32
      %add3A_88 = arith.addi %mul3A_86, %add3A_87 : i32
      %dma_start3A = arith.constant 0 : i32
      %dma_start3A_89 = tpu.memref_slice %arg10[%add3A_88, %dma_start3A] : memref<40x256xi32, #tpu.memory_space<vmem>> -> memref<1x256xi32, #tpu.memory_space<vmem>>
      %dma_start3A_90 = tpu.memref_squeeze %dma_start3A_89 : memref<1x256xi32, #tpu.memory_space<vmem>> -> memref<256xi32, #tpu.memory_space<vmem>>
      %dma_start3A_91 = arith.constant 0 : i32
      %dma_start3A_92 = arith.constant 0 : i32
      %dma_start3A_93 = tpu.memref_slice %arg18[%dma_start3A_91, %dma_start3A_92] : memref<10000x32xf32, #tpu.memory_space<vmem_shared>> -> memref<10000x32xf32, #tpu.memory_space<vmem_shared>>
      tpu.enqueue_indirect_dma source(%dma_start3A_93 : memref<10000x32xf32, #tpu.memory_space<vmem_shared>>) target(%arg12 : memref<256x32xf32, #tpu.memory_space<vmem>>) offsets(%dma_start3A_90 : memref<256xi32, #tpu.memory_space<vmem>>) semaphore(%arg21 : memref<!tpu.dma_semaphore, #tpu.memory_space<semaphore_mem>>)
      %add3A_94 = arith.constant 1 : i32
      %add3A_95 = arith.addi %mul3A_86, %add3A_94 : i32
      %dma_start3A_96 = arith.constant 0 : i32
      %dma_start3A_97 = tpu.memref_slice %arg10[%add3A_95, %dma_start3A_96] : memref<40x256xi32, #tpu.memory_space<vmem>> -> memref<1x256xi32, #tpu.memory_space<vmem>>
      %dma_start3A_98 = tpu.memref_squeeze %dma_start3A_97 : memref<1x256xi32, #tpu.memory_space<vmem>> -> memref<256xi32, #tpu.memory_space<vmem>>
      %dma_start3A_99 = arith.constant 0 : i32
      %dma_start3A_100 = arith.constant 0 : i32
      %dma_start3A_101 = tpu.memref_slice %arg18[%dma_start3A_99, %dma_start3A_100] : memref<10000x32xf32, #tpu.memory_space<vmem_shared>> -> memref<10000x32xf32, #tpu.memory_space<vmem_shared>>
      tpu.enqueue_indirect_dma source(%dma_start3A_101 : memref<10000x32xf32, #tpu.memory_space<vmem_shared>>) target(%arg13 : memref<256x32xf32, #tpu.memory_space<vmem>>) offsets(%dma_start3A_98 : memref<256xi32, #tpu.memory_space<vmem>>) semaphore(%arg22 : memref<!tpu.dma_semaphore, #tpu.memory_space<semaphore_mem>>)
      %add3A_102 = arith.constant 2 : i32
      %add3A_103 = arith.addi %mul3A_86, %add3A_102 : i32
      %dma_start3A_104 = arith.constant 0 : i32
      %dma_start3A_105 = tpu.memref_slice %arg10[%add3A_103, %dma_start3A_104] : memref<40x256xi32, #tpu.memory_space<vmem>> -> memref<1x256xi32, #tpu.memory_space<vmem>>
      %dma_start3A_106 = tpu.memref_squeeze %dma_start3A_105 : memref<1x256xi32, #tpu.memory_space<vmem>> -> memref<256xi32, #tpu.memory_space<vmem>>
      %dma_start3A_107 = arith.constant 0 : i32
      %dma_start3A_108 = arith.constant 0 : i32
      %dma_start3A_109 = tpu.memref_slice %arg18[%dma_start3A_107, %dma_start3A_108] : memref<10000x32xf32, #tpu.memory_space<vmem_shared>> -> memref<10000x32xf32, #tpu.memory_space<vmem_shared>>
      tpu.enqueue_indirect_dma source(%dma_start3A_109 : memref<10000x32xf32, #tpu.memory_space<vmem_shared>>) target(%arg14 : memref<256x32xf32, #tpu.memory_space<vmem>>) offsets(%dma_start3A_106 : memref<256xi32, #tpu.memory_space<vmem>>) semaphore(%arg23 : memref<!tpu.dma_semaphore, #tpu.memory_space<semaphore_mem>>)
      %add3A_110 = arith.constant 3 : i32
      %add3A_111 = arith.addi %mul3A_86, %add3A_110 : i32
      %dma_start3A_112 = arith.constant 0 : i32
      %dma_start3A_113 = tpu.memref_slice %arg10[%add3A_111, %dma_start3A_112] : memref<40x256xi32, #tpu.memory_space<vmem>> -> memref<1x256xi32, #tpu.memory_space<vmem>>
      %dma_start3A_114 = tpu.memref_squeeze %dma_start3A_113 : memref<1x256xi32, #tpu.memory_space<vmem>> -> memref<256xi32, #tpu.memory_space<vmem>>
      %dma_start3A_115 = arith.constant 0 : i32
      %dma_start3A_116 = arith.constant 0 : i32
      %dma_start3A_117 = tpu.memref_slice %arg18[%dma_start3A_115, %dma_start3A_116] : memref<10000x32xf32, #tpu.memory_space<vmem_shared>> -> memref<10000x32xf32, #tpu.memory_space<vmem_shared>>
      tpu.enqueue_indirect_dma source(%dma_start3A_117 : memref<10000x32xf32, #tpu.memory_space<vmem_shared>>) target(%arg15 : memref<256x32xf32, #tpu.memory_space<vmem>>) offsets(%dma_start3A_114 : memref<256xi32, #tpu.memory_space<vmem>>) semaphore(%arg24 : memref<!tpu.dma_semaphore, #tpu.memory_space<semaphore_mem>>)
      %add3A_118 = arith.constant 4 : i32
      %add3A_119 = arith.addi %mul3A_86, %add3A_118 : i32
      %dma_start3A_120 = arith.constant 0 : i32
      %dma_start3A_121 = tpu.memref_slice %arg10[%add3A_119, %dma_start3A_120] : memref<40x256xi32, #tpu.memory_space<vmem>> -> memref<1x256xi32, #tpu.memory_space<vmem>>
      %dma_start3A_122 = tpu.memref_squeeze %dma_start3A_121 : memref<1x256xi32, #tpu.memory_space<vmem>> -> memref<256xi32, #tpu.memory_space<vmem>>
      %dma_start3A_123 = arith.constant 0 : i32
      %dma_start3A_124 = arith.constant 0 : i32
      %dma_start3A_125 = tpu.memref_slice %arg18[%dma_start3A_123, %dma_start3A_124] : memref<10000x32xf32, #tpu.memory_space<vmem_shared>> -> memref<10000x32xf32, #tpu.memory_space<vmem_shared>>
      tpu.enqueue_indirect_dma source(%dma_start3A_125 : memref<10000x32xf32, #tpu.memory_space<vmem_shared>>) target(%arg16 : memref<256x32xf32, #tpu.memory_space<vmem>>) offsets(%dma_start3A_122 : memref<256xi32, #tpu.memory_space<vmem>>) semaphore(%arg25 : memref<!tpu.dma_semaphore, #tpu.memory_space<semaphore_mem>>)
      %dma_wait3A = arith.constant 0 : i32
      %dma_wait3A_126 = tpu.memref_slice %arg10[%add3A_88, %dma_wait3A] : memref<40x256xi32, #tpu.memory_space<vmem>> -> memref<1x256xi32, #tpu.memory_space<vmem>>
      %dma_wait3A_127 = tpu.memref_squeeze %dma_wait3A_126 : memref<1x256xi32, #tpu.memory_space<vmem>> -> memref<256xi32, #tpu.memory_space<vmem>>
      %dma_wait3A_128 = arith.constant 0 : i32
      %dma_wait3A_129 = arith.constant 0 : i32
      %dma_wait3A_130 = tpu.memref_slice %arg18[%dma_wait3A_128, %dma_wait3A_129] : memref<10000x32xf32, #tpu.memory_space<vmem_shared>> -> memref<10000x32xf32, #tpu.memory_space<vmem_shared>>
      tpu.wait_indirect_dma semaphore(%arg21 : memref<!tpu.dma_semaphore, #tpu.memory_space<semaphore_mem>>) src(%dma_wait3A_130 : memref<10000x32xf32, #tpu.memory_space<vmem_shared>>) dst(%arg12 : memref<256x32xf32, #tpu.memory_space<vmem>>)
      %add3A_131 = arith.constant 0 : i32
      %add3A_132 = arith.addi %mul3A_86, %add3A_131 : i32
      %dma_start3A_133 = arith.constant 0 : i32
      %dma_start3A_134 = tpu.memref_slice %arg11[%add3A_132, %dma_start3A_133] : memref<40x256xi32, #tpu.memory_space<vmem>> -> memref<1x256xi32, #tpu.memory_space<vmem>>
      %dma_start3A_135 = tpu.memref_squeeze %dma_start3A_134 : memref<1x256xi32, #tpu.memory_space<vmem>> -> memref<256xi32, #tpu.memory_space<vmem>>
      %dma_start3A_136 = arith.constant 0 : i32
      %dma_start3A_137 = arith.constant 0 : i32
      %dma_start3A_138 = tpu.memref_slice %arg19[%dma_start3A_136, %dma_start3A_137] : memref<10112x32xf32, #tpu.memory_space<vmem_shared>> -> memref<10112x32xf32, #tpu.memory_space<vmem_shared>>
      tpu.enqueue_indirect_dma source(%arg12 : memref<256x32xf32, #tpu.memory_space<vmem>>) target(%dma_start3A_138 : memref<10112x32xf32, #tpu.memory_space<vmem_shared>>) offsets(%dma_start3A_135 : memref<256xi32, #tpu.memory_space<vmem>>) semaphore(%arg26 : memref<!tpu.dma_semaphore, #tpu.memory_space<semaphore_mem>>) {add = true}
      %dma_wait3A_139 = arith.constant 0 : i32
      %dma_wait3A_140 = tpu.memref_slice %arg10[%add3A_95, %dma_wait3A_139] : memref<40x256xi32, #tpu.memory_space<vmem>> -> memref<1x256xi32, #tpu.memory_space<vmem>>
      %dma_wait3A_141 = tpu.memref_squeeze %dma_wait3A_140 : memref<1x256xi32, #tpu.memory_space<vmem>> -> memref<256xi32, #tpu.memory_space<vmem>>
      %dma_wait3A_142 = arith.constant 0 : i32
      %dma_wait3A_143 = arith.constant 0 : i32
      %dma_wait3A_144 = tpu.memref_slice %arg18[%dma_wait3A_142, %dma_wait3A_143] : memref<10000x32xf32, #tpu.memory_space<vmem_shared>> -> memref<10000x32xf32, #tpu.memory_space<vmem_shared>>
      tpu.wait_indirect_dma semaphore(%arg22 : memref<!tpu.dma_semaphore, #tpu.memory_space<semaphore_mem>>) src(%dma_wait3A_144 : memref<10000x32xf32, #tpu.memory_space<vmem_shared>>) dst(%arg13 : memref<256x32xf32, #tpu.memory_space<vmem>>)
      %add3A_145 = arith.constant 1 : i32
      %add3A_146 = arith.addi %mul3A_86, %add3A_145 : i32
      %dma_start3A_147 = arith.constant 0 : i32
      %dma_start3A_148 = tpu.memref_slice %arg11[%add3A_146, %dma_start3A_147] : memref<40x256xi32, #tpu.memory_space<vmem>> -> memref<1x256xi32, #tpu.memory_space<vmem>>
      %dma_start3A_149 = tpu.memref_squeeze %dma_start3A_148 : memref<1x256xi32, #tpu.memory_space<vmem>> -> memref<256xi32, #tpu.memory_space<vmem>>
      %dma_start3A_150 = arith.constant 0 : i32
      %dma_start3A_151 = arith.constant 0 : i32
      %dma_start3A_152 = tpu.memref_slice %arg19[%dma_start3A_150, %dma_start3A_151] : memref<10112x32xf32, #tpu.memory_space<vmem_shared>> -> memref<10112x32xf32, #tpu.memory_space<vmem_shared>>
      tpu.enqueue_indirect_dma source(%arg13 : memref<256x32xf32, #tpu.memory_space<vmem>>) target(%dma_start3A_152 : memref<10112x32xf32, #tpu.memory_space<vmem_shared>>) offsets(%dma_start3A_149 : memref<256xi32, #tpu.memory_space<vmem>>) semaphore(%arg27 : memref<!tpu.dma_semaphore, #tpu.memory_space<semaphore_mem>>) {add = true}
      %dma_wait3A_153 = arith.constant 0 : i32
      %dma_wait3A_154 = tpu.memref_slice %arg10[%add3A_103, %dma_wait3A_153] : memref<40x256xi32, #tpu.memory_space<vmem>> -> memref<1x256xi32, #tpu.memory_space<vmem>>
      %dma_wait3A_155 = tpu.memref_squeeze %dma_wait3A_154 : memref<1x256xi32, #tpu.memory_space<vmem>> -> memref<256xi32, #tpu.memory_space<vmem>>
      %dma_wait3A_156 = arith.constant 0 : i32
      %dma_wait3A_157 = arith.constant 0 : i32
      %dma_wait3A_158 = tpu.memref_slice %arg18[%dma_wait3A_156, %dma_wait3A_157] : memref<10000x32xf32, #tpu.memory_space<vmem_shared>> -> memref<10000x32xf32, #tpu.memory_space<vmem_shared>>
      tpu.wait_indirect_dma semaphore(%arg23 : memref<!tpu.dma_semaphore, #tpu.memory_space<semaphore_mem>>) src(%dma_wait3A_158 : memref<10000x32xf32, #tpu.memory_space<vmem_shared>>) dst(%arg14 : memref<256x32xf32, #tpu.memory_space<vmem>>)
      %add3A_159 = arith.constant 2 : i32
      %add3A_160 = arith.addi %mul3A_86, %add3A_159 : i32
      %dma_start3A_161 = arith.constant 0 : i32
      %dma_start3A_162 = tpu.memref_slice %arg11[%add3A_160, %dma_start3A_161] : memref<40x256xi32, #tpu.memory_space<vmem>> -> memref<1x256xi32, #tpu.memory_space<vmem>>
      %dma_start3A_163 = tpu.memref_squeeze %dma_start3A_162 : memref<1x256xi32, #tpu.memory_space<vmem>> -> memref<256xi32, #tpu.memory_space<vmem>>
      %dma_start3A_164 = arith.constant 0 : i32
      %dma_start3A_165 = arith.constant 0 : i32
      %dma_start3A_166 = tpu.memref_slice %arg19[%dma_start3A_164, %dma_start3A_165] : memref<10112x32xf32, #tpu.memory_space<vmem_shared>> -> memref<10112x32xf32, #tpu.memory_space<vmem_shared>>
      tpu.enqueue_indirect_dma source(%arg14 : memref<256x32xf32, #tpu.memory_space<vmem>>) target(%dma_start3A_166 : memref<10112x32xf32, #tpu.memory_space<vmem_shared>>) offsets(%dma_start3A_163 : memref<256xi32, #tpu.memory_space<vmem>>) semaphore(%arg28 : memref<!tpu.dma_semaphore, #tpu.memory_space<semaphore_mem>>) {add = true}
      %dma_wait3A_167 = arith.constant 0 : i32
      %dma_wait3A_168 = tpu.memref_slice %arg10[%add3A_111, %dma_wait3A_167] : memref<40x256xi32, #tpu.memory_space<vmem>> -> memref<1x256xi32, #tpu.memory_space<vmem>>
      %dma_wait3A_169 = tpu.memref_squeeze %dma_wait3A_168 : memref<1x256xi32, #tpu.memory_space<vmem>> -> memref<256xi32, #tpu.memory_space<vmem>>
      %dma_wait3A_170 = arith.constant 0 : i32
      %dma_wait3A_171 = arith.constant 0 : i32
      %dma_wait3A_172 = tpu.memref_slice %arg18[%dma_wait3A_170, %dma_wait3A_171] : memref<10000x32xf32, #tpu.memory_space<vmem_shared>> -> memref<10000x32xf32, #tpu.memory_space<vmem_shared>>
      tpu.wait_indirect_dma semaphore(%arg24 : memref<!tpu.dma_semaphore, #tpu.memory_space<semaphore_mem>>) src(%dma_wait3A_172 : memref<10000x32xf32, #tpu.memory_space<vmem_shared>>) dst(%arg15 : memref<256x32xf32, #tpu.memory_space<vmem>>)
      %add3A_173 = arith.constant 3 : i32
      %add3A_174 = arith.addi %mul3A_86, %add3A_173 : i32
      %dma_start3A_175 = arith.constant 0 : i32
      %dma_start3A_176 = tpu.memref_slice %arg11[%add3A_174, %dma_start3A_175] : memref<40x256xi32, #tpu.memory_space<vmem>> -> memref<1x256xi32, #tpu.memory_space<vmem>>
      %dma_start3A_177 = tpu.memref_squeeze %dma_start3A_176 : memref<1x256xi32, #tpu.memory_space<vmem>> -> memref<256xi32, #tpu.memory_space<vmem>>
      %dma_start3A_178 = arith.constant 0 : i32
      %dma_start3A_179 = arith.constant 0 : i32
      %dma_start3A_180 = tpu.memref_slice %arg19[%dma_start3A_178, %dma_start3A_179] : memref<10112x32xf32, #tpu.memory_space<vmem_shared>> -> memref<10112x32xf32, #tpu.memory_space<vmem_shared>>
      tpu.enqueue_indirect_dma source(%arg15 : memref<256x32xf32, #tpu.memory_space<vmem>>) target(%dma_start3A_180 : memref<10112x32xf32, #tpu.memory_space<vmem_shared>>) offsets(%dma_start3A_177 : memref<256xi32, #tpu.memory_space<vmem>>) semaphore(%arg29 : memref<!tpu.dma_semaphore, #tpu.memory_space<semaphore_mem>>) {add = true}
      %dma_wait3A_181 = arith.constant 0 : i32
      %dma_wait3A_182 = tpu.memref_slice %arg10[%add3A_119, %dma_wait3A_181] : memref<40x256xi32, #tpu.memory_space<vmem>> -> memref<1x256xi32, #tpu.memory_space<vmem>>
      %dma_wait3A_183 = tpu.memref_squeeze %dma_wait3A_182 : memref<1x256xi32, #tpu.memory_space<vmem>> -> memref<256xi32, #tpu.memory_space<vmem>>
      %dma_wait3A_184 = arith.constant 0 : i32
      %dma_wait3A_185 = arith.constant 0 : i32
      %dma_wait3A_186 = tpu.memref_slice %arg18[%dma_wait3A_184, %dma_wait3A_185] : memref<10000x32xf32, #tpu.memory_space<vmem_shared>> -> memref<10000x32xf32, #tpu.memory_space<vmem_shared>>
      tpu.wait_indirect_dma semaphore(%arg25 : memref<!tpu.dma_semaphore, #tpu.memory_space<semaphore_mem>>) src(%dma_wait3A_186 : memref<10000x32xf32, #tpu.memory_space<vmem_shared>>) dst(%arg16 : memref<256x32xf32, #tpu.memory_space<vmem>>)
      %add3A_187 = arith.constant 4 : i32
      %add3A_188 = arith.addi %mul3A_86, %add3A_187 : i32
      %dma_start3A_189 = arith.constant 0 : i32
      %dma_start3A_190 = tpu.memref_slice %arg11[%add3A_188, %dma_start3A_189] : memref<40x256xi32, #tpu.memory_space<vmem>> -> memref<1x256xi32, #tpu.memory_space<vmem>>
      %dma_start3A_191 = tpu.memref_squeeze %dma_start3A_190 : memref<1x256xi32, #tpu.memory_space<vmem>> -> memref<256xi32, #tpu.memory_space<vmem>>
      %dma_start3A_192 = arith.constant 0 : i32
      %dma_start3A_193 = arith.constant 0 : i32
      %dma_start3A_194 = tpu.memref_slice %arg19[%dma_start3A_192, %dma_start3A_193] : memref<10112x32xf32, #tpu.memory_space<vmem_shared>> -> memref<10112x32xf32, #tpu.memory_space<vmem_shared>>
      tpu.enqueue_indirect_dma source(%arg16 : memref<256x32xf32, #tpu.memory_space<vmem>>) target(%dma_start3A_194 : memref<10112x32xf32, #tpu.memory_space<vmem_shared>>) offsets(%dma_start3A_191 : memref<256xi32, #tpu.memory_space<vmem>>) semaphore(%arg30 : memref<!tpu.dma_semaphore, #tpu.memory_space<semaphore_mem>>) {add = true}
      %eq3A_195 = arith.constant 0 : i32
      %eq3A_196 = arith.cmpi eq, %arg0, %eq3A_195 : i32
      %convert_element_type3A_197 = arith.extui %eq3A_196 : i1 to i32
      %cond3A_198 = arith.constant 0 : i32
      %cond3A_199 = arith.cmpi ne, %convert_element_type3A_197, %cond3A_198 : i32
      scf.if %cond3A_199 {
        %add3A_230 = arith.constant 0 : i32
        %add3A_231 = arith.addi %mul3A_86, %add3A_230 : i32
        %dma_start3A_232 = arith.constant 0 : i32
        %dma_start3A_233 = tpu.memref_slice %arg11[%add3A_231, %dma_start3A_232] : memref<40x256xi32, #tpu.memory_space<vmem>> -> memref<1x256xi32, #tpu.memory_space<vmem>>
        %dma_start3A_234 = tpu.memref_squeeze %dma_start3A_233 : memref<1x256xi32, #tpu.memory_space<vmem>> -> memref<256xi32, #tpu.memory_space<vmem>>
        %dma_start3A_235 = arith.constant 0 : i32
        %dma_start3A_236 = arith.constant 0 : i32
        %dma_start3A_237 = tpu.memref_slice %arg20[%dma_start3A_235, %dma_start3A_236] : memref<10112x8xf32, #tpu.memory_space<vmem_shared>> -> memref<10112x8xf32, #tpu.memory_space<vmem_shared>>
        tpu.enqueue_indirect_dma source(%arg17 : memref<256x8xf32, #tpu.memory_space<vmem>>) target(%dma_start3A_237 : memref<10112x8xf32, #tpu.memory_space<vmem_shared>>) offsets(%dma_start3A_234 : memref<256xi32, #tpu.memory_space<vmem>>) semaphore(%arg31 : memref<!tpu.dma_semaphore, #tpu.memory_space<semaphore_mem>>) {add = true}
        %add3A_238 = arith.constant 1 : i32
        %add3A_239 = arith.addi %mul3A_86, %add3A_238 : i32
        %dma_start3A_240 = arith.constant 0 : i32
        %dma_start3A_241 = tpu.memref_slice %arg11[%add3A_239, %dma_start3A_240] : memref<40x256xi32, #tpu.memory_space<vmem>> -> memref<1x256xi32, #tpu.memory_space<vmem>>
        %dma_start3A_242 = tpu.memref_squeeze %dma_start3A_241 : memref<1x256xi32, #tpu.memory_space<vmem>> -> memref<256xi32, #tpu.memory_space<vmem>>
        %dma_start3A_243 = arith.constant 0 : i32
        %dma_start3A_244 = arith.constant 0 : i32
        %dma_start3A_245 = tpu.memref_slice %arg20[%dma_start3A_243, %dma_start3A_244] : memref<10112x8xf32, #tpu.memory_space<vmem_shared>> -> memref<10112x8xf32, #tpu.memory_space<vmem_shared>>
        tpu.enqueue_indirect_dma source(%arg17 : memref<256x8xf32, #tpu.memory_space<vmem>>) target(%dma_start3A_245 : memref<10112x8xf32, #tpu.memory_space<vmem_shared>>) offsets(%dma_start3A_242 : memref<256xi32, #tpu.memory_space<vmem>>) semaphore(%arg32 : memref<!tpu.dma_semaphore, #tpu.memory_space<semaphore_mem>>) {add = true}
        %add3A_246 = arith.constant 2 : i32
        %add3A_247 = arith.addi %mul3A_86, %add3A_246 : i32
        %dma_start3A_248 = arith.constant 0 : i32
        %dma_start3A_249 = tpu.memref_slice %arg11[%add3A_247, %dma_start3A_248] : memref<40x256xi32, #tpu.memory_space<vmem>> -> memref<1x256xi32, #tpu.memory_space<vmem>>
        %dma_start3A_250 = tpu.memref_squeeze %dma_start3A_249 : memref<1x256xi32, #tpu.memory_space<vmem>> -> memref<256xi32, #tpu.memory_space<vmem>>
        %dma_start3A_251 = arith.constant 0 : i32
        %dma_start3A_252 = arith.constant 0 : i32
        %dma_start3A_253 = tpu.memref_slice %arg20[%dma_start3A_251, %dma_start3A_252] : memref<10112x8xf32, #tpu.memory_space<vmem_shared>> -> memref<10112x8xf32, #tpu.memory_space<vmem_shared>>
        tpu.enqueue_indirect_dma source(%arg17 : memref<256x8xf32, #tpu.memory_space<vmem>>) target(%dma_start3A_253 : memref<10112x8xf32, #tpu.memory_space<vmem_shared>>) offsets(%dma_start3A_250 : memref<256xi32, #tpu.memory_space<vmem>>) semaphore(%arg31 : memref<!tpu.dma_semaphore, #tpu.memory_space<semaphore_mem>>) {add = true}
        %add3A_254 = arith.constant 3 : i32
        %add3A_255 = arith.addi %mul3A_86, %add3A_254 : i32
        %dma_start3A_256 = arith.constant 0 : i32
        %dma_start3A_257 = tpu.memref_slice %arg11[%add3A_255, %dma_start3A_256] : memref<40x256xi32, #tpu.memory_space<vmem>> -> memref<1x256xi32, #tpu.memory_space<vmem>>
        %dma_start3A_258 = tpu.memref_squeeze %dma_start3A_257 : memref<1x256xi32, #tpu.memory_space<vmem>> -> memref<256xi32, #tpu.memory_space<vmem>>
        %dma_start3A_259 = arith.constant 0 : i32
        %dma_start3A_260 = arith.constant 0 : i32
        %dma_start3A_261 = tpu.memref_slice %arg20[%dma_start3A_259, %dma_start3A_260] : memref<10112x8xf32, #tpu.memory_space<vmem_shared>> -> memref<10112x8xf32, #tpu.memory_space<vmem_shared>>
        tpu.enqueue_indirect_dma source(%arg17 : memref<256x8xf32, #tpu.memory_space<vmem>>) target(%dma_start3A_261 : memref<10112x8xf32, #tpu.memory_space<vmem_shared>>) offsets(%dma_start3A_258 : memref<256xi32, #tpu.memory_space<vmem>>) semaphore(%arg32 : memref<!tpu.dma_semaphore, #tpu.memory_space<semaphore_mem>>) {add = true}
        %add3A_262 = arith.constant 4 : i32
        %add3A_263 = arith.addi %mul3A_86, %add3A_262 : i32
        %dma_start3A_264 = arith.constant 0 : i32
        %dma_start3A_265 = tpu.memref_slice %arg11[%add3A_263, %dma_start3A_264] : memref<40x256xi32, #tpu.memory_space<vmem>> -> memref<1x256xi32, #tpu.memory_space<vmem>>
        %dma_start3A_266 = tpu.memref_squeeze %dma_start3A_265 : memref<1x256xi32, #tpu.memory_space<vmem>> -> memref<256xi32, #tpu.memory_space<vmem>>
        %dma_start3A_267 = arith.constant 0 : i32
        %dma_start3A_268 = arith.constant 0 : i32
        %dma_start3A_269 = tpu.memref_slice %arg20[%dma_start3A_267, %dma_start3A_268] : memref<10112x8xf32, #tpu.memory_space<vmem_shared>> -> memref<10112x8xf32, #tpu.memory_space<vmem_shared>>
        tpu.enqueue_indirect_dma source(%arg17 : memref<256x8xf32, #tpu.memory_space<vmem>>) target(%dma_start3A_269 : memref<10112x8xf32, #tpu.memory_space<vmem_shared>>) offsets(%dma_start3A_266 : memref<256xi32, #tpu.memory_space<vmem>>) semaphore(%arg31 : memref<!tpu.dma_semaphore, #tpu.memory_space<semaphore_mem>>) {add = true}
        %dma_wait3A_270 = arith.constant 0 : i32
        %dma_wait3A_271 = tpu.memref_slice %arg11[%add3A_231, %dma_wait3A_270] : memref<40x256xi32, #tpu.memory_space<vmem>> -> memref<1x256xi32, #tpu.memory_space<vmem>>
        %dma_wait3A_272 = tpu.memref_squeeze %dma_wait3A_271 : memref<1x256xi32, #tpu.memory_space<vmem>> -> memref<256xi32, #tpu.memory_space<vmem>>
        %dma_wait3A_273 = arith.constant 0 : i32
        %dma_wait3A_274 = arith.constant 0 : i32
        %dma_wait3A_275 = tpu.memref_slice %arg20[%dma_wait3A_273, %dma_wait3A_274] : memref<10112x8xf32, #tpu.memory_space<vmem_shared>> -> memref<10112x8xf32, #tpu.memory_space<vmem_shared>>
        tpu.wait_indirect_dma semaphore(%arg31 : memref<!tpu.dma_semaphore, #tpu.memory_space<semaphore_mem>>) src(%arg17 : memref<256x8xf32, #tpu.memory_space<vmem>>) dst(%dma_wait3A_275 : memref<10112x8xf32, #tpu.memory_space<vmem_shared>>)
        %dma_wait3A_276 = arith.constant 0 : i32
        %dma_wait3A_277 = tpu.memref_slice %arg11[%add3A_239, %dma_wait3A_276] : memref<40x256xi32, #tpu.memory_space<vmem>> -> memref<1x256xi32, #tpu.memory_space<vmem>>
        %dma_wait3A_278 = tpu.memref_squeeze %dma_wait3A_277 : memref<1x256xi32, #tpu.memory_space<vmem>> -> memref<256xi32, #tpu.memory_space<vmem>>
        %dma_wait3A_279 = arith.constant 0 : i32
        %dma_wait3A_280 = arith.constant 0 : i32
        %dma_wait3A_281 = tpu.memref_slice %arg20[%dma_wait3A_279, %dma_wait3A_280] : memref<10112x8xf32, #tpu.memory_space<vmem_shared>> -> memref<10112x8xf32, #tpu.memory_space<vmem_shared>>
        tpu.wait_indirect_dma semaphore(%arg32 : memref<!tpu.dma_semaphore, #tpu.memory_space<semaphore_mem>>) src(%arg17 : memref<256x8xf32, #tpu.memory_space<vmem>>) dst(%dma_wait3A_281 : memref<10112x8xf32, #tpu.memory_space<vmem_shared>>)
        %dma_wait3A_282 = arith.constant 0 : i32
        %dma_wait3A_283 = tpu.memref_slice %arg11[%add3A_247, %dma_wait3A_282] : memref<40x256xi32, #tpu.memory_space<vmem>> -> memref<1x256xi32, #tpu.memory_space<vmem>>
        %dma_wait3A_284 = tpu.memref_squeeze %dma_wait3A_283 : memref<1x256xi32, #tpu.memory_space<vmem>> -> memref<256xi32, #tpu.memory_space<vmem>>
        %dma_wait3A_285 = arith.constant 0 : i32
        %dma_wait3A_286 = arith.constant 0 : i32
        %dma_wait3A_287 = tpu.memref_slice %arg20[%dma_wait3A_285, %dma_wait3A_286] : memref<10112x8xf32, #tpu.memory_space<vmem_shared>> -> memref<10112x8xf32, #tpu.memory_space<vmem_shared>>
        tpu.wait_indirect_dma semaphore(%arg31 : memref<!tpu.dma_semaphore, #tpu.memory_space<semaphore_mem>>) src(%arg17 : memref<256x8xf32, #tpu.memory_space<vmem>>) dst(%dma_wait3A_287 : memref<10112x8xf32, #tpu.memory_space<vmem_shared>>)
        %dma_wait3A_288 = arith.constant 0 : i32
        %dma_wait3A_289 = tpu.memref_slice %arg11[%add3A_255, %dma_wait3A_288] : memref<40x256xi32, #tpu.memory_space<vmem>> -> memref<1x256xi32, #tpu.memory_space<vmem>>
        %dma_wait3A_290 = tpu.memref_squeeze %dma_wait3A_289 : memref<1x256xi32, #tpu.memory_space<vmem>> -> memref<256xi32, #tpu.memory_space<vmem>>
        %dma_wait3A_291 = arith.constant 0 : i32
        %dma_wait3A_292 = arith.constant 0 : i32
        %dma_wait3A_293 = tpu.memref_slice %arg20[%dma_wait3A_291, %dma_wait3A_292] : memref<10112x8xf32, #tpu.memory_space<vmem_shared>> -> memref<10112x8xf32, #tpu.memory_space<vmem_shared>>
        tpu.wait_indirect_dma semaphore(%arg32 : memref<!tpu.dma_semaphore, #tpu.memory_space<semaphore_mem>>) src(%arg17 : memref<256x8xf32, #tpu.memory_space<vmem>>) dst(%dma_wait3A_293 : memref<10112x8xf32, #tpu.memory_space<vmem_shared>>)
        %dma_wait3A_294 = arith.constant 0 : i32
        %dma_wait3A_295 = tpu.memref_slice %arg11[%add3A_263, %dma_wait3A_294] : memref<40x256xi32, #tpu.memory_space<vmem>> -> memref<1x256xi32, #tpu.memory_space<vmem>>
        %dma_wait3A_296 = tpu.memref_squeeze %dma_wait3A_295 : memref<1x256xi32, #tpu.memory_space<vmem>> -> memref<256xi32, #tpu.memory_space<vmem>>
        %dma_wait3A_297 = arith.constant 0 : i32
        %dma_wait3A_298 = arith.constant 0 : i32
        %dma_wait3A_299 = tpu.memref_slice %arg20[%dma_wait3A_297, %dma_wait3A_298] : memref<10112x8xf32, #tpu.memory_space<vmem_shared>> -> memref<10112x8xf32, #tpu.memory_space<vmem_shared>>
        tpu.wait_indirect_dma semaphore(%arg31 : memref<!tpu.dma_semaphore, #tpu.memory_space<semaphore_mem>>) src(%arg17 : memref<256x8xf32, #tpu.memory_space<vmem>>) dst(%dma_wait3A_299 : memref<10112x8xf32, #tpu.memory_space<vmem_shared>>)
      } else {
      }
      %dma_wait3A_200 = arith.constant 0 : i32
      %dma_wait3A_201 = tpu.memref_slice %arg11[%add3A_132, %dma_wait3A_200] : memref<40x256xi32, #tpu.memory_space<vmem>> -> memref<1x256xi32, #tpu.memory_space<vmem>>
      %dma_wait3A_202 = tpu.memref_squeeze %dma_wait3A_201 : memref<1x256xi32, #tpu.memory_space<vmem>> -> memref<256xi32, #tpu.memory_space<vmem>>
      %dma_wait3A_203 = arith.constant 0 : i32
      %dma_wait3A_204 = arith.constant 0 : i32
      %dma_wait3A_205 = tpu.memref_slice %arg19[%dma_wait3A_203, %dma_wait3A_204] : memref<10112x32xf32, #tpu.memory_space<vmem_shared>> -> memref<10112x32xf32, #tpu.memory_space<vmem_shared>>
      tpu.wait_indirect_dma semaphore(%arg26 : memref<!tpu.dma_semaphore, #tpu.memory_space<semaphore_mem>>) src(%arg12 : memref<256x32xf32, #tpu.memory_space<vmem>>) dst(%dma_wait3A_205 : memref<10112x32xf32, #tpu.memory_space<vmem_shared>>)
      %dma_wait3A_206 = arith.constant 0 : i32
      %dma_wait3A_207 = tpu.memref_slice %arg11[%add3A_146, %dma_wait3A_206] : memref<40x256xi32, #tpu.memory_space<vmem>> -> memref<1x256xi32, #tpu.memory_space<vmem>>
      %dma_wait3A_208 = tpu.memref_squeeze %dma_wait3A_207 : memref<1x256xi32, #tpu.memory_space<vmem>> -> memref<256xi32, #tpu.memory_space<vmem>>
      %dma_wait3A_209 = arith.constant 0 : i32
      %dma_wait3A_210 = arith.constant 0 : i32
      %dma_wait3A_211 = tpu.memref_slice %arg19[%dma_wait3A_209, %dma_wait3A_210] : memref<10112x32xf32, #tpu.memory_space<vmem_shared>> -> memref<10112x32xf32, #tpu.memory_space<vmem_shared>>
      tpu.wait_indirect_dma semaphore(%arg27 : memref<!tpu.dma_semaphore, #tpu.memory_space<semaphore_mem>>) src(%arg13 : memref<256x32xf32, #tpu.memory_space<vmem>>) dst(%dma_wait3A_211 : memref<10112x32xf32, #tpu.memory_space<vmem_shared>>)
      %dma_wait3A_212 = arith.constant 0 : i32
      %dma_wait3A_213 = tpu.memref_slice %arg11[%add3A_160, %dma_wait3A_212] : memref<40x256xi32, #tpu.memory_space<vmem>> -> memref<1x256xi32, #tpu.memory_space<vmem>>
      %dma_wait3A_214 = tpu.memref_squeeze %dma_wait3A_213 : memref<1x256xi32, #tpu.memory_space<vmem>> -> memref<256xi32, #tpu.memory_space<vmem>>
      %dma_wait3A_215 = arith.constant 0 : i32
      %dma_wait3A_216 = arith.constant 0 : i32
      %dma_wait3A_217 = tpu.memref_slice %arg19[%dma_wait3A_215, %dma_wait3A_216] : memref<10112x32xf32, #tpu.memory_space<vmem_shared>> -> memref<10112x32xf32, #tpu.memory_space<vmem_shared>>
      tpu.wait_indirect_dma semaphore(%arg28 : memref<!tpu.dma_semaphore, #tpu.memory_space<semaphore_mem>>) src(%arg14 : memref<256x32xf32, #tpu.memory_space<vmem>>) dst(%dma_wait3A_217 : memref<10112x32xf32, #tpu.memory_space<vmem_shared>>)
      %dma_wait3A_218 = arith.constant 0 : i32
      %dma_wait3A_219 = tpu.memref_slice %arg11[%add3A_174, %dma_wait3A_218] : memref<40x256xi32, #tpu.memory_space<vmem>> -> memref<1x256xi32, #tpu.memory_space<vmem>>
      %dma_wait3A_220 = tpu.memref_squeeze %dma_wait3A_219 : memref<1x256xi32, #tpu.memory_space<vmem>> -> memref<256xi32, #tpu.memory_space<vmem>>
      %dma_wait3A_221 = arith.constant 0 : i32
      %dma_wait3A_222 = arith.constant 0 : i32
      %dma_wait3A_223 = tpu.memref_slice %arg19[%dma_wait3A_221, %dma_wait3A_222] : memref<10112x32xf32, #tpu.memory_space<vmem_shared>> -> memref<10112x32xf32, #tpu.memory_space<vmem_shared>>
      tpu.wait_indirect_dma semaphore(%arg29 : memref<!tpu.dma_semaphore, #tpu.memory_space<semaphore_mem>>) src(%arg15 : memref<256x32xf32, #tpu.memory_space<vmem>>) dst(%dma_wait3A_223 : memref<10112x32xf32, #tpu.memory_space<vmem_shared>>)
      %dma_wait3A_224 = arith.constant 0 : i32
      %dma_wait3A_225 = tpu.memref_slice %arg11[%add3A_188, %dma_wait3A_224] : memref<40x256xi32, #tpu.memory_space<vmem>> -> memref<1x256xi32, #tpu.memory_space<vmem>>
      %dma_wait3A_226 = tpu.memref_squeeze %dma_wait3A_225 : memref<1x256xi32, #tpu.memory_space<vmem>> -> memref<256xi32, #tpu.memory_space<vmem>>
      %dma_wait3A_227 = arith.constant 0 : i32
      %dma_wait3A_228 = arith.constant 0 : i32
      %dma_wait3A_229 = tpu.memref_slice %arg19[%dma_wait3A_227, %dma_wait3A_228] : memref<10112x32xf32, #tpu.memory_space<vmem_shared>> -> memref<10112x32xf32, #tpu.memory_space<vmem_shared>>
      tpu.wait_indirect_dma semaphore(%arg30 : memref<!tpu.dma_semaphore, #tpu.memory_space<semaphore_mem>>) src(%arg16 : memref<256x32xf32, #tpu.memory_space<vmem>>) dst(%dma_wait3A_229 : memref<10112x32xf32, #tpu.memory_space<vmem_shared>>)
    }
    %scan3A_15 = arith.constant 8 : i32
    %barrier3A_16 = arith.constant 0 : index
    tpu.barrier barrier_id(%barrier3A_16)
    %add3A_17 = arith.constant 0 : i32
    %add3A_18 = arith.addi %add3A_17, %arg0 : i32
    "tpu.region"() ({
      %run_scoped3A = tpu.sem_alloc : memref<!tpu.dma_semaphore, #tpu.memory_space<semaphore_mem>>
      %dma_start3A = arith.constant 0 : i32
      %dma_start3A_84 = tpu.memref_slice %arg8[%add3A_18, %mul3A_0, %dma_start3A] : memref<8x10112x32xf32, #tpu.memory_space<hbm>> -> memref<1x632x32xf32, #tpu.memory_space<hbm>>
      %dma_start3A_85 = tpu.memref_squeeze %dma_start3A_84 : memref<1x632x32xf32, #tpu.memory_space<hbm>> -> memref<632x32xf32, #tpu.memory_space<hbm>>
      %dma_start3A_86 = arith.constant 0 : i32
      %dma_start3A_87 = tpu.memref_slice %arg19[%mul3A_0, %dma_start3A_86] : memref<10112x32xf32, #tpu.memory_space<vmem_shared>> -> memref<632x32xf32, #tpu.memory_space<vmem_shared>>
      tpu.enqueue_dma source(%dma_start3A_87 : memref<632x32xf32, #tpu.memory_space<vmem_shared>>) target(%dma_start3A_85 : memref<632x32xf32, #tpu.memory_space<hbm>>) target_semaphore(%run_scoped3A : memref<!tpu.dma_semaphore, #tpu.memory_space<semaphore_mem>>)
      %dma_wait3A = arith.constant 0 : i32
      %dma_wait3A_88 = tpu.memref_slice %arg8[%add3A_18, %mul3A_0, %dma_wait3A] : memref<8x10112x32xf32, #tpu.memory_space<hbm>> -> memref<1x632x32xf32, #tpu.memory_space<hbm>>
      %dma_wait3A_89 = tpu.memref_squeeze %dma_wait3A_88 : memref<1x632x32xf32, #tpu.memory_space<hbm>> -> memref<632x32xf32, #tpu.memory_space<hbm>>
      %dma_wait3A_90 = arith.constant 0 : i32
      %dma_wait3A_91 = tpu.memref_slice %arg19[%mul3A_0, %dma_wait3A_90] : memref<10112x32xf32, #tpu.memory_space<vmem_shared>> -> memref<632x32xf32, #tpu.memory_space<vmem_shared>>
      tpu.wait_dma2 semaphore(%run_scoped3A : memref<!tpu.dma_semaphore, #tpu.memory_space<semaphore_mem>>) src(%dma_wait3A_91 : memref<632x32xf32, #tpu.memory_space<vmem_shared>>) dst(%dma_wait3A_89 : memref<632x32xf32, #tpu.memory_space<hbm>>)
      tpu.yield
    }) : () -> ()
    %eq3A_19 = arith.constant 0 : i32
    %eq3A_20 = arith.cmpi eq, %arg0, %eq3A_19 : i32
    %convert_element_type3A_21 = arith.extui %eq3A_20 : i1 to i32
    %cond3A_22 = arith.constant 0 : i32
    %cond3A_23 = arith.cmpi ne, %convert_element_type3A_21, %cond3A_22 : i32
    scf.if %cond3A_23 {
      "tpu.region"() ({
        %run_scoped3A = tpu.sem_alloc : memref<!tpu.dma_semaphore, #tpu.memory_space<semaphore_mem>>
        %dma_start3A = arith.constant 0 : i32
        %dma_start3A_84 = tpu.memref_slice %arg9[%mul3A_0, %dma_start3A] : memref<10112x8xf32, #tpu.memory_space<hbm>> -> memref<632x8xf32, #tpu.memory_space<hbm>>
        %dma_start3A_85 = arith.constant 0 : i32
        %dma_start3A_86 = tpu.memref_slice %arg20[%mul3A_0, %dma_start3A_85] : memref<10112x8xf32, #tpu.memory_space<vmem_shared>> -> memref<632x8xf32, #tpu.memory_space<vmem_shared>>
        tpu.enqueue_dma source(%dma_start3A_86 : memref<632x8xf32, #tpu.memory_space<vmem_shared>>) target(%dma_start3A_84 : memref<632x8xf32, #tpu.memory_space<hbm>>) target_semaphore(%run_scoped3A : memref<!tpu.dma_semaphore, #tpu.memory_space<semaphore_mem>>)
        %dma_wait3A = arith.constant 0 : i32
        %dma_wait3A_87 = tpu.memref_slice %arg9[%mul3A_0, %dma_wait3A] : memref<10112x8xf32, #tpu.memory_space<hbm>> -> memref<632x8xf32, #tpu.memory_space<hbm>>
        %dma_wait3A_88 = arith.constant 0 : i32
        %dma_wait3A_89 = tpu.memref_slice %arg20[%mul3A_0, %dma_wait3A_88] : memref<10112x8xf32, #tpu.memory_space<vmem_shared>> -> memref<632x8xf32, #tpu.memory_space<vmem_shared>>
        tpu.wait_dma2 semaphore(%run_scoped3A : memref<!tpu.dma_semaphore, #tpu.memory_space<semaphore_mem>>) src(%dma_wait3A_89 : memref<632x8xf32, #tpu.memory_space<vmem_shared>>) dst(%dma_wait3A_87 : memref<632x8xf32, #tpu.memory_space<hbm>>)
        tpu.yield
      }) : () -> ()
    } else {
    }
    %barrier3A_24 = arith.constant 0 : index
    tpu.barrier barrier_id(%barrier3A_24)
    %add3A_25 = arith.constant 2 : i32
    %add3A_26 = arith.addi %add3A_25, %arg0 : i32
    %mul3A_27 = arith.constant 10000 : i32
    %mul3A_28 = arith.muli %add3A_26, %mul3A_27 : i32
    %mul3A_29 = arith.constant 625 : i32
    %mul3A_30 = arith.muli %mul3A_29, %arg1 : i32
    %add3A_31 = arith.addi %mul3A_28, %mul3A_30 : i32
    %mul3A_32 = arith.constant 625 : i32
    %mul3A_33 = arith.muli %mul3A_32, %arg1 : i32
    "tpu.region"() ({
      %run_scoped3A = tpu.sem_alloc : memref<!tpu.dma_semaphore, #tpu.memory_space<semaphore_mem>>
      %dma_start3A = arith.constant 0 : i32
      %dma_start3A_84 = tpu.memref_slice %arg18[%mul3A_33, %dma_start3A] : memref<10000x32xf32, #tpu.memory_space<vmem_shared>> -> memref<625x32xf32, #tpu.memory_space<vmem_shared>>
      %dma_start3A_85 = arith.constant 0 : i32
      %dma_start3A_86 = tpu.memref_slice %arg2[%add3A_31, %dma_start3A_85] : memref<80000x32xf32, #tpu.memory_space<hbm>> -> memref<625x32xf32, #tpu.memory_space<hbm>>
      tpu.enqueue_dma source(%dma_start3A_86 : memref<625x32xf32, #tpu.memory_space<hbm>>) target(%dma_start3A_84 : memref<625x32xf32, #tpu.memory_space<vmem_shared>>) target_semaphore(%run_scoped3A : memref<!tpu.dma_semaphore, #tpu.memory_space<semaphore_mem>>)
      %dma_wait3A = arith.constant 0 : i32
      %dma_wait3A_87 = tpu.memref_slice %arg18[%mul3A_33, %dma_wait3A] : memref<10000x32xf32, #tpu.memory_space<vmem_shared>> -> memref<625x32xf32, #tpu.memory_space<vmem_shared>>
      %dma_wait3A_88 = arith.constant 0 : i32
      %dma_wait3A_89 = tpu.memref_slice %arg2[%add3A_31, %dma_wait3A_88] : memref<80000x32xf32, #tpu.memory_space<hbm>> -> memref<625x32xf32, #tpu.memory_space<hbm>>
      tpu.wait_dma2 semaphore(%run_scoped3A : memref<!tpu.dma_semaphore, #tpu.memory_space<semaphore_mem>>) src(%dma_wait3A_89 : memref<625x32xf32, #tpu.memory_space<hbm>>) dst(%dma_wait3A_87 : memref<625x32xf32, #tpu.memory_space<vmem_shared>>)
      tpu.yield
    }) : () -> ()
    "tpu.region"() ({
      %run_scoped3A = tpu.sem_alloc : memref<!tpu.dma_semaphore, #tpu.memory_space<semaphore_mem>>
      %dma_start3A = arith.constant 0 : i32
      %dma_start3A_84 = tpu.memref_slice %arg19[%mul3A_0, %dma_start3A] : memref<10112x32xf32, #tpu.memory_space<vmem_shared>> -> memref<632x32xf32, #tpu.memory_space<vmem_shared>>
      tpu.enqueue_dma source(%arg5 : memref<632x32xf32, #tpu.memory_space<hbm>>) target(%dma_start3A_84 : memref<632x32xf32, #tpu.memory_space<vmem_shared>>) target_semaphore(%run_scoped3A : memref<!tpu.dma_semaphore, #tpu.memory_space<semaphore_mem>>)
      %dma_wait3A = arith.constant 0 : i32
      %dma_wait3A_85 = tpu.memref_slice %arg19[%mul3A_0, %dma_wait3A] : memref<10112x32xf32, #tpu.memory_space<vmem_shared>> -> memref<632x32xf32, #tpu.memory_space<vmem_shared>>
      tpu.wait_dma2 semaphore(%run_scoped3A : memref<!tpu.dma_semaphore, #tpu.memory_space<semaphore_mem>>) src(%arg5 : memref<632x32xf32, #tpu.memory_space<hbm>>) dst(%dma_wait3A_85 : memref<632x32xf32, #tpu.memory_space<vmem_shared>>)
      tpu.yield
    }) : () -> ()
    %barrier3A_34 = arith.constant 0 : index
    tpu.barrier barrier_id(%barrier3A_34)
    %scan3A_35 = arith.constant 0 : i32
    %scan3A_36 = arith.constant 0 : i32
    %scan3A_37 = arith.constant 8 : i32
    %scan3A_38 = arith.addi %scan3A_36, %scan3A_37 : i32
    %scan3A_39 = arith.constant 1 : i32
    scf.for %scan3A_84 = %scan3A_36 to %scan3A_38 step %scan3A_39  : i32 {
      %mul3A_85 = arith.constant 5 : i32
      %mul3A_86 = arith.muli %scan3A_84, %mul3A_85 : i32
      %add3A_87 = arith.constant 0 : i32
      %add3A_88 = arith.addi %mul3A_86, %add3A_87 : i32
      %dma_start3A = arith.constant 0 : i32
      %dma_start3A_89 = tpu.memref_slice %arg10[%add3A_88, %dma_start3A] : memref<40x256xi32, #tpu.memory_space<vmem>> -> memref<1x256xi32, #tpu.memory_space<vmem>>
      %dma_start3A_90 = tpu.memref_squeeze %dma_start3A_89 : memref<1x256xi32, #tpu.memory_space<vmem>> -> memref<256xi32, #tpu.memory_space<vmem>>
      %dma_start3A_91 = arith.constant 0 : i32
      %dma_start3A_92 = arith.constant 0 : i32
      %dma_start3A_93 = tpu.memref_slice %arg18[%dma_start3A_91, %dma_start3A_92] : memref<10000x32xf32, #tpu.memory_space<vmem_shared>> -> memref<10000x32xf32, #tpu.memory_space<vmem_shared>>
      tpu.enqueue_indirect_dma source(%dma_start3A_93 : memref<10000x32xf32, #tpu.memory_space<vmem_shared>>) target(%arg12 : memref<256x32xf32, #tpu.memory_space<vmem>>) offsets(%dma_start3A_90 : memref<256xi32, #tpu.memory_space<vmem>>) semaphore(%arg21 : memref<!tpu.dma_semaphore, #tpu.memory_space<semaphore_mem>>)
      %add3A_94 = arith.constant 1 : i32
      %add3A_95 = arith.addi %mul3A_86, %add3A_94 : i32
      %dma_start3A_96 = arith.constant 0 : i32
      %dma_start3A_97 = tpu.memref_slice %arg10[%add3A_95, %dma_start3A_96] : memref<40x256xi32, #tpu.memory_space<vmem>> -> memref<1x256xi32, #tpu.memory_space<vmem>>
      %dma_start3A_98 = tpu.memref_squeeze %dma_start3A_97 : memref<1x256xi32, #tpu.memory_space<vmem>> -> memref<256xi32, #tpu.memory_space<vmem>>
      %dma_start3A_99 = arith.constant 0 : i32
      %dma_start3A_100 = arith.constant 0 : i32
      %dma_start3A_101 = tpu.memref_slice %arg18[%dma_start3A_99, %dma_start3A_100] : memref<10000x32xf32, #tpu.memory_space<vmem_shared>> -> memref<10000x32xf32, #tpu.memory_space<vmem_shared>>
      tpu.enqueue_indirect_dma source(%dma_start3A_101 : memref<10000x32xf32, #tpu.memory_space<vmem_shared>>) target(%arg13 : memref<256x32xf32, #tpu.memory_space<vmem>>) offsets(%dma_start3A_98 : memref<256xi32, #tpu.memory_space<vmem>>) semaphore(%arg22 : memref<!tpu.dma_semaphore, #tpu.memory_space<semaphore_mem>>)
      %add3A_102 = arith.constant 2 : i32
      %add3A_103 = arith.addi %mul3A_86, %add3A_102 : i32
      %dma_start3A_104 = arith.constant 0 : i32
      %dma_start3A_105 = tpu.memref_slice %arg10[%add3A_103, %dma_start3A_104] : memref<40x256xi32, #tpu.memory_space<vmem>> -> memref<1x256xi32, #tpu.memory_space<vmem>>
      %dma_start3A_106 = tpu.memref_squeeze %dma_start3A_105 : memref<1x256xi32, #tpu.memory_space<vmem>> -> memref<256xi32, #tpu.memory_space<vmem>>
      %dma_start3A_107 = arith.constant 0 : i32
      %dma_start3A_108 = arith.constant 0 : i32
      %dma_start3A_109 = tpu.memref_slice %arg18[%dma_start3A_107, %dma_start3A_108] : memref<10000x32xf32, #tpu.memory_space<vmem_shared>> -> memref<10000x32xf32, #tpu.memory_space<vmem_shared>>
      tpu.enqueue_indirect_dma source(%dma_start3A_109 : memref<10000x32xf32, #tpu.memory_space<vmem_shared>>) target(%arg14 : memref<256x32xf32, #tpu.memory_space<vmem>>) offsets(%dma_start3A_106 : memref<256xi32, #tpu.memory_space<vmem>>) semaphore(%arg23 : memref<!tpu.dma_semaphore, #tpu.memory_space<semaphore_mem>>)
      %add3A_110 = arith.constant 3 : i32
      %add3A_111 = arith.addi %mul3A_86, %add3A_110 : i32
      %dma_start3A_112 = arith.constant 0 : i32
      %dma_start3A_113 = tpu.memref_slice %arg10[%add3A_111, %dma_start3A_112] : memref<40x256xi32, #tpu.memory_space<vmem>> -> memref<1x256xi32, #tpu.memory_space<vmem>>
      %dma_start3A_114 = tpu.memref_squeeze %dma_start3A_113 : memref<1x256xi32, #tpu.memory_space<vmem>> -> memref<256xi32, #tpu.memory_space<vmem>>
      %dma_start3A_115 = arith.constant 0 : i32
      %dma_start3A_116 = arith.constant 0 : i32
      %dma_start3A_117 = tpu.memref_slice %arg18[%dma_start3A_115, %dma_start3A_116] : memref<10000x32xf32, #tpu.memory_space<vmem_shared>> -> memref<10000x32xf32, #tpu.memory_space<vmem_shared>>
      tpu.enqueue_indirect_dma source(%dma_start3A_117 : memref<10000x32xf32, #tpu.memory_space<vmem_shared>>) target(%arg15 : memref<256x32xf32, #tpu.memory_space<vmem>>) offsets(%dma_start3A_114 : memref<256xi32, #tpu.memory_space<vmem>>) semaphore(%arg24 : memref<!tpu.dma_semaphore, #tpu.memory_space<semaphore_mem>>)
      %add3A_118 = arith.constant 4 : i32
      %add3A_119 = arith.addi %mul3A_86, %add3A_118 : i32
      %dma_start3A_120 = arith.constant 0 : i32
      %dma_start3A_121 = tpu.memref_slice %arg10[%add3A_119, %dma_start3A_120] : memref<40x256xi32, #tpu.memory_space<vmem>> -> memref<1x256xi32, #tpu.memory_space<vmem>>
      %dma_start3A_122 = tpu.memref_squeeze %dma_start3A_121 : memref<1x256xi32, #tpu.memory_space<vmem>> -> memref<256xi32, #tpu.memory_space<vmem>>
      %dma_start3A_123 = arith.constant 0 : i32
      %dma_start3A_124 = arith.constant 0 : i32
      %dma_start3A_125 = tpu.memref_slice %arg18[%dma_start3A_123, %dma_start3A_124] : memref<10000x32xf32, #tpu.memory_space<vmem_shared>> -> memref<10000x32xf32, #tpu.memory_space<vmem_shared>>
      tpu.enqueue_indirect_dma source(%dma_start3A_125 : memref<10000x32xf32, #tpu.memory_space<vmem_shared>>) target(%arg16 : memref<256x32xf32, #tpu.memory_space<vmem>>) offsets(%dma_start3A_122 : memref<256xi32, #tpu.memory_space<vmem>>) semaphore(%arg25 : memref<!tpu.dma_semaphore, #tpu.memory_space<semaphore_mem>>)
      %dma_wait3A = arith.constant 0 : i32
      %dma_wait3A_126 = tpu.memref_slice %arg10[%add3A_88, %dma_wait3A] : memref<40x256xi32, #tpu.memory_space<vmem>> -> memref<1x256xi32, #tpu.memory_space<vmem>>
      %dma_wait3A_127 = tpu.memref_squeeze %dma_wait3A_126 : memref<1x256xi32, #tpu.memory_space<vmem>> -> memref<256xi32, #tpu.memory_space<vmem>>
      %dma_wait3A_128 = arith.constant 0 : i32
      %dma_wait3A_129 = arith.constant 0 : i32
      %dma_wait3A_130 = tpu.memref_slice %arg18[%dma_wait3A_128, %dma_wait3A_129] : memref<10000x32xf32, #tpu.memory_space<vmem_shared>> -> memref<10000x32xf32, #tpu.memory_space<vmem_shared>>
      tpu.wait_indirect_dma semaphore(%arg21 : memref<!tpu.dma_semaphore, #tpu.memory_space<semaphore_mem>>) src(%dma_wait3A_130 : memref<10000x32xf32, #tpu.memory_space<vmem_shared>>) dst(%arg12 : memref<256x32xf32, #tpu.memory_space<vmem>>)
      %add3A_131 = arith.constant 0 : i32
      %add3A_132 = arith.addi %mul3A_86, %add3A_131 : i32
      %dma_start3A_133 = arith.constant 0 : i32
      %dma_start3A_134 = tpu.memref_slice %arg11[%add3A_132, %dma_start3A_133] : memref<40x256xi32, #tpu.memory_space<vmem>> -> memref<1x256xi32, #tpu.memory_space<vmem>>
      %dma_start3A_135 = tpu.memref_squeeze %dma_start3A_134 : memref<1x256xi32, #tpu.memory_space<vmem>> -> memref<256xi32, #tpu.memory_space<vmem>>
      %dma_start3A_136 = arith.constant 0 : i32
      %dma_start3A_137 = arith.constant 0 : i32
      %dma_start3A_138 = tpu.memref_slice %arg19[%dma_start3A_136, %dma_start3A_137] : memref<10112x32xf32, #tpu.memory_space<vmem_shared>> -> memref<10112x32xf32, #tpu.memory_space<vmem_shared>>
      tpu.enqueue_indirect_dma source(%arg12 : memref<256x32xf32, #tpu.memory_space<vmem>>) target(%dma_start3A_138 : memref<10112x32xf32, #tpu.memory_space<vmem_shared>>) offsets(%dma_start3A_135 : memref<256xi32, #tpu.memory_space<vmem>>) semaphore(%arg26 : memref<!tpu.dma_semaphore, #tpu.memory_space<semaphore_mem>>) {add = true}
      %dma_wait3A_139 = arith.constant 0 : i32
      %dma_wait3A_140 = tpu.memref_slice %arg10[%add3A_95, %dma_wait3A_139] : memref<40x256xi32, #tpu.memory_space<vmem>> -> memref<1x256xi32, #tpu.memory_space<vmem>>
      %dma_wait3A_141 = tpu.memref_squeeze %dma_wait3A_140 : memref<1x256xi32, #tpu.memory_space<vmem>> -> memref<256xi32, #tpu.memory_space<vmem>>
      %dma_wait3A_142 = arith.constant 0 : i32
      %dma_wait3A_143 = arith.constant 0 : i32
      %dma_wait3A_144 = tpu.memref_slice %arg18[%dma_wait3A_142, %dma_wait3A_143] : memref<10000x32xf32, #tpu.memory_space<vmem_shared>> -> memref<10000x32xf32, #tpu.memory_space<vmem_shared>>
      tpu.wait_indirect_dma semaphore(%arg22 : memref<!tpu.dma_semaphore, #tpu.memory_space<semaphore_mem>>) src(%dma_wait3A_144 : memref<10000x32xf32, #tpu.memory_space<vmem_shared>>) dst(%arg13 : memref<256x32xf32, #tpu.memory_space<vmem>>)
      %add3A_145 = arith.constant 1 : i32
      %add3A_146 = arith.addi %mul3A_86, %add3A_145 : i32
      %dma_start3A_147 = arith.constant 0 : i32
      %dma_start3A_148 = tpu.memref_slice %arg11[%add3A_146, %dma_start3A_147] : memref<40x256xi32, #tpu.memory_space<vmem>> -> memref<1x256xi32, #tpu.memory_space<vmem>>
      %dma_start3A_149 = tpu.memref_squeeze %dma_start3A_148 : memref<1x256xi32, #tpu.memory_space<vmem>> -> memref<256xi32, #tpu.memory_space<vmem>>
      %dma_start3A_150 = arith.constant 0 : i32
      %dma_start3A_151 = arith.constant 0 : i32
      %dma_start3A_152 = tpu.memref_slice %arg19[%dma_start3A_150, %dma_start3A_151] : memref<10112x32xf32, #tpu.memory_space<vmem_shared>> -> memref<10112x32xf32, #tpu.memory_space<vmem_shared>>
      tpu.enqueue_indirect_dma source(%arg13 : memref<256x32xf32, #tpu.memory_space<vmem>>) target(%dma_start3A_152 : memref<10112x32xf32, #tpu.memory_space<vmem_shared>>) offsets(%dma_start3A_149 : memref<256xi32, #tpu.memory_space<vmem>>) semaphore(%arg27 : memref<!tpu.dma_semaphore, #tpu.memory_space<semaphore_mem>>) {add = true}
      %dma_wait3A_153 = arith.constant 0 : i32
      %dma_wait3A_154 = tpu.memref_slice %arg10[%add3A_103, %dma_wait3A_153] : memref<40x256xi32, #tpu.memory_space<vmem>> -> memref<1x256xi32, #tpu.memory_space<vmem>>
      %dma_wait3A_155 = tpu.memref_squeeze %dma_wait3A_154 : memref<1x256xi32, #tpu.memory_space<vmem>> -> memref<256xi32, #tpu.memory_space<vmem>>
      %dma_wait3A_156 = arith.constant 0 : i32
      %dma_wait3A_157 = arith.constant 0 : i32
      %dma_wait3A_158 = tpu.memref_slice %arg18[%dma_wait3A_156, %dma_wait3A_157] : memref<10000x32xf32, #tpu.memory_space<vmem_shared>> -> memref<10000x32xf32, #tpu.memory_space<vmem_shared>>
      tpu.wait_indirect_dma semaphore(%arg23 : memref<!tpu.dma_semaphore, #tpu.memory_space<semaphore_mem>>) src(%dma_wait3A_158 : memref<10000x32xf32, #tpu.memory_space<vmem_shared>>) dst(%arg14 : memref<256x32xf32, #tpu.memory_space<vmem>>)
      %add3A_159 = arith.constant 2 : i32
      %add3A_160 = arith.addi %mul3A_86, %add3A_159 : i32
      %dma_start3A_161 = arith.constant 0 : i32
      %dma_start3A_162 = tpu.memref_slice %arg11[%add3A_160, %dma_start3A_161] : memref<40x256xi32, #tpu.memory_space<vmem>> -> memref<1x256xi32, #tpu.memory_space<vmem>>
      %dma_start3A_163 = tpu.memref_squeeze %dma_start3A_162 : memref<1x256xi32, #tpu.memory_space<vmem>> -> memref<256xi32, #tpu.memory_space<vmem>>
      %dma_start3A_164 = arith.constant 0 : i32
      %dma_start3A_165 = arith.constant 0 : i32
      %dma_start3A_166 = tpu.memref_slice %arg19[%dma_start3A_164, %dma_start3A_165] : memref<10112x32xf32, #tpu.memory_space<vmem_shared>> -> memref<10112x32xf32, #tpu.memory_space<vmem_shared>>
      tpu.enqueue_indirect_dma source(%arg14 : memref<256x32xf32, #tpu.memory_space<vmem>>) target(%dma_start3A_166 : memref<10112x32xf32, #tpu.memory_space<vmem_shared>>) offsets(%dma_start3A_163 : memref<256xi32, #tpu.memory_space<vmem>>) semaphore(%arg28 : memref<!tpu.dma_semaphore, #tpu.memory_space<semaphore_mem>>) {add = true}
      %dma_wait3A_167 = arith.constant 0 : i32
      %dma_wait3A_168 = tpu.memref_slice %arg10[%add3A_111, %dma_wait3A_167] : memref<40x256xi32, #tpu.memory_space<vmem>> -> memref<1x256xi32, #tpu.memory_space<vmem>>
      %dma_wait3A_169 = tpu.memref_squeeze %dma_wait3A_168 : memref<1x256xi32, #tpu.memory_space<vmem>> -> memref<256xi32, #tpu.memory_space<vmem>>
      %dma_wait3A_170 = arith.constant 0 : i32
      %dma_wait3A_171 = arith.constant 0 : i32
      %dma_wait3A_172 = tpu.memref_slice %arg18[%dma_wait3A_170, %dma_wait3A_171] : memref<10000x32xf32, #tpu.memory_space<vmem_shared>> -> memref<10000x32xf32, #tpu.memory_space<vmem_shared>>
      tpu.wait_indirect_dma semaphore(%arg24 : memref<!tpu.dma_semaphore, #tpu.memory_space<semaphore_mem>>) src(%dma_wait3A_172 : memref<10000x32xf32, #tpu.memory_space<vmem_shared>>) dst(%arg15 : memref<256x32xf32, #tpu.memory_space<vmem>>)
      %add3A_173 = arith.constant 3 : i32
      %add3A_174 = arith.addi %mul3A_86, %add3A_173 : i32
      %dma_start3A_175 = arith.constant 0 : i32
      %dma_start3A_176 = tpu.memref_slice %arg11[%add3A_174, %dma_start3A_175] : memref<40x256xi32, #tpu.memory_space<vmem>> -> memref<1x256xi32, #tpu.memory_space<vmem>>
      %dma_start3A_177 = tpu.memref_squeeze %dma_start3A_176 : memref<1x256xi32, #tpu.memory_space<vmem>> -> memref<256xi32, #tpu.memory_space<vmem>>
      %dma_start3A_178 = arith.constant 0 : i32
      %dma_start3A_179 = arith.constant 0 : i32
      %dma_start3A_180 = tpu.memref_slice %arg19[%dma_start3A_178, %dma_start3A_179] : memref<10112x32xf32, #tpu.memory_space<vmem_shared>> -> memref<10112x32xf32, #tpu.memory_space<vmem_shared>>
      tpu.enqueue_indirect_dma source(%arg15 : memref<256x32xf32, #tpu.memory_space<vmem>>) target(%dma_start3A_180 : memref<10112x32xf32, #tpu.memory_space<vmem_shared>>) offsets(%dma_start3A_177 : memref<256xi32, #tpu.memory_space<vmem>>) semaphore(%arg29 : memref<!tpu.dma_semaphore, #tpu.memory_space<semaphore_mem>>) {add = true}
      %dma_wait3A_181 = arith.constant 0 : i32
      %dma_wait3A_182 = tpu.memref_slice %arg10[%add3A_119, %dma_wait3A_181] : memref<40x256xi32, #tpu.memory_space<vmem>> -> memref<1x256xi32, #tpu.memory_space<vmem>>
      %dma_wait3A_183 = tpu.memref_squeeze %dma_wait3A_182 : memref<1x256xi32, #tpu.memory_space<vmem>> -> memref<256xi32, #tpu.memory_space<vmem>>
      %dma_wait3A_184 = arith.constant 0 : i32
      %dma_wait3A_185 = arith.constant 0 : i32
      %dma_wait3A_186 = tpu.memref_slice %arg18[%dma_wait3A_184, %dma_wait3A_185] : memref<10000x32xf32, #tpu.memory_space<vmem_shared>> -> memref<10000x32xf32, #tpu.memory_space<vmem_shared>>
      tpu.wait_indirect_dma semaphore(%arg25 : memref<!tpu.dma_semaphore, #tpu.memory_space<semaphore_mem>>) src(%dma_wait3A_186 : memref<10000x32xf32, #tpu.memory_space<vmem_shared>>) dst(%arg16 : memref<256x32xf32, #tpu.memory_space<vmem>>)
      %add3A_187 = arith.constant 4 : i32
      %add3A_188 = arith.addi %mul3A_86, %add3A_187 : i32
      %dma_start3A_189 = arith.constant 0 : i32
      %dma_start3A_190 = tpu.memref_slice %arg11[%add3A_188, %dma_start3A_189] : memref<40x256xi32, #tpu.memory_space<vmem>> -> memref<1x256xi32, #tpu.memory_space<vmem>>
      %dma_start3A_191 = tpu.memref_squeeze %dma_start3A_190 : memref<1x256xi32, #tpu.memory_space<vmem>> -> memref<256xi32, #tpu.memory_space<vmem>>
      %dma_start3A_192 = arith.constant 0 : i32
      %dma_start3A_193 = arith.constant 0 : i32
      %dma_start3A_194 = tpu.memref_slice %arg19[%dma_start3A_192, %dma_start3A_193] : memref<10112x32xf32, #tpu.memory_space<vmem_shared>> -> memref<10112x32xf32, #tpu.memory_space<vmem_shared>>
      tpu.enqueue_indirect_dma source(%arg16 : memref<256x32xf32, #tpu.memory_space<vmem>>) target(%dma_start3A_194 : memref<10112x32xf32, #tpu.memory_space<vmem_shared>>) offsets(%dma_start3A_191 : memref<256xi32, #tpu.memory_space<vmem>>) semaphore(%arg30 : memref<!tpu.dma_semaphore, #tpu.memory_space<semaphore_mem>>) {add = true}
      %dma_wait3A_195 = arith.constant 0 : i32
      %dma_wait3A_196 = tpu.memref_slice %arg11[%add3A_132, %dma_wait3A_195] : memref<40x256xi32, #tpu.memory_space<vmem>> -> memref<1x256xi32, #tpu.memory_space<vmem>>
      %dma_wait3A_197 = tpu.memref_squeeze %dma_wait3A_196 : memref<1x256xi32, #tpu.memory_space<vmem>> -> memref<256xi32, #tpu.memory_space<vmem>>
      %dma_wait3A_198 = arith.constant 0 : i32
      %dma_wait3A_199 = arith.constant 0 : i32
      %dma_wait3A_200 = tpu.memref_slice %arg19[%dma_wait3A_198, %dma_wait3A_199] : memref<10112x32xf32, #tpu.memory_space<vmem_shared>> -> memref<10112x32xf32, #tpu.memory_space<vmem_shared>>
      tpu.wait_indirect_dma semaphore(%arg26 : memref<!tpu.dma_semaphore, #tpu.memory_space<semaphore_mem>>) src(%arg12 : memref<256x32xf32, #tpu.memory_space<vmem>>) dst(%dma_wait3A_200 : memref<10112x32xf32, #tpu.memory_space<vmem_shared>>)
      %dma_wait3A_201 = arith.constant 0 : i32
      %dma_wait3A_202 = tpu.memref_slice %arg11[%add3A_146, %dma_wait3A_201] : memref<40x256xi32, #tpu.memory_space<vmem>> -> memref<1x256xi32, #tpu.memory_space<vmem>>
      %dma_wait3A_203 = tpu.memref_squeeze %dma_wait3A_202 : memref<1x256xi32, #tpu.memory_space<vmem>> -> memref<256xi32, #tpu.memory_space<vmem>>
      %dma_wait3A_204 = arith.constant 0 : i32
      %dma_wait3A_205 = arith.constant 0 : i32
      %dma_wait3A_206 = tpu.memref_slice %arg19[%dma_wait3A_204, %dma_wait3A_205] : memref<10112x32xf32, #tpu.memory_space<vmem_shared>> -> memref<10112x32xf32, #tpu.memory_space<vmem_shared>>
      tpu.wait_indirect_dma semaphore(%arg27 : memref<!tpu.dma_semaphore, #tpu.memory_space<semaphore_mem>>) src(%arg13 : memref<256x32xf32, #tpu.memory_space<vmem>>) dst(%dma_wait3A_206 : memref<10112x32xf32, #tpu.memory_space<vmem_shared>>)
      %dma_wait3A_207 = arith.constant 0 : i32
      %dma_wait3A_208 = tpu.memref_slice %arg11[%add3A_160, %dma_wait3A_207] : memref<40x256xi32, #tpu.memory_space<vmem>> -> memref<1x256xi32, #tpu.memory_space<vmem>>
      %dma_wait3A_209 = tpu.memref_squeeze %dma_wait3A_208 : memref<1x256xi32, #tpu.memory_space<vmem>> -> memref<256xi32, #tpu.memory_space<vmem>>
      %dma_wait3A_210 = arith.constant 0 : i32
      %dma_wait3A_211 = arith.constant 0 : i32
      %dma_wait3A_212 = tpu.memref_slice %arg19[%dma_wait3A_210, %dma_wait3A_211] : memref<10112x32xf32, #tpu.memory_space<vmem_shared>> -> memref<10112x32xf32, #tpu.memory_space<vmem_shared>>
      tpu.wait_indirect_dma semaphore(%arg28 : memref<!tpu.dma_semaphore, #tpu.memory_space<semaphore_mem>>) src(%arg14 : memref<256x32xf32, #tpu.memory_space<vmem>>) dst(%dma_wait3A_212 : memref<10112x32xf32, #tpu.memory_space<vmem_shared>>)
      %dma_wait3A_213 = arith.constant 0 : i32
      %dma_wait3A_214 = tpu.memref_slice %arg11[%add3A_174, %dma_wait3A_213] : memref<40x256xi32, #tpu.memory_space<vmem>> -> memref<1x256xi32, #tpu.memory_space<vmem>>
      %dma_wait3A_215 = tpu.memref_squeeze %dma_wait3A_214 : memref<1x256xi32, #tpu.memory_space<vmem>> -> memref<256xi32, #tpu.memory_space<vmem>>
      %dma_wait3A_216 = arith.constant 0 : i32
      %dma_wait3A_217 = arith.constant 0 : i32
      %dma_wait3A_218 = tpu.memref_slice %arg19[%dma_wait3A_216, %dma_wait3A_217] : memref<10112x32xf32, #tpu.memory_space<vmem_shared>> -> memref<10112x32xf32, #tpu.memory_space<vmem_shared>>
      tpu.wait_indirect_dma semaphore(%arg29 : memref<!tpu.dma_semaphore, #tpu.memory_space<semaphore_mem>>) src(%arg15 : memref<256x32xf32, #tpu.memory_space<vmem>>) dst(%dma_wait3A_218 : memref<10112x32xf32, #tpu.memory_space<vmem_shared>>)
      %dma_wait3A_219 = arith.constant 0 : i32
      %dma_wait3A_220 = tpu.memref_slice %arg11[%add3A_188, %dma_wait3A_219] : memref<40x256xi32, #tpu.memory_space<vmem>> -> memref<1x256xi32, #tpu.memory_space<vmem>>
      %dma_wait3A_221 = tpu.memref_squeeze %dma_wait3A_220 : memref<1x256xi32, #tpu.memory_space<vmem>> -> memref<256xi32, #tpu.memory_space<vmem>>
      %dma_wait3A_222 = arith.constant 0 : i32
      %dma_wait3A_223 = arith.constant 0 : i32
      %dma_wait3A_224 = tpu.memref_slice %arg19[%dma_wait3A_222, %dma_wait3A_223] : memref<10112x32xf32, #tpu.memory_space<vmem_shared>> -> memref<10112x32xf32, #tpu.memory_space<vmem_shared>>
      tpu.wait_indirect_dma semaphore(%arg30 : memref<!tpu.dma_semaphore, #tpu.memory_space<semaphore_mem>>) src(%arg16 : memref<256x32xf32, #tpu.memory_space<vmem>>) dst(%dma_wait3A_224 : memref<10112x32xf32, #tpu.memory_space<vmem_shared>>)
    }
    %scan3A_40 = arith.constant 8 : i32
    %barrier3A_41 = arith.constant 0 : index
    tpu.barrier barrier_id(%barrier3A_41)
    %add3A_42 = arith.constant 2 : i32
    %add3A_43 = arith.addi %add3A_42, %arg0 : i32
    "tpu.region"() ({
      %run_scoped3A = tpu.sem_alloc : memref<!tpu.dma_semaphore, #tpu.memory_space<semaphore_mem>>
      %dma_start3A = arith.constant 0 : i32
      %dma_start3A_84 = tpu.memref_slice %arg8[%add3A_43, %mul3A_0, %dma_start3A] : memref<8x10112x32xf32, #tpu.memory_space<hbm>> -> memref<1x632x32xf32, #tpu.memory_space<hbm>>
      %dma_start3A_85 = tpu.memref_squeeze %dma_start3A_84 : memref<1x632x32xf32, #tpu.memory_space<hbm>> -> memref<632x32xf32, #tpu.memory_space<hbm>>
      %dma_start3A_86 = arith.constant 0 : i32
      %dma_start3A_87 = tpu.memref_slice %arg19[%mul3A_0, %dma_start3A_86] : memref<10112x32xf32, #tpu.memory_space<vmem_shared>> -> memref<632x32xf32, #tpu.memory_space<vmem_shared>>
      tpu.enqueue_dma source(%dma_start3A_87 : memref<632x32xf32, #tpu.memory_space<vmem_shared>>) target(%dma_start3A_85 : memref<632x32xf32, #tpu.memory_space<hbm>>) target_semaphore(%run_scoped3A : memref<!tpu.dma_semaphore, #tpu.memory_space<semaphore_mem>>)
      %dma_wait3A = arith.constant 0 : i32
      %dma_wait3A_88 = tpu.memref_slice %arg8[%add3A_43, %mul3A_0, %dma_wait3A] : memref<8x10112x32xf32, #tpu.memory_space<hbm>> -> memref<1x632x32xf32, #tpu.memory_space<hbm>>
      %dma_wait3A_89 = tpu.memref_squeeze %dma_wait3A_88 : memref<1x632x32xf32, #tpu.memory_space<hbm>> -> memref<632x32xf32, #tpu.memory_space<hbm>>
      %dma_wait3A_90 = arith.constant 0 : i32
      %dma_wait3A_91 = tpu.memref_slice %arg19[%mul3A_0, %dma_wait3A_90] : memref<10112x32xf32, #tpu.memory_space<vmem_shared>> -> memref<632x32xf32, #tpu.memory_space<vmem_shared>>
      tpu.wait_dma2 semaphore(%run_scoped3A : memref<!tpu.dma_semaphore, #tpu.memory_space<semaphore_mem>>) src(%dma_wait3A_91 : memref<632x32xf32, #tpu.memory_space<vmem_shared>>) dst(%dma_wait3A_89 : memref<632x32xf32, #tpu.memory_space<hbm>>)
      tpu.yield
    }) : () -> ()
    %barrier3A_44 = arith.constant 0 : index
    tpu.barrier barrier_id(%barrier3A_44)
    %add3A_45 = arith.constant 4 : i32
    %add3A_46 = arith.addi %add3A_45, %arg0 : i32
    %mul3A_47 = arith.constant 10000 : i32
    %mul3A_48 = arith.muli %add3A_46, %mul3A_47 : i32
    %mul3A_49 = arith.constant 625 : i32
    %mul3A_50 = arith.muli %mul3A_49, %arg1 : i32
    %add3A_51 = arith.addi %mul3A_48, %mul3A_50 : i32
    %mul3A_52 = arith.constant 625 : i32
    %mul3A_53 = arith.muli %mul3A_52, %arg1 : i32
    "tpu.region"() ({
      %run_scoped3A = tpu.sem_alloc : memref<!tpu.dma_semaphore, #tpu.memory_space<semaphore_mem>>
      %dma_start3A = arith.constant 0 : i32
      %dma_start3A_84 = tpu.memref_slice %arg18[%mul3A_53, %dma_start3A] : memref<10000x32xf32, #tpu.memory_space<vmem_shared>> -> memref<625x32xf32, #tpu.memory_space<vmem_shared>>
      %dma_start3A_85 = arith.constant 0 : i32
      %dma_start3A_86 = tpu.memref_slice %arg2[%add3A_51, %dma_start3A_85] : memref<80000x32xf32, #tpu.memory_space<hbm>> -> memref<625x32xf32, #tpu.memory_space<hbm>>
      tpu.enqueue_dma source(%dma_start3A_86 : memref<625x32xf32, #tpu.memory_space<hbm>>) target(%dma_start3A_84 : memref<625x32xf32, #tpu.memory_space<vmem_shared>>) target_semaphore(%run_scoped3A : memref<!tpu.dma_semaphore, #tpu.memory_space<semaphore_mem>>)
      %dma_wait3A = arith.constant 0 : i32
      %dma_wait3A_87 = tpu.memref_slice %arg18[%mul3A_53, %dma_wait3A] : memref<10000x32xf32, #tpu.memory_space<vmem_shared>> -> memref<625x32xf32, #tpu.memory_space<vmem_shared>>
      %dma_wait3A_88 = arith.constant 0 : i32
      %dma_wait3A_89 = tpu.memref_slice %arg2[%add3A_51, %dma_wait3A_88] : memref<80000x32xf32, #tpu.memory_space<hbm>> -> memref<625x32xf32, #tpu.memory_space<hbm>>
      tpu.wait_dma2 semaphore(%run_scoped3A : memref<!tpu.dma_semaphore, #tpu.memory_space<semaphore_mem>>) src(%dma_wait3A_89 : memref<625x32xf32, #tpu.memory_space<hbm>>) dst(%dma_wait3A_87 : memref<625x32xf32, #tpu.memory_space<vmem_shared>>)
      tpu.yield
    }) : () -> ()
    "tpu.region"() ({
      %run_scoped3A = tpu.sem_alloc : memref<!tpu.dma_semaphore, #tpu.memory_space<semaphore_mem>>
      %dma_start3A = arith.constant 0 : i32
      %dma_start3A_84 = tpu.memref_slice %arg19[%mul3A_0, %dma_start3A] : memref<10112x32xf32, #tpu.memory_space<vmem_shared>> -> memref<632x32xf32, #tpu.memory_space<vmem_shared>>
      tpu.enqueue_dma source(%arg5 : memref<632x32xf32, #tpu.memory_space<hbm>>) target(%dma_start3A_84 : memref<632x32xf32, #tpu.memory_space<vmem_shared>>) target_semaphore(%run_scoped3A : memref<!tpu.dma_semaphore, #tpu.memory_space<semaphore_mem>>)
      %dma_wait3A = arith.constant 0 : i32
      %dma_wait3A_85 = tpu.memref_slice %arg19[%mul3A_0, %dma_wait3A] : memref<10112x32xf32, #tpu.memory_space<vmem_shared>> -> memref<632x32xf32, #tpu.memory_space<vmem_shared>>
      tpu.wait_dma2 semaphore(%run_scoped3A : memref<!tpu.dma_semaphore, #tpu.memory_space<semaphore_mem>>) src(%arg5 : memref<632x32xf32, #tpu.memory_space<hbm>>) dst(%dma_wait3A_85 : memref<632x32xf32, #tpu.memory_space<vmem_shared>>)
      tpu.yield
    }) : () -> ()
    %barrier3A_54 = arith.constant 0 : index
    tpu.barrier barrier_id(%barrier3A_54)
    %scan3A_55 = arith.constant 0 : i32
    %scan3A_56 = arith.constant 0 : i32
    %scan3A_57 = arith.constant 8 : i32
    %scan3A_58 = arith.addi %scan3A_56, %scan3A_57 : i32
    %scan3A_59 = arith.constant 1 : i32
    scf.for %scan3A_84 = %scan3A_56 to %scan3A_58 step %scan3A_59  : i32 {
      %mul3A_85 = arith.constant 5 : i32
      %mul3A_86 = arith.muli %scan3A_84, %mul3A_85 : i32
      %add3A_87 = arith.constant 0 : i32
      %add3A_88 = arith.addi %mul3A_86, %add3A_87 : i32
      %dma_start3A = arith.constant 0 : i32
      %dma_start3A_89 = tpu.memref_slice %arg10[%add3A_88, %dma_start3A] : memref<40x256xi32, #tpu.memory_space<vmem>> -> memref<1x256xi32, #tpu.memory_space<vmem>>
      %dma_start3A_90 = tpu.memref_squeeze %dma_start3A_89 : memref<1x256xi32, #tpu.memory_space<vmem>> -> memref<256xi32, #tpu.memory_space<vmem>>
      %dma_start3A_91 = arith.constant 0 : i32
      %dma_start3A_92 = arith.constant 0 : i32
      %dma_start3A_93 = tpu.memref_slice %arg18[%dma_start3A_91, %dma_start3A_92] : memref<10000x32xf32, #tpu.memory_space<vmem_shared>> -> memref<10000x32xf32, #tpu.memory_space<vmem_shared>>
      tpu.enqueue_indirect_dma source(%dma_start3A_93 : memref<10000x32xf32, #tpu.memory_space<vmem_shared>>) target(%arg12 : memref<256x32xf32, #tpu.memory_space<vmem>>) offsets(%dma_start3A_90 : memref<256xi32, #tpu.memory_space<vmem>>) semaphore(%arg21 : memref<!tpu.dma_semaphore, #tpu.memory_space<semaphore_mem>>)
      %add3A_94 = arith.constant 1 : i32
      %add3A_95 = arith.addi %mul3A_86, %add3A_94 : i32
      %dma_start3A_96 = arith.constant 0 : i32
      %dma_start3A_97 = tpu.memref_slice %arg10[%add3A_95, %dma_start3A_96] : memref<40x256xi32, #tpu.memory_space<vmem>> -> memref<1x256xi32, #tpu.memory_space<vmem>>
      %dma_start3A_98 = tpu.memref_squeeze %dma_start3A_97 : memref<1x256xi32, #tpu.memory_space<vmem>> -> memref<256xi32, #tpu.memory_space<vmem>>
      %dma_start3A_99 = arith.constant 0 : i32
      %dma_start3A_100 = arith.constant 0 : i32
      %dma_start3A_101 = tpu.memref_slice %arg18[%dma_start3A_99, %dma_start3A_100] : memref<10000x32xf32, #tpu.memory_space<vmem_shared>> -> memref<10000x32xf32, #tpu.memory_space<vmem_shared>>
      tpu.enqueue_indirect_dma source(%dma_start3A_101 : memref<10000x32xf32, #tpu.memory_space<vmem_shared>>) target(%arg13 : memref<256x32xf32, #tpu.memory_space<vmem>>) offsets(%dma_start3A_98 : memref<256xi32, #tpu.memory_space<vmem>>) semaphore(%arg22 : memref<!tpu.dma_semaphore, #tpu.memory_space<semaphore_mem>>)
      %add3A_102 = arith.constant 2 : i32
      %add3A_103 = arith.addi %mul3A_86, %add3A_102 : i32
      %dma_start3A_104 = arith.constant 0 : i32
      %dma_start3A_105 = tpu.memref_slice %arg10[%add3A_103, %dma_start3A_104] : memref<40x256xi32, #tpu.memory_space<vmem>> -> memref<1x256xi32, #tpu.memory_space<vmem>>
      %dma_start3A_106 = tpu.memref_squeeze %dma_start3A_105 : memref<1x256xi32, #tpu.memory_space<vmem>> -> memref<256xi32, #tpu.memory_space<vmem>>
      %dma_start3A_107 = arith.constant 0 : i32
      %dma_start3A_108 = arith.constant 0 : i32
      %dma_start3A_109 = tpu.memref_slice %arg18[%dma_start3A_107, %dma_start3A_108] : memref<10000x32xf32, #tpu.memory_space<vmem_shared>> -> memref<10000x32xf32, #tpu.memory_space<vmem_shared>>
      tpu.enqueue_indirect_dma source(%dma_start3A_109 : memref<10000x32xf32, #tpu.memory_space<vmem_shared>>) target(%arg14 : memref<256x32xf32, #tpu.memory_space<vmem>>) offsets(%dma_start3A_106 : memref<256xi32, #tpu.memory_space<vmem>>) semaphore(%arg23 : memref<!tpu.dma_semaphore, #tpu.memory_space<semaphore_mem>>)
      %add3A_110 = arith.constant 3 : i32
      %add3A_111 = arith.addi %mul3A_86, %add3A_110 : i32
      %dma_start3A_112 = arith.constant 0 : i32
      %dma_start3A_113 = tpu.memref_slice %arg10[%add3A_111, %dma_start3A_112] : memref<40x256xi32, #tpu.memory_space<vmem>> -> memref<1x256xi32, #tpu.memory_space<vmem>>
      %dma_start3A_114 = tpu.memref_squeeze %dma_start3A_113 : memref<1x256xi32, #tpu.memory_space<vmem>> -> memref<256xi32, #tpu.memory_space<vmem>>
      %dma_start3A_115 = arith.constant 0 : i32
      %dma_start3A_116 = arith.constant 0 : i32
      %dma_start3A_117 = tpu.memref_slice %arg18[%dma_start3A_115, %dma_start3A_116] : memref<10000x32xf32, #tpu.memory_space<vmem_shared>> -> memref<10000x32xf32, #tpu.memory_space<vmem_shared>>
      tpu.enqueue_indirect_dma source(%dma_start3A_117 : memref<10000x32xf32, #tpu.memory_space<vmem_shared>>) target(%arg15 : memref<256x32xf32, #tpu.memory_space<vmem>>) offsets(%dma_start3A_114 : memref<256xi32, #tpu.memory_space<vmem>>) semaphore(%arg24 : memref<!tpu.dma_semaphore, #tpu.memory_space<semaphore_mem>>)
      %add3A_118 = arith.constant 4 : i32
      %add3A_119 = arith.addi %mul3A_86, %add3A_118 : i32
      %dma_start3A_120 = arith.constant 0 : i32
      %dma_start3A_121 = tpu.memref_slice %arg10[%add3A_119, %dma_start3A_120] : memref<40x256xi32, #tpu.memory_space<vmem>> -> memref<1x256xi32, #tpu.memory_space<vmem>>
      %dma_start3A_122 = tpu.memref_squeeze %dma_start3A_121 : memref<1x256xi32, #tpu.memory_space<vmem>> -> memref<256xi32, #tpu.memory_space<vmem>>
      %dma_start3A_123 = arith.constant 0 : i32
      %dma_start3A_124 = arith.constant 0 : i32
      %dma_start3A_125 = tpu.memref_slice %arg18[%dma_start3A_123, %dma_start3A_124] : memref<10000x32xf32, #tpu.memory_space<vmem_shared>> -> memref<10000x32xf32, #tpu.memory_space<vmem_shared>>
      tpu.enqueue_indirect_dma source(%dma_start3A_125 : memref<10000x32xf32, #tpu.memory_space<vmem_shared>>) target(%arg16 : memref<256x32xf32, #tpu.memory_space<vmem>>) offsets(%dma_start3A_122 : memref<256xi32, #tpu.memory_space<vmem>>) semaphore(%arg25 : memref<!tpu.dma_semaphore, #tpu.memory_space<semaphore_mem>>)
      %dma_wait3A = arith.constant 0 : i32
      %dma_wait3A_126 = tpu.memref_slice %arg10[%add3A_88, %dma_wait3A] : memref<40x256xi32, #tpu.memory_space<vmem>> -> memref<1x256xi32, #tpu.memory_space<vmem>>
      %dma_wait3A_127 = tpu.memref_squeeze %dma_wait3A_126 : memref<1x256xi32, #tpu.memory_space<vmem>> -> memref<256xi32, #tpu.memory_space<vmem>>
      %dma_wait3A_128 = arith.constant 0 : i32
      %dma_wait3A_129 = arith.constant 0 : i32
      %dma_wait3A_130 = tpu.memref_slice %arg18[%dma_wait3A_128, %dma_wait3A_129] : memref<10000x32xf32, #tpu.memory_space<vmem_shared>> -> memref<10000x32xf32, #tpu.memory_space<vmem_shared>>
      tpu.wait_indirect_dma semaphore(%arg21 : memref<!tpu.dma_semaphore, #tpu.memory_space<semaphore_mem>>) src(%dma_wait3A_130 : memref<10000x32xf32, #tpu.memory_space<vmem_shared>>) dst(%arg12 : memref<256x32xf32, #tpu.memory_space<vmem>>)
      %add3A_131 = arith.constant 0 : i32
      %add3A_132 = arith.addi %mul3A_86, %add3A_131 : i32
      %dma_start3A_133 = arith.constant 0 : i32
      %dma_start3A_134 = tpu.memref_slice %arg11[%add3A_132, %dma_start3A_133] : memref<40x256xi32, #tpu.memory_space<vmem>> -> memref<1x256xi32, #tpu.memory_space<vmem>>
      %dma_start3A_135 = tpu.memref_squeeze %dma_start3A_134 : memref<1x256xi32, #tpu.memory_space<vmem>> -> memref<256xi32, #tpu.memory_space<vmem>>
      %dma_start3A_136 = arith.constant 0 : i32
      %dma_start3A_137 = arith.constant 0 : i32
      %dma_start3A_138 = tpu.memref_slice %arg19[%dma_start3A_136, %dma_start3A_137] : memref<10112x32xf32, #tpu.memory_space<vmem_shared>> -> memref<10112x32xf32, #tpu.memory_space<vmem_shared>>
      tpu.enqueue_indirect_dma source(%arg12 : memref<256x32xf32, #tpu.memory_space<vmem>>) target(%dma_start3A_138 : memref<10112x32xf32, #tpu.memory_space<vmem_shared>>) offsets(%dma_start3A_135 : memref<256xi32, #tpu.memory_space<vmem>>) semaphore(%arg26 : memref<!tpu.dma_semaphore, #tpu.memory_space<semaphore_mem>>) {add = true}
      %dma_wait3A_139 = arith.constant 0 : i32
      %dma_wait3A_140 = tpu.memref_slice %arg10[%add3A_95, %dma_wait3A_139] : memref<40x256xi32, #tpu.memory_space<vmem>> -> memref<1x256xi32, #tpu.memory_space<vmem>>
      %dma_wait3A_141 = tpu.memref_squeeze %dma_wait3A_140 : memref<1x256xi32, #tpu.memory_space<vmem>> -> memref<256xi32, #tpu.memory_space<vmem>>
      %dma_wait3A_142 = arith.constant 0 : i32
      %dma_wait3A_143 = arith.constant 0 : i32
      %dma_wait3A_144 = tpu.memref_slice %arg18[%dma_wait3A_142, %dma_wait3A_143] : memref<10000x32xf32, #tpu.memory_space<vmem_shared>> -> memref<10000x32xf32, #tpu.memory_space<vmem_shared>>
      tpu.wait_indirect_dma semaphore(%arg22 : memref<!tpu.dma_semaphore, #tpu.memory_space<semaphore_mem>>) src(%dma_wait3A_144 : memref<10000x32xf32, #tpu.memory_space<vmem_shared>>) dst(%arg13 : memref<256x32xf32, #tpu.memory_space<vmem>>)
      %add3A_145 = arith.constant 1 : i32
      %add3A_146 = arith.addi %mul3A_86, %add3A_145 : i32
      %dma_start3A_147 = arith.constant 0 : i32
      %dma_start3A_148 = tpu.memref_slice %arg11[%add3A_146, %dma_start3A_147] : memref<40x256xi32, #tpu.memory_space<vmem>> -> memref<1x256xi32, #tpu.memory_space<vmem>>
      %dma_start3A_149 = tpu.memref_squeeze %dma_start3A_148 : memref<1x256xi32, #tpu.memory_space<vmem>> -> memref<256xi32, #tpu.memory_space<vmem>>
      %dma_start3A_150 = arith.constant 0 : i32
      %dma_start3A_151 = arith.constant 0 : i32
      %dma_start3A_152 = tpu.memref_slice %arg19[%dma_start3A_150, %dma_start3A_151] : memref<10112x32xf32, #tpu.memory_space<vmem_shared>> -> memref<10112x32xf32, #tpu.memory_space<vmem_shared>>
      tpu.enqueue_indirect_dma source(%arg13 : memref<256x32xf32, #tpu.memory_space<vmem>>) target(%dma_start3A_152 : memref<10112x32xf32, #tpu.memory_space<vmem_shared>>) offsets(%dma_start3A_149 : memref<256xi32, #tpu.memory_space<vmem>>) semaphore(%arg27 : memref<!tpu.dma_semaphore, #tpu.memory_space<semaphore_mem>>) {add = true}
      %dma_wait3A_153 = arith.constant 0 : i32
      %dma_wait3A_154 = tpu.memref_slice %arg10[%add3A_103, %dma_wait3A_153] : memref<40x256xi32, #tpu.memory_space<vmem>> -> memref<1x256xi32, #tpu.memory_space<vmem>>
      %dma_wait3A_155 = tpu.memref_squeeze %dma_wait3A_154 : memref<1x256xi32, #tpu.memory_space<vmem>> -> memref<256xi32, #tpu.memory_space<vmem>>
      %dma_wait3A_156 = arith.constant 0 : i32
      %dma_wait3A_157 = arith.constant 0 : i32
      %dma_wait3A_158 = tpu.memref_slice %arg18[%dma_wait3A_156, %dma_wait3A_157] : memref<10000x32xf32, #tpu.memory_space<vmem_shared>> -> memref<10000x32xf32, #tpu.memory_space<vmem_shared>>
      tpu.wait_indirect_dma semaphore(%arg23 : memref<!tpu.dma_semaphore, #tpu.memory_space<semaphore_mem>>) src(%dma_wait3A_158 : memref<10000x32xf32, #tpu.memory_space<vmem_shared>>) dst(%arg14 : memref<256x32xf32, #tpu.memory_space<vmem>>)
      %add3A_159 = arith.constant 2 : i32
      %add3A_160 = arith.addi %mul3A_86, %add3A_159 : i32
      %dma_start3A_161 = arith.constant 0 : i32
      %dma_start3A_162 = tpu.memref_slice %arg11[%add3A_160, %dma_start3A_161] : memref<40x256xi32, #tpu.memory_space<vmem>> -> memref<1x256xi32, #tpu.memory_space<vmem>>
      %dma_start3A_163 = tpu.memref_squeeze %dma_start3A_162 : memref<1x256xi32, #tpu.memory_space<vmem>> -> memref<256xi32, #tpu.memory_space<vmem>>
      %dma_start3A_164 = arith.constant 0 : i32
      %dma_start3A_165 = arith.constant 0 : i32
      %dma_start3A_166 = tpu.memref_slice %arg19[%dma_start3A_164, %dma_start3A_165] : memref<10112x32xf32, #tpu.memory_space<vmem_shared>> -> memref<10112x32xf32, #tpu.memory_space<vmem_shared>>
      tpu.enqueue_indirect_dma source(%arg14 : memref<256x32xf32, #tpu.memory_space<vmem>>) target(%dma_start3A_166 : memref<10112x32xf32, #tpu.memory_space<vmem_shared>>) offsets(%dma_start3A_163 : memref<256xi32, #tpu.memory_space<vmem>>) semaphore(%arg28 : memref<!tpu.dma_semaphore, #tpu.memory_space<semaphore_mem>>) {add = true}
      %dma_wait3A_167 = arith.constant 0 : i32
      %dma_wait3A_168 = tpu.memref_slice %arg10[%add3A_111, %dma_wait3A_167] : memref<40x256xi32, #tpu.memory_space<vmem>> -> memref<1x256xi32, #tpu.memory_space<vmem>>
      %dma_wait3A_169 = tpu.memref_squeeze %dma_wait3A_168 : memref<1x256xi32, #tpu.memory_space<vmem>> -> memref<256xi32, #tpu.memory_space<vmem>>
      %dma_wait3A_170 = arith.constant 0 : i32
      %dma_wait3A_171 = arith.constant 0 : i32
      %dma_wait3A_172 = tpu.memref_slice %arg18[%dma_wait3A_170, %dma_wait3A_171] : memref<10000x32xf32, #tpu.memory_space<vmem_shared>> -> memref<10000x32xf32, #tpu.memory_space<vmem_shared>>
      tpu.wait_indirect_dma semaphore(%arg24 : memref<!tpu.dma_semaphore, #tpu.memory_space<semaphore_mem>>) src(%dma_wait3A_172 : memref<10000x32xf32, #tpu.memory_space<vmem_shared>>) dst(%arg15 : memref<256x32xf32, #tpu.memory_space<vmem>>)
      %add3A_173 = arith.constant 3 : i32
      %add3A_174 = arith.addi %mul3A_86, %add3A_173 : i32
      %dma_start3A_175 = arith.constant 0 : i32
      %dma_start3A_176 = tpu.memref_slice %arg11[%add3A_174, %dma_start3A_175] : memref<40x256xi32, #tpu.memory_space<vmem>> -> memref<1x256xi32, #tpu.memory_space<vmem>>
      %dma_start3A_177 = tpu.memref_squeeze %dma_start3A_176 : memref<1x256xi32, #tpu.memory_space<vmem>> -> memref<256xi32, #tpu.memory_space<vmem>>
      %dma_start3A_178 = arith.constant 0 : i32
      %dma_start3A_179 = arith.constant 0 : i32
      %dma_start3A_180 = tpu.memref_slice %arg19[%dma_start3A_178, %dma_start3A_179] : memref<10112x32xf32, #tpu.memory_space<vmem_shared>> -> memref<10112x32xf32, #tpu.memory_space<vmem_shared>>
      tpu.enqueue_indirect_dma source(%arg15 : memref<256x32xf32, #tpu.memory_space<vmem>>) target(%dma_start3A_180 : memref<10112x32xf32, #tpu.memory_space<vmem_shared>>) offsets(%dma_start3A_177 : memref<256xi32, #tpu.memory_space<vmem>>) semaphore(%arg29 : memref<!tpu.dma_semaphore, #tpu.memory_space<semaphore_mem>>) {add = true}
      %dma_wait3A_181 = arith.constant 0 : i32
      %dma_wait3A_182 = tpu.memref_slice %arg10[%add3A_119, %dma_wait3A_181] : memref<40x256xi32, #tpu.memory_space<vmem>> -> memref<1x256xi32, #tpu.memory_space<vmem>>
      %dma_wait3A_183 = tpu.memref_squeeze %dma_wait3A_182 : memref<1x256xi32, #tpu.memory_space<vmem>> -> memref<256xi32, #tpu.memory_space<vmem>>
      %dma_wait3A_184 = arith.constant 0 : i32
      %dma_wait3A_185 = arith.constant 0 : i32
      %dma_wait3A_186 = tpu.memref_slice %arg18[%dma_wait3A_184, %dma_wait3A_185] : memref<10000x32xf32, #tpu.memory_space<vmem_shared>> -> memref<10000x32xf32, #tpu.memory_space<vmem_shared>>
      tpu.wait_indirect_dma semaphore(%arg25 : memref<!tpu.dma_semaphore, #tpu.memory_space<semaphore_mem>>) src(%dma_wait3A_186 : memref<10000x32xf32, #tpu.memory_space<vmem_shared>>) dst(%arg16 : memref<256x32xf32, #tpu.memory_space<vmem>>)
      %add3A_187 = arith.constant 4 : i32
      %add3A_188 = arith.addi %mul3A_86, %add3A_187 : i32
      %dma_start3A_189 = arith.constant 0 : i32
      %dma_start3A_190 = tpu.memref_slice %arg11[%add3A_188, %dma_start3A_189] : memref<40x256xi32, #tpu.memory_space<vmem>> -> memref<1x256xi32, #tpu.memory_space<vmem>>
      %dma_start3A_191 = tpu.memref_squeeze %dma_start3A_190 : memref<1x256xi32, #tpu.memory_space<vmem>> -> memref<256xi32, #tpu.memory_space<vmem>>
      %dma_start3A_192 = arith.constant 0 : i32
      %dma_start3A_193 = arith.constant 0 : i32
      %dma_start3A_194 = tpu.memref_slice %arg19[%dma_start3A_192, %dma_start3A_193] : memref<10112x32xf32, #tpu.memory_space<vmem_shared>> -> memref<10112x32xf32, #tpu.memory_space<vmem_shared>>
      tpu.enqueue_indirect_dma source(%arg16 : memref<256x32xf32, #tpu.memory_space<vmem>>) target(%dma_start3A_194 : memref<10112x32xf32, #tpu.memory_space<vmem_shared>>) offsets(%dma_start3A_191 : memref<256xi32, #tpu.memory_space<vmem>>) semaphore(%arg30 : memref<!tpu.dma_semaphore, #tpu.memory_space<semaphore_mem>>) {add = true}
      %dma_wait3A_195 = arith.constant 0 : i32
      %dma_wait3A_196 = tpu.memref_slice %arg11[%add3A_132, %dma_wait3A_195] : memref<40x256xi32, #tpu.memory_space<vmem>> -> memref<1x256xi32, #tpu.memory_space<vmem>>
      %dma_wait3A_197 = tpu.memref_squeeze %dma_wait3A_196 : memref<1x256xi32, #tpu.memory_space<vmem>> -> memref<256xi32, #tpu.memory_space<vmem>>
      %dma_wait3A_198 = arith.constant 0 : i32
      %dma_wait3A_199 = arith.constant 0 : i32
      %dma_wait3A_200 = tpu.memref_slice %arg19[%dma_wait3A_198, %dma_wait3A_199] : memref<10112x32xf32, #tpu.memory_space<vmem_shared>> -> memref<10112x32xf32, #tpu.memory_space<vmem_shared>>
      tpu.wait_indirect_dma semaphore(%arg26 : memref<!tpu.dma_semaphore, #tpu.memory_space<semaphore_mem>>) src(%arg12 : memref<256x32xf32, #tpu.memory_space<vmem>>) dst(%dma_wait3A_200 : memref<10112x32xf32, #tpu.memory_space<vmem_shared>>)
      %dma_wait3A_201 = arith.constant 0 : i32
      %dma_wait3A_202 = tpu.memref_slice %arg11[%add3A_146, %dma_wait3A_201] : memref<40x256xi32, #tpu.memory_space<vmem>> -> memref<1x256xi32, #tpu.memory_space<vmem>>
      %dma_wait3A_203 = tpu.memref_squeeze %dma_wait3A_202 : memref<1x256xi32, #tpu.memory_space<vmem>> -> memref<256xi32, #tpu.memory_space<vmem>>
      %dma_wait3A_204 = arith.constant 0 : i32
      %dma_wait3A_205 = arith.constant 0 : i32
      %dma_wait3A_206 = tpu.memref_slice %arg19[%dma_wait3A_204, %dma_wait3A_205] : memref<10112x32xf32, #tpu.memory_space<vmem_shared>> -> memref<10112x32xf32, #tpu.memory_space<vmem_shared>>
      tpu.wait_indirect_dma semaphore(%arg27 : memref<!tpu.dma_semaphore, #tpu.memory_space<semaphore_mem>>) src(%arg13 : memref<256x32xf32, #tpu.memory_space<vmem>>) dst(%dma_wait3A_206 : memref<10112x32xf32, #tpu.memory_space<vmem_shared>>)
      %dma_wait3A_207 = arith.constant 0 : i32
      %dma_wait3A_208 = tpu.memref_slice %arg11[%add3A_160, %dma_wait3A_207] : memref<40x256xi32, #tpu.memory_space<vmem>> -> memref<1x256xi32, #tpu.memory_space<vmem>>
      %dma_wait3A_209 = tpu.memref_squeeze %dma_wait3A_208 : memref<1x256xi32, #tpu.memory_space<vmem>> -> memref<256xi32, #tpu.memory_space<vmem>>
      %dma_wait3A_210 = arith.constant 0 : i32
      %dma_wait3A_211 = arith.constant 0 : i32
      %dma_wait3A_212 = tpu.memref_slice %arg19[%dma_wait3A_210, %dma_wait3A_211] : memref<10112x32xf32, #tpu.memory_space<vmem_shared>> -> memref<10112x32xf32, #tpu.memory_space<vmem_shared>>
      tpu.wait_indirect_dma semaphore(%arg28 : memref<!tpu.dma_semaphore, #tpu.memory_space<semaphore_mem>>) src(%arg14 : memref<256x32xf32, #tpu.memory_space<vmem>>) dst(%dma_wait3A_212 : memref<10112x32xf32, #tpu.memory_space<vmem_shared>>)
      %dma_wait3A_213 = arith.constant 0 : i32
      %dma_wait3A_214 = tpu.memref_slice %arg11[%add3A_174, %dma_wait3A_213] : memref<40x256xi32, #tpu.memory_space<vmem>> -> memref<1x256xi32, #tpu.memory_space<vmem>>
      %dma_wait3A_215 = tpu.memref_squeeze %dma_wait3A_214 : memref<1x256xi32, #tpu.memory_space<vmem>> -> memref<256xi32, #tpu.memory_space<vmem>>
      %dma_wait3A_216 = arith.constant 0 : i32
      %dma_wait3A_217 = arith.constant 0 : i32
      %dma_wait3A_218 = tpu.memref_slice %arg19[%dma_wait3A_216, %dma_wait3A_217] : memref<10112x32xf32, #tpu.memory_space<vmem_shared>> -> memref<10112x32xf32, #tpu.memory_space<vmem_shared>>
      tpu.wait_indirect_dma semaphore(%arg29 : memref<!tpu.dma_semaphore, #tpu.memory_space<semaphore_mem>>) src(%arg15 : memref<256x32xf32, #tpu.memory_space<vmem>>) dst(%dma_wait3A_218 : memref<10112x32xf32, #tpu.memory_space<vmem_shared>>)
      %dma_wait3A_219 = arith.constant 0 : i32
      %dma_wait3A_220 = tpu.memref_slice %arg11[%add3A_188, %dma_wait3A_219] : memref<40x256xi32, #tpu.memory_space<vmem>> -> memref<1x256xi32, #tpu.memory_space<vmem>>
      %dma_wait3A_221 = tpu.memref_squeeze %dma_wait3A_220 : memref<1x256xi32, #tpu.memory_space<vmem>> -> memref<256xi32, #tpu.memory_space<vmem>>
      %dma_wait3A_222 = arith.constant 0 : i32
      %dma_wait3A_223 = arith.constant 0 : i32
      %dma_wait3A_224 = tpu.memref_slice %arg19[%dma_wait3A_222, %dma_wait3A_223] : memref<10112x32xf32, #tpu.memory_space<vmem_shared>> -> memref<10112x32xf32, #tpu.memory_space<vmem_shared>>
      tpu.wait_indirect_dma semaphore(%arg30 : memref<!tpu.dma_semaphore, #tpu.memory_space<semaphore_mem>>) src(%arg16 : memref<256x32xf32, #tpu.memory_space<vmem>>) dst(%dma_wait3A_224 : memref<10112x32xf32, #tpu.memory_space<vmem_shared>>)
    }
    %scan3A_60 = arith.constant 8 : i32
    %barrier3A_61 = arith.constant 0 : index
    tpu.barrier barrier_id(%barrier3A_61)
    %add3A_62 = arith.constant 4 : i32
    %add3A_63 = arith.addi %add3A_62, %arg0 : i32
    "tpu.region"() ({
      %run_scoped3A = tpu.sem_alloc : memref<!tpu.dma_semaphore, #tpu.memory_space<semaphore_mem>>
      %dma_start3A = arith.constant 0 : i32
      %dma_start3A_84 = tpu.memref_slice %arg8[%add3A_63, %mul3A_0, %dma_start3A] : memref<8x10112x32xf32, #tpu.memory_space<hbm>> -> memref<1x632x32xf32, #tpu.memory_space<hbm>>
      %dma_start3A_85 = tpu.memref_squeeze %dma_start3A_84 : memref<1x632x32xf32, #tpu.memory_space<hbm>> -> memref<632x32xf32, #tpu.memory_space<hbm>>
      %dma_start3A_86 = arith.constant 0 : i32
      %dma_start3A_87 = tpu.memref_slice %arg19[%mul3A_0, %dma_start3A_86] : memref<10112x32xf32, #tpu.memory_space<vmem_shared>> -> memref<632x32xf32, #tpu.memory_space<vmem_shared>>
      tpu.enqueue_dma source(%dma_start3A_87 : memref<632x32xf32, #tpu.memory_space<vmem_shared>>) target(%dma_start3A_85 : memref<632x32xf32, #tpu.memory_space<hbm>>) target_semaphore(%run_scoped3A : memref<!tpu.dma_semaphore, #tpu.memory_space<semaphore_mem>>)
      %dma_wait3A = arith.constant 0 : i32
      %dma_wait3A_88 = tpu.memref_slice %arg8[%add3A_63, %mul3A_0, %dma_wait3A] : memref<8x10112x32xf32, #tpu.memory_space<hbm>> -> memref<1x632x32xf32, #tpu.memory_space<hbm>>
      %dma_wait3A_89 = tpu.memref_squeeze %dma_wait3A_88 : memref<1x632x32xf32, #tpu.memory_space<hbm>> -> memref<632x32xf32, #tpu.memory_space<hbm>>
      %dma_wait3A_90 = arith.constant 0 : i32
      %dma_wait3A_91 = tpu.memref_slice %arg19[%mul3A_0, %dma_wait3A_90] : memref<10112x32xf32, #tpu.memory_space<vmem_shared>> -> memref<632x32xf32, #tpu.memory_space<vmem_shared>>
      tpu.wait_dma2 semaphore(%run_scoped3A : memref<!tpu.dma_semaphore, #tpu.memory_space<semaphore_mem>>) src(%dma_wait3A_91 : memref<632x32xf32, #tpu.memory_space<vmem_shared>>) dst(%dma_wait3A_89 : memref<632x32xf32, #tpu.memory_space<hbm>>)
      tpu.yield
    }) : () -> ()
    %barrier3A_64 = arith.constant 0 : index
    tpu.barrier barrier_id(%barrier3A_64)
    %add3A_65 = arith.constant 6 : i32
    %add3A_66 = arith.addi %add3A_65, %arg0 : i32
    %mul3A_67 = arith.constant 10000 : i32
    %mul3A_68 = arith.muli %add3A_66, %mul3A_67 : i32
    %mul3A_69 = arith.constant 625 : i32
    %mul3A_70 = arith.muli %mul3A_69, %arg1 : i32
    %add3A_71 = arith.addi %mul3A_68, %mul3A_70 : i32
    %mul3A_72 = arith.constant 625 : i32
    %mul3A_73 = arith.muli %mul3A_72, %arg1 : i32
    "tpu.region"() ({
      %run_scoped3A = tpu.sem_alloc : memref<!tpu.dma_semaphore, #tpu.memory_space<semaphore_mem>>
      %dma_start3A = arith.constant 0 : i32
      %dma_start3A_84 = tpu.memref_slice %arg18[%mul3A_73, %dma_start3A] : memref<10000x32xf32, #tpu.memory_space<vmem_shared>> -> memref<625x32xf32, #tpu.memory_space<vmem_shared>>
      %dma_start3A_85 = arith.constant 0 : i32
      %dma_start3A_86 = tpu.memref_slice %arg2[%add3A_71, %dma_start3A_85] : memref<80000x32xf32, #tpu.memory_space<hbm>> -> memref<625x32xf32, #tpu.memory_space<hbm>>
      tpu.enqueue_dma source(%dma_start3A_86 : memref<625x32xf32, #tpu.memory_space<hbm>>) target(%dma_start3A_84 : memref<625x32xf32, #tpu.memory_space<vmem_shared>>) target_semaphore(%run_scoped3A : memref<!tpu.dma_semaphore, #tpu.memory_space<semaphore_mem>>)
      %dma_wait3A = arith.constant 0 : i32
      %dma_wait3A_87 = tpu.memref_slice %arg18[%mul3A_73, %dma_wait3A] : memref<10000x32xf32, #tpu.memory_space<vmem_shared>> -> memref<625x32xf32, #tpu.memory_space<vmem_shared>>
      %dma_wait3A_88 = arith.constant 0 : i32
      %dma_wait3A_89 = tpu.memref_slice %arg2[%add3A_71, %dma_wait3A_88] : memref<80000x32xf32, #tpu.memory_space<hbm>> -> memref<625x32xf32, #tpu.memory_space<hbm>>
      tpu.wait_dma2 semaphore(%run_scoped3A : memref<!tpu.dma_semaphore, #tpu.memory_space<semaphore_mem>>) src(%dma_wait3A_89 : memref<625x32xf32, #tpu.memory_space<hbm>>) dst(%dma_wait3A_87 : memref<625x32xf32, #tpu.memory_space<vmem_shared>>)
      tpu.yield
    }) : () -> ()
    "tpu.region"() ({
      %run_scoped3A = tpu.sem_alloc : memref<!tpu.dma_semaphore, #tpu.memory_space<semaphore_mem>>
      %dma_start3A = arith.constant 0 : i32
      %dma_start3A_84 = tpu.memref_slice %arg19[%mul3A_0, %dma_start3A] : memref<10112x32xf32, #tpu.memory_space<vmem_shared>> -> memref<632x32xf32, #tpu.memory_space<vmem_shared>>
      tpu.enqueue_dma source(%arg5 : memref<632x32xf32, #tpu.memory_space<hbm>>) target(%dma_start3A_84 : memref<632x32xf32, #tpu.memory_space<vmem_shared>>) target_semaphore(%run_scoped3A : memref<!tpu.dma_semaphore, #tpu.memory_space<semaphore_mem>>)
      %dma_wait3A = arith.constant 0 : i32
      %dma_wait3A_85 = tpu.memref_slice %arg19[%mul3A_0, %dma_wait3A] : memref<10112x32xf32, #tpu.memory_space<vmem_shared>> -> memref<632x32xf32, #tpu.memory_space<vmem_shared>>
      tpu.wait_dma2 semaphore(%run_scoped3A : memref<!tpu.dma_semaphore, #tpu.memory_space<semaphore_mem>>) src(%arg5 : memref<632x32xf32, #tpu.memory_space<hbm>>) dst(%dma_wait3A_85 : memref<632x32xf32, #tpu.memory_space<vmem_shared>>)
      tpu.yield
    }) : () -> ()
    %barrier3A_74 = arith.constant 0 : index
    tpu.barrier barrier_id(%barrier3A_74)
    %scan3A_75 = arith.constant 0 : i32
    %scan3A_76 = arith.constant 0 : i32
    %scan3A_77 = arith.constant 8 : i32
    %scan3A_78 = arith.addi %scan3A_76, %scan3A_77 : i32
    %scan3A_79 = arith.constant 1 : i32
    scf.for %scan3A_84 = %scan3A_76 to %scan3A_78 step %scan3A_79  : i32 {
      %mul3A_85 = arith.constant 5 : i32
      %mul3A_86 = arith.muli %scan3A_84, %mul3A_85 : i32
      %add3A_87 = arith.constant 0 : i32
      %add3A_88 = arith.addi %mul3A_86, %add3A_87 : i32
      %dma_start3A = arith.constant 0 : i32
      %dma_start3A_89 = tpu.memref_slice %arg10[%add3A_88, %dma_start3A] : memref<40x256xi32, #tpu.memory_space<vmem>> -> memref<1x256xi32, #tpu.memory_space<vmem>>
      %dma_start3A_90 = tpu.memref_squeeze %dma_start3A_89 : memref<1x256xi32, #tpu.memory_space<vmem>> -> memref<256xi32, #tpu.memory_space<vmem>>
      %dma_start3A_91 = arith.constant 0 : i32
      %dma_start3A_92 = arith.constant 0 : i32
      %dma_start3A_93 = tpu.memref_slice %arg18[%dma_start3A_91, %dma_start3A_92] : memref<10000x32xf32, #tpu.memory_space<vmem_shared>> -> memref<10000x32xf32, #tpu.memory_space<vmem_shared>>
      tpu.enqueue_indirect_dma source(%dma_start3A_93 : memref<10000x32xf32, #tpu.memory_space<vmem_shared>>) target(%arg12 : memref<256x32xf32, #tpu.memory_space<vmem>>) offsets(%dma_start3A_90 : memref<256xi32, #tpu.memory_space<vmem>>) semaphore(%arg21 : memref<!tpu.dma_semaphore, #tpu.memory_space<semaphore_mem>>)
      %add3A_94 = arith.constant 1 : i32
      %add3A_95 = arith.addi %mul3A_86, %add3A_94 : i32
      %dma_start3A_96 = arith.constant 0 : i32
      %dma_start3A_97 = tpu.memref_slice %arg10[%add3A_95, %dma_start3A_96] : memref<40x256xi32, #tpu.memory_space<vmem>> -> memref<1x256xi32, #tpu.memory_space<vmem>>
      %dma_start3A_98 = tpu.memref_squeeze %dma_start3A_97 : memref<1x256xi32, #tpu.memory_space<vmem>> -> memref<256xi32, #tpu.memory_space<vmem>>
      %dma_start3A_99 = arith.constant 0 : i32
      %dma_start3A_100 = arith.constant 0 : i32
      %dma_start3A_101 = tpu.memref_slice %arg18[%dma_start3A_99, %dma_start3A_100] : memref<10000x32xf32, #tpu.memory_space<vmem_shared>> -> memref<10000x32xf32, #tpu.memory_space<vmem_shared>>
      tpu.enqueue_indirect_dma source(%dma_start3A_101 : memref<10000x32xf32, #tpu.memory_space<vmem_shared>>) target(%arg13 : memref<256x32xf32, #tpu.memory_space<vmem>>) offsets(%dma_start3A_98 : memref<256xi32, #tpu.memory_space<vmem>>) semaphore(%arg22 : memref<!tpu.dma_semaphore, #tpu.memory_space<semaphore_mem>>)
      %add3A_102 = arith.constant 2 : i32
      %add3A_103 = arith.addi %mul3A_86, %add3A_102 : i32
      %dma_start3A_104 = arith.constant 0 : i32
      %dma_start3A_105 = tpu.memref_slice %arg10[%add3A_103, %dma_start3A_104] : memref<40x256xi32, #tpu.memory_space<vmem>> -> memref<1x256xi32, #tpu.memory_space<vmem>>
      %dma_start3A_106 = tpu.memref_squeeze %dma_start3A_105 : memref<1x256xi32, #tpu.memory_space<vmem>> -> memref<256xi32, #tpu.memory_space<vmem>>
      %dma_start3A_107 = arith.constant 0 : i32
      %dma_start3A_108 = arith.constant 0 : i32
      %dma_start3A_109 = tpu.memref_slice %arg18[%dma_start3A_107, %dma_start3A_108] : memref<10000x32xf32, #tpu.memory_space<vmem_shared>> -> memref<10000x32xf32, #tpu.memory_space<vmem_shared>>
      tpu.enqueue_indirect_dma source(%dma_start3A_109 : memref<10000x32xf32, #tpu.memory_space<vmem_shared>>) target(%arg14 : memref<256x32xf32, #tpu.memory_space<vmem>>) offsets(%dma_start3A_106 : memref<256xi32, #tpu.memory_space<vmem>>) semaphore(%arg23 : memref<!tpu.dma_semaphore, #tpu.memory_space<semaphore_mem>>)
      %add3A_110 = arith.constant 3 : i32
      %add3A_111 = arith.addi %mul3A_86, %add3A_110 : i32
      %dma_start3A_112 = arith.constant 0 : i32
      %dma_start3A_113 = tpu.memref_slice %arg10[%add3A_111, %dma_start3A_112] : memref<40x256xi32, #tpu.memory_space<vmem>> -> memref<1x256xi32, #tpu.memory_space<vmem>>
      %dma_start3A_114 = tpu.memref_squeeze %dma_start3A_113 : memref<1x256xi32, #tpu.memory_space<vmem>> -> memref<256xi32, #tpu.memory_space<vmem>>
      %dma_start3A_115 = arith.constant 0 : i32
      %dma_start3A_116 = arith.constant 0 : i32
      %dma_start3A_117 = tpu.memref_slice %arg18[%dma_start3A_115, %dma_start3A_116] : memref<10000x32xf32, #tpu.memory_space<vmem_shared>> -> memref<10000x32xf32, #tpu.memory_space<vmem_shared>>
      tpu.enqueue_indirect_dma source(%dma_start3A_117 : memref<10000x32xf32, #tpu.memory_space<vmem_shared>>) target(%arg15 : memref<256x32xf32, #tpu.memory_space<vmem>>) offsets(%dma_start3A_114 : memref<256xi32, #tpu.memory_space<vmem>>) semaphore(%arg24 : memref<!tpu.dma_semaphore, #tpu.memory_space<semaphore_mem>>)
      %add3A_118 = arith.constant 4 : i32
      %add3A_119 = arith.addi %mul3A_86, %add3A_118 : i32
      %dma_start3A_120 = arith.constant 0 : i32
      %dma_start3A_121 = tpu.memref_slice %arg10[%add3A_119, %dma_start3A_120] : memref<40x256xi32, #tpu.memory_space<vmem>> -> memref<1x256xi32, #tpu.memory_space<vmem>>
      %dma_start3A_122 = tpu.memref_squeeze %dma_start3A_121 : memref<1x256xi32, #tpu.memory_space<vmem>> -> memref<256xi32, #tpu.memory_space<vmem>>
      %dma_start3A_123 = arith.constant 0 : i32
      %dma_start3A_124 = arith.constant 0 : i32
      %dma_start3A_125 = tpu.memref_slice %arg18[%dma_start3A_123, %dma_start3A_124] : memref<10000x32xf32, #tpu.memory_space<vmem_shared>> -> memref<10000x32xf32, #tpu.memory_space<vmem_shared>>
      tpu.enqueue_indirect_dma source(%dma_start3A_125 : memref<10000x32xf32, #tpu.memory_space<vmem_shared>>) target(%arg16 : memref<256x32xf32, #tpu.memory_space<vmem>>) offsets(%dma_start3A_122 : memref<256xi32, #tpu.memory_space<vmem>>) semaphore(%arg25 : memref<!tpu.dma_semaphore, #tpu.memory_space<semaphore_mem>>)
      %dma_wait3A = arith.constant 0 : i32
      %dma_wait3A_126 = tpu.memref_slice %arg10[%add3A_88, %dma_wait3A] : memref<40x256xi32, #tpu.memory_space<vmem>> -> memref<1x256xi32, #tpu.memory_space<vmem>>
      %dma_wait3A_127 = tpu.memref_squeeze %dma_wait3A_126 : memref<1x256xi32, #tpu.memory_space<vmem>> -> memref<256xi32, #tpu.memory_space<vmem>>
      %dma_wait3A_128 = arith.constant 0 : i32
      %dma_wait3A_129 = arith.constant 0 : i32
      %dma_wait3A_130 = tpu.memref_slice %arg18[%dma_wait3A_128, %dma_wait3A_129] : memref<10000x32xf32, #tpu.memory_space<vmem_shared>> -> memref<10000x32xf32, #tpu.memory_space<vmem_shared>>
      tpu.wait_indirect_dma semaphore(%arg21 : memref<!tpu.dma_semaphore, #tpu.memory_space<semaphore_mem>>) src(%dma_wait3A_130 : memref<10000x32xf32, #tpu.memory_space<vmem_shared>>) dst(%arg12 : memref<256x32xf32, #tpu.memory_space<vmem>>)
      %add3A_131 = arith.constant 0 : i32
      %add3A_132 = arith.addi %mul3A_86, %add3A_131 : i32
      %dma_start3A_133 = arith.constant 0 : i32
      %dma_start3A_134 = tpu.memref_slice %arg11[%add3A_132, %dma_start3A_133] : memref<40x256xi32, #tpu.memory_space<vmem>> -> memref<1x256xi32, #tpu.memory_space<vmem>>
      %dma_start3A_135 = tpu.memref_squeeze %dma_start3A_134 : memref<1x256xi32, #tpu.memory_space<vmem>> -> memref<256xi32, #tpu.memory_space<vmem>>
      %dma_start3A_136 = arith.constant 0 : i32
      %dma_start3A_137 = arith.constant 0 : i32
      %dma_start3A_138 = tpu.memref_slice %arg19[%dma_start3A_136, %dma_start3A_137] : memref<10112x32xf32, #tpu.memory_space<vmem_shared>> -> memref<10112x32xf32, #tpu.memory_space<vmem_shared>>
      tpu.enqueue_indirect_dma source(%arg12 : memref<256x32xf32, #tpu.memory_space<vmem>>) target(%dma_start3A_138 : memref<10112x32xf32, #tpu.memory_space<vmem_shared>>) offsets(%dma_start3A_135 : memref<256xi32, #tpu.memory_space<vmem>>) semaphore(%arg26 : memref<!tpu.dma_semaphore, #tpu.memory_space<semaphore_mem>>) {add = true}
      %dma_wait3A_139 = arith.constant 0 : i32
      %dma_wait3A_140 = tpu.memref_slice %arg10[%add3A_95, %dma_wait3A_139] : memref<40x256xi32, #tpu.memory_space<vmem>> -> memref<1x256xi32, #tpu.memory_space<vmem>>
      %dma_wait3A_141 = tpu.memref_squeeze %dma_wait3A_140 : memref<1x256xi32, #tpu.memory_space<vmem>> -> memref<256xi32, #tpu.memory_space<vmem>>
      %dma_wait3A_142 = arith.constant 0 : i32
      %dma_wait3A_143 = arith.constant 0 : i32
      %dma_wait3A_144 = tpu.memref_slice %arg18[%dma_wait3A_142, %dma_wait3A_143] : memref<10000x32xf32, #tpu.memory_space<vmem_shared>> -> memref<10000x32xf32, #tpu.memory_space<vmem_shared>>
      tpu.wait_indirect_dma semaphore(%arg22 : memref<!tpu.dma_semaphore, #tpu.memory_space<semaphore_mem>>) src(%dma_wait3A_144 : memref<10000x32xf32, #tpu.memory_space<vmem_shared>>) dst(%arg13 : memref<256x32xf32, #tpu.memory_space<vmem>>)
      %add3A_145 = arith.constant 1 : i32
      %add3A_146 = arith.addi %mul3A_86, %add3A_145 : i32
      %dma_start3A_147 = arith.constant 0 : i32
      %dma_start3A_148 = tpu.memref_slice %arg11[%add3A_146, %dma_start3A_147] : memref<40x256xi32, #tpu.memory_space<vmem>> -> memref<1x256xi32, #tpu.memory_space<vmem>>
      %dma_start3A_149 = tpu.memref_squeeze %dma_start3A_148 : memref<1x256xi32, #tpu.memory_space<vmem>> -> memref<256xi32, #tpu.memory_space<vmem>>
      %dma_start3A_150 = arith.constant 0 : i32
      %dma_start3A_151 = arith.constant 0 : i32
      %dma_start3A_152 = tpu.memref_slice %arg19[%dma_start3A_150, %dma_start3A_151] : memref<10112x32xf32, #tpu.memory_space<vmem_shared>> -> memref<10112x32xf32, #tpu.memory_space<vmem_shared>>
      tpu.enqueue_indirect_dma source(%arg13 : memref<256x32xf32, #tpu.memory_space<vmem>>) target(%dma_start3A_152 : memref<10112x32xf32, #tpu.memory_space<vmem_shared>>) offsets(%dma_start3A_149 : memref<256xi32, #tpu.memory_space<vmem>>) semaphore(%arg27 : memref<!tpu.dma_semaphore, #tpu.memory_space<semaphore_mem>>) {add = true}
      %dma_wait3A_153 = arith.constant 0 : i32
      %dma_wait3A_154 = tpu.memref_slice %arg10[%add3A_103, %dma_wait3A_153] : memref<40x256xi32, #tpu.memory_space<vmem>> -> memref<1x256xi32, #tpu.memory_space<vmem>>
      %dma_wait3A_155 = tpu.memref_squeeze %dma_wait3A_154 : memref<1x256xi32, #tpu.memory_space<vmem>> -> memref<256xi32, #tpu.memory_space<vmem>>
      %dma_wait3A_156 = arith.constant 0 : i32
      %dma_wait3A_157 = arith.constant 0 : i32
      %dma_wait3A_158 = tpu.memref_slice %arg18[%dma_wait3A_156, %dma_wait3A_157] : memref<10000x32xf32, #tpu.memory_space<vmem_shared>> -> memref<10000x32xf32, #tpu.memory_space<vmem_shared>>
      tpu.wait_indirect_dma semaphore(%arg23 : memref<!tpu.dma_semaphore, #tpu.memory_space<semaphore_mem>>) src(%dma_wait3A_158 : memref<10000x32xf32, #tpu.memory_space<vmem_shared>>) dst(%arg14 : memref<256x32xf32, #tpu.memory_space<vmem>>)
      %add3A_159 = arith.constant 2 : i32
      %add3A_160 = arith.addi %mul3A_86, %add3A_159 : i32
      %dma_start3A_161 = arith.constant 0 : i32
      %dma_start3A_162 = tpu.memref_slice %arg11[%add3A_160, %dma_start3A_161] : memref<40x256xi32, #tpu.memory_space<vmem>> -> memref<1x256xi32, #tpu.memory_space<vmem>>
      %dma_start3A_163 = tpu.memref_squeeze %dma_start3A_162 : memref<1x256xi32, #tpu.memory_space<vmem>> -> memref<256xi32, #tpu.memory_space<vmem>>
      %dma_start3A_164 = arith.constant 0 : i32
      %dma_start3A_165 = arith.constant 0 : i32
      %dma_start3A_166 = tpu.memref_slice %arg19[%dma_start3A_164, %dma_start3A_165] : memref<10112x32xf32, #tpu.memory_space<vmem_shared>> -> memref<10112x32xf32, #tpu.memory_space<vmem_shared>>
      tpu.enqueue_indirect_dma source(%arg14 : memref<256x32xf32, #tpu.memory_space<vmem>>) target(%dma_start3A_166 : memref<10112x32xf32, #tpu.memory_space<vmem_shared>>) offsets(%dma_start3A_163 : memref<256xi32, #tpu.memory_space<vmem>>) semaphore(%arg28 : memref<!tpu.dma_semaphore, #tpu.memory_space<semaphore_mem>>) {add = true}
      %dma_wait3A_167 = arith.constant 0 : i32
      %dma_wait3A_168 = tpu.memref_slice %arg10[%add3A_111, %dma_wait3A_167] : memref<40x256xi32, #tpu.memory_space<vmem>> -> memref<1x256xi32, #tpu.memory_space<vmem>>
      %dma_wait3A_169 = tpu.memref_squeeze %dma_wait3A_168 : memref<1x256xi32, #tpu.memory_space<vmem>> -> memref<256xi32, #tpu.memory_space<vmem>>
      %dma_wait3A_170 = arith.constant 0 : i32
      %dma_wait3A_171 = arith.constant 0 : i32
      %dma_wait3A_172 = tpu.memref_slice %arg18[%dma_wait3A_170, %dma_wait3A_171] : memref<10000x32xf32, #tpu.memory_space<vmem_shared>> -> memref<10000x32xf32, #tpu.memory_space<vmem_shared>>
      tpu.wait_indirect_dma semaphore(%arg24 : memref<!tpu.dma_semaphore, #tpu.memory_space<semaphore_mem>>) src(%dma_wait3A_172 : memref<10000x32xf32, #tpu.memory_space<vmem_shared>>) dst(%arg15 : memref<256x32xf32, #tpu.memory_space<vmem>>)
      %add3A_173 = arith.constant 3 : i32
      %add3A_174 = arith.addi %mul3A_86, %add3A_173 : i32
      %dma_start3A_175 = arith.constant 0 : i32
      %dma_start3A_176 = tpu.memref_slice %arg11[%add3A_174, %dma_start3A_175] : memref<40x256xi32, #tpu.memory_space<vmem>> -> memref<1x256xi32, #tpu.memory_space<vmem>>
      %dma_start3A_177 = tpu.memref_squeeze %dma_start3A_176 : memref<1x256xi32, #tpu.memory_space<vmem>> -> memref<256xi32, #tpu.memory_space<vmem>>
      %dma_start3A_178 = arith.constant 0 : i32
      %dma_start3A_179 = arith.constant 0 : i32
      %dma_start3A_180 = tpu.memref_slice %arg19[%dma_start3A_178, %dma_start3A_179] : memref<10112x32xf32, #tpu.memory_space<vmem_shared>> -> memref<10112x32xf32, #tpu.memory_space<vmem_shared>>
      tpu.enqueue_indirect_dma source(%arg15 : memref<256x32xf32, #tpu.memory_space<vmem>>) target(%dma_start3A_180 : memref<10112x32xf32, #tpu.memory_space<vmem_shared>>) offsets(%dma_start3A_177 : memref<256xi32, #tpu.memory_space<vmem>>) semaphore(%arg29 : memref<!tpu.dma_semaphore, #tpu.memory_space<semaphore_mem>>) {add = true}
      %dma_wait3A_181 = arith.constant 0 : i32
      %dma_wait3A_182 = tpu.memref_slice %arg10[%add3A_119, %dma_wait3A_181] : memref<40x256xi32, #tpu.memory_space<vmem>> -> memref<1x256xi32, #tpu.memory_space<vmem>>
      %dma_wait3A_183 = tpu.memref_squeeze %dma_wait3A_182 : memref<1x256xi32, #tpu.memory_space<vmem>> -> memref<256xi32, #tpu.memory_space<vmem>>
      %dma_wait3A_184 = arith.constant 0 : i32
      %dma_wait3A_185 = arith.constant 0 : i32
      %dma_wait3A_186 = tpu.memref_slice %arg18[%dma_wait3A_184, %dma_wait3A_185] : memref<10000x32xf32, #tpu.memory_space<vmem_shared>> -> memref<10000x32xf32, #tpu.memory_space<vmem_shared>>
      tpu.wait_indirect_dma semaphore(%arg25 : memref<!tpu.dma_semaphore, #tpu.memory_space<semaphore_mem>>) src(%dma_wait3A_186 : memref<10000x32xf32, #tpu.memory_space<vmem_shared>>) dst(%arg16 : memref<256x32xf32, #tpu.memory_space<vmem>>)
      %add3A_187 = arith.constant 4 : i32
      %add3A_188 = arith.addi %mul3A_86, %add3A_187 : i32
      %dma_start3A_189 = arith.constant 0 : i32
      %dma_start3A_190 = tpu.memref_slice %arg11[%add3A_188, %dma_start3A_189] : memref<40x256xi32, #tpu.memory_space<vmem>> -> memref<1x256xi32, #tpu.memory_space<vmem>>
      %dma_start3A_191 = tpu.memref_squeeze %dma_start3A_190 : memref<1x256xi32, #tpu.memory_space<vmem>> -> memref<256xi32, #tpu.memory_space<vmem>>
      %dma_start3A_192 = arith.constant 0 : i32
      %dma_start3A_193 = arith.constant 0 : i32
      %dma_start3A_194 = tpu.memref_slice %arg19[%dma_start3A_192, %dma_start3A_193] : memref<10112x32xf32, #tpu.memory_space<vmem_shared>> -> memref<10112x32xf32, #tpu.memory_space<vmem_shared>>
      tpu.enqueue_indirect_dma source(%arg16 : memref<256x32xf32, #tpu.memory_space<vmem>>) target(%dma_start3A_194 : memref<10112x32xf32, #tpu.memory_space<vmem_shared>>) offsets(%dma_start3A_191 : memref<256xi32, #tpu.memory_space<vmem>>) semaphore(%arg30 : memref<!tpu.dma_semaphore, #tpu.memory_space<semaphore_mem>>) {add = true}
      %dma_wait3A_195 = arith.constant 0 : i32
      %dma_wait3A_196 = tpu.memref_slice %arg11[%add3A_132, %dma_wait3A_195] : memref<40x256xi32, #tpu.memory_space<vmem>> -> memref<1x256xi32, #tpu.memory_space<vmem>>
      %dma_wait3A_197 = tpu.memref_squeeze %dma_wait3A_196 : memref<1x256xi32, #tpu.memory_space<vmem>> -> memref<256xi32, #tpu.memory_space<vmem>>
      %dma_wait3A_198 = arith.constant 0 : i32
      %dma_wait3A_199 = arith.constant 0 : i32
      %dma_wait3A_200 = tpu.memref_slice %arg19[%dma_wait3A_198, %dma_wait3A_199] : memref<10112x32xf32, #tpu.memory_space<vmem_shared>> -> memref<10112x32xf32, #tpu.memory_space<vmem_shared>>
      tpu.wait_indirect_dma semaphore(%arg26 : memref<!tpu.dma_semaphore, #tpu.memory_space<semaphore_mem>>) src(%arg12 : memref<256x32xf32, #tpu.memory_space<vmem>>) dst(%dma_wait3A_200 : memref<10112x32xf32, #tpu.memory_space<vmem_shared>>)
      %dma_wait3A_201 = arith.constant 0 : i32
      %dma_wait3A_202 = tpu.memref_slice %arg11[%add3A_146, %dma_wait3A_201] : memref<40x256xi32, #tpu.memory_space<vmem>> -> memref<1x256xi32, #tpu.memory_space<vmem>>
      %dma_wait3A_203 = tpu.memref_squeeze %dma_wait3A_202 : memref<1x256xi32, #tpu.memory_space<vmem>> -> memref<256xi32, #tpu.memory_space<vmem>>
      %dma_wait3A_204 = arith.constant 0 : i32
      %dma_wait3A_205 = arith.constant 0 : i32
      %dma_wait3A_206 = tpu.memref_slice %arg19[%dma_wait3A_204, %dma_wait3A_205] : memref<10112x32xf32, #tpu.memory_space<vmem_shared>> -> memref<10112x32xf32, #tpu.memory_space<vmem_shared>>
      tpu.wait_indirect_dma semaphore(%arg27 : memref<!tpu.dma_semaphore, #tpu.memory_space<semaphore_mem>>) src(%arg13 : memref<256x32xf32, #tpu.memory_space<vmem>>) dst(%dma_wait3A_206 : memref<10112x32xf32, #tpu.memory_space<vmem_shared>>)
      %dma_wait3A_207 = arith.constant 0 : i32
      %dma_wait3A_208 = tpu.memref_slice %arg11[%add3A_160, %dma_wait3A_207] : memref<40x256xi32, #tpu.memory_space<vmem>> -> memref<1x256xi32, #tpu.memory_space<vmem>>
      %dma_wait3A_209 = tpu.memref_squeeze %dma_wait3A_208 : memref<1x256xi32, #tpu.memory_space<vmem>> -> memref<256xi32, #tpu.memory_space<vmem>>
      %dma_wait3A_210 = arith.constant 0 : i32
      %dma_wait3A_211 = arith.constant 0 : i32
      %dma_wait3A_212 = tpu.memref_slice %arg19[%dma_wait3A_210, %dma_wait3A_211] : memref<10112x32xf32, #tpu.memory_space<vmem_shared>> -> memref<10112x32xf32, #tpu.memory_space<vmem_shared>>
      tpu.wait_indirect_dma semaphore(%arg28 : memref<!tpu.dma_semaphore, #tpu.memory_space<semaphore_mem>>) src(%arg14 : memref<256x32xf32, #tpu.memory_space<vmem>>) dst(%dma_wait3A_212 : memref<10112x32xf32, #tpu.memory_space<vmem_shared>>)
      %dma_wait3A_213 = arith.constant 0 : i32
      %dma_wait3A_214 = tpu.memref_slice %arg11[%add3A_174, %dma_wait3A_213] : memref<40x256xi32, #tpu.memory_space<vmem>> -> memref<1x256xi32, #tpu.memory_space<vmem>>
      %dma_wait3A_215 = tpu.memref_squeeze %dma_wait3A_214 : memref<1x256xi32, #tpu.memory_space<vmem>> -> memref<256xi32, #tpu.memory_space<vmem>>
      %dma_wait3A_216 = arith.constant 0 : i32
      %dma_wait3A_217 = arith.constant 0 : i32
      %dma_wait3A_218 = tpu.memref_slice %arg19[%dma_wait3A_216, %dma_wait3A_217] : memref<10112x32xf32, #tpu.memory_space<vmem_shared>> -> memref<10112x32xf32, #tpu.memory_space<vmem_shared>>
      tpu.wait_indirect_dma semaphore(%arg29 : memref<!tpu.dma_semaphore, #tpu.memory_space<semaphore_mem>>) src(%arg15 : memref<256x32xf32, #tpu.memory_space<vmem>>) dst(%dma_wait3A_218 : memref<10112x32xf32, #tpu.memory_space<vmem_shared>>)
      %dma_wait3A_219 = arith.constant 0 : i32
      %dma_wait3A_220 = tpu.memref_slice %arg11[%add3A_188, %dma_wait3A_219] : memref<40x256xi32, #tpu.memory_space<vmem>> -> memref<1x256xi32, #tpu.memory_space<vmem>>
      %dma_wait3A_221 = tpu.memref_squeeze %dma_wait3A_220 : memref<1x256xi32, #tpu.memory_space<vmem>> -> memref<256xi32, #tpu.memory_space<vmem>>
      %dma_wait3A_222 = arith.constant 0 : i32
      %dma_wait3A_223 = arith.constant 0 : i32
      %dma_wait3A_224 = tpu.memref_slice %arg19[%dma_wait3A_222, %dma_wait3A_223] : memref<10112x32xf32, #tpu.memory_space<vmem_shared>> -> memref<10112x32xf32, #tpu.memory_space<vmem_shared>>
      tpu.wait_indirect_dma semaphore(%arg30 : memref<!tpu.dma_semaphore, #tpu.memory_space<semaphore_mem>>) src(%arg16 : memref<256x32xf32, #tpu.memory_space<vmem>>) dst(%dma_wait3A_224 : memref<10112x32xf32, #tpu.memory_space<vmem_shared>>)
    }
    %scan3A_80 = arith.constant 8 : i32
    %barrier3A_81 = arith.constant 0 : index
    tpu.barrier barrier_id(%barrier3A_81)
    %add3A_82 = arith.constant 6 : i32
    %add3A_83 = arith.addi %add3A_82, %arg0 : i32
    "tpu.region"() ({
      %run_scoped3A = tpu.sem_alloc : memref<!tpu.dma_semaphore, #tpu.memory_space<semaphore_mem>>
      %dma_start3A = arith.constant 0 : i32
      %dma_start3A_84 = tpu.memref_slice %arg8[%add3A_83, %mul3A_0, %dma_start3A] : memref<8x10112x32xf32, #tpu.memory_space<hbm>> -> memref<1x632x32xf32, #tpu.memory_space<hbm>>
      %dma_start3A_85 = tpu.memref_squeeze %dma_start3A_84 : memref<1x632x32xf32, #tpu.memory_space<hbm>> -> memref<632x32xf32, #tpu.memory_space<hbm>>
      %dma_start3A_86 = arith.constant 0 : i32
      %dma_start3A_87 = tpu.memref_slice %arg19[%mul3A_0, %dma_start3A_86] : memref<10112x32xf32, #tpu.memory_space<vmem_shared>> -> memref<632x32xf32, #tpu.memory_space<vmem_shared>>
      tpu.enqueue_dma source(%dma_start3A_87 : memref<632x32xf32, #tpu.memory_space<vmem_shared>>) target(%dma_start3A_85 : memref<632x32xf32, #tpu.memory_space<hbm>>) target_semaphore(%run_scoped3A : memref<!tpu.dma_semaphore, #tpu.memory_space<semaphore_mem>>)
      %dma_wait3A = arith.constant 0 : i32
      %dma_wait3A_88 = tpu.memref_slice %arg8[%add3A_83, %mul3A_0, %dma_wait3A] : memref<8x10112x32xf32, #tpu.memory_space<hbm>> -> memref<1x632x32xf32, #tpu.memory_space<hbm>>
      %dma_wait3A_89 = tpu.memref_squeeze %dma_wait3A_88 : memref<1x632x32xf32, #tpu.memory_space<hbm>> -> memref<632x32xf32, #tpu.memory_space<hbm>>
      %dma_wait3A_90 = arith.constant 0 : i32
      %dma_wait3A_91 = tpu.memref_slice %arg19[%mul3A_0, %dma_wait3A_90] : memref<10112x32xf32, #tpu.memory_space<vmem_shared>> -> memref<632x32xf32, #tpu.memory_space<vmem_shared>>
      tpu.wait_dma2 semaphore(%run_scoped3A : memref<!tpu.dma_semaphore, #tpu.memory_space<semaphore_mem>>) src(%dma_wait3A_91 : memref<632x32xf32, #tpu.memory_space<vmem_shared>>) dst(%dma_wait3A_89 : memref<632x32xf32, #tpu.memory_space<hbm>>)
      tpu.yield
    }) : () -> ()
    return
  }
}

#map = affine_map<(d0, d1) -> (0, 0)>
#map1 = affine_map<(d0, d1) -> (0, 0, 0)>
module attributes {stable_mosaic.version = 14 : i64} {
  func.func @sage_agg(%arg0: i32, %arg1: i32, %arg2: memref<80000x32xf32, #tpu.memory_space<hbm>>, %arg3: memref<16x40x256xi32, #tpu.memory_space<hbm>>, %arg4: memref<16x40x256xi32, #tpu.memory_space<hbm>>, %arg5: memref<632x32xf32, #tpu.memory_space<hbm>>, %arg6: memref<632x8xf32, #tpu.memory_space<hbm>>, %arg7: memref<256x8xf32, #tpu.memory_space<hbm>>, %arg8: memref<8x10112x32xf32, #tpu.memory_space<hbm>>, %arg9: memref<8x8xf32, #tpu.memory_space<hbm>>, %arg10: memref<40x256xi32, #tpu.memory_space<vmem>>, %arg11: memref<40x256xi32, #tpu.memory_space<vmem>>, %arg12: memref<256x32xf32, #tpu.memory_space<vmem>>, %arg13: memref<256x32xf32, #tpu.memory_space<vmem>>, %arg14: memref<256x32xf32, #tpu.memory_space<vmem>>, %arg15: memref<256x32xf32, #tpu.memory_space<vmem>>, %arg16: memref<256x32xf32, #tpu.memory_space<vmem>>, %arg17: memref<8x8xf32, #tpu.memory_space<vmem>>, %arg18: memref<10000x32xf32, #tpu.memory_space<vmem_shared>>, %arg19: memref<10112x32xf32, #tpu.memory_space<vmem_shared>>, %arg20: memref<8x8xf32, #tpu.memory_space<vmem_shared>>, %arg21: memref<!tpu.dma_semaphore, #tpu.memory_space<semaphore_mem>>, %arg22: memref<!tpu.dma_semaphore, #tpu.memory_space<semaphore_mem>>, %arg23: memref<!tpu.dma_semaphore, #tpu.memory_space<semaphore_mem>>, %arg24: memref<!tpu.dma_semaphore, #tpu.memory_space<semaphore_mem>>, %arg25: memref<!tpu.dma_semaphore, #tpu.memory_space<semaphore_mem>>, %arg26: memref<!tpu.dma_semaphore, #tpu.memory_space<semaphore_mem>>, %arg27: memref<!tpu.dma_semaphore, #tpu.memory_space<semaphore_mem>>, %arg28: memref<!tpu.dma_semaphore, #tpu.memory_space<semaphore_mem>>, %arg29: memref<!tpu.dma_semaphore, #tpu.memory_space<semaphore_mem>>, %arg30: memref<!tpu.dma_semaphore, #tpu.memory_space<semaphore_mem>>, %arg31: memref<!tpu.dma_semaphore, #tpu.memory_space<semaphore_mem>>, %arg32: memref<!tpu.dma_semaphore, #tpu.memory_space<semaphore_mem>>) attributes {dimension_semantics = [#tpu.dimension_semantics<core_parallel>, #tpu.dimension_semantics<subcore_parallel>], iteration_bounds = array<i64: 2, 16>, scalar_prefetch = 0 : i64, scratch_operands = 23 : i64, tpu.core_type = #tpu.core_type<sc_vector_subcore>, window_params = [{transform_indices = #map}, {transform_indices = #map1}, {transform_indices = #map1}, {transform_indices = #map}, {transform_indices = #map}, {transform_indices = #map}, {transform_indices = #map1}, {transform_indices = #map}]} {
    %mul3A = arith.constant 632 : i32
    %mul3A_0 = arith.muli %arg1, %mul3A : i32
    "tpu.region"() ({
      %run_scoped3A = tpu.sem_alloc : memref<!tpu.dma_semaphore, #tpu.memory_space<semaphore_mem>>
      %dma_start3A = arith.constant 0 : i32
      %dma_start3A_77 = arith.constant 0 : i32
      %dma_start3A_78 = tpu.memref_slice %arg3[%arg1, %dma_start3A, %dma_start3A_77] : memref<16x40x256xi32, #tpu.memory_space<hbm>> -> memref<1x40x256xi32, #tpu.memory_space<hbm>>
      %dma_start3A_79 = tpu.memref_squeeze %dma_start3A_78 : memref<1x40x256xi32, #tpu.memory_space<hbm>> -> memref<40x256xi32, #tpu.memory_space<hbm>>
      %dma_start3A_80 = arith.constant 0 : i32
      %dma_start3A_81 = arith.constant 0 : i32
      %dma_start3A_82 = tpu.memref_slice %arg3[%arg1, %dma_start3A_80, %dma_start3A_81] : memref<16x40x256xi32, #tpu.memory_space<hbm>> -> memref<1x40x256xi32, #tpu.memory_space<hbm>>
      %dma_start3A_83 = tpu.memref_squeeze %dma_start3A_82 : memref<1x40x256xi32, #tpu.memory_space<hbm>> -> memref<40x256xi32, #tpu.memory_space<hbm>>
      tpu.enqueue_dma source(%dma_start3A_83 : memref<40x256xi32, #tpu.memory_space<hbm>>) target(%arg10 : memref<40x256xi32, #tpu.memory_space<vmem>>) target_semaphore(%run_scoped3A : memref<!tpu.dma_semaphore, #tpu.memory_space<semaphore_mem>>)
      %dma_wait3A = arith.constant 0 : i32
      %dma_wait3A_84 = arith.constant 0 : i32
      %dma_wait3A_85 = tpu.memref_slice %arg3[%arg1, %dma_wait3A, %dma_wait3A_84] : memref<16x40x256xi32, #tpu.memory_space<hbm>> -> memref<1x40x256xi32, #tpu.memory_space<hbm>>
      %dma_wait3A_86 = tpu.memref_squeeze %dma_wait3A_85 : memref<1x40x256xi32, #tpu.memory_space<hbm>> -> memref<40x256xi32, #tpu.memory_space<hbm>>
      %dma_wait3A_87 = arith.constant 0 : i32
      %dma_wait3A_88 = arith.constant 0 : i32
      %dma_wait3A_89 = tpu.memref_slice %arg3[%arg1, %dma_wait3A_87, %dma_wait3A_88] : memref<16x40x256xi32, #tpu.memory_space<hbm>> -> memref<1x40x256xi32, #tpu.memory_space<hbm>>
      %dma_wait3A_90 = tpu.memref_squeeze %dma_wait3A_89 : memref<1x40x256xi32, #tpu.memory_space<hbm>> -> memref<40x256xi32, #tpu.memory_space<hbm>>
      tpu.wait_dma2 semaphore(%run_scoped3A : memref<!tpu.dma_semaphore, #tpu.memory_space<semaphore_mem>>) src(%dma_wait3A_90 : memref<40x256xi32, #tpu.memory_space<hbm>>) dst(%arg10 : memref<40x256xi32, #tpu.memory_space<vmem>>)
      tpu.yield
    }) : () -> ()
    "tpu.region"() ({
      %run_scoped3A = tpu.sem_alloc : memref<!tpu.dma_semaphore, #tpu.memory_space<semaphore_mem>>
      %dma_start3A = arith.constant 0 : i32
      %dma_start3A_77 = arith.constant 0 : i32
      %dma_start3A_78 = tpu.memref_slice %arg4[%arg1, %dma_start3A, %dma_start3A_77] : memref<16x40x256xi32, #tpu.memory_space<hbm>> -> memref<1x40x256xi32, #tpu.memory_space<hbm>>
      %dma_start3A_79 = tpu.memref_squeeze %dma_start3A_78 : memref<1x40x256xi32, #tpu.memory_space<hbm>> -> memref<40x256xi32, #tpu.memory_space<hbm>>
      %dma_start3A_80 = arith.constant 0 : i32
      %dma_start3A_81 = arith.constant 0 : i32
      %dma_start3A_82 = tpu.memref_slice %arg4[%arg1, %dma_start3A_80, %dma_start3A_81] : memref<16x40x256xi32, #tpu.memory_space<hbm>> -> memref<1x40x256xi32, #tpu.memory_space<hbm>>
      %dma_start3A_83 = tpu.memref_squeeze %dma_start3A_82 : memref<1x40x256xi32, #tpu.memory_space<hbm>> -> memref<40x256xi32, #tpu.memory_space<hbm>>
      tpu.enqueue_dma source(%dma_start3A_83 : memref<40x256xi32, #tpu.memory_space<hbm>>) target(%arg11 : memref<40x256xi32, #tpu.memory_space<vmem>>) target_semaphore(%run_scoped3A : memref<!tpu.dma_semaphore, #tpu.memory_space<semaphore_mem>>)
      %dma_wait3A = arith.constant 0 : i32
      %dma_wait3A_84 = arith.constant 0 : i32
      %dma_wait3A_85 = tpu.memref_slice %arg4[%arg1, %dma_wait3A, %dma_wait3A_84] : memref<16x40x256xi32, #tpu.memory_space<hbm>> -> memref<1x40x256xi32, #tpu.memory_space<hbm>>
      %dma_wait3A_86 = tpu.memref_squeeze %dma_wait3A_85 : memref<1x40x256xi32, #tpu.memory_space<hbm>> -> memref<40x256xi32, #tpu.memory_space<hbm>>
      %dma_wait3A_87 = arith.constant 0 : i32
      %dma_wait3A_88 = arith.constant 0 : i32
      %dma_wait3A_89 = tpu.memref_slice %arg4[%arg1, %dma_wait3A_87, %dma_wait3A_88] : memref<16x40x256xi32, #tpu.memory_space<hbm>> -> memref<1x40x256xi32, #tpu.memory_space<hbm>>
      %dma_wait3A_90 = tpu.memref_squeeze %dma_wait3A_89 : memref<1x40x256xi32, #tpu.memory_space<hbm>> -> memref<40x256xi32, #tpu.memory_space<hbm>>
      tpu.wait_dma2 semaphore(%run_scoped3A : memref<!tpu.dma_semaphore, #tpu.memory_space<semaphore_mem>>) src(%dma_wait3A_90 : memref<40x256xi32, #tpu.memory_space<hbm>>) dst(%arg11 : memref<40x256xi32, #tpu.memory_space<vmem>>)
      tpu.yield
    }) : () -> ()
    %add3A = arith.constant 0 : i32
    %add3A_1 = arith.addi %add3A, %arg0 : i32
    %mul3A_2 = arith.constant 10000 : i32
    %mul3A_3 = arith.muli %add3A_1, %mul3A_2 : i32
    %mul3A_4 = arith.constant 625 : i32
    %mul3A_5 = arith.muli %mul3A_4, %arg1 : i32
    %add3A_6 = arith.addi %mul3A_3, %mul3A_5 : i32
    %mul3A_7 = arith.constant 625 : i32
    %mul3A_8 = arith.muli %mul3A_7, %arg1 : i32
    "tpu.region"() ({
      %run_scoped3A = tpu.sem_alloc : memref<!tpu.dma_semaphore, #tpu.memory_space<semaphore_mem>>
      %dma_start3A = arith.constant 0 : i32
      %dma_start3A_77 = tpu.memref_slice %arg18[%mul3A_8, %dma_start3A] : memref<10000x32xf32, #tpu.memory_space<vmem_shared>> -> memref<625x32xf32, #tpu.memory_space<vmem_shared>>
      %dma_start3A_78 = arith.constant 0 : i32
      %dma_start3A_79 = tpu.memref_slice %arg2[%add3A_6, %dma_start3A_78] : memref<80000x32xf32, #tpu.memory_space<hbm>> -> memref<625x32xf32, #tpu.memory_space<hbm>>
      tpu.enqueue_dma source(%dma_start3A_79 : memref<625x32xf32, #tpu.memory_space<hbm>>) target(%dma_start3A_77 : memref<625x32xf32, #tpu.memory_space<vmem_shared>>) target_semaphore(%run_scoped3A : memref<!tpu.dma_semaphore, #tpu.memory_space<semaphore_mem>>)
      %dma_wait3A = arith.constant 0 : i32
      %dma_wait3A_80 = tpu.memref_slice %arg18[%mul3A_8, %dma_wait3A] : memref<10000x32xf32, #tpu.memory_space<vmem_shared>> -> memref<625x32xf32, #tpu.memory_space<vmem_shared>>
      %dma_wait3A_81 = arith.constant 0 : i32
      %dma_wait3A_82 = tpu.memref_slice %arg2[%add3A_6, %dma_wait3A_81] : memref<80000x32xf32, #tpu.memory_space<hbm>> -> memref<625x32xf32, #tpu.memory_space<hbm>>
      tpu.wait_dma2 semaphore(%run_scoped3A : memref<!tpu.dma_semaphore, #tpu.memory_space<semaphore_mem>>) src(%dma_wait3A_82 : memref<625x32xf32, #tpu.memory_space<hbm>>) dst(%dma_wait3A_80 : memref<625x32xf32, #tpu.memory_space<vmem_shared>>)
      tpu.yield
    }) : () -> ()
    "tpu.region"() ({
      %run_scoped3A = tpu.sem_alloc : memref<!tpu.dma_semaphore, #tpu.memory_space<semaphore_mem>>
      %dma_start3A = arith.constant 0 : i32
      %dma_start3A_77 = tpu.memref_slice %arg19[%mul3A_0, %dma_start3A] : memref<10112x32xf32, #tpu.memory_space<vmem_shared>> -> memref<632x32xf32, #tpu.memory_space<vmem_shared>>
      tpu.enqueue_dma source(%arg5 : memref<632x32xf32, #tpu.memory_space<hbm>>) target(%dma_start3A_77 : memref<632x32xf32, #tpu.memory_space<vmem_shared>>) target_semaphore(%run_scoped3A : memref<!tpu.dma_semaphore, #tpu.memory_space<semaphore_mem>>)
      %dma_wait3A = arith.constant 0 : i32
      %dma_wait3A_78 = tpu.memref_slice %arg19[%mul3A_0, %dma_wait3A] : memref<10112x32xf32, #tpu.memory_space<vmem_shared>> -> memref<632x32xf32, #tpu.memory_space<vmem_shared>>
      tpu.wait_dma2 semaphore(%run_scoped3A : memref<!tpu.dma_semaphore, #tpu.memory_space<semaphore_mem>>) src(%arg5 : memref<632x32xf32, #tpu.memory_space<hbm>>) dst(%dma_wait3A_78 : memref<632x32xf32, #tpu.memory_space<vmem_shared>>)
      tpu.yield
    }) : () -> ()
    %barrier3A = arith.constant 0 : index
    tpu.barrier barrier_id(%barrier3A)
    %scan3A = arith.constant 0 : i32
    %scan3A_9 = arith.constant 0 : i32
    %scan3A_10 = arith.constant 8 : i32
    %scan3A_11 = arith.addi %scan3A_9, %scan3A_10 : i32
    %scan3A_12 = arith.constant 1 : i32
    scf.for %scan3A_77 = %scan3A_9 to %scan3A_11 step %scan3A_12  : i32 {
      %mul3A_78 = arith.constant 5 : i32
      %mul3A_79 = arith.muli %scan3A_77, %mul3A_78 : i32
      %add3A_80 = arith.constant 0 : i32
      %add3A_81 = arith.addi %mul3A_79, %add3A_80 : i32
      %dma_start3A = arith.constant 0 : i32
      %dma_start3A_82 = tpu.memref_slice %arg10[%add3A_81, %dma_start3A] : memref<40x256xi32, #tpu.memory_space<vmem>> -> memref<1x256xi32, #tpu.memory_space<vmem>>
      %dma_start3A_83 = tpu.memref_squeeze %dma_start3A_82 : memref<1x256xi32, #tpu.memory_space<vmem>> -> memref<256xi32, #tpu.memory_space<vmem>>
      %dma_start3A_84 = arith.constant 0 : i32
      %dma_start3A_85 = arith.constant 0 : i32
      %dma_start3A_86 = tpu.memref_slice %arg18[%dma_start3A_84, %dma_start3A_85] : memref<10000x32xf32, #tpu.memory_space<vmem_shared>> -> memref<10000x32xf32, #tpu.memory_space<vmem_shared>>
      tpu.enqueue_indirect_dma source(%dma_start3A_86 : memref<10000x32xf32, #tpu.memory_space<vmem_shared>>) target(%arg12 : memref<256x32xf32, #tpu.memory_space<vmem>>) offsets(%dma_start3A_83 : memref<256xi32, #tpu.memory_space<vmem>>) semaphore(%arg21 : memref<!tpu.dma_semaphore, #tpu.memory_space<semaphore_mem>>)
      %add3A_87 = arith.constant 1 : i32
      %add3A_88 = arith.addi %mul3A_79, %add3A_87 : i32
      %dma_start3A_89 = arith.constant 0 : i32
      %dma_start3A_90 = tpu.memref_slice %arg10[%add3A_88, %dma_start3A_89] : memref<40x256xi32, #tpu.memory_space<vmem>> -> memref<1x256xi32, #tpu.memory_space<vmem>>
      %dma_start3A_91 = tpu.memref_squeeze %dma_start3A_90 : memref<1x256xi32, #tpu.memory_space<vmem>> -> memref<256xi32, #tpu.memory_space<vmem>>
      %dma_start3A_92 = arith.constant 0 : i32
      %dma_start3A_93 = arith.constant 0 : i32
      %dma_start3A_94 = tpu.memref_slice %arg18[%dma_start3A_92, %dma_start3A_93] : memref<10000x32xf32, #tpu.memory_space<vmem_shared>> -> memref<10000x32xf32, #tpu.memory_space<vmem_shared>>
      tpu.enqueue_indirect_dma source(%dma_start3A_94 : memref<10000x32xf32, #tpu.memory_space<vmem_shared>>) target(%arg13 : memref<256x32xf32, #tpu.memory_space<vmem>>) offsets(%dma_start3A_91 : memref<256xi32, #tpu.memory_space<vmem>>) semaphore(%arg22 : memref<!tpu.dma_semaphore, #tpu.memory_space<semaphore_mem>>)
      %add3A_95 = arith.constant 2 : i32
      %add3A_96 = arith.addi %mul3A_79, %add3A_95 : i32
      %dma_start3A_97 = arith.constant 0 : i32
      %dma_start3A_98 = tpu.memref_slice %arg10[%add3A_96, %dma_start3A_97] : memref<40x256xi32, #tpu.memory_space<vmem>> -> memref<1x256xi32, #tpu.memory_space<vmem>>
      %dma_start3A_99 = tpu.memref_squeeze %dma_start3A_98 : memref<1x256xi32, #tpu.memory_space<vmem>> -> memref<256xi32, #tpu.memory_space<vmem>>
      %dma_start3A_100 = arith.constant 0 : i32
      %dma_start3A_101 = arith.constant 0 : i32
      %dma_start3A_102 = tpu.memref_slice %arg18[%dma_start3A_100, %dma_start3A_101] : memref<10000x32xf32, #tpu.memory_space<vmem_shared>> -> memref<10000x32xf32, #tpu.memory_space<vmem_shared>>
      tpu.enqueue_indirect_dma source(%dma_start3A_102 : memref<10000x32xf32, #tpu.memory_space<vmem_shared>>) target(%arg14 : memref<256x32xf32, #tpu.memory_space<vmem>>) offsets(%dma_start3A_99 : memref<256xi32, #tpu.memory_space<vmem>>) semaphore(%arg23 : memref<!tpu.dma_semaphore, #tpu.memory_space<semaphore_mem>>)
      %add3A_103 = arith.constant 3 : i32
      %add3A_104 = arith.addi %mul3A_79, %add3A_103 : i32
      %dma_start3A_105 = arith.constant 0 : i32
      %dma_start3A_106 = tpu.memref_slice %arg10[%add3A_104, %dma_start3A_105] : memref<40x256xi32, #tpu.memory_space<vmem>> -> memref<1x256xi32, #tpu.memory_space<vmem>>
      %dma_start3A_107 = tpu.memref_squeeze %dma_start3A_106 : memref<1x256xi32, #tpu.memory_space<vmem>> -> memref<256xi32, #tpu.memory_space<vmem>>
      %dma_start3A_108 = arith.constant 0 : i32
      %dma_start3A_109 = arith.constant 0 : i32
      %dma_start3A_110 = tpu.memref_slice %arg18[%dma_start3A_108, %dma_start3A_109] : memref<10000x32xf32, #tpu.memory_space<vmem_shared>> -> memref<10000x32xf32, #tpu.memory_space<vmem_shared>>
      tpu.enqueue_indirect_dma source(%dma_start3A_110 : memref<10000x32xf32, #tpu.memory_space<vmem_shared>>) target(%arg15 : memref<256x32xf32, #tpu.memory_space<vmem>>) offsets(%dma_start3A_107 : memref<256xi32, #tpu.memory_space<vmem>>) semaphore(%arg24 : memref<!tpu.dma_semaphore, #tpu.memory_space<semaphore_mem>>)
      %add3A_111 = arith.constant 4 : i32
      %add3A_112 = arith.addi %mul3A_79, %add3A_111 : i32
      %dma_start3A_113 = arith.constant 0 : i32
      %dma_start3A_114 = tpu.memref_slice %arg10[%add3A_112, %dma_start3A_113] : memref<40x256xi32, #tpu.memory_space<vmem>> -> memref<1x256xi32, #tpu.memory_space<vmem>>
      %dma_start3A_115 = tpu.memref_squeeze %dma_start3A_114 : memref<1x256xi32, #tpu.memory_space<vmem>> -> memref<256xi32, #tpu.memory_space<vmem>>
      %dma_start3A_116 = arith.constant 0 : i32
      %dma_start3A_117 = arith.constant 0 : i32
      %dma_start3A_118 = tpu.memref_slice %arg18[%dma_start3A_116, %dma_start3A_117] : memref<10000x32xf32, #tpu.memory_space<vmem_shared>> -> memref<10000x32xf32, #tpu.memory_space<vmem_shared>>
      tpu.enqueue_indirect_dma source(%dma_start3A_118 : memref<10000x32xf32, #tpu.memory_space<vmem_shared>>) target(%arg16 : memref<256x32xf32, #tpu.memory_space<vmem>>) offsets(%dma_start3A_115 : memref<256xi32, #tpu.memory_space<vmem>>) semaphore(%arg25 : memref<!tpu.dma_semaphore, #tpu.memory_space<semaphore_mem>>)
      %dma_wait3A = arith.constant 0 : i32
      %dma_wait3A_119 = tpu.memref_slice %arg10[%add3A_81, %dma_wait3A] : memref<40x256xi32, #tpu.memory_space<vmem>> -> memref<1x256xi32, #tpu.memory_space<vmem>>
      %dma_wait3A_120 = tpu.memref_squeeze %dma_wait3A_119 : memref<1x256xi32, #tpu.memory_space<vmem>> -> memref<256xi32, #tpu.memory_space<vmem>>
      %dma_wait3A_121 = arith.constant 0 : i32
      %dma_wait3A_122 = arith.constant 0 : i32
      %dma_wait3A_123 = tpu.memref_slice %arg18[%dma_wait3A_121, %dma_wait3A_122] : memref<10000x32xf32, #tpu.memory_space<vmem_shared>> -> memref<10000x32xf32, #tpu.memory_space<vmem_shared>>
      tpu.wait_indirect_dma semaphore(%arg21 : memref<!tpu.dma_semaphore, #tpu.memory_space<semaphore_mem>>) src(%dma_wait3A_123 : memref<10000x32xf32, #tpu.memory_space<vmem_shared>>) dst(%arg12 : memref<256x32xf32, #tpu.memory_space<vmem>>)
      %add3A_124 = arith.constant 0 : i32
      %add3A_125 = arith.addi %mul3A_79, %add3A_124 : i32
      %dma_start3A_126 = arith.constant 0 : i32
      %dma_start3A_127 = tpu.memref_slice %arg11[%add3A_125, %dma_start3A_126] : memref<40x256xi32, #tpu.memory_space<vmem>> -> memref<1x256xi32, #tpu.memory_space<vmem>>
      %dma_start3A_128 = tpu.memref_squeeze %dma_start3A_127 : memref<1x256xi32, #tpu.memory_space<vmem>> -> memref<256xi32, #tpu.memory_space<vmem>>
      %dma_start3A_129 = arith.constant 0 : i32
      %dma_start3A_130 = arith.constant 0 : i32
      %dma_start3A_131 = tpu.memref_slice %arg19[%dma_start3A_129, %dma_start3A_130] : memref<10112x32xf32, #tpu.memory_space<vmem_shared>> -> memref<10112x32xf32, #tpu.memory_space<vmem_shared>>
      tpu.enqueue_indirect_dma source(%arg12 : memref<256x32xf32, #tpu.memory_space<vmem>>) target(%dma_start3A_131 : memref<10112x32xf32, #tpu.memory_space<vmem_shared>>) offsets(%dma_start3A_128 : memref<256xi32, #tpu.memory_space<vmem>>) semaphore(%arg26 : memref<!tpu.dma_semaphore, #tpu.memory_space<semaphore_mem>>) {add = true}
      %dma_wait3A_132 = arith.constant 0 : i32
      %dma_wait3A_133 = tpu.memref_slice %arg10[%add3A_88, %dma_wait3A_132] : memref<40x256xi32, #tpu.memory_space<vmem>> -> memref<1x256xi32, #tpu.memory_space<vmem>>
      %dma_wait3A_134 = tpu.memref_squeeze %dma_wait3A_133 : memref<1x256xi32, #tpu.memory_space<vmem>> -> memref<256xi32, #tpu.memory_space<vmem>>
      %dma_wait3A_135 = arith.constant 0 : i32
      %dma_wait3A_136 = arith.constant 0 : i32
      %dma_wait3A_137 = tpu.memref_slice %arg18[%dma_wait3A_135, %dma_wait3A_136] : memref<10000x32xf32, #tpu.memory_space<vmem_shared>> -> memref<10000x32xf32, #tpu.memory_space<vmem_shared>>
      tpu.wait_indirect_dma semaphore(%arg22 : memref<!tpu.dma_semaphore, #tpu.memory_space<semaphore_mem>>) src(%dma_wait3A_137 : memref<10000x32xf32, #tpu.memory_space<vmem_shared>>) dst(%arg13 : memref<256x32xf32, #tpu.memory_space<vmem>>)
      %add3A_138 = arith.constant 1 : i32
      %add3A_139 = arith.addi %mul3A_79, %add3A_138 : i32
      %dma_start3A_140 = arith.constant 0 : i32
      %dma_start3A_141 = tpu.memref_slice %arg11[%add3A_139, %dma_start3A_140] : memref<40x256xi32, #tpu.memory_space<vmem>> -> memref<1x256xi32, #tpu.memory_space<vmem>>
      %dma_start3A_142 = tpu.memref_squeeze %dma_start3A_141 : memref<1x256xi32, #tpu.memory_space<vmem>> -> memref<256xi32, #tpu.memory_space<vmem>>
      %dma_start3A_143 = arith.constant 0 : i32
      %dma_start3A_144 = arith.constant 0 : i32
      %dma_start3A_145 = tpu.memref_slice %arg19[%dma_start3A_143, %dma_start3A_144] : memref<10112x32xf32, #tpu.memory_space<vmem_shared>> -> memref<10112x32xf32, #tpu.memory_space<vmem_shared>>
      tpu.enqueue_indirect_dma source(%arg13 : memref<256x32xf32, #tpu.memory_space<vmem>>) target(%dma_start3A_145 : memref<10112x32xf32, #tpu.memory_space<vmem_shared>>) offsets(%dma_start3A_142 : memref<256xi32, #tpu.memory_space<vmem>>) semaphore(%arg27 : memref<!tpu.dma_semaphore, #tpu.memory_space<semaphore_mem>>) {add = true}
      %dma_wait3A_146 = arith.constant 0 : i32
      %dma_wait3A_147 = tpu.memref_slice %arg10[%add3A_96, %dma_wait3A_146] : memref<40x256xi32, #tpu.memory_space<vmem>> -> memref<1x256xi32, #tpu.memory_space<vmem>>
      %dma_wait3A_148 = tpu.memref_squeeze %dma_wait3A_147 : memref<1x256xi32, #tpu.memory_space<vmem>> -> memref<256xi32, #tpu.memory_space<vmem>>
      %dma_wait3A_149 = arith.constant 0 : i32
      %dma_wait3A_150 = arith.constant 0 : i32
      %dma_wait3A_151 = tpu.memref_slice %arg18[%dma_wait3A_149, %dma_wait3A_150] : memref<10000x32xf32, #tpu.memory_space<vmem_shared>> -> memref<10000x32xf32, #tpu.memory_space<vmem_shared>>
      tpu.wait_indirect_dma semaphore(%arg23 : memref<!tpu.dma_semaphore, #tpu.memory_space<semaphore_mem>>) src(%dma_wait3A_151 : memref<10000x32xf32, #tpu.memory_space<vmem_shared>>) dst(%arg14 : memref<256x32xf32, #tpu.memory_space<vmem>>)
      %add3A_152 = arith.constant 2 : i32
      %add3A_153 = arith.addi %mul3A_79, %add3A_152 : i32
      %dma_start3A_154 = arith.constant 0 : i32
      %dma_start3A_155 = tpu.memref_slice %arg11[%add3A_153, %dma_start3A_154] : memref<40x256xi32, #tpu.memory_space<vmem>> -> memref<1x256xi32, #tpu.memory_space<vmem>>
      %dma_start3A_156 = tpu.memref_squeeze %dma_start3A_155 : memref<1x256xi32, #tpu.memory_space<vmem>> -> memref<256xi32, #tpu.memory_space<vmem>>
      %dma_start3A_157 = arith.constant 0 : i32
      %dma_start3A_158 = arith.constant 0 : i32
      %dma_start3A_159 = tpu.memref_slice %arg19[%dma_start3A_157, %dma_start3A_158] : memref<10112x32xf32, #tpu.memory_space<vmem_shared>> -> memref<10112x32xf32, #tpu.memory_space<vmem_shared>>
      tpu.enqueue_indirect_dma source(%arg14 : memref<256x32xf32, #tpu.memory_space<vmem>>) target(%dma_start3A_159 : memref<10112x32xf32, #tpu.memory_space<vmem_shared>>) offsets(%dma_start3A_156 : memref<256xi32, #tpu.memory_space<vmem>>) semaphore(%arg28 : memref<!tpu.dma_semaphore, #tpu.memory_space<semaphore_mem>>) {add = true}
      %dma_wait3A_160 = arith.constant 0 : i32
      %dma_wait3A_161 = tpu.memref_slice %arg10[%add3A_104, %dma_wait3A_160] : memref<40x256xi32, #tpu.memory_space<vmem>> -> memref<1x256xi32, #tpu.memory_space<vmem>>
      %dma_wait3A_162 = tpu.memref_squeeze %dma_wait3A_161 : memref<1x256xi32, #tpu.memory_space<vmem>> -> memref<256xi32, #tpu.memory_space<vmem>>
      %dma_wait3A_163 = arith.constant 0 : i32
      %dma_wait3A_164 = arith.constant 0 : i32
      %dma_wait3A_165 = tpu.memref_slice %arg18[%dma_wait3A_163, %dma_wait3A_164] : memref<10000x32xf32, #tpu.memory_space<vmem_shared>> -> memref<10000x32xf32, #tpu.memory_space<vmem_shared>>
      tpu.wait_indirect_dma semaphore(%arg24 : memref<!tpu.dma_semaphore, #tpu.memory_space<semaphore_mem>>) src(%dma_wait3A_165 : memref<10000x32xf32, #tpu.memory_space<vmem_shared>>) dst(%arg15 : memref<256x32xf32, #tpu.memory_space<vmem>>)
      %add3A_166 = arith.constant 3 : i32
      %add3A_167 = arith.addi %mul3A_79, %add3A_166 : i32
      %dma_start3A_168 = arith.constant 0 : i32
      %dma_start3A_169 = tpu.memref_slice %arg11[%add3A_167, %dma_start3A_168] : memref<40x256xi32, #tpu.memory_space<vmem>> -> memref<1x256xi32, #tpu.memory_space<vmem>>
      %dma_start3A_170 = tpu.memref_squeeze %dma_start3A_169 : memref<1x256xi32, #tpu.memory_space<vmem>> -> memref<256xi32, #tpu.memory_space<vmem>>
      %dma_start3A_171 = arith.constant 0 : i32
      %dma_start3A_172 = arith.constant 0 : i32
      %dma_start3A_173 = tpu.memref_slice %arg19[%dma_start3A_171, %dma_start3A_172] : memref<10112x32xf32, #tpu.memory_space<vmem_shared>> -> memref<10112x32xf32, #tpu.memory_space<vmem_shared>>
      tpu.enqueue_indirect_dma source(%arg15 : memref<256x32xf32, #tpu.memory_space<vmem>>) target(%dma_start3A_173 : memref<10112x32xf32, #tpu.memory_space<vmem_shared>>) offsets(%dma_start3A_170 : memref<256xi32, #tpu.memory_space<vmem>>) semaphore(%arg29 : memref<!tpu.dma_semaphore, #tpu.memory_space<semaphore_mem>>) {add = true}
      %dma_wait3A_174 = arith.constant 0 : i32
      %dma_wait3A_175 = tpu.memref_slice %arg10[%add3A_112, %dma_wait3A_174] : memref<40x256xi32, #tpu.memory_space<vmem>> -> memref<1x256xi32, #tpu.memory_space<vmem>>
      %dma_wait3A_176 = tpu.memref_squeeze %dma_wait3A_175 : memref<1x256xi32, #tpu.memory_space<vmem>> -> memref<256xi32, #tpu.memory_space<vmem>>
      %dma_wait3A_177 = arith.constant 0 : i32
      %dma_wait3A_178 = arith.constant 0 : i32
      %dma_wait3A_179 = tpu.memref_slice %arg18[%dma_wait3A_177, %dma_wait3A_178] : memref<10000x32xf32, #tpu.memory_space<vmem_shared>> -> memref<10000x32xf32, #tpu.memory_space<vmem_shared>>
      tpu.wait_indirect_dma semaphore(%arg25 : memref<!tpu.dma_semaphore, #tpu.memory_space<semaphore_mem>>) src(%dma_wait3A_179 : memref<10000x32xf32, #tpu.memory_space<vmem_shared>>) dst(%arg16 : memref<256x32xf32, #tpu.memory_space<vmem>>)
      %add3A_180 = arith.constant 4 : i32
      %add3A_181 = arith.addi %mul3A_79, %add3A_180 : i32
      %dma_start3A_182 = arith.constant 0 : i32
      %dma_start3A_183 = tpu.memref_slice %arg11[%add3A_181, %dma_start3A_182] : memref<40x256xi32, #tpu.memory_space<vmem>> -> memref<1x256xi32, #tpu.memory_space<vmem>>
      %dma_start3A_184 = tpu.memref_squeeze %dma_start3A_183 : memref<1x256xi32, #tpu.memory_space<vmem>> -> memref<256xi32, #tpu.memory_space<vmem>>
      %dma_start3A_185 = arith.constant 0 : i32
      %dma_start3A_186 = arith.constant 0 : i32
      %dma_start3A_187 = tpu.memref_slice %arg19[%dma_start3A_185, %dma_start3A_186] : memref<10112x32xf32, #tpu.memory_space<vmem_shared>> -> memref<10112x32xf32, #tpu.memory_space<vmem_shared>>
      tpu.enqueue_indirect_dma source(%arg16 : memref<256x32xf32, #tpu.memory_space<vmem>>) target(%dma_start3A_187 : memref<10112x32xf32, #tpu.memory_space<vmem_shared>>) offsets(%dma_start3A_184 : memref<256xi32, #tpu.memory_space<vmem>>) semaphore(%arg30 : memref<!tpu.dma_semaphore, #tpu.memory_space<semaphore_mem>>) {add = true}
      %dma_wait3A_188 = arith.constant 0 : i32
      %dma_wait3A_189 = tpu.memref_slice %arg11[%add3A_125, %dma_wait3A_188] : memref<40x256xi32, #tpu.memory_space<vmem>> -> memref<1x256xi32, #tpu.memory_space<vmem>>
      %dma_wait3A_190 = tpu.memref_squeeze %dma_wait3A_189 : memref<1x256xi32, #tpu.memory_space<vmem>> -> memref<256xi32, #tpu.memory_space<vmem>>
      %dma_wait3A_191 = arith.constant 0 : i32
      %dma_wait3A_192 = arith.constant 0 : i32
      %dma_wait3A_193 = tpu.memref_slice %arg19[%dma_wait3A_191, %dma_wait3A_192] : memref<10112x32xf32, #tpu.memory_space<vmem_shared>> -> memref<10112x32xf32, #tpu.memory_space<vmem_shared>>
      tpu.wait_indirect_dma semaphore(%arg26 : memref<!tpu.dma_semaphore, #tpu.memory_space<semaphore_mem>>) src(%arg12 : memref<256x32xf32, #tpu.memory_space<vmem>>) dst(%dma_wait3A_193 : memref<10112x32xf32, #tpu.memory_space<vmem_shared>>)
      %dma_wait3A_194 = arith.constant 0 : i32
      %dma_wait3A_195 = tpu.memref_slice %arg11[%add3A_139, %dma_wait3A_194] : memref<40x256xi32, #tpu.memory_space<vmem>> -> memref<1x256xi32, #tpu.memory_space<vmem>>
      %dma_wait3A_196 = tpu.memref_squeeze %dma_wait3A_195 : memref<1x256xi32, #tpu.memory_space<vmem>> -> memref<256xi32, #tpu.memory_space<vmem>>
      %dma_wait3A_197 = arith.constant 0 : i32
      %dma_wait3A_198 = arith.constant 0 : i32
      %dma_wait3A_199 = tpu.memref_slice %arg19[%dma_wait3A_197, %dma_wait3A_198] : memref<10112x32xf32, #tpu.memory_space<vmem_shared>> -> memref<10112x32xf32, #tpu.memory_space<vmem_shared>>
      tpu.wait_indirect_dma semaphore(%arg27 : memref<!tpu.dma_semaphore, #tpu.memory_space<semaphore_mem>>) src(%arg13 : memref<256x32xf32, #tpu.memory_space<vmem>>) dst(%dma_wait3A_199 : memref<10112x32xf32, #tpu.memory_space<vmem_shared>>)
      %dma_wait3A_200 = arith.constant 0 : i32
      %dma_wait3A_201 = tpu.memref_slice %arg11[%add3A_153, %dma_wait3A_200] : memref<40x256xi32, #tpu.memory_space<vmem>> -> memref<1x256xi32, #tpu.memory_space<vmem>>
      %dma_wait3A_202 = tpu.memref_squeeze %dma_wait3A_201 : memref<1x256xi32, #tpu.memory_space<vmem>> -> memref<256xi32, #tpu.memory_space<vmem>>
      %dma_wait3A_203 = arith.constant 0 : i32
      %dma_wait3A_204 = arith.constant 0 : i32
      %dma_wait3A_205 = tpu.memref_slice %arg19[%dma_wait3A_203, %dma_wait3A_204] : memref<10112x32xf32, #tpu.memory_space<vmem_shared>> -> memref<10112x32xf32, #tpu.memory_space<vmem_shared>>
      tpu.wait_indirect_dma semaphore(%arg28 : memref<!tpu.dma_semaphore, #tpu.memory_space<semaphore_mem>>) src(%arg14 : memref<256x32xf32, #tpu.memory_space<vmem>>) dst(%dma_wait3A_205 : memref<10112x32xf32, #tpu.memory_space<vmem_shared>>)
      %dma_wait3A_206 = arith.constant 0 : i32
      %dma_wait3A_207 = tpu.memref_slice %arg11[%add3A_167, %dma_wait3A_206] : memref<40x256xi32, #tpu.memory_space<vmem>> -> memref<1x256xi32, #tpu.memory_space<vmem>>
      %dma_wait3A_208 = tpu.memref_squeeze %dma_wait3A_207 : memref<1x256xi32, #tpu.memory_space<vmem>> -> memref<256xi32, #tpu.memory_space<vmem>>
      %dma_wait3A_209 = arith.constant 0 : i32
      %dma_wait3A_210 = arith.constant 0 : i32
      %dma_wait3A_211 = tpu.memref_slice %arg19[%dma_wait3A_209, %dma_wait3A_210] : memref<10112x32xf32, #tpu.memory_space<vmem_shared>> -> memref<10112x32xf32, #tpu.memory_space<vmem_shared>>
      tpu.wait_indirect_dma semaphore(%arg29 : memref<!tpu.dma_semaphore, #tpu.memory_space<semaphore_mem>>) src(%arg15 : memref<256x32xf32, #tpu.memory_space<vmem>>) dst(%dma_wait3A_211 : memref<10112x32xf32, #tpu.memory_space<vmem_shared>>)
      %dma_wait3A_212 = arith.constant 0 : i32
      %dma_wait3A_213 = tpu.memref_slice %arg11[%add3A_181, %dma_wait3A_212] : memref<40x256xi32, #tpu.memory_space<vmem>> -> memref<1x256xi32, #tpu.memory_space<vmem>>
      %dma_wait3A_214 = tpu.memref_squeeze %dma_wait3A_213 : memref<1x256xi32, #tpu.memory_space<vmem>> -> memref<256xi32, #tpu.memory_space<vmem>>
      %dma_wait3A_215 = arith.constant 0 : i32
      %dma_wait3A_216 = arith.constant 0 : i32
      %dma_wait3A_217 = tpu.memref_slice %arg19[%dma_wait3A_215, %dma_wait3A_216] : memref<10112x32xf32, #tpu.memory_space<vmem_shared>> -> memref<10112x32xf32, #tpu.memory_space<vmem_shared>>
      tpu.wait_indirect_dma semaphore(%arg30 : memref<!tpu.dma_semaphore, #tpu.memory_space<semaphore_mem>>) src(%arg16 : memref<256x32xf32, #tpu.memory_space<vmem>>) dst(%dma_wait3A_217 : memref<10112x32xf32, #tpu.memory_space<vmem_shared>>)
    }
    %scan3A_13 = arith.constant 8 : i32
    %barrier3A_14 = arith.constant 0 : index
    tpu.barrier barrier_id(%barrier3A_14)
    %add3A_15 = arith.constant 0 : i32
    %add3A_16 = arith.addi %add3A_15, %arg0 : i32
    "tpu.region"() ({
      %run_scoped3A = tpu.sem_alloc : memref<!tpu.dma_semaphore, #tpu.memory_space<semaphore_mem>>
      %dma_start3A = arith.constant 0 : i32
      %dma_start3A_77 = tpu.memref_slice %arg8[%add3A_16, %mul3A_0, %dma_start3A] : memref<8x10112x32xf32, #tpu.memory_space<hbm>> -> memref<1x632x32xf32, #tpu.memory_space<hbm>>
      %dma_start3A_78 = tpu.memref_squeeze %dma_start3A_77 : memref<1x632x32xf32, #tpu.memory_space<hbm>> -> memref<632x32xf32, #tpu.memory_space<hbm>>
      %dma_start3A_79 = arith.constant 0 : i32
      %dma_start3A_80 = tpu.memref_slice %arg19[%mul3A_0, %dma_start3A_79] : memref<10112x32xf32, #tpu.memory_space<vmem_shared>> -> memref<632x32xf32, #tpu.memory_space<vmem_shared>>
      tpu.enqueue_dma source(%dma_start3A_80 : memref<632x32xf32, #tpu.memory_space<vmem_shared>>) target(%dma_start3A_78 : memref<632x32xf32, #tpu.memory_space<hbm>>) target_semaphore(%run_scoped3A : memref<!tpu.dma_semaphore, #tpu.memory_space<semaphore_mem>>)
      %dma_wait3A = arith.constant 0 : i32
      %dma_wait3A_81 = tpu.memref_slice %arg8[%add3A_16, %mul3A_0, %dma_wait3A] : memref<8x10112x32xf32, #tpu.memory_space<hbm>> -> memref<1x632x32xf32, #tpu.memory_space<hbm>>
      %dma_wait3A_82 = tpu.memref_squeeze %dma_wait3A_81 : memref<1x632x32xf32, #tpu.memory_space<hbm>> -> memref<632x32xf32, #tpu.memory_space<hbm>>
      %dma_wait3A_83 = arith.constant 0 : i32
      %dma_wait3A_84 = tpu.memref_slice %arg19[%mul3A_0, %dma_wait3A_83] : memref<10112x32xf32, #tpu.memory_space<vmem_shared>> -> memref<632x32xf32, #tpu.memory_space<vmem_shared>>
      tpu.wait_dma2 semaphore(%run_scoped3A : memref<!tpu.dma_semaphore, #tpu.memory_space<semaphore_mem>>) src(%dma_wait3A_84 : memref<632x32xf32, #tpu.memory_space<vmem_shared>>) dst(%dma_wait3A_82 : memref<632x32xf32, #tpu.memory_space<hbm>>)
      tpu.yield
    }) : () -> ()
    %barrier3A_17 = arith.constant 0 : index
    tpu.barrier barrier_id(%barrier3A_17)
    %add3A_18 = arith.constant 2 : i32
    %add3A_19 = arith.addi %add3A_18, %arg0 : i32
    %mul3A_20 = arith.constant 10000 : i32
    %mul3A_21 = arith.muli %add3A_19, %mul3A_20 : i32
    %mul3A_22 = arith.constant 625 : i32
    %mul3A_23 = arith.muli %mul3A_22, %arg1 : i32
    %add3A_24 = arith.addi %mul3A_21, %mul3A_23 : i32
    %mul3A_25 = arith.constant 625 : i32
    %mul3A_26 = arith.muli %mul3A_25, %arg1 : i32
    "tpu.region"() ({
      %run_scoped3A = tpu.sem_alloc : memref<!tpu.dma_semaphore, #tpu.memory_space<semaphore_mem>>
      %dma_start3A = arith.constant 0 : i32
      %dma_start3A_77 = tpu.memref_slice %arg18[%mul3A_26, %dma_start3A] : memref<10000x32xf32, #tpu.memory_space<vmem_shared>> -> memref<625x32xf32, #tpu.memory_space<vmem_shared>>
      %dma_start3A_78 = arith.constant 0 : i32
      %dma_start3A_79 = tpu.memref_slice %arg2[%add3A_24, %dma_start3A_78] : memref<80000x32xf32, #tpu.memory_space<hbm>> -> memref<625x32xf32, #tpu.memory_space<hbm>>
      tpu.enqueue_dma source(%dma_start3A_79 : memref<625x32xf32, #tpu.memory_space<hbm>>) target(%dma_start3A_77 : memref<625x32xf32, #tpu.memory_space<vmem_shared>>) target_semaphore(%run_scoped3A : memref<!tpu.dma_semaphore, #tpu.memory_space<semaphore_mem>>)
      %dma_wait3A = arith.constant 0 : i32
      %dma_wait3A_80 = tpu.memref_slice %arg18[%mul3A_26, %dma_wait3A] : memref<10000x32xf32, #tpu.memory_space<vmem_shared>> -> memref<625x32xf32, #tpu.memory_space<vmem_shared>>
      %dma_wait3A_81 = arith.constant 0 : i32
      %dma_wait3A_82 = tpu.memref_slice %arg2[%add3A_24, %dma_wait3A_81] : memref<80000x32xf32, #tpu.memory_space<hbm>> -> memref<625x32xf32, #tpu.memory_space<hbm>>
      tpu.wait_dma2 semaphore(%run_scoped3A : memref<!tpu.dma_semaphore, #tpu.memory_space<semaphore_mem>>) src(%dma_wait3A_82 : memref<625x32xf32, #tpu.memory_space<hbm>>) dst(%dma_wait3A_80 : memref<625x32xf32, #tpu.memory_space<vmem_shared>>)
      tpu.yield
    }) : () -> ()
    "tpu.region"() ({
      %run_scoped3A = tpu.sem_alloc : memref<!tpu.dma_semaphore, #tpu.memory_space<semaphore_mem>>
      %dma_start3A = arith.constant 0 : i32
      %dma_start3A_77 = tpu.memref_slice %arg19[%mul3A_0, %dma_start3A] : memref<10112x32xf32, #tpu.memory_space<vmem_shared>> -> memref<632x32xf32, #tpu.memory_space<vmem_shared>>
      tpu.enqueue_dma source(%arg5 : memref<632x32xf32, #tpu.memory_space<hbm>>) target(%dma_start3A_77 : memref<632x32xf32, #tpu.memory_space<vmem_shared>>) target_semaphore(%run_scoped3A : memref<!tpu.dma_semaphore, #tpu.memory_space<semaphore_mem>>)
      %dma_wait3A = arith.constant 0 : i32
      %dma_wait3A_78 = tpu.memref_slice %arg19[%mul3A_0, %dma_wait3A] : memref<10112x32xf32, #tpu.memory_space<vmem_shared>> -> memref<632x32xf32, #tpu.memory_space<vmem_shared>>
      tpu.wait_dma2 semaphore(%run_scoped3A : memref<!tpu.dma_semaphore, #tpu.memory_space<semaphore_mem>>) src(%arg5 : memref<632x32xf32, #tpu.memory_space<hbm>>) dst(%dma_wait3A_78 : memref<632x32xf32, #tpu.memory_space<vmem_shared>>)
      tpu.yield
    }) : () -> ()
    %barrier3A_27 = arith.constant 0 : index
    tpu.barrier barrier_id(%barrier3A_27)
    %scan3A_28 = arith.constant 0 : i32
    %scan3A_29 = arith.constant 0 : i32
    %scan3A_30 = arith.constant 8 : i32
    %scan3A_31 = arith.addi %scan3A_29, %scan3A_30 : i32
    %scan3A_32 = arith.constant 1 : i32
    scf.for %scan3A_77 = %scan3A_29 to %scan3A_31 step %scan3A_32  : i32 {
      %mul3A_78 = arith.constant 5 : i32
      %mul3A_79 = arith.muli %scan3A_77, %mul3A_78 : i32
      %add3A_80 = arith.constant 0 : i32
      %add3A_81 = arith.addi %mul3A_79, %add3A_80 : i32
      %dma_start3A = arith.constant 0 : i32
      %dma_start3A_82 = tpu.memref_slice %arg10[%add3A_81, %dma_start3A] : memref<40x256xi32, #tpu.memory_space<vmem>> -> memref<1x256xi32, #tpu.memory_space<vmem>>
      %dma_start3A_83 = tpu.memref_squeeze %dma_start3A_82 : memref<1x256xi32, #tpu.memory_space<vmem>> -> memref<256xi32, #tpu.memory_space<vmem>>
      %dma_start3A_84 = arith.constant 0 : i32
      %dma_start3A_85 = arith.constant 0 : i32
      %dma_start3A_86 = tpu.memref_slice %arg18[%dma_start3A_84, %dma_start3A_85] : memref<10000x32xf32, #tpu.memory_space<vmem_shared>> -> memref<10000x32xf32, #tpu.memory_space<vmem_shared>>
      tpu.enqueue_indirect_dma source(%dma_start3A_86 : memref<10000x32xf32, #tpu.memory_space<vmem_shared>>) target(%arg12 : memref<256x32xf32, #tpu.memory_space<vmem>>) offsets(%dma_start3A_83 : memref<256xi32, #tpu.memory_space<vmem>>) semaphore(%arg21 : memref<!tpu.dma_semaphore, #tpu.memory_space<semaphore_mem>>)
      %add3A_87 = arith.constant 1 : i32
      %add3A_88 = arith.addi %mul3A_79, %add3A_87 : i32
      %dma_start3A_89 = arith.constant 0 : i32
      %dma_start3A_90 = tpu.memref_slice %arg10[%add3A_88, %dma_start3A_89] : memref<40x256xi32, #tpu.memory_space<vmem>> -> memref<1x256xi32, #tpu.memory_space<vmem>>
      %dma_start3A_91 = tpu.memref_squeeze %dma_start3A_90 : memref<1x256xi32, #tpu.memory_space<vmem>> -> memref<256xi32, #tpu.memory_space<vmem>>
      %dma_start3A_92 = arith.constant 0 : i32
      %dma_start3A_93 = arith.constant 0 : i32
      %dma_start3A_94 = tpu.memref_slice %arg18[%dma_start3A_92, %dma_start3A_93] : memref<10000x32xf32, #tpu.memory_space<vmem_shared>> -> memref<10000x32xf32, #tpu.memory_space<vmem_shared>>
      tpu.enqueue_indirect_dma source(%dma_start3A_94 : memref<10000x32xf32, #tpu.memory_space<vmem_shared>>) target(%arg13 : memref<256x32xf32, #tpu.memory_space<vmem>>) offsets(%dma_start3A_91 : memref<256xi32, #tpu.memory_space<vmem>>) semaphore(%arg22 : memref<!tpu.dma_semaphore, #tpu.memory_space<semaphore_mem>>)
      %add3A_95 = arith.constant 2 : i32
      %add3A_96 = arith.addi %mul3A_79, %add3A_95 : i32
      %dma_start3A_97 = arith.constant 0 : i32
      %dma_start3A_98 = tpu.memref_slice %arg10[%add3A_96, %dma_start3A_97] : memref<40x256xi32, #tpu.memory_space<vmem>> -> memref<1x256xi32, #tpu.memory_space<vmem>>
      %dma_start3A_99 = tpu.memref_squeeze %dma_start3A_98 : memref<1x256xi32, #tpu.memory_space<vmem>> -> memref<256xi32, #tpu.memory_space<vmem>>
      %dma_start3A_100 = arith.constant 0 : i32
      %dma_start3A_101 = arith.constant 0 : i32
      %dma_start3A_102 = tpu.memref_slice %arg18[%dma_start3A_100, %dma_start3A_101] : memref<10000x32xf32, #tpu.memory_space<vmem_shared>> -> memref<10000x32xf32, #tpu.memory_space<vmem_shared>>
      tpu.enqueue_indirect_dma source(%dma_start3A_102 : memref<10000x32xf32, #tpu.memory_space<vmem_shared>>) target(%arg14 : memref<256x32xf32, #tpu.memory_space<vmem>>) offsets(%dma_start3A_99 : memref<256xi32, #tpu.memory_space<vmem>>) semaphore(%arg23 : memref<!tpu.dma_semaphore, #tpu.memory_space<semaphore_mem>>)
      %add3A_103 = arith.constant 3 : i32
      %add3A_104 = arith.addi %mul3A_79, %add3A_103 : i32
      %dma_start3A_105 = arith.constant 0 : i32
      %dma_start3A_106 = tpu.memref_slice %arg10[%add3A_104, %dma_start3A_105] : memref<40x256xi32, #tpu.memory_space<vmem>> -> memref<1x256xi32, #tpu.memory_space<vmem>>
      %dma_start3A_107 = tpu.memref_squeeze %dma_start3A_106 : memref<1x256xi32, #tpu.memory_space<vmem>> -> memref<256xi32, #tpu.memory_space<vmem>>
      %dma_start3A_108 = arith.constant 0 : i32
      %dma_start3A_109 = arith.constant 0 : i32
      %dma_start3A_110 = tpu.memref_slice %arg18[%dma_start3A_108, %dma_start3A_109] : memref<10000x32xf32, #tpu.memory_space<vmem_shared>> -> memref<10000x32xf32, #tpu.memory_space<vmem_shared>>
      tpu.enqueue_indirect_dma source(%dma_start3A_110 : memref<10000x32xf32, #tpu.memory_space<vmem_shared>>) target(%arg15 : memref<256x32xf32, #tpu.memory_space<vmem>>) offsets(%dma_start3A_107 : memref<256xi32, #tpu.memory_space<vmem>>) semaphore(%arg24 : memref<!tpu.dma_semaphore, #tpu.memory_space<semaphore_mem>>)
      %add3A_111 = arith.constant 4 : i32
      %add3A_112 = arith.addi %mul3A_79, %add3A_111 : i32
      %dma_start3A_113 = arith.constant 0 : i32
      %dma_start3A_114 = tpu.memref_slice %arg10[%add3A_112, %dma_start3A_113] : memref<40x256xi32, #tpu.memory_space<vmem>> -> memref<1x256xi32, #tpu.memory_space<vmem>>
      %dma_start3A_115 = tpu.memref_squeeze %dma_start3A_114 : memref<1x256xi32, #tpu.memory_space<vmem>> -> memref<256xi32, #tpu.memory_space<vmem>>
      %dma_start3A_116 = arith.constant 0 : i32
      %dma_start3A_117 = arith.constant 0 : i32
      %dma_start3A_118 = tpu.memref_slice %arg18[%dma_start3A_116, %dma_start3A_117] : memref<10000x32xf32, #tpu.memory_space<vmem_shared>> -> memref<10000x32xf32, #tpu.memory_space<vmem_shared>>
      tpu.enqueue_indirect_dma source(%dma_start3A_118 : memref<10000x32xf32, #tpu.memory_space<vmem_shared>>) target(%arg16 : memref<256x32xf32, #tpu.memory_space<vmem>>) offsets(%dma_start3A_115 : memref<256xi32, #tpu.memory_space<vmem>>) semaphore(%arg25 : memref<!tpu.dma_semaphore, #tpu.memory_space<semaphore_mem>>)
      %dma_wait3A = arith.constant 0 : i32
      %dma_wait3A_119 = tpu.memref_slice %arg10[%add3A_81, %dma_wait3A] : memref<40x256xi32, #tpu.memory_space<vmem>> -> memref<1x256xi32, #tpu.memory_space<vmem>>
      %dma_wait3A_120 = tpu.memref_squeeze %dma_wait3A_119 : memref<1x256xi32, #tpu.memory_space<vmem>> -> memref<256xi32, #tpu.memory_space<vmem>>
      %dma_wait3A_121 = arith.constant 0 : i32
      %dma_wait3A_122 = arith.constant 0 : i32
      %dma_wait3A_123 = tpu.memref_slice %arg18[%dma_wait3A_121, %dma_wait3A_122] : memref<10000x32xf32, #tpu.memory_space<vmem_shared>> -> memref<10000x32xf32, #tpu.memory_space<vmem_shared>>
      tpu.wait_indirect_dma semaphore(%arg21 : memref<!tpu.dma_semaphore, #tpu.memory_space<semaphore_mem>>) src(%dma_wait3A_123 : memref<10000x32xf32, #tpu.memory_space<vmem_shared>>) dst(%arg12 : memref<256x32xf32, #tpu.memory_space<vmem>>)
      %add3A_124 = arith.constant 0 : i32
      %add3A_125 = arith.addi %mul3A_79, %add3A_124 : i32
      %dma_start3A_126 = arith.constant 0 : i32
      %dma_start3A_127 = tpu.memref_slice %arg11[%add3A_125, %dma_start3A_126] : memref<40x256xi32, #tpu.memory_space<vmem>> -> memref<1x256xi32, #tpu.memory_space<vmem>>
      %dma_start3A_128 = tpu.memref_squeeze %dma_start3A_127 : memref<1x256xi32, #tpu.memory_space<vmem>> -> memref<256xi32, #tpu.memory_space<vmem>>
      %dma_start3A_129 = arith.constant 0 : i32
      %dma_start3A_130 = arith.constant 0 : i32
      %dma_start3A_131 = tpu.memref_slice %arg19[%dma_start3A_129, %dma_start3A_130] : memref<10112x32xf32, #tpu.memory_space<vmem_shared>> -> memref<10112x32xf32, #tpu.memory_space<vmem_shared>>
      tpu.enqueue_indirect_dma source(%arg12 : memref<256x32xf32, #tpu.memory_space<vmem>>) target(%dma_start3A_131 : memref<10112x32xf32, #tpu.memory_space<vmem_shared>>) offsets(%dma_start3A_128 : memref<256xi32, #tpu.memory_space<vmem>>) semaphore(%arg26 : memref<!tpu.dma_semaphore, #tpu.memory_space<semaphore_mem>>) {add = true}
      %dma_wait3A_132 = arith.constant 0 : i32
      %dma_wait3A_133 = tpu.memref_slice %arg10[%add3A_88, %dma_wait3A_132] : memref<40x256xi32, #tpu.memory_space<vmem>> -> memref<1x256xi32, #tpu.memory_space<vmem>>
      %dma_wait3A_134 = tpu.memref_squeeze %dma_wait3A_133 : memref<1x256xi32, #tpu.memory_space<vmem>> -> memref<256xi32, #tpu.memory_space<vmem>>
      %dma_wait3A_135 = arith.constant 0 : i32
      %dma_wait3A_136 = arith.constant 0 : i32
      %dma_wait3A_137 = tpu.memref_slice %arg18[%dma_wait3A_135, %dma_wait3A_136] : memref<10000x32xf32, #tpu.memory_space<vmem_shared>> -> memref<10000x32xf32, #tpu.memory_space<vmem_shared>>
      tpu.wait_indirect_dma semaphore(%arg22 : memref<!tpu.dma_semaphore, #tpu.memory_space<semaphore_mem>>) src(%dma_wait3A_137 : memref<10000x32xf32, #tpu.memory_space<vmem_shared>>) dst(%arg13 : memref<256x32xf32, #tpu.memory_space<vmem>>)
      %add3A_138 = arith.constant 1 : i32
      %add3A_139 = arith.addi %mul3A_79, %add3A_138 : i32
      %dma_start3A_140 = arith.constant 0 : i32
      %dma_start3A_141 = tpu.memref_slice %arg11[%add3A_139, %dma_start3A_140] : memref<40x256xi32, #tpu.memory_space<vmem>> -> memref<1x256xi32, #tpu.memory_space<vmem>>
      %dma_start3A_142 = tpu.memref_squeeze %dma_start3A_141 : memref<1x256xi32, #tpu.memory_space<vmem>> -> memref<256xi32, #tpu.memory_space<vmem>>
      %dma_start3A_143 = arith.constant 0 : i32
      %dma_start3A_144 = arith.constant 0 : i32
      %dma_start3A_145 = tpu.memref_slice %arg19[%dma_start3A_143, %dma_start3A_144] : memref<10112x32xf32, #tpu.memory_space<vmem_shared>> -> memref<10112x32xf32, #tpu.memory_space<vmem_shared>>
      tpu.enqueue_indirect_dma source(%arg13 : memref<256x32xf32, #tpu.memory_space<vmem>>) target(%dma_start3A_145 : memref<10112x32xf32, #tpu.memory_space<vmem_shared>>) offsets(%dma_start3A_142 : memref<256xi32, #tpu.memory_space<vmem>>) semaphore(%arg27 : memref<!tpu.dma_semaphore, #tpu.memory_space<semaphore_mem>>) {add = true}
      %dma_wait3A_146 = arith.constant 0 : i32
      %dma_wait3A_147 = tpu.memref_slice %arg10[%add3A_96, %dma_wait3A_146] : memref<40x256xi32, #tpu.memory_space<vmem>> -> memref<1x256xi32, #tpu.memory_space<vmem>>
      %dma_wait3A_148 = tpu.memref_squeeze %dma_wait3A_147 : memref<1x256xi32, #tpu.memory_space<vmem>> -> memref<256xi32, #tpu.memory_space<vmem>>
      %dma_wait3A_149 = arith.constant 0 : i32
      %dma_wait3A_150 = arith.constant 0 : i32
      %dma_wait3A_151 = tpu.memref_slice %arg18[%dma_wait3A_149, %dma_wait3A_150] : memref<10000x32xf32, #tpu.memory_space<vmem_shared>> -> memref<10000x32xf32, #tpu.memory_space<vmem_shared>>
      tpu.wait_indirect_dma semaphore(%arg23 : memref<!tpu.dma_semaphore, #tpu.memory_space<semaphore_mem>>) src(%dma_wait3A_151 : memref<10000x32xf32, #tpu.memory_space<vmem_shared>>) dst(%arg14 : memref<256x32xf32, #tpu.memory_space<vmem>>)
      %add3A_152 = arith.constant 2 : i32
      %add3A_153 = arith.addi %mul3A_79, %add3A_152 : i32
      %dma_start3A_154 = arith.constant 0 : i32
      %dma_start3A_155 = tpu.memref_slice %arg11[%add3A_153, %dma_start3A_154] : memref<40x256xi32, #tpu.memory_space<vmem>> -> memref<1x256xi32, #tpu.memory_space<vmem>>
      %dma_start3A_156 = tpu.memref_squeeze %dma_start3A_155 : memref<1x256xi32, #tpu.memory_space<vmem>> -> memref<256xi32, #tpu.memory_space<vmem>>
      %dma_start3A_157 = arith.constant 0 : i32
      %dma_start3A_158 = arith.constant 0 : i32
      %dma_start3A_159 = tpu.memref_slice %arg19[%dma_start3A_157, %dma_start3A_158] : memref<10112x32xf32, #tpu.memory_space<vmem_shared>> -> memref<10112x32xf32, #tpu.memory_space<vmem_shared>>
      tpu.enqueue_indirect_dma source(%arg14 : memref<256x32xf32, #tpu.memory_space<vmem>>) target(%dma_start3A_159 : memref<10112x32xf32, #tpu.memory_space<vmem_shared>>) offsets(%dma_start3A_156 : memref<256xi32, #tpu.memory_space<vmem>>) semaphore(%arg28 : memref<!tpu.dma_semaphore, #tpu.memory_space<semaphore_mem>>) {add = true}
      %dma_wait3A_160 = arith.constant 0 : i32
      %dma_wait3A_161 = tpu.memref_slice %arg10[%add3A_104, %dma_wait3A_160] : memref<40x256xi32, #tpu.memory_space<vmem>> -> memref<1x256xi32, #tpu.memory_space<vmem>>
      %dma_wait3A_162 = tpu.memref_squeeze %dma_wait3A_161 : memref<1x256xi32, #tpu.memory_space<vmem>> -> memref<256xi32, #tpu.memory_space<vmem>>
      %dma_wait3A_163 = arith.constant 0 : i32
      %dma_wait3A_164 = arith.constant 0 : i32
      %dma_wait3A_165 = tpu.memref_slice %arg18[%dma_wait3A_163, %dma_wait3A_164] : memref<10000x32xf32, #tpu.memory_space<vmem_shared>> -> memref<10000x32xf32, #tpu.memory_space<vmem_shared>>
      tpu.wait_indirect_dma semaphore(%arg24 : memref<!tpu.dma_semaphore, #tpu.memory_space<semaphore_mem>>) src(%dma_wait3A_165 : memref<10000x32xf32, #tpu.memory_space<vmem_shared>>) dst(%arg15 : memref<256x32xf32, #tpu.memory_space<vmem>>)
      %add3A_166 = arith.constant 3 : i32
      %add3A_167 = arith.addi %mul3A_79, %add3A_166 : i32
      %dma_start3A_168 = arith.constant 0 : i32
      %dma_start3A_169 = tpu.memref_slice %arg11[%add3A_167, %dma_start3A_168] : memref<40x256xi32, #tpu.memory_space<vmem>> -> memref<1x256xi32, #tpu.memory_space<vmem>>
      %dma_start3A_170 = tpu.memref_squeeze %dma_start3A_169 : memref<1x256xi32, #tpu.memory_space<vmem>> -> memref<256xi32, #tpu.memory_space<vmem>>
      %dma_start3A_171 = arith.constant 0 : i32
      %dma_start3A_172 = arith.constant 0 : i32
      %dma_start3A_173 = tpu.memref_slice %arg19[%dma_start3A_171, %dma_start3A_172] : memref<10112x32xf32, #tpu.memory_space<vmem_shared>> -> memref<10112x32xf32, #tpu.memory_space<vmem_shared>>
      tpu.enqueue_indirect_dma source(%arg15 : memref<256x32xf32, #tpu.memory_space<vmem>>) target(%dma_start3A_173 : memref<10112x32xf32, #tpu.memory_space<vmem_shared>>) offsets(%dma_start3A_170 : memref<256xi32, #tpu.memory_space<vmem>>) semaphore(%arg29 : memref<!tpu.dma_semaphore, #tpu.memory_space<semaphore_mem>>) {add = true}
      %dma_wait3A_174 = arith.constant 0 : i32
      %dma_wait3A_175 = tpu.memref_slice %arg10[%add3A_112, %dma_wait3A_174] : memref<40x256xi32, #tpu.memory_space<vmem>> -> memref<1x256xi32, #tpu.memory_space<vmem>>
      %dma_wait3A_176 = tpu.memref_squeeze %dma_wait3A_175 : memref<1x256xi32, #tpu.memory_space<vmem>> -> memref<256xi32, #tpu.memory_space<vmem>>
      %dma_wait3A_177 = arith.constant 0 : i32
      %dma_wait3A_178 = arith.constant 0 : i32
      %dma_wait3A_179 = tpu.memref_slice %arg18[%dma_wait3A_177, %dma_wait3A_178] : memref<10000x32xf32, #tpu.memory_space<vmem_shared>> -> memref<10000x32xf32, #tpu.memory_space<vmem_shared>>
      tpu.wait_indirect_dma semaphore(%arg25 : memref<!tpu.dma_semaphore, #tpu.memory_space<semaphore_mem>>) src(%dma_wait3A_179 : memref<10000x32xf32, #tpu.memory_space<vmem_shared>>) dst(%arg16 : memref<256x32xf32, #tpu.memory_space<vmem>>)
      %add3A_180 = arith.constant 4 : i32
      %add3A_181 = arith.addi %mul3A_79, %add3A_180 : i32
      %dma_start3A_182 = arith.constant 0 : i32
      %dma_start3A_183 = tpu.memref_slice %arg11[%add3A_181, %dma_start3A_182] : memref<40x256xi32, #tpu.memory_space<vmem>> -> memref<1x256xi32, #tpu.memory_space<vmem>>
      %dma_start3A_184 = tpu.memref_squeeze %dma_start3A_183 : memref<1x256xi32, #tpu.memory_space<vmem>> -> memref<256xi32, #tpu.memory_space<vmem>>
      %dma_start3A_185 = arith.constant 0 : i32
      %dma_start3A_186 = arith.constant 0 : i32
      %dma_start3A_187 = tpu.memref_slice %arg19[%dma_start3A_185, %dma_start3A_186] : memref<10112x32xf32, #tpu.memory_space<vmem_shared>> -> memref<10112x32xf32, #tpu.memory_space<vmem_shared>>
      tpu.enqueue_indirect_dma source(%arg16 : memref<256x32xf32, #tpu.memory_space<vmem>>) target(%dma_start3A_187 : memref<10112x32xf32, #tpu.memory_space<vmem_shared>>) offsets(%dma_start3A_184 : memref<256xi32, #tpu.memory_space<vmem>>) semaphore(%arg30 : memref<!tpu.dma_semaphore, #tpu.memory_space<semaphore_mem>>) {add = true}
      %dma_wait3A_188 = arith.constant 0 : i32
      %dma_wait3A_189 = tpu.memref_slice %arg11[%add3A_125, %dma_wait3A_188] : memref<40x256xi32, #tpu.memory_space<vmem>> -> memref<1x256xi32, #tpu.memory_space<vmem>>
      %dma_wait3A_190 = tpu.memref_squeeze %dma_wait3A_189 : memref<1x256xi32, #tpu.memory_space<vmem>> -> memref<256xi32, #tpu.memory_space<vmem>>
      %dma_wait3A_191 = arith.constant 0 : i32
      %dma_wait3A_192 = arith.constant 0 : i32
      %dma_wait3A_193 = tpu.memref_slice %arg19[%dma_wait3A_191, %dma_wait3A_192] : memref<10112x32xf32, #tpu.memory_space<vmem_shared>> -> memref<10112x32xf32, #tpu.memory_space<vmem_shared>>
      tpu.wait_indirect_dma semaphore(%arg26 : memref<!tpu.dma_semaphore, #tpu.memory_space<semaphore_mem>>) src(%arg12 : memref<256x32xf32, #tpu.memory_space<vmem>>) dst(%dma_wait3A_193 : memref<10112x32xf32, #tpu.memory_space<vmem_shared>>)
      %dma_wait3A_194 = arith.constant 0 : i32
      %dma_wait3A_195 = tpu.memref_slice %arg11[%add3A_139, %dma_wait3A_194] : memref<40x256xi32, #tpu.memory_space<vmem>> -> memref<1x256xi32, #tpu.memory_space<vmem>>
      %dma_wait3A_196 = tpu.memref_squeeze %dma_wait3A_195 : memref<1x256xi32, #tpu.memory_space<vmem>> -> memref<256xi32, #tpu.memory_space<vmem>>
      %dma_wait3A_197 = arith.constant 0 : i32
      %dma_wait3A_198 = arith.constant 0 : i32
      %dma_wait3A_199 = tpu.memref_slice %arg19[%dma_wait3A_197, %dma_wait3A_198] : memref<10112x32xf32, #tpu.memory_space<vmem_shared>> -> memref<10112x32xf32, #tpu.memory_space<vmem_shared>>
      tpu.wait_indirect_dma semaphore(%arg27 : memref<!tpu.dma_semaphore, #tpu.memory_space<semaphore_mem>>) src(%arg13 : memref<256x32xf32, #tpu.memory_space<vmem>>) dst(%dma_wait3A_199 : memref<10112x32xf32, #tpu.memory_space<vmem_shared>>)
      %dma_wait3A_200 = arith.constant 0 : i32
      %dma_wait3A_201 = tpu.memref_slice %arg11[%add3A_153, %dma_wait3A_200] : memref<40x256xi32, #tpu.memory_space<vmem>> -> memref<1x256xi32, #tpu.memory_space<vmem>>
      %dma_wait3A_202 = tpu.memref_squeeze %dma_wait3A_201 : memref<1x256xi32, #tpu.memory_space<vmem>> -> memref<256xi32, #tpu.memory_space<vmem>>
      %dma_wait3A_203 = arith.constant 0 : i32
      %dma_wait3A_204 = arith.constant 0 : i32
      %dma_wait3A_205 = tpu.memref_slice %arg19[%dma_wait3A_203, %dma_wait3A_204] : memref<10112x32xf32, #tpu.memory_space<vmem_shared>> -> memref<10112x32xf32, #tpu.memory_space<vmem_shared>>
      tpu.wait_indirect_dma semaphore(%arg28 : memref<!tpu.dma_semaphore, #tpu.memory_space<semaphore_mem>>) src(%arg14 : memref<256x32xf32, #tpu.memory_space<vmem>>) dst(%dma_wait3A_205 : memref<10112x32xf32, #tpu.memory_space<vmem_shared>>)
      %dma_wait3A_206 = arith.constant 0 : i32
      %dma_wait3A_207 = tpu.memref_slice %arg11[%add3A_167, %dma_wait3A_206] : memref<40x256xi32, #tpu.memory_space<vmem>> -> memref<1x256xi32, #tpu.memory_space<vmem>>
      %dma_wait3A_208 = tpu.memref_squeeze %dma_wait3A_207 : memref<1x256xi32, #tpu.memory_space<vmem>> -> memref<256xi32, #tpu.memory_space<vmem>>
      %dma_wait3A_209 = arith.constant 0 : i32
      %dma_wait3A_210 = arith.constant 0 : i32
      %dma_wait3A_211 = tpu.memref_slice %arg19[%dma_wait3A_209, %dma_wait3A_210] : memref<10112x32xf32, #tpu.memory_space<vmem_shared>> -> memref<10112x32xf32, #tpu.memory_space<vmem_shared>>
      tpu.wait_indirect_dma semaphore(%arg29 : memref<!tpu.dma_semaphore, #tpu.memory_space<semaphore_mem>>) src(%arg15 : memref<256x32xf32, #tpu.memory_space<vmem>>) dst(%dma_wait3A_211 : memref<10112x32xf32, #tpu.memory_space<vmem_shared>>)
      %dma_wait3A_212 = arith.constant 0 : i32
      %dma_wait3A_213 = tpu.memref_slice %arg11[%add3A_181, %dma_wait3A_212] : memref<40x256xi32, #tpu.memory_space<vmem>> -> memref<1x256xi32, #tpu.memory_space<vmem>>
      %dma_wait3A_214 = tpu.memref_squeeze %dma_wait3A_213 : memref<1x256xi32, #tpu.memory_space<vmem>> -> memref<256xi32, #tpu.memory_space<vmem>>
      %dma_wait3A_215 = arith.constant 0 : i32
      %dma_wait3A_216 = arith.constant 0 : i32
      %dma_wait3A_217 = tpu.memref_slice %arg19[%dma_wait3A_215, %dma_wait3A_216] : memref<10112x32xf32, #tpu.memory_space<vmem_shared>> -> memref<10112x32xf32, #tpu.memory_space<vmem_shared>>
      tpu.wait_indirect_dma semaphore(%arg30 : memref<!tpu.dma_semaphore, #tpu.memory_space<semaphore_mem>>) src(%arg16 : memref<256x32xf32, #tpu.memory_space<vmem>>) dst(%dma_wait3A_217 : memref<10112x32xf32, #tpu.memory_space<vmem_shared>>)
    }
    %scan3A_33 = arith.constant 8 : i32
    %barrier3A_34 = arith.constant 0 : index
    tpu.barrier barrier_id(%barrier3A_34)
    %add3A_35 = arith.constant 2 : i32
    %add3A_36 = arith.addi %add3A_35, %arg0 : i32
    "tpu.region"() ({
      %run_scoped3A = tpu.sem_alloc : memref<!tpu.dma_semaphore, #tpu.memory_space<semaphore_mem>>
      %dma_start3A = arith.constant 0 : i32
      %dma_start3A_77 = tpu.memref_slice %arg8[%add3A_36, %mul3A_0, %dma_start3A] : memref<8x10112x32xf32, #tpu.memory_space<hbm>> -> memref<1x632x32xf32, #tpu.memory_space<hbm>>
      %dma_start3A_78 = tpu.memref_squeeze %dma_start3A_77 : memref<1x632x32xf32, #tpu.memory_space<hbm>> -> memref<632x32xf32, #tpu.memory_space<hbm>>
      %dma_start3A_79 = arith.constant 0 : i32
      %dma_start3A_80 = tpu.memref_slice %arg19[%mul3A_0, %dma_start3A_79] : memref<10112x32xf32, #tpu.memory_space<vmem_shared>> -> memref<632x32xf32, #tpu.memory_space<vmem_shared>>
      tpu.enqueue_dma source(%dma_start3A_80 : memref<632x32xf32, #tpu.memory_space<vmem_shared>>) target(%dma_start3A_78 : memref<632x32xf32, #tpu.memory_space<hbm>>) target_semaphore(%run_scoped3A : memref<!tpu.dma_semaphore, #tpu.memory_space<semaphore_mem>>)
      %dma_wait3A = arith.constant 0 : i32
      %dma_wait3A_81 = tpu.memref_slice %arg8[%add3A_36, %mul3A_0, %dma_wait3A] : memref<8x10112x32xf32, #tpu.memory_space<hbm>> -> memref<1x632x32xf32, #tpu.memory_space<hbm>>
      %dma_wait3A_82 = tpu.memref_squeeze %dma_wait3A_81 : memref<1x632x32xf32, #tpu.memory_space<hbm>> -> memref<632x32xf32, #tpu.memory_space<hbm>>
      %dma_wait3A_83 = arith.constant 0 : i32
      %dma_wait3A_84 = tpu.memref_slice %arg19[%mul3A_0, %dma_wait3A_83] : memref<10112x32xf32, #tpu.memory_space<vmem_shared>> -> memref<632x32xf32, #tpu.memory_space<vmem_shared>>
      tpu.wait_dma2 semaphore(%run_scoped3A : memref<!tpu.dma_semaphore, #tpu.memory_space<semaphore_mem>>) src(%dma_wait3A_84 : memref<632x32xf32, #tpu.memory_space<vmem_shared>>) dst(%dma_wait3A_82 : memref<632x32xf32, #tpu.memory_space<hbm>>)
      tpu.yield
    }) : () -> ()
    %barrier3A_37 = arith.constant 0 : index
    tpu.barrier barrier_id(%barrier3A_37)
    %add3A_38 = arith.constant 4 : i32
    %add3A_39 = arith.addi %add3A_38, %arg0 : i32
    %mul3A_40 = arith.constant 10000 : i32
    %mul3A_41 = arith.muli %add3A_39, %mul3A_40 : i32
    %mul3A_42 = arith.constant 625 : i32
    %mul3A_43 = arith.muli %mul3A_42, %arg1 : i32
    %add3A_44 = arith.addi %mul3A_41, %mul3A_43 : i32
    %mul3A_45 = arith.constant 625 : i32
    %mul3A_46 = arith.muli %mul3A_45, %arg1 : i32
    "tpu.region"() ({
      %run_scoped3A = tpu.sem_alloc : memref<!tpu.dma_semaphore, #tpu.memory_space<semaphore_mem>>
      %dma_start3A = arith.constant 0 : i32
      %dma_start3A_77 = tpu.memref_slice %arg18[%mul3A_46, %dma_start3A] : memref<10000x32xf32, #tpu.memory_space<vmem_shared>> -> memref<625x32xf32, #tpu.memory_space<vmem_shared>>
      %dma_start3A_78 = arith.constant 0 : i32
      %dma_start3A_79 = tpu.memref_slice %arg2[%add3A_44, %dma_start3A_78] : memref<80000x32xf32, #tpu.memory_space<hbm>> -> memref<625x32xf32, #tpu.memory_space<hbm>>
      tpu.enqueue_dma source(%dma_start3A_79 : memref<625x32xf32, #tpu.memory_space<hbm>>) target(%dma_start3A_77 : memref<625x32xf32, #tpu.memory_space<vmem_shared>>) target_semaphore(%run_scoped3A : memref<!tpu.dma_semaphore, #tpu.memory_space<semaphore_mem>>)
      %dma_wait3A = arith.constant 0 : i32
      %dma_wait3A_80 = tpu.memref_slice %arg18[%mul3A_46, %dma_wait3A] : memref<10000x32xf32, #tpu.memory_space<vmem_shared>> -> memref<625x32xf32, #tpu.memory_space<vmem_shared>>
      %dma_wait3A_81 = arith.constant 0 : i32
      %dma_wait3A_82 = tpu.memref_slice %arg2[%add3A_44, %dma_wait3A_81] : memref<80000x32xf32, #tpu.memory_space<hbm>> -> memref<625x32xf32, #tpu.memory_space<hbm>>
      tpu.wait_dma2 semaphore(%run_scoped3A : memref<!tpu.dma_semaphore, #tpu.memory_space<semaphore_mem>>) src(%dma_wait3A_82 : memref<625x32xf32, #tpu.memory_space<hbm>>) dst(%dma_wait3A_80 : memref<625x32xf32, #tpu.memory_space<vmem_shared>>)
      tpu.yield
    }) : () -> ()
    "tpu.region"() ({
      %run_scoped3A = tpu.sem_alloc : memref<!tpu.dma_semaphore, #tpu.memory_space<semaphore_mem>>
      %dma_start3A = arith.constant 0 : i32
      %dma_start3A_77 = tpu.memref_slice %arg19[%mul3A_0, %dma_start3A] : memref<10112x32xf32, #tpu.memory_space<vmem_shared>> -> memref<632x32xf32, #tpu.memory_space<vmem_shared>>
      tpu.enqueue_dma source(%arg5 : memref<632x32xf32, #tpu.memory_space<hbm>>) target(%dma_start3A_77 : memref<632x32xf32, #tpu.memory_space<vmem_shared>>) target_semaphore(%run_scoped3A : memref<!tpu.dma_semaphore, #tpu.memory_space<semaphore_mem>>)
      %dma_wait3A = arith.constant 0 : i32
      %dma_wait3A_78 = tpu.memref_slice %arg19[%mul3A_0, %dma_wait3A] : memref<10112x32xf32, #tpu.memory_space<vmem_shared>> -> memref<632x32xf32, #tpu.memory_space<vmem_shared>>
      tpu.wait_dma2 semaphore(%run_scoped3A : memref<!tpu.dma_semaphore, #tpu.memory_space<semaphore_mem>>) src(%arg5 : memref<632x32xf32, #tpu.memory_space<hbm>>) dst(%dma_wait3A_78 : memref<632x32xf32, #tpu.memory_space<vmem_shared>>)
      tpu.yield
    }) : () -> ()
    %barrier3A_47 = arith.constant 0 : index
    tpu.barrier barrier_id(%barrier3A_47)
    %scan3A_48 = arith.constant 0 : i32
    %scan3A_49 = arith.constant 0 : i32
    %scan3A_50 = arith.constant 8 : i32
    %scan3A_51 = arith.addi %scan3A_49, %scan3A_50 : i32
    %scan3A_52 = arith.constant 1 : i32
    scf.for %scan3A_77 = %scan3A_49 to %scan3A_51 step %scan3A_52  : i32 {
      %mul3A_78 = arith.constant 5 : i32
      %mul3A_79 = arith.muli %scan3A_77, %mul3A_78 : i32
      %add3A_80 = arith.constant 0 : i32
      %add3A_81 = arith.addi %mul3A_79, %add3A_80 : i32
      %dma_start3A = arith.constant 0 : i32
      %dma_start3A_82 = tpu.memref_slice %arg10[%add3A_81, %dma_start3A] : memref<40x256xi32, #tpu.memory_space<vmem>> -> memref<1x256xi32, #tpu.memory_space<vmem>>
      %dma_start3A_83 = tpu.memref_squeeze %dma_start3A_82 : memref<1x256xi32, #tpu.memory_space<vmem>> -> memref<256xi32, #tpu.memory_space<vmem>>
      %dma_start3A_84 = arith.constant 0 : i32
      %dma_start3A_85 = arith.constant 0 : i32
      %dma_start3A_86 = tpu.memref_slice %arg18[%dma_start3A_84, %dma_start3A_85] : memref<10000x32xf32, #tpu.memory_space<vmem_shared>> -> memref<10000x32xf32, #tpu.memory_space<vmem_shared>>
      tpu.enqueue_indirect_dma source(%dma_start3A_86 : memref<10000x32xf32, #tpu.memory_space<vmem_shared>>) target(%arg12 : memref<256x32xf32, #tpu.memory_space<vmem>>) offsets(%dma_start3A_83 : memref<256xi32, #tpu.memory_space<vmem>>) semaphore(%arg21 : memref<!tpu.dma_semaphore, #tpu.memory_space<semaphore_mem>>)
      %add3A_87 = arith.constant 1 : i32
      %add3A_88 = arith.addi %mul3A_79, %add3A_87 : i32
      %dma_start3A_89 = arith.constant 0 : i32
      %dma_start3A_90 = tpu.memref_slice %arg10[%add3A_88, %dma_start3A_89] : memref<40x256xi32, #tpu.memory_space<vmem>> -> memref<1x256xi32, #tpu.memory_space<vmem>>
      %dma_start3A_91 = tpu.memref_squeeze %dma_start3A_90 : memref<1x256xi32, #tpu.memory_space<vmem>> -> memref<256xi32, #tpu.memory_space<vmem>>
      %dma_start3A_92 = arith.constant 0 : i32
      %dma_start3A_93 = arith.constant 0 : i32
      %dma_start3A_94 = tpu.memref_slice %arg18[%dma_start3A_92, %dma_start3A_93] : memref<10000x32xf32, #tpu.memory_space<vmem_shared>> -> memref<10000x32xf32, #tpu.memory_space<vmem_shared>>
      tpu.enqueue_indirect_dma source(%dma_start3A_94 : memref<10000x32xf32, #tpu.memory_space<vmem_shared>>) target(%arg13 : memref<256x32xf32, #tpu.memory_space<vmem>>) offsets(%dma_start3A_91 : memref<256xi32, #tpu.memory_space<vmem>>) semaphore(%arg22 : memref<!tpu.dma_semaphore, #tpu.memory_space<semaphore_mem>>)
      %add3A_95 = arith.constant 2 : i32
      %add3A_96 = arith.addi %mul3A_79, %add3A_95 : i32
      %dma_start3A_97 = arith.constant 0 : i32
      %dma_start3A_98 = tpu.memref_slice %arg10[%add3A_96, %dma_start3A_97] : memref<40x256xi32, #tpu.memory_space<vmem>> -> memref<1x256xi32, #tpu.memory_space<vmem>>
      %dma_start3A_99 = tpu.memref_squeeze %dma_start3A_98 : memref<1x256xi32, #tpu.memory_space<vmem>> -> memref<256xi32, #tpu.memory_space<vmem>>
      %dma_start3A_100 = arith.constant 0 : i32
      %dma_start3A_101 = arith.constant 0 : i32
      %dma_start3A_102 = tpu.memref_slice %arg18[%dma_start3A_100, %dma_start3A_101] : memref<10000x32xf32, #tpu.memory_space<vmem_shared>> -> memref<10000x32xf32, #tpu.memory_space<vmem_shared>>
      tpu.enqueue_indirect_dma source(%dma_start3A_102 : memref<10000x32xf32, #tpu.memory_space<vmem_shared>>) target(%arg14 : memref<256x32xf32, #tpu.memory_space<vmem>>) offsets(%dma_start3A_99 : memref<256xi32, #tpu.memory_space<vmem>>) semaphore(%arg23 : memref<!tpu.dma_semaphore, #tpu.memory_space<semaphore_mem>>)
      %add3A_103 = arith.constant 3 : i32
      %add3A_104 = arith.addi %mul3A_79, %add3A_103 : i32
      %dma_start3A_105 = arith.constant 0 : i32
      %dma_start3A_106 = tpu.memref_slice %arg10[%add3A_104, %dma_start3A_105] : memref<40x256xi32, #tpu.memory_space<vmem>> -> memref<1x256xi32, #tpu.memory_space<vmem>>
      %dma_start3A_107 = tpu.memref_squeeze %dma_start3A_106 : memref<1x256xi32, #tpu.memory_space<vmem>> -> memref<256xi32, #tpu.memory_space<vmem>>
      %dma_start3A_108 = arith.constant 0 : i32
      %dma_start3A_109 = arith.constant 0 : i32
      %dma_start3A_110 = tpu.memref_slice %arg18[%dma_start3A_108, %dma_start3A_109] : memref<10000x32xf32, #tpu.memory_space<vmem_shared>> -> memref<10000x32xf32, #tpu.memory_space<vmem_shared>>
      tpu.enqueue_indirect_dma source(%dma_start3A_110 : memref<10000x32xf32, #tpu.memory_space<vmem_shared>>) target(%arg15 : memref<256x32xf32, #tpu.memory_space<vmem>>) offsets(%dma_start3A_107 : memref<256xi32, #tpu.memory_space<vmem>>) semaphore(%arg24 : memref<!tpu.dma_semaphore, #tpu.memory_space<semaphore_mem>>)
      %add3A_111 = arith.constant 4 : i32
      %add3A_112 = arith.addi %mul3A_79, %add3A_111 : i32
      %dma_start3A_113 = arith.constant 0 : i32
      %dma_start3A_114 = tpu.memref_slice %arg10[%add3A_112, %dma_start3A_113] : memref<40x256xi32, #tpu.memory_space<vmem>> -> memref<1x256xi32, #tpu.memory_space<vmem>>
      %dma_start3A_115 = tpu.memref_squeeze %dma_start3A_114 : memref<1x256xi32, #tpu.memory_space<vmem>> -> memref<256xi32, #tpu.memory_space<vmem>>
      %dma_start3A_116 = arith.constant 0 : i32
      %dma_start3A_117 = arith.constant 0 : i32
      %dma_start3A_118 = tpu.memref_slice %arg18[%dma_start3A_116, %dma_start3A_117] : memref<10000x32xf32, #tpu.memory_space<vmem_shared>> -> memref<10000x32xf32, #tpu.memory_space<vmem_shared>>
      tpu.enqueue_indirect_dma source(%dma_start3A_118 : memref<10000x32xf32, #tpu.memory_space<vmem_shared>>) target(%arg16 : memref<256x32xf32, #tpu.memory_space<vmem>>) offsets(%dma_start3A_115 : memref<256xi32, #tpu.memory_space<vmem>>) semaphore(%arg25 : memref<!tpu.dma_semaphore, #tpu.memory_space<semaphore_mem>>)
      %dma_wait3A = arith.constant 0 : i32
      %dma_wait3A_119 = tpu.memref_slice %arg10[%add3A_81, %dma_wait3A] : memref<40x256xi32, #tpu.memory_space<vmem>> -> memref<1x256xi32, #tpu.memory_space<vmem>>
      %dma_wait3A_120 = tpu.memref_squeeze %dma_wait3A_119 : memref<1x256xi32, #tpu.memory_space<vmem>> -> memref<256xi32, #tpu.memory_space<vmem>>
      %dma_wait3A_121 = arith.constant 0 : i32
      %dma_wait3A_122 = arith.constant 0 : i32
      %dma_wait3A_123 = tpu.memref_slice %arg18[%dma_wait3A_121, %dma_wait3A_122] : memref<10000x32xf32, #tpu.memory_space<vmem_shared>> -> memref<10000x32xf32, #tpu.memory_space<vmem_shared>>
      tpu.wait_indirect_dma semaphore(%arg21 : memref<!tpu.dma_semaphore, #tpu.memory_space<semaphore_mem>>) src(%dma_wait3A_123 : memref<10000x32xf32, #tpu.memory_space<vmem_shared>>) dst(%arg12 : memref<256x32xf32, #tpu.memory_space<vmem>>)
      %add3A_124 = arith.constant 0 : i32
      %add3A_125 = arith.addi %mul3A_79, %add3A_124 : i32
      %dma_start3A_126 = arith.constant 0 : i32
      %dma_start3A_127 = tpu.memref_slice %arg11[%add3A_125, %dma_start3A_126] : memref<40x256xi32, #tpu.memory_space<vmem>> -> memref<1x256xi32, #tpu.memory_space<vmem>>
      %dma_start3A_128 = tpu.memref_squeeze %dma_start3A_127 : memref<1x256xi32, #tpu.memory_space<vmem>> -> memref<256xi32, #tpu.memory_space<vmem>>
      %dma_start3A_129 = arith.constant 0 : i32
      %dma_start3A_130 = arith.constant 0 : i32
      %dma_start3A_131 = tpu.memref_slice %arg19[%dma_start3A_129, %dma_start3A_130] : memref<10112x32xf32, #tpu.memory_space<vmem_shared>> -> memref<10112x32xf32, #tpu.memory_space<vmem_shared>>
      tpu.enqueue_indirect_dma source(%arg12 : memref<256x32xf32, #tpu.memory_space<vmem>>) target(%dma_start3A_131 : memref<10112x32xf32, #tpu.memory_space<vmem_shared>>) offsets(%dma_start3A_128 : memref<256xi32, #tpu.memory_space<vmem>>) semaphore(%arg26 : memref<!tpu.dma_semaphore, #tpu.memory_space<semaphore_mem>>) {add = true}
      %dma_wait3A_132 = arith.constant 0 : i32
      %dma_wait3A_133 = tpu.memref_slice %arg10[%add3A_88, %dma_wait3A_132] : memref<40x256xi32, #tpu.memory_space<vmem>> -> memref<1x256xi32, #tpu.memory_space<vmem>>
      %dma_wait3A_134 = tpu.memref_squeeze %dma_wait3A_133 : memref<1x256xi32, #tpu.memory_space<vmem>> -> memref<256xi32, #tpu.memory_space<vmem>>
      %dma_wait3A_135 = arith.constant 0 : i32
      %dma_wait3A_136 = arith.constant 0 : i32
      %dma_wait3A_137 = tpu.memref_slice %arg18[%dma_wait3A_135, %dma_wait3A_136] : memref<10000x32xf32, #tpu.memory_space<vmem_shared>> -> memref<10000x32xf32, #tpu.memory_space<vmem_shared>>
      tpu.wait_indirect_dma semaphore(%arg22 : memref<!tpu.dma_semaphore, #tpu.memory_space<semaphore_mem>>) src(%dma_wait3A_137 : memref<10000x32xf32, #tpu.memory_space<vmem_shared>>) dst(%arg13 : memref<256x32xf32, #tpu.memory_space<vmem>>)
      %add3A_138 = arith.constant 1 : i32
      %add3A_139 = arith.addi %mul3A_79, %add3A_138 : i32
      %dma_start3A_140 = arith.constant 0 : i32
      %dma_start3A_141 = tpu.memref_slice %arg11[%add3A_139, %dma_start3A_140] : memref<40x256xi32, #tpu.memory_space<vmem>> -> memref<1x256xi32, #tpu.memory_space<vmem>>
      %dma_start3A_142 = tpu.memref_squeeze %dma_start3A_141 : memref<1x256xi32, #tpu.memory_space<vmem>> -> memref<256xi32, #tpu.memory_space<vmem>>
      %dma_start3A_143 = arith.constant 0 : i32
      %dma_start3A_144 = arith.constant 0 : i32
      %dma_start3A_145 = tpu.memref_slice %arg19[%dma_start3A_143, %dma_start3A_144] : memref<10112x32xf32, #tpu.memory_space<vmem_shared>> -> memref<10112x32xf32, #tpu.memory_space<vmem_shared>>
      tpu.enqueue_indirect_dma source(%arg13 : memref<256x32xf32, #tpu.memory_space<vmem>>) target(%dma_start3A_145 : memref<10112x32xf32, #tpu.memory_space<vmem_shared>>) offsets(%dma_start3A_142 : memref<256xi32, #tpu.memory_space<vmem>>) semaphore(%arg27 : memref<!tpu.dma_semaphore, #tpu.memory_space<semaphore_mem>>) {add = true}
      %dma_wait3A_146 = arith.constant 0 : i32
      %dma_wait3A_147 = tpu.memref_slice %arg10[%add3A_96, %dma_wait3A_146] : memref<40x256xi32, #tpu.memory_space<vmem>> -> memref<1x256xi32, #tpu.memory_space<vmem>>
      %dma_wait3A_148 = tpu.memref_squeeze %dma_wait3A_147 : memref<1x256xi32, #tpu.memory_space<vmem>> -> memref<256xi32, #tpu.memory_space<vmem>>
      %dma_wait3A_149 = arith.constant 0 : i32
      %dma_wait3A_150 = arith.constant 0 : i32
      %dma_wait3A_151 = tpu.memref_slice %arg18[%dma_wait3A_149, %dma_wait3A_150] : memref<10000x32xf32, #tpu.memory_space<vmem_shared>> -> memref<10000x32xf32, #tpu.memory_space<vmem_shared>>
      tpu.wait_indirect_dma semaphore(%arg23 : memref<!tpu.dma_semaphore, #tpu.memory_space<semaphore_mem>>) src(%dma_wait3A_151 : memref<10000x32xf32, #tpu.memory_space<vmem_shared>>) dst(%arg14 : memref<256x32xf32, #tpu.memory_space<vmem>>)
      %add3A_152 = arith.constant 2 : i32
      %add3A_153 = arith.addi %mul3A_79, %add3A_152 : i32
      %dma_start3A_154 = arith.constant 0 : i32
      %dma_start3A_155 = tpu.memref_slice %arg11[%add3A_153, %dma_start3A_154] : memref<40x256xi32, #tpu.memory_space<vmem>> -> memref<1x256xi32, #tpu.memory_space<vmem>>
      %dma_start3A_156 = tpu.memref_squeeze %dma_start3A_155 : memref<1x256xi32, #tpu.memory_space<vmem>> -> memref<256xi32, #tpu.memory_space<vmem>>
      %dma_start3A_157 = arith.constant 0 : i32
      %dma_start3A_158 = arith.constant 0 : i32
      %dma_start3A_159 = tpu.memref_slice %arg19[%dma_start3A_157, %dma_start3A_158] : memref<10112x32xf32, #tpu.memory_space<vmem_shared>> -> memref<10112x32xf32, #tpu.memory_space<vmem_shared>>
      tpu.enqueue_indirect_dma source(%arg14 : memref<256x32xf32, #tpu.memory_space<vmem>>) target(%dma_start3A_159 : memref<10112x32xf32, #tpu.memory_space<vmem_shared>>) offsets(%dma_start3A_156 : memref<256xi32, #tpu.memory_space<vmem>>) semaphore(%arg28 : memref<!tpu.dma_semaphore, #tpu.memory_space<semaphore_mem>>) {add = true}
      %dma_wait3A_160 = arith.constant 0 : i32
      %dma_wait3A_161 = tpu.memref_slice %arg10[%add3A_104, %dma_wait3A_160] : memref<40x256xi32, #tpu.memory_space<vmem>> -> memref<1x256xi32, #tpu.memory_space<vmem>>
      %dma_wait3A_162 = tpu.memref_squeeze %dma_wait3A_161 : memref<1x256xi32, #tpu.memory_space<vmem>> -> memref<256xi32, #tpu.memory_space<vmem>>
      %dma_wait3A_163 = arith.constant 0 : i32
      %dma_wait3A_164 = arith.constant 0 : i32
      %dma_wait3A_165 = tpu.memref_slice %arg18[%dma_wait3A_163, %dma_wait3A_164] : memref<10000x32xf32, #tpu.memory_space<vmem_shared>> -> memref<10000x32xf32, #tpu.memory_space<vmem_shared>>
      tpu.wait_indirect_dma semaphore(%arg24 : memref<!tpu.dma_semaphore, #tpu.memory_space<semaphore_mem>>) src(%dma_wait3A_165 : memref<10000x32xf32, #tpu.memory_space<vmem_shared>>) dst(%arg15 : memref<256x32xf32, #tpu.memory_space<vmem>>)
      %add3A_166 = arith.constant 3 : i32
      %add3A_167 = arith.addi %mul3A_79, %add3A_166 : i32
      %dma_start3A_168 = arith.constant 0 : i32
      %dma_start3A_169 = tpu.memref_slice %arg11[%add3A_167, %dma_start3A_168] : memref<40x256xi32, #tpu.memory_space<vmem>> -> memref<1x256xi32, #tpu.memory_space<vmem>>
      %dma_start3A_170 = tpu.memref_squeeze %dma_start3A_169 : memref<1x256xi32, #tpu.memory_space<vmem>> -> memref<256xi32, #tpu.memory_space<vmem>>
      %dma_start3A_171 = arith.constant 0 : i32
      %dma_start3A_172 = arith.constant 0 : i32
      %dma_start3A_173 = tpu.memref_slice %arg19[%dma_start3A_171, %dma_start3A_172] : memref<10112x32xf32, #tpu.memory_space<vmem_shared>> -> memref<10112x32xf32, #tpu.memory_space<vmem_shared>>
      tpu.enqueue_indirect_dma source(%arg15 : memref<256x32xf32, #tpu.memory_space<vmem>>) target(%dma_start3A_173 : memref<10112x32xf32, #tpu.memory_space<vmem_shared>>) offsets(%dma_start3A_170 : memref<256xi32, #tpu.memory_space<vmem>>) semaphore(%arg29 : memref<!tpu.dma_semaphore, #tpu.memory_space<semaphore_mem>>) {add = true}
      %dma_wait3A_174 = arith.constant 0 : i32
      %dma_wait3A_175 = tpu.memref_slice %arg10[%add3A_112, %dma_wait3A_174] : memref<40x256xi32, #tpu.memory_space<vmem>> -> memref<1x256xi32, #tpu.memory_space<vmem>>
      %dma_wait3A_176 = tpu.memref_squeeze %dma_wait3A_175 : memref<1x256xi32, #tpu.memory_space<vmem>> -> memref<256xi32, #tpu.memory_space<vmem>>
      %dma_wait3A_177 = arith.constant 0 : i32
      %dma_wait3A_178 = arith.constant 0 : i32
      %dma_wait3A_179 = tpu.memref_slice %arg18[%dma_wait3A_177, %dma_wait3A_178] : memref<10000x32xf32, #tpu.memory_space<vmem_shared>> -> memref<10000x32xf32, #tpu.memory_space<vmem_shared>>
      tpu.wait_indirect_dma semaphore(%arg25 : memref<!tpu.dma_semaphore, #tpu.memory_space<semaphore_mem>>) src(%dma_wait3A_179 : memref<10000x32xf32, #tpu.memory_space<vmem_shared>>) dst(%arg16 : memref<256x32xf32, #tpu.memory_space<vmem>>)
      %add3A_180 = arith.constant 4 : i32
      %add3A_181 = arith.addi %mul3A_79, %add3A_180 : i32
      %dma_start3A_182 = arith.constant 0 : i32
      %dma_start3A_183 = tpu.memref_slice %arg11[%add3A_181, %dma_start3A_182] : memref<40x256xi32, #tpu.memory_space<vmem>> -> memref<1x256xi32, #tpu.memory_space<vmem>>
      %dma_start3A_184 = tpu.memref_squeeze %dma_start3A_183 : memref<1x256xi32, #tpu.memory_space<vmem>> -> memref<256xi32, #tpu.memory_space<vmem>>
      %dma_start3A_185 = arith.constant 0 : i32
      %dma_start3A_186 = arith.constant 0 : i32
      %dma_start3A_187 = tpu.memref_slice %arg19[%dma_start3A_185, %dma_start3A_186] : memref<10112x32xf32, #tpu.memory_space<vmem_shared>> -> memref<10112x32xf32, #tpu.memory_space<vmem_shared>>
      tpu.enqueue_indirect_dma source(%arg16 : memref<256x32xf32, #tpu.memory_space<vmem>>) target(%dma_start3A_187 : memref<10112x32xf32, #tpu.memory_space<vmem_shared>>) offsets(%dma_start3A_184 : memref<256xi32, #tpu.memory_space<vmem>>) semaphore(%arg30 : memref<!tpu.dma_semaphore, #tpu.memory_space<semaphore_mem>>) {add = true}
      %dma_wait3A_188 = arith.constant 0 : i32
      %dma_wait3A_189 = tpu.memref_slice %arg11[%add3A_125, %dma_wait3A_188] : memref<40x256xi32, #tpu.memory_space<vmem>> -> memref<1x256xi32, #tpu.memory_space<vmem>>
      %dma_wait3A_190 = tpu.memref_squeeze %dma_wait3A_189 : memref<1x256xi32, #tpu.memory_space<vmem>> -> memref<256xi32, #tpu.memory_space<vmem>>
      %dma_wait3A_191 = arith.constant 0 : i32
      %dma_wait3A_192 = arith.constant 0 : i32
      %dma_wait3A_193 = tpu.memref_slice %arg19[%dma_wait3A_191, %dma_wait3A_192] : memref<10112x32xf32, #tpu.memory_space<vmem_shared>> -> memref<10112x32xf32, #tpu.memory_space<vmem_shared>>
      tpu.wait_indirect_dma semaphore(%arg26 : memref<!tpu.dma_semaphore, #tpu.memory_space<semaphore_mem>>) src(%arg12 : memref<256x32xf32, #tpu.memory_space<vmem>>) dst(%dma_wait3A_193 : memref<10112x32xf32, #tpu.memory_space<vmem_shared>>)
      %dma_wait3A_194 = arith.constant 0 : i32
      %dma_wait3A_195 = tpu.memref_slice %arg11[%add3A_139, %dma_wait3A_194] : memref<40x256xi32, #tpu.memory_space<vmem>> -> memref<1x256xi32, #tpu.memory_space<vmem>>
      %dma_wait3A_196 = tpu.memref_squeeze %dma_wait3A_195 : memref<1x256xi32, #tpu.memory_space<vmem>> -> memref<256xi32, #tpu.memory_space<vmem>>
      %dma_wait3A_197 = arith.constant 0 : i32
      %dma_wait3A_198 = arith.constant 0 : i32
      %dma_wait3A_199 = tpu.memref_slice %arg19[%dma_wait3A_197, %dma_wait3A_198] : memref<10112x32xf32, #tpu.memory_space<vmem_shared>> -> memref<10112x32xf32, #tpu.memory_space<vmem_shared>>
      tpu.wait_indirect_dma semaphore(%arg27 : memref<!tpu.dma_semaphore, #tpu.memory_space<semaphore_mem>>) src(%arg13 : memref<256x32xf32, #tpu.memory_space<vmem>>) dst(%dma_wait3A_199 : memref<10112x32xf32, #tpu.memory_space<vmem_shared>>)
      %dma_wait3A_200 = arith.constant 0 : i32
      %dma_wait3A_201 = tpu.memref_slice %arg11[%add3A_153, %dma_wait3A_200] : memref<40x256xi32, #tpu.memory_space<vmem>> -> memref<1x256xi32, #tpu.memory_space<vmem>>
      %dma_wait3A_202 = tpu.memref_squeeze %dma_wait3A_201 : memref<1x256xi32, #tpu.memory_space<vmem>> -> memref<256xi32, #tpu.memory_space<vmem>>
      %dma_wait3A_203 = arith.constant 0 : i32
      %dma_wait3A_204 = arith.constant 0 : i32
      %dma_wait3A_205 = tpu.memref_slice %arg19[%dma_wait3A_203, %dma_wait3A_204] : memref<10112x32xf32, #tpu.memory_space<vmem_shared>> -> memref<10112x32xf32, #tpu.memory_space<vmem_shared>>
      tpu.wait_indirect_dma semaphore(%arg28 : memref<!tpu.dma_semaphore, #tpu.memory_space<semaphore_mem>>) src(%arg14 : memref<256x32xf32, #tpu.memory_space<vmem>>) dst(%dma_wait3A_205 : memref<10112x32xf32, #tpu.memory_space<vmem_shared>>)
      %dma_wait3A_206 = arith.constant 0 : i32
      %dma_wait3A_207 = tpu.memref_slice %arg11[%add3A_167, %dma_wait3A_206] : memref<40x256xi32, #tpu.memory_space<vmem>> -> memref<1x256xi32, #tpu.memory_space<vmem>>
      %dma_wait3A_208 = tpu.memref_squeeze %dma_wait3A_207 : memref<1x256xi32, #tpu.memory_space<vmem>> -> memref<256xi32, #tpu.memory_space<vmem>>
      %dma_wait3A_209 = arith.constant 0 : i32
      %dma_wait3A_210 = arith.constant 0 : i32
      %dma_wait3A_211 = tpu.memref_slice %arg19[%dma_wait3A_209, %dma_wait3A_210] : memref<10112x32xf32, #tpu.memory_space<vmem_shared>> -> memref<10112x32xf32, #tpu.memory_space<vmem_shared>>
      tpu.wait_indirect_dma semaphore(%arg29 : memref<!tpu.dma_semaphore, #tpu.memory_space<semaphore_mem>>) src(%arg15 : memref<256x32xf32, #tpu.memory_space<vmem>>) dst(%dma_wait3A_211 : memref<10112x32xf32, #tpu.memory_space<vmem_shared>>)
      %dma_wait3A_212 = arith.constant 0 : i32
      %dma_wait3A_213 = tpu.memref_slice %arg11[%add3A_181, %dma_wait3A_212] : memref<40x256xi32, #tpu.memory_space<vmem>> -> memref<1x256xi32, #tpu.memory_space<vmem>>
      %dma_wait3A_214 = tpu.memref_squeeze %dma_wait3A_213 : memref<1x256xi32, #tpu.memory_space<vmem>> -> memref<256xi32, #tpu.memory_space<vmem>>
      %dma_wait3A_215 = arith.constant 0 : i32
      %dma_wait3A_216 = arith.constant 0 : i32
      %dma_wait3A_217 = tpu.memref_slice %arg19[%dma_wait3A_215, %dma_wait3A_216] : memref<10112x32xf32, #tpu.memory_space<vmem_shared>> -> memref<10112x32xf32, #tpu.memory_space<vmem_shared>>
      tpu.wait_indirect_dma semaphore(%arg30 : memref<!tpu.dma_semaphore, #tpu.memory_space<semaphore_mem>>) src(%arg16 : memref<256x32xf32, #tpu.memory_space<vmem>>) dst(%dma_wait3A_217 : memref<10112x32xf32, #tpu.memory_space<vmem_shared>>)
    }
    %scan3A_53 = arith.constant 8 : i32
    %barrier3A_54 = arith.constant 0 : index
    tpu.barrier barrier_id(%barrier3A_54)
    %add3A_55 = arith.constant 4 : i32
    %add3A_56 = arith.addi %add3A_55, %arg0 : i32
    "tpu.region"() ({
      %run_scoped3A = tpu.sem_alloc : memref<!tpu.dma_semaphore, #tpu.memory_space<semaphore_mem>>
      %dma_start3A = arith.constant 0 : i32
      %dma_start3A_77 = tpu.memref_slice %arg8[%add3A_56, %mul3A_0, %dma_start3A] : memref<8x10112x32xf32, #tpu.memory_space<hbm>> -> memref<1x632x32xf32, #tpu.memory_space<hbm>>
      %dma_start3A_78 = tpu.memref_squeeze %dma_start3A_77 : memref<1x632x32xf32, #tpu.memory_space<hbm>> -> memref<632x32xf32, #tpu.memory_space<hbm>>
      %dma_start3A_79 = arith.constant 0 : i32
      %dma_start3A_80 = tpu.memref_slice %arg19[%mul3A_0, %dma_start3A_79] : memref<10112x32xf32, #tpu.memory_space<vmem_shared>> -> memref<632x32xf32, #tpu.memory_space<vmem_shared>>
      tpu.enqueue_dma source(%dma_start3A_80 : memref<632x32xf32, #tpu.memory_space<vmem_shared>>) target(%dma_start3A_78 : memref<632x32xf32, #tpu.memory_space<hbm>>) target_semaphore(%run_scoped3A : memref<!tpu.dma_semaphore, #tpu.memory_space<semaphore_mem>>)
      %dma_wait3A = arith.constant 0 : i32
      %dma_wait3A_81 = tpu.memref_slice %arg8[%add3A_56, %mul3A_0, %dma_wait3A] : memref<8x10112x32xf32, #tpu.memory_space<hbm>> -> memref<1x632x32xf32, #tpu.memory_space<hbm>>
      %dma_wait3A_82 = tpu.memref_squeeze %dma_wait3A_81 : memref<1x632x32xf32, #tpu.memory_space<hbm>> -> memref<632x32xf32, #tpu.memory_space<hbm>>
      %dma_wait3A_83 = arith.constant 0 : i32
      %dma_wait3A_84 = tpu.memref_slice %arg19[%mul3A_0, %dma_wait3A_83] : memref<10112x32xf32, #tpu.memory_space<vmem_shared>> -> memref<632x32xf32, #tpu.memory_space<vmem_shared>>
      tpu.wait_dma2 semaphore(%run_scoped3A : memref<!tpu.dma_semaphore, #tpu.memory_space<semaphore_mem>>) src(%dma_wait3A_84 : memref<632x32xf32, #tpu.memory_space<vmem_shared>>) dst(%dma_wait3A_82 : memref<632x32xf32, #tpu.memory_space<hbm>>)
      tpu.yield
    }) : () -> ()
    %barrier3A_57 = arith.constant 0 : index
    tpu.barrier barrier_id(%barrier3A_57)
    %add3A_58 = arith.constant 6 : i32
    %add3A_59 = arith.addi %add3A_58, %arg0 : i32
    %mul3A_60 = arith.constant 10000 : i32
    %mul3A_61 = arith.muli %add3A_59, %mul3A_60 : i32
    %mul3A_62 = arith.constant 625 : i32
    %mul3A_63 = arith.muli %mul3A_62, %arg1 : i32
    %add3A_64 = arith.addi %mul3A_61, %mul3A_63 : i32
    %mul3A_65 = arith.constant 625 : i32
    %mul3A_66 = arith.muli %mul3A_65, %arg1 : i32
    "tpu.region"() ({
      %run_scoped3A = tpu.sem_alloc : memref<!tpu.dma_semaphore, #tpu.memory_space<semaphore_mem>>
      %dma_start3A = arith.constant 0 : i32
      %dma_start3A_77 = tpu.memref_slice %arg18[%mul3A_66, %dma_start3A] : memref<10000x32xf32, #tpu.memory_space<vmem_shared>> -> memref<625x32xf32, #tpu.memory_space<vmem_shared>>
      %dma_start3A_78 = arith.constant 0 : i32
      %dma_start3A_79 = tpu.memref_slice %arg2[%add3A_64, %dma_start3A_78] : memref<80000x32xf32, #tpu.memory_space<hbm>> -> memref<625x32xf32, #tpu.memory_space<hbm>>
      tpu.enqueue_dma source(%dma_start3A_79 : memref<625x32xf32, #tpu.memory_space<hbm>>) target(%dma_start3A_77 : memref<625x32xf32, #tpu.memory_space<vmem_shared>>) target_semaphore(%run_scoped3A : memref<!tpu.dma_semaphore, #tpu.memory_space<semaphore_mem>>)
      %dma_wait3A = arith.constant 0 : i32
      %dma_wait3A_80 = tpu.memref_slice %arg18[%mul3A_66, %dma_wait3A] : memref<10000x32xf32, #tpu.memory_space<vmem_shared>> -> memref<625x32xf32, #tpu.memory_space<vmem_shared>>
      %dma_wait3A_81 = arith.constant 0 : i32
      %dma_wait3A_82 = tpu.memref_slice %arg2[%add3A_64, %dma_wait3A_81] : memref<80000x32xf32, #tpu.memory_space<hbm>> -> memref<625x32xf32, #tpu.memory_space<hbm>>
      tpu.wait_dma2 semaphore(%run_scoped3A : memref<!tpu.dma_semaphore, #tpu.memory_space<semaphore_mem>>) src(%dma_wait3A_82 : memref<625x32xf32, #tpu.memory_space<hbm>>) dst(%dma_wait3A_80 : memref<625x32xf32, #tpu.memory_space<vmem_shared>>)
      tpu.yield
    }) : () -> ()
    "tpu.region"() ({
      %run_scoped3A = tpu.sem_alloc : memref<!tpu.dma_semaphore, #tpu.memory_space<semaphore_mem>>
      %dma_start3A = arith.constant 0 : i32
      %dma_start3A_77 = tpu.memref_slice %arg19[%mul3A_0, %dma_start3A] : memref<10112x32xf32, #tpu.memory_space<vmem_shared>> -> memref<632x32xf32, #tpu.memory_space<vmem_shared>>
      tpu.enqueue_dma source(%arg5 : memref<632x32xf32, #tpu.memory_space<hbm>>) target(%dma_start3A_77 : memref<632x32xf32, #tpu.memory_space<vmem_shared>>) target_semaphore(%run_scoped3A : memref<!tpu.dma_semaphore, #tpu.memory_space<semaphore_mem>>)
      %dma_wait3A = arith.constant 0 : i32
      %dma_wait3A_78 = tpu.memref_slice %arg19[%mul3A_0, %dma_wait3A] : memref<10112x32xf32, #tpu.memory_space<vmem_shared>> -> memref<632x32xf32, #tpu.memory_space<vmem_shared>>
      tpu.wait_dma2 semaphore(%run_scoped3A : memref<!tpu.dma_semaphore, #tpu.memory_space<semaphore_mem>>) src(%arg5 : memref<632x32xf32, #tpu.memory_space<hbm>>) dst(%dma_wait3A_78 : memref<632x32xf32, #tpu.memory_space<vmem_shared>>)
      tpu.yield
    }) : () -> ()
    %barrier3A_67 = arith.constant 0 : index
    tpu.barrier barrier_id(%barrier3A_67)
    %scan3A_68 = arith.constant 0 : i32
    %scan3A_69 = arith.constant 0 : i32
    %scan3A_70 = arith.constant 8 : i32
    %scan3A_71 = arith.addi %scan3A_69, %scan3A_70 : i32
    %scan3A_72 = arith.constant 1 : i32
    scf.for %scan3A_77 = %scan3A_69 to %scan3A_71 step %scan3A_72  : i32 {
      %mul3A_78 = arith.constant 5 : i32
      %mul3A_79 = arith.muli %scan3A_77, %mul3A_78 : i32
      %add3A_80 = arith.constant 0 : i32
      %add3A_81 = arith.addi %mul3A_79, %add3A_80 : i32
      %dma_start3A = arith.constant 0 : i32
      %dma_start3A_82 = tpu.memref_slice %arg10[%add3A_81, %dma_start3A] : memref<40x256xi32, #tpu.memory_space<vmem>> -> memref<1x256xi32, #tpu.memory_space<vmem>>
      %dma_start3A_83 = tpu.memref_squeeze %dma_start3A_82 : memref<1x256xi32, #tpu.memory_space<vmem>> -> memref<256xi32, #tpu.memory_space<vmem>>
      %dma_start3A_84 = arith.constant 0 : i32
      %dma_start3A_85 = arith.constant 0 : i32
      %dma_start3A_86 = tpu.memref_slice %arg18[%dma_start3A_84, %dma_start3A_85] : memref<10000x32xf32, #tpu.memory_space<vmem_shared>> -> memref<10000x32xf32, #tpu.memory_space<vmem_shared>>
      tpu.enqueue_indirect_dma source(%dma_start3A_86 : memref<10000x32xf32, #tpu.memory_space<vmem_shared>>) target(%arg12 : memref<256x32xf32, #tpu.memory_space<vmem>>) offsets(%dma_start3A_83 : memref<256xi32, #tpu.memory_space<vmem>>) semaphore(%arg21 : memref<!tpu.dma_semaphore, #tpu.memory_space<semaphore_mem>>)
      %add3A_87 = arith.constant 1 : i32
      %add3A_88 = arith.addi %mul3A_79, %add3A_87 : i32
      %dma_start3A_89 = arith.constant 0 : i32
      %dma_start3A_90 = tpu.memref_slice %arg10[%add3A_88, %dma_start3A_89] : memref<40x256xi32, #tpu.memory_space<vmem>> -> memref<1x256xi32, #tpu.memory_space<vmem>>
      %dma_start3A_91 = tpu.memref_squeeze %dma_start3A_90 : memref<1x256xi32, #tpu.memory_space<vmem>> -> memref<256xi32, #tpu.memory_space<vmem>>
      %dma_start3A_92 = arith.constant 0 : i32
      %dma_start3A_93 = arith.constant 0 : i32
      %dma_start3A_94 = tpu.memref_slice %arg18[%dma_start3A_92, %dma_start3A_93] : memref<10000x32xf32, #tpu.memory_space<vmem_shared>> -> memref<10000x32xf32, #tpu.memory_space<vmem_shared>>
      tpu.enqueue_indirect_dma source(%dma_start3A_94 : memref<10000x32xf32, #tpu.memory_space<vmem_shared>>) target(%arg13 : memref<256x32xf32, #tpu.memory_space<vmem>>) offsets(%dma_start3A_91 : memref<256xi32, #tpu.memory_space<vmem>>) semaphore(%arg22 : memref<!tpu.dma_semaphore, #tpu.memory_space<semaphore_mem>>)
      %add3A_95 = arith.constant 2 : i32
      %add3A_96 = arith.addi %mul3A_79, %add3A_95 : i32
      %dma_start3A_97 = arith.constant 0 : i32
      %dma_start3A_98 = tpu.memref_slice %arg10[%add3A_96, %dma_start3A_97] : memref<40x256xi32, #tpu.memory_space<vmem>> -> memref<1x256xi32, #tpu.memory_space<vmem>>
      %dma_start3A_99 = tpu.memref_squeeze %dma_start3A_98 : memref<1x256xi32, #tpu.memory_space<vmem>> -> memref<256xi32, #tpu.memory_space<vmem>>
      %dma_start3A_100 = arith.constant 0 : i32
      %dma_start3A_101 = arith.constant 0 : i32
      %dma_start3A_102 = tpu.memref_slice %arg18[%dma_start3A_100, %dma_start3A_101] : memref<10000x32xf32, #tpu.memory_space<vmem_shared>> -> memref<10000x32xf32, #tpu.memory_space<vmem_shared>>
      tpu.enqueue_indirect_dma source(%dma_start3A_102 : memref<10000x32xf32, #tpu.memory_space<vmem_shared>>) target(%arg14 : memref<256x32xf32, #tpu.memory_space<vmem>>) offsets(%dma_start3A_99 : memref<256xi32, #tpu.memory_space<vmem>>) semaphore(%arg23 : memref<!tpu.dma_semaphore, #tpu.memory_space<semaphore_mem>>)
      %add3A_103 = arith.constant 3 : i32
      %add3A_104 = arith.addi %mul3A_79, %add3A_103 : i32
      %dma_start3A_105 = arith.constant 0 : i32
      %dma_start3A_106 = tpu.memref_slice %arg10[%add3A_104, %dma_start3A_105] : memref<40x256xi32, #tpu.memory_space<vmem>> -> memref<1x256xi32, #tpu.memory_space<vmem>>
      %dma_start3A_107 = tpu.memref_squeeze %dma_start3A_106 : memref<1x256xi32, #tpu.memory_space<vmem>> -> memref<256xi32, #tpu.memory_space<vmem>>
      %dma_start3A_108 = arith.constant 0 : i32
      %dma_start3A_109 = arith.constant 0 : i32
      %dma_start3A_110 = tpu.memref_slice %arg18[%dma_start3A_108, %dma_start3A_109] : memref<10000x32xf32, #tpu.memory_space<vmem_shared>> -> memref<10000x32xf32, #tpu.memory_space<vmem_shared>>
      tpu.enqueue_indirect_dma source(%dma_start3A_110 : memref<10000x32xf32, #tpu.memory_space<vmem_shared>>) target(%arg15 : memref<256x32xf32, #tpu.memory_space<vmem>>) offsets(%dma_start3A_107 : memref<256xi32, #tpu.memory_space<vmem>>) semaphore(%arg24 : memref<!tpu.dma_semaphore, #tpu.memory_space<semaphore_mem>>)
      %add3A_111 = arith.constant 4 : i32
      %add3A_112 = arith.addi %mul3A_79, %add3A_111 : i32
      %dma_start3A_113 = arith.constant 0 : i32
      %dma_start3A_114 = tpu.memref_slice %arg10[%add3A_112, %dma_start3A_113] : memref<40x256xi32, #tpu.memory_space<vmem>> -> memref<1x256xi32, #tpu.memory_space<vmem>>
      %dma_start3A_115 = tpu.memref_squeeze %dma_start3A_114 : memref<1x256xi32, #tpu.memory_space<vmem>> -> memref<256xi32, #tpu.memory_space<vmem>>
      %dma_start3A_116 = arith.constant 0 : i32
      %dma_start3A_117 = arith.constant 0 : i32
      %dma_start3A_118 = tpu.memref_slice %arg18[%dma_start3A_116, %dma_start3A_117] : memref<10000x32xf32, #tpu.memory_space<vmem_shared>> -> memref<10000x32xf32, #tpu.memory_space<vmem_shared>>
      tpu.enqueue_indirect_dma source(%dma_start3A_118 : memref<10000x32xf32, #tpu.memory_space<vmem_shared>>) target(%arg16 : memref<256x32xf32, #tpu.memory_space<vmem>>) offsets(%dma_start3A_115 : memref<256xi32, #tpu.memory_space<vmem>>) semaphore(%arg25 : memref<!tpu.dma_semaphore, #tpu.memory_space<semaphore_mem>>)
      %dma_wait3A = arith.constant 0 : i32
      %dma_wait3A_119 = tpu.memref_slice %arg10[%add3A_81, %dma_wait3A] : memref<40x256xi32, #tpu.memory_space<vmem>> -> memref<1x256xi32, #tpu.memory_space<vmem>>
      %dma_wait3A_120 = tpu.memref_squeeze %dma_wait3A_119 : memref<1x256xi32, #tpu.memory_space<vmem>> -> memref<256xi32, #tpu.memory_space<vmem>>
      %dma_wait3A_121 = arith.constant 0 : i32
      %dma_wait3A_122 = arith.constant 0 : i32
      %dma_wait3A_123 = tpu.memref_slice %arg18[%dma_wait3A_121, %dma_wait3A_122] : memref<10000x32xf32, #tpu.memory_space<vmem_shared>> -> memref<10000x32xf32, #tpu.memory_space<vmem_shared>>
      tpu.wait_indirect_dma semaphore(%arg21 : memref<!tpu.dma_semaphore, #tpu.memory_space<semaphore_mem>>) src(%dma_wait3A_123 : memref<10000x32xf32, #tpu.memory_space<vmem_shared>>) dst(%arg12 : memref<256x32xf32, #tpu.memory_space<vmem>>)
      %add3A_124 = arith.constant 0 : i32
      %add3A_125 = arith.addi %mul3A_79, %add3A_124 : i32
      %dma_start3A_126 = arith.constant 0 : i32
      %dma_start3A_127 = tpu.memref_slice %arg11[%add3A_125, %dma_start3A_126] : memref<40x256xi32, #tpu.memory_space<vmem>> -> memref<1x256xi32, #tpu.memory_space<vmem>>
      %dma_start3A_128 = tpu.memref_squeeze %dma_start3A_127 : memref<1x256xi32, #tpu.memory_space<vmem>> -> memref<256xi32, #tpu.memory_space<vmem>>
      %dma_start3A_129 = arith.constant 0 : i32
      %dma_start3A_130 = arith.constant 0 : i32
      %dma_start3A_131 = tpu.memref_slice %arg19[%dma_start3A_129, %dma_start3A_130] : memref<10112x32xf32, #tpu.memory_space<vmem_shared>> -> memref<10112x32xf32, #tpu.memory_space<vmem_shared>>
      tpu.enqueue_indirect_dma source(%arg12 : memref<256x32xf32, #tpu.memory_space<vmem>>) target(%dma_start3A_131 : memref<10112x32xf32, #tpu.memory_space<vmem_shared>>) offsets(%dma_start3A_128 : memref<256xi32, #tpu.memory_space<vmem>>) semaphore(%arg26 : memref<!tpu.dma_semaphore, #tpu.memory_space<semaphore_mem>>) {add = true}
      %dma_wait3A_132 = arith.constant 0 : i32
      %dma_wait3A_133 = tpu.memref_slice %arg10[%add3A_88, %dma_wait3A_132] : memref<40x256xi32, #tpu.memory_space<vmem>> -> memref<1x256xi32, #tpu.memory_space<vmem>>
      %dma_wait3A_134 = tpu.memref_squeeze %dma_wait3A_133 : memref<1x256xi32, #tpu.memory_space<vmem>> -> memref<256xi32, #tpu.memory_space<vmem>>
      %dma_wait3A_135 = arith.constant 0 : i32
      %dma_wait3A_136 = arith.constant 0 : i32
      %dma_wait3A_137 = tpu.memref_slice %arg18[%dma_wait3A_135, %dma_wait3A_136] : memref<10000x32xf32, #tpu.memory_space<vmem_shared>> -> memref<10000x32xf32, #tpu.memory_space<vmem_shared>>
      tpu.wait_indirect_dma semaphore(%arg22 : memref<!tpu.dma_semaphore, #tpu.memory_space<semaphore_mem>>) src(%dma_wait3A_137 : memref<10000x32xf32, #tpu.memory_space<vmem_shared>>) dst(%arg13 : memref<256x32xf32, #tpu.memory_space<vmem>>)
      %add3A_138 = arith.constant 1 : i32
      %add3A_139 = arith.addi %mul3A_79, %add3A_138 : i32
      %dma_start3A_140 = arith.constant 0 : i32
      %dma_start3A_141 = tpu.memref_slice %arg11[%add3A_139, %dma_start3A_140] : memref<40x256xi32, #tpu.memory_space<vmem>> -> memref<1x256xi32, #tpu.memory_space<vmem>>
      %dma_start3A_142 = tpu.memref_squeeze %dma_start3A_141 : memref<1x256xi32, #tpu.memory_space<vmem>> -> memref<256xi32, #tpu.memory_space<vmem>>
      %dma_start3A_143 = arith.constant 0 : i32
      %dma_start3A_144 = arith.constant 0 : i32
      %dma_start3A_145 = tpu.memref_slice %arg19[%dma_start3A_143, %dma_start3A_144] : memref<10112x32xf32, #tpu.memory_space<vmem_shared>> -> memref<10112x32xf32, #tpu.memory_space<vmem_shared>>
      tpu.enqueue_indirect_dma source(%arg13 : memref<256x32xf32, #tpu.memory_space<vmem>>) target(%dma_start3A_145 : memref<10112x32xf32, #tpu.memory_space<vmem_shared>>) offsets(%dma_start3A_142 : memref<256xi32, #tpu.memory_space<vmem>>) semaphore(%arg27 : memref<!tpu.dma_semaphore, #tpu.memory_space<semaphore_mem>>) {add = true}
      %dma_wait3A_146 = arith.constant 0 : i32
      %dma_wait3A_147 = tpu.memref_slice %arg10[%add3A_96, %dma_wait3A_146] : memref<40x256xi32, #tpu.memory_space<vmem>> -> memref<1x256xi32, #tpu.memory_space<vmem>>
      %dma_wait3A_148 = tpu.memref_squeeze %dma_wait3A_147 : memref<1x256xi32, #tpu.memory_space<vmem>> -> memref<256xi32, #tpu.memory_space<vmem>>
      %dma_wait3A_149 = arith.constant 0 : i32
      %dma_wait3A_150 = arith.constant 0 : i32
      %dma_wait3A_151 = tpu.memref_slice %arg18[%dma_wait3A_149, %dma_wait3A_150] : memref<10000x32xf32, #tpu.memory_space<vmem_shared>> -> memref<10000x32xf32, #tpu.memory_space<vmem_shared>>
      tpu.wait_indirect_dma semaphore(%arg23 : memref<!tpu.dma_semaphore, #tpu.memory_space<semaphore_mem>>) src(%dma_wait3A_151 : memref<10000x32xf32, #tpu.memory_space<vmem_shared>>) dst(%arg14 : memref<256x32xf32, #tpu.memory_space<vmem>>)
      %add3A_152 = arith.constant 2 : i32
      %add3A_153 = arith.addi %mul3A_79, %add3A_152 : i32
      %dma_start3A_154 = arith.constant 0 : i32
      %dma_start3A_155 = tpu.memref_slice %arg11[%add3A_153, %dma_start3A_154] : memref<40x256xi32, #tpu.memory_space<vmem>> -> memref<1x256xi32, #tpu.memory_space<vmem>>
      %dma_start3A_156 = tpu.memref_squeeze %dma_start3A_155 : memref<1x256xi32, #tpu.memory_space<vmem>> -> memref<256xi32, #tpu.memory_space<vmem>>
      %dma_start3A_157 = arith.constant 0 : i32
      %dma_start3A_158 = arith.constant 0 : i32
      %dma_start3A_159 = tpu.memref_slice %arg19[%dma_start3A_157, %dma_start3A_158] : memref<10112x32xf32, #tpu.memory_space<vmem_shared>> -> memref<10112x32xf32, #tpu.memory_space<vmem_shared>>
      tpu.enqueue_indirect_dma source(%arg14 : memref<256x32xf32, #tpu.memory_space<vmem>>) target(%dma_start3A_159 : memref<10112x32xf32, #tpu.memory_space<vmem_shared>>) offsets(%dma_start3A_156 : memref<256xi32, #tpu.memory_space<vmem>>) semaphore(%arg28 : memref<!tpu.dma_semaphore, #tpu.memory_space<semaphore_mem>>) {add = true}
      %dma_wait3A_160 = arith.constant 0 : i32
      %dma_wait3A_161 = tpu.memref_slice %arg10[%add3A_104, %dma_wait3A_160] : memref<40x256xi32, #tpu.memory_space<vmem>> -> memref<1x256xi32, #tpu.memory_space<vmem>>
      %dma_wait3A_162 = tpu.memref_squeeze %dma_wait3A_161 : memref<1x256xi32, #tpu.memory_space<vmem>> -> memref<256xi32, #tpu.memory_space<vmem>>
      %dma_wait3A_163 = arith.constant 0 : i32
      %dma_wait3A_164 = arith.constant 0 : i32
      %dma_wait3A_165 = tpu.memref_slice %arg18[%dma_wait3A_163, %dma_wait3A_164] : memref<10000x32xf32, #tpu.memory_space<vmem_shared>> -> memref<10000x32xf32, #tpu.memory_space<vmem_shared>>
      tpu.wait_indirect_dma semaphore(%arg24 : memref<!tpu.dma_semaphore, #tpu.memory_space<semaphore_mem>>) src(%dma_wait3A_165 : memref<10000x32xf32, #tpu.memory_space<vmem_shared>>) dst(%arg15 : memref<256x32xf32, #tpu.memory_space<vmem>>)
      %add3A_166 = arith.constant 3 : i32
      %add3A_167 = arith.addi %mul3A_79, %add3A_166 : i32
      %dma_start3A_168 = arith.constant 0 : i32
      %dma_start3A_169 = tpu.memref_slice %arg11[%add3A_167, %dma_start3A_168] : memref<40x256xi32, #tpu.memory_space<vmem>> -> memref<1x256xi32, #tpu.memory_space<vmem>>
      %dma_start3A_170 = tpu.memref_squeeze %dma_start3A_169 : memref<1x256xi32, #tpu.memory_space<vmem>> -> memref<256xi32, #tpu.memory_space<vmem>>
      %dma_start3A_171 = arith.constant 0 : i32
      %dma_start3A_172 = arith.constant 0 : i32
      %dma_start3A_173 = tpu.memref_slice %arg19[%dma_start3A_171, %dma_start3A_172] : memref<10112x32xf32, #tpu.memory_space<vmem_shared>> -> memref<10112x32xf32, #tpu.memory_space<vmem_shared>>
      tpu.enqueue_indirect_dma source(%arg15 : memref<256x32xf32, #tpu.memory_space<vmem>>) target(%dma_start3A_173 : memref<10112x32xf32, #tpu.memory_space<vmem_shared>>) offsets(%dma_start3A_170 : memref<256xi32, #tpu.memory_space<vmem>>) semaphore(%arg29 : memref<!tpu.dma_semaphore, #tpu.memory_space<semaphore_mem>>) {add = true}
      %dma_wait3A_174 = arith.constant 0 : i32
      %dma_wait3A_175 = tpu.memref_slice %arg10[%add3A_112, %dma_wait3A_174] : memref<40x256xi32, #tpu.memory_space<vmem>> -> memref<1x256xi32, #tpu.memory_space<vmem>>
      %dma_wait3A_176 = tpu.memref_squeeze %dma_wait3A_175 : memref<1x256xi32, #tpu.memory_space<vmem>> -> memref<256xi32, #tpu.memory_space<vmem>>
      %dma_wait3A_177 = arith.constant 0 : i32
      %dma_wait3A_178 = arith.constant 0 : i32
      %dma_wait3A_179 = tpu.memref_slice %arg18[%dma_wait3A_177, %dma_wait3A_178] : memref<10000x32xf32, #tpu.memory_space<vmem_shared>> -> memref<10000x32xf32, #tpu.memory_space<vmem_shared>>
      tpu.wait_indirect_dma semaphore(%arg25 : memref<!tpu.dma_semaphore, #tpu.memory_space<semaphore_mem>>) src(%dma_wait3A_179 : memref<10000x32xf32, #tpu.memory_space<vmem_shared>>) dst(%arg16 : memref<256x32xf32, #tpu.memory_space<vmem>>)
      %add3A_180 = arith.constant 4 : i32
      %add3A_181 = arith.addi %mul3A_79, %add3A_180 : i32
      %dma_start3A_182 = arith.constant 0 : i32
      %dma_start3A_183 = tpu.memref_slice %arg11[%add3A_181, %dma_start3A_182] : memref<40x256xi32, #tpu.memory_space<vmem>> -> memref<1x256xi32, #tpu.memory_space<vmem>>
      %dma_start3A_184 = tpu.memref_squeeze %dma_start3A_183 : memref<1x256xi32, #tpu.memory_space<vmem>> -> memref<256xi32, #tpu.memory_space<vmem>>
      %dma_start3A_185 = arith.constant 0 : i32
      %dma_start3A_186 = arith.constant 0 : i32
      %dma_start3A_187 = tpu.memref_slice %arg19[%dma_start3A_185, %dma_start3A_186] : memref<10112x32xf32, #tpu.memory_space<vmem_shared>> -> memref<10112x32xf32, #tpu.memory_space<vmem_shared>>
      tpu.enqueue_indirect_dma source(%arg16 : memref<256x32xf32, #tpu.memory_space<vmem>>) target(%dma_start3A_187 : memref<10112x32xf32, #tpu.memory_space<vmem_shared>>) offsets(%dma_start3A_184 : memref<256xi32, #tpu.memory_space<vmem>>) semaphore(%arg30 : memref<!tpu.dma_semaphore, #tpu.memory_space<semaphore_mem>>) {add = true}
      %dma_wait3A_188 = arith.constant 0 : i32
      %dma_wait3A_189 = tpu.memref_slice %arg11[%add3A_125, %dma_wait3A_188] : memref<40x256xi32, #tpu.memory_space<vmem>> -> memref<1x256xi32, #tpu.memory_space<vmem>>
      %dma_wait3A_190 = tpu.memref_squeeze %dma_wait3A_189 : memref<1x256xi32, #tpu.memory_space<vmem>> -> memref<256xi32, #tpu.memory_space<vmem>>
      %dma_wait3A_191 = arith.constant 0 : i32
      %dma_wait3A_192 = arith.constant 0 : i32
      %dma_wait3A_193 = tpu.memref_slice %arg19[%dma_wait3A_191, %dma_wait3A_192] : memref<10112x32xf32, #tpu.memory_space<vmem_shared>> -> memref<10112x32xf32, #tpu.memory_space<vmem_shared>>
      tpu.wait_indirect_dma semaphore(%arg26 : memref<!tpu.dma_semaphore, #tpu.memory_space<semaphore_mem>>) src(%arg12 : memref<256x32xf32, #tpu.memory_space<vmem>>) dst(%dma_wait3A_193 : memref<10112x32xf32, #tpu.memory_space<vmem_shared>>)
      %dma_wait3A_194 = arith.constant 0 : i32
      %dma_wait3A_195 = tpu.memref_slice %arg11[%add3A_139, %dma_wait3A_194] : memref<40x256xi32, #tpu.memory_space<vmem>> -> memref<1x256xi32, #tpu.memory_space<vmem>>
      %dma_wait3A_196 = tpu.memref_squeeze %dma_wait3A_195 : memref<1x256xi32, #tpu.memory_space<vmem>> -> memref<256xi32, #tpu.memory_space<vmem>>
      %dma_wait3A_197 = arith.constant 0 : i32
      %dma_wait3A_198 = arith.constant 0 : i32
      %dma_wait3A_199 = tpu.memref_slice %arg19[%dma_wait3A_197, %dma_wait3A_198] : memref<10112x32xf32, #tpu.memory_space<vmem_shared>> -> memref<10112x32xf32, #tpu.memory_space<vmem_shared>>
      tpu.wait_indirect_dma semaphore(%arg27 : memref<!tpu.dma_semaphore, #tpu.memory_space<semaphore_mem>>) src(%arg13 : memref<256x32xf32, #tpu.memory_space<vmem>>) dst(%dma_wait3A_199 : memref<10112x32xf32, #tpu.memory_space<vmem_shared>>)
      %dma_wait3A_200 = arith.constant 0 : i32
      %dma_wait3A_201 = tpu.memref_slice %arg11[%add3A_153, %dma_wait3A_200] : memref<40x256xi32, #tpu.memory_space<vmem>> -> memref<1x256xi32, #tpu.memory_space<vmem>>
      %dma_wait3A_202 = tpu.memref_squeeze %dma_wait3A_201 : memref<1x256xi32, #tpu.memory_space<vmem>> -> memref<256xi32, #tpu.memory_space<vmem>>
      %dma_wait3A_203 = arith.constant 0 : i32
      %dma_wait3A_204 = arith.constant 0 : i32
      %dma_wait3A_205 = tpu.memref_slice %arg19[%dma_wait3A_203, %dma_wait3A_204] : memref<10112x32xf32, #tpu.memory_space<vmem_shared>> -> memref<10112x32xf32, #tpu.memory_space<vmem_shared>>
      tpu.wait_indirect_dma semaphore(%arg28 : memref<!tpu.dma_semaphore, #tpu.memory_space<semaphore_mem>>) src(%arg14 : memref<256x32xf32, #tpu.memory_space<vmem>>) dst(%dma_wait3A_205 : memref<10112x32xf32, #tpu.memory_space<vmem_shared>>)
      %dma_wait3A_206 = arith.constant 0 : i32
      %dma_wait3A_207 = tpu.memref_slice %arg11[%add3A_167, %dma_wait3A_206] : memref<40x256xi32, #tpu.memory_space<vmem>> -> memref<1x256xi32, #tpu.memory_space<vmem>>
      %dma_wait3A_208 = tpu.memref_squeeze %dma_wait3A_207 : memref<1x256xi32, #tpu.memory_space<vmem>> -> memref<256xi32, #tpu.memory_space<vmem>>
      %dma_wait3A_209 = arith.constant 0 : i32
      %dma_wait3A_210 = arith.constant 0 : i32
      %dma_wait3A_211 = tpu.memref_slice %arg19[%dma_wait3A_209, %dma_wait3A_210] : memref<10112x32xf32, #tpu.memory_space<vmem_shared>> -> memref<10112x32xf32, #tpu.memory_space<vmem_shared>>
      tpu.wait_indirect_dma semaphore(%arg29 : memref<!tpu.dma_semaphore, #tpu.memory_space<semaphore_mem>>) src(%arg15 : memref<256x32xf32, #tpu.memory_space<vmem>>) dst(%dma_wait3A_211 : memref<10112x32xf32, #tpu.memory_space<vmem_shared>>)
      %dma_wait3A_212 = arith.constant 0 : i32
      %dma_wait3A_213 = tpu.memref_slice %arg11[%add3A_181, %dma_wait3A_212] : memref<40x256xi32, #tpu.memory_space<vmem>> -> memref<1x256xi32, #tpu.memory_space<vmem>>
      %dma_wait3A_214 = tpu.memref_squeeze %dma_wait3A_213 : memref<1x256xi32, #tpu.memory_space<vmem>> -> memref<256xi32, #tpu.memory_space<vmem>>
      %dma_wait3A_215 = arith.constant 0 : i32
      %dma_wait3A_216 = arith.constant 0 : i32
      %dma_wait3A_217 = tpu.memref_slice %arg19[%dma_wait3A_215, %dma_wait3A_216] : memref<10112x32xf32, #tpu.memory_space<vmem_shared>> -> memref<10112x32xf32, #tpu.memory_space<vmem_shared>>
      tpu.wait_indirect_dma semaphore(%arg30 : memref<!tpu.dma_semaphore, #tpu.memory_space<semaphore_mem>>) src(%arg16 : memref<256x32xf32, #tpu.memory_space<vmem>>) dst(%dma_wait3A_217 : memref<10112x32xf32, #tpu.memory_space<vmem_shared>>)
    }
    %scan3A_73 = arith.constant 8 : i32
    %barrier3A_74 = arith.constant 0 : index
    tpu.barrier barrier_id(%barrier3A_74)
    %add3A_75 = arith.constant 6 : i32
    %add3A_76 = arith.addi %add3A_75, %arg0 : i32
    "tpu.region"() ({
      %run_scoped3A = tpu.sem_alloc : memref<!tpu.dma_semaphore, #tpu.memory_space<semaphore_mem>>
      %dma_start3A = arith.constant 0 : i32
      %dma_start3A_77 = tpu.memref_slice %arg8[%add3A_76, %mul3A_0, %dma_start3A] : memref<8x10112x32xf32, #tpu.memory_space<hbm>> -> memref<1x632x32xf32, #tpu.memory_space<hbm>>
      %dma_start3A_78 = tpu.memref_squeeze %dma_start3A_77 : memref<1x632x32xf32, #tpu.memory_space<hbm>> -> memref<632x32xf32, #tpu.memory_space<hbm>>
      %dma_start3A_79 = arith.constant 0 : i32
      %dma_start3A_80 = tpu.memref_slice %arg19[%mul3A_0, %dma_start3A_79] : memref<10112x32xf32, #tpu.memory_space<vmem_shared>> -> memref<632x32xf32, #tpu.memory_space<vmem_shared>>
      tpu.enqueue_dma source(%dma_start3A_80 : memref<632x32xf32, #tpu.memory_space<vmem_shared>>) target(%dma_start3A_78 : memref<632x32xf32, #tpu.memory_space<hbm>>) target_semaphore(%run_scoped3A : memref<!tpu.dma_semaphore, #tpu.memory_space<semaphore_mem>>)
      %dma_wait3A = arith.constant 0 : i32
      %dma_wait3A_81 = tpu.memref_slice %arg8[%add3A_76, %mul3A_0, %dma_wait3A] : memref<8x10112x32xf32, #tpu.memory_space<hbm>> -> memref<1x632x32xf32, #tpu.memory_space<hbm>>
      %dma_wait3A_82 = tpu.memref_squeeze %dma_wait3A_81 : memref<1x632x32xf32, #tpu.memory_space<hbm>> -> memref<632x32xf32, #tpu.memory_space<hbm>>
      %dma_wait3A_83 = arith.constant 0 : i32
      %dma_wait3A_84 = tpu.memref_slice %arg19[%mul3A_0, %dma_wait3A_83] : memref<10112x32xf32, #tpu.memory_space<vmem_shared>> -> memref<632x32xf32, #tpu.memory_space<vmem_shared>>
      tpu.wait_dma2 semaphore(%run_scoped3A : memref<!tpu.dma_semaphore, #tpu.memory_space<semaphore_mem>>) src(%dma_wait3A_84 : memref<632x32xf32, #tpu.memory_space<vmem_shared>>) dst(%dma_wait3A_82 : memref<632x32xf32, #tpu.memory_space<hbm>>)
      tpu.yield
    }) : () -> ()
    return
  }
}

module attributes {stable_mosaic.version = 14 : i64} {
  func.func @_dense_body(%arg0: i32, %arg1: memref<8x1000x32xf32, #tpu.memory_space<vmem>>, %arg2: memref<1000x8xf32, #tpu.memory_space<vmem>>, %arg3: memref<8x1000x32xf32, #tpu.memory_space<vmem>>, %arg4: memref<256x256xf32, #tpu.memory_space<vmem>>, %arg5: memref<8x256xf32, #tpu.memory_space<vmem>>, %arg6: memref<256x256xf32, #tpu.memory_space<vmem>>, %arg7: memref<8x1000x32xf32, #tpu.memory_space<vmem>>) attributes {dimension_semantics = [#tpu.dimension_semantics<arbitrary>], iteration_bounds = array<i64: 10>, scalar_prefetch = 0 : i64, scratch_operands = 0 : i64, tpu.core_type = #tpu.core_type<tc>, window_params = [{transform_indices = @transform_0, window_bounds = array<i64: 8, 1000, 32>}, {transform_indices = @transform_1, window_bounds = array<i64: 1000, 8>}, {transform_indices = @transform_2, window_bounds = array<i64: 8, 1000, 32>}, {pipeline_mode = #tpu.pipeline_mode<synchronous>, transform_indices = @transform_3, window_bounds = array<i64: 256, 256>}, {pipeline_mode = #tpu.pipeline_mode<synchronous>, transform_indices = @transform_4, window_bounds = array<i64: 8, 256>}, {pipeline_mode = #tpu.pipeline_mode<synchronous>, transform_indices = @transform_5, window_bounds = array<i64: 256, 256>}, {transform_indices = @transform_6, window_bounds = array<i64: 8, 1000, 32>}]} {
    %get3A = arith.constant 0 : index
    %get3A_0 = arith.constant 0 : index
    %get3A_1 = arith.constant 0 : index
    %get3A_2 = vector.load %arg1[%get3A, %get3A_0, %get3A_1] : memref<8x1000x32xf32, #tpu.memory_space<vmem>>, vector<1x1000x32xf32>
    %get3A_3 = vector.shape_cast %get3A_2 : vector<1x1000x32xf32> to vector<1000x32xf32>
    %get3A_4 = arith.constant 1 : index
    %get3A_5 = arith.constant 0 : index
    %get3A_6 = arith.constant 0 : index
    %get3A_7 = vector.load %arg1[%get3A_4, %get3A_5, %get3A_6] : memref<8x1000x32xf32, #tpu.memory_space<vmem>>, vector<1x1000x32xf32>
    %get3A_8 = vector.shape_cast %get3A_7 : vector<1x1000x32xf32> to vector<1000x32xf32>
    %get3A_9 = arith.constant 2 : index
    %get3A_10 = arith.constant 0 : index
    %get3A_11 = arith.constant 0 : index
    %get3A_12 = vector.load %arg1[%get3A_9, %get3A_10, %get3A_11] : memref<8x1000x32xf32, #tpu.memory_space<vmem>>, vector<1x1000x32xf32>
    %get3A_13 = vector.shape_cast %get3A_12 : vector<1x1000x32xf32> to vector<1000x32xf32>
    %get3A_14 = arith.constant 3 : index
    %get3A_15 = arith.constant 0 : index
    %get3A_16 = arith.constant 0 : index
    %get3A_17 = vector.load %arg1[%get3A_14, %get3A_15, %get3A_16] : memref<8x1000x32xf32, #tpu.memory_space<vmem>>, vector<1x1000x32xf32>
    %get3A_18 = vector.shape_cast %get3A_17 : vector<1x1000x32xf32> to vector<1000x32xf32>
    %get3A_19 = arith.constant 4 : index
    %get3A_20 = arith.constant 0 : index
    %get3A_21 = arith.constant 0 : index
    %get3A_22 = vector.load %arg1[%get3A_19, %get3A_20, %get3A_21] : memref<8x1000x32xf32, #tpu.memory_space<vmem>>, vector<1x1000x32xf32>
    %get3A_23 = vector.shape_cast %get3A_22 : vector<1x1000x32xf32> to vector<1000x32xf32>
    %get3A_24 = arith.constant 5 : index
    %get3A_25 = arith.constant 0 : index
    %get3A_26 = arith.constant 0 : index
    %get3A_27 = vector.load %arg1[%get3A_24, %get3A_25, %get3A_26] : memref<8x1000x32xf32, #tpu.memory_space<vmem>>, vector<1x1000x32xf32>
    %get3A_28 = vector.shape_cast %get3A_27 : vector<1x1000x32xf32> to vector<1000x32xf32>
    %get3A_29 = arith.constant 6 : index
    %get3A_30 = arith.constant 0 : index
    %get3A_31 = arith.constant 0 : index
    %get3A_32 = vector.load %arg1[%get3A_29, %get3A_30, %get3A_31] : memref<8x1000x32xf32, #tpu.memory_space<vmem>>, vector<1x1000x32xf32>
    %get3A_33 = vector.shape_cast %get3A_32 : vector<1x1000x32xf32> to vector<1000x32xf32>
    %get3A_34 = arith.constant 7 : index
    %get3A_35 = arith.constant 0 : index
    %get3A_36 = arith.constant 0 : index
    %get3A_37 = vector.load %arg1[%get3A_34, %get3A_35, %get3A_36] : memref<8x1000x32xf32, #tpu.memory_space<vmem>>, vector<1x1000x32xf32>
    %get3A_38 = vector.shape_cast %get3A_37 : vector<1x1000x32xf32> to vector<1000x32xf32>
    %concatenate3A = tpu.concatenate %get3A_3, %get3A_8, %get3A_13, %get3A_18, %get3A_23, %get3A_28, %get3A_33, %get3A_38 in 1 : vector<1000x32xf32>, vector<1000x32xf32>, vector<1000x32xf32>, vector<1000x32xf32>, vector<1000x32xf32>, vector<1000x32xf32>, vector<1000x32xf32>, vector<1000x32xf32> -> vector<1000x256xf32>
    %get3A_39 = arith.constant 0 : index
    %get3A_40 = arith.constant 0 : index
    %get3A_41 = vector.load %arg2[%get3A_39, %get3A_40] : memref<1000x8xf32, #tpu.memory_space<vmem>>, vector<1000x1xf32>
    %gt3A = arith.constant 0.000000e+00 : f32
    %gt3A_42 = vector.broadcast %gt3A : f32 to vector<1000x1xf32>
    %gt3A_43 = arith.cmpf ogt, %get3A_41, %gt3A_42 : vector<1000x1xf32>
    %max3A = arith.constant 1.000000e+00 : f32
    %max3A_44 = vector.broadcast %max3A : f32 to vector<1000x1xf32>
    %max3A_45 = arith.maximumf %get3A_41, %max3A_44 : vector<1000x1xf32>
    %div3A = arith.constant 1.000000e+00 : f32
    %div3A_46 = vector.broadcast %div3A : f32 to vector<1000x1xf32>
    %div3A_47 = arith.divf %div3A_46, %max3A_45 : vector<1000x1xf32>
    %jit3A = arith.constant 0.000000e+00 : f32
    %broadcast_in_dim3A = vector.broadcast %jit3A : f32 to vector<1000x1xf32>
    %select_n3A = arith.select %gt3A_43, %div3A_47, %broadcast_in_dim3A : vector<1000x1xi1>, vector<1000x1xf32>
    %mul3A = vector.broadcast %select_n3A : vector<1000x1xf32> to vector<1000x256xf32>
    %mul3A_48 = arith.mulf %concatenate3A, %mul3A : vector<1000x256xf32>
    %get3A_49 = arith.constant 0 : index
    %get3A_50 = arith.constant 0 : index
    %get3A_51 = arith.constant 0 : index
    %get3A_52 = vector.load %arg3[%get3A_49, %get3A_50, %get3A_51] : memref<8x1000x32xf32, #tpu.memory_space<vmem>>, vector<1x1000x32xf32>
    %get3A_53 = vector.shape_cast %get3A_52 : vector<1x1000x32xf32> to vector<1000x32xf32>
    %get3A_54 = arith.constant 1 : index
    %get3A_55 = arith.constant 0 : index
    %get3A_56 = arith.constant 0 : index
    %get3A_57 = vector.load %arg3[%get3A_54, %get3A_55, %get3A_56] : memref<8x1000x32xf32, #tpu.memory_space<vmem>>, vector<1x1000x32xf32>
    %get3A_58 = vector.shape_cast %get3A_57 : vector<1x1000x32xf32> to vector<1000x32xf32>
    %get3A_59 = arith.constant 2 : index
    %get3A_60 = arith.constant 0 : index
    %get3A_61 = arith.constant 0 : index
    %get3A_62 = vector.load %arg3[%get3A_59, %get3A_60, %get3A_61] : memref<8x1000x32xf32, #tpu.memory_space<vmem>>, vector<1x1000x32xf32>
    %get3A_63 = vector.shape_cast %get3A_62 : vector<1x1000x32xf32> to vector<1000x32xf32>
    %get3A_64 = arith.constant 3 : index
    %get3A_65 = arith.constant 0 : index
    %get3A_66 = arith.constant 0 : index
    %get3A_67 = vector.load %arg3[%get3A_64, %get3A_65, %get3A_66] : memref<8x1000x32xf32, #tpu.memory_space<vmem>>, vector<1x1000x32xf32>
    %get3A_68 = vector.shape_cast %get3A_67 : vector<1x1000x32xf32> to vector<1000x32xf32>
    %get3A_69 = arith.constant 4 : index
    %get3A_70 = arith.constant 0 : index
    %get3A_71 = arith.constant 0 : index
    %get3A_72 = vector.load %arg3[%get3A_69, %get3A_70, %get3A_71] : memref<8x1000x32xf32, #tpu.memory_space<vmem>>, vector<1x1000x32xf32>
    %get3A_73 = vector.shape_cast %get3A_72 : vector<1x1000x32xf32> to vector<1000x32xf32>
    %get3A_74 = arith.constant 5 : index
    %get3A_75 = arith.constant 0 : index
    %get3A_76 = arith.constant 0 : index
    %get3A_77 = vector.load %arg3[%get3A_74, %get3A_75, %get3A_76] : memref<8x1000x32xf32, #tpu.memory_space<vmem>>, vector<1x1000x32xf32>
    %get3A_78 = vector.shape_cast %get3A_77 : vector<1x1000x32xf32> to vector<1000x32xf32>
    %get3A_79 = arith.constant 6 : index
    %get3A_80 = arith.constant 0 : index
    %get3A_81 = arith.constant 0 : index
    %get3A_82 = vector.load %arg3[%get3A_79, %get3A_80, %get3A_81] : memref<8x1000x32xf32, #tpu.memory_space<vmem>>, vector<1x1000x32xf32>
    %get3A_83 = vector.shape_cast %get3A_82 : vector<1x1000x32xf32> to vector<1000x32xf32>
    %get3A_84 = arith.constant 7 : index
    %get3A_85 = arith.constant 0 : index
    %get3A_86 = arith.constant 0 : index
    %get3A_87 = vector.load %arg3[%get3A_84, %get3A_85, %get3A_86] : memref<8x1000x32xf32, #tpu.memory_space<vmem>>, vector<1x1000x32xf32>
    %get3A_88 = vector.shape_cast %get3A_87 : vector<1x1000x32xf32> to vector<1000x32xf32>
    %concatenate3A_89 = tpu.concatenate %get3A_53, %get3A_58, %get3A_63, %get3A_68, %get3A_73, %get3A_78, %get3A_83, %get3A_88 in 1 : vector<1000x32xf32>, vector<1000x32xf32>, vector<1000x32xf32>, vector<1000x32xf32>, vector<1000x32xf32>, vector<1000x32xf32>, vector<1000x32xf32>, vector<1000x32xf32> -> vector<1000x256xf32>
    %get3A_90 = arith.constant 0 : index
    %get3A_91 = arith.constant 0 : index
    %get3A_92 = vector.load %arg4[%get3A_90, %get3A_91] : memref<256x256xf32, #tpu.memory_space<vmem>>, vector<256x256xf32>
    %dot_general3A = arith.constant dense<0.000000e+00> : vector<1000x256xf32>
    %dot_general3A_93 = tpu.matmul %mul3A_48, %get3A_92, %dot_general3A {dimension_numbers = #tpu.dot_dimension_numbers<[1], [0], [0], [1], [0, 0, 1, 1], [], []>, transpose_lhs_hint = false} : vector<1000x256xf32>, vector<256x256xf32>, vector<1000x256xf32> -> vector<1000x256xf32>
    %get3A_94 = arith.constant 0 : index
    %get3A_95 = arith.constant 0 : index
    %get3A_96 = vector.load %arg5[%get3A_94, %get3A_95] : memref<8x256xf32, #tpu.memory_space<vmem>>, vector<1x256xf32>
    %add3A = vector.broadcast %get3A_96 : vector<1x256xf32> to vector<1000x256xf32>
    %add3A_97 = arith.addf %dot_general3A_93, %add3A : vector<1000x256xf32>
    %get3A_98 = arith.constant 0 : index
    %get3A_99 = arith.constant 0 : index
    %get3A_100 = vector.load %arg6[%get3A_98, %get3A_99] : memref<256x256xf32, #tpu.memory_space<vmem>>, vector<256x256xf32>
    %dot_general3A_101 = arith.constant dense<0.000000e+00> : vector<1000x256xf32>
    %dot_general3A_102 = tpu.matmul %concatenate3A_89, %get3A_100, %dot_general3A_101 {dimension_numbers = #tpu.dot_dimension_numbers<[1], [0], [0], [1], [0, 0, 1, 1], [], []>, transpose_lhs_hint = false} : vector<1000x256xf32>, vector<256x256xf32>, vector<1000x256xf32> -> vector<1000x256xf32>
    %add3A_103 = arith.addf %add3A_97, %dot_general3A_102 : vector<1000x256xf32>
    %mul3A_104 = arith.constant 5.000000e-01 : f32
    %mul3A_105 = vector.broadcast %mul3A_104 : f32 to vector<1000x256xf32>
    %mul3A_106 = arith.mulf %mul3A_105, %add3A_103 : vector<1000x256xf32>
    %mul3A_107 = arith.constant 0.707106769 : f32
    %mul3A_108 = vector.broadcast %mul3A_107 : f32 to vector<1000x256xf32>
    %mul3A_109 = arith.mulf %add3A_103, %mul3A_108 : vector<1000x256xf32>
    %erf3A = math.erf %mul3A_109 : vector<1000x256xf32>
    %add3A_110 = arith.constant 1.000000e+00 : f32
    %add3A_111 = vector.broadcast %add3A_110 : f32 to vector<1000x256xf32>
    %add3A_112 = arith.addf %add3A_111, %erf3A : vector<1000x256xf32>
    %mul3A_113 = arith.mulf %mul3A_106, %add3A_112 : vector<1000x256xf32>
    %slice3A = vector.extract_strided_slice %mul3A_113 {offsets = [0, 0], sizes = [1000, 32], strides = [1, 1]} : vector<1000x256xf32> to vector<1000x32xf32>
    %swap3A = arith.constant 0 : index
    %swap3A_114 = arith.constant 0 : index
    %swap3A_115 = arith.constant 0 : index
    %swap3A_116 = vector.load %arg7[%swap3A, %swap3A_114, %swap3A_115] : memref<8x1000x32xf32, #tpu.memory_space<vmem>>, vector<1x1000x32xf32>
    %swap3A_117 = vector.shape_cast %swap3A_116 : vector<1x1000x32xf32> to vector<1000x32xf32>
    %swap3A_118 = vector.shape_cast %slice3A : vector<1000x32xf32> to vector<1x1000x32xf32>
    tpu.vector_store %arg7[%swap3A, %swap3A_114, %swap3A_115], %swap3A_118 {strides = array<i32>} : memref<8x1000x32xf32, #tpu.memory_space<vmem>>, vector<1x1000x32xf32>,
    %slice3A_119 = vector.extract_strided_slice %mul3A_113 {offsets = [0, 32], sizes = [1000, 32], strides = [1, 1]} : vector<1000x256xf32> to vector<1000x32xf32>
    %swap3A_120 = arith.constant 1 : index
    %swap3A_121 = arith.constant 0 : index
    %swap3A_122 = arith.constant 0 : index
    %swap3A_123 = vector.load %arg7[%swap3A_120, %swap3A_121, %swap3A_122] : memref<8x1000x32xf32, #tpu.memory_space<vmem>>, vector<1x1000x32xf32>
    %swap3A_124 = vector.shape_cast %swap3A_123 : vector<1x1000x32xf32> to vector<1000x32xf32>
    %swap3A_125 = vector.shape_cast %slice3A_119 : vector<1000x32xf32> to vector<1x1000x32xf32>
    tpu.vector_store %arg7[%swap3A_120, %swap3A_121, %swap3A_122], %swap3A_125 {strides = array<i32>} : memref<8x1000x32xf32, #tpu.memory_space<vmem>>, vector<1x1000x32xf32>,
    %slice3A_126 = vector.extract_strided_slice %mul3A_113 {offsets = [0, 64], sizes = [1000, 32], strides = [1, 1]} : vector<1000x256xf32> to vector<1000x32xf32>
    %swap3A_127 = arith.constant 2 : index
    %swap3A_128 = arith.constant 0 : index
    %swap3A_129 = arith.constant 0 : index
    %swap3A_130 = vector.load %arg7[%swap3A_127, %swap3A_128, %swap3A_129] : memref<8x1000x32xf32, #tpu.memory_space<vmem>>, vector<1x1000x32xf32>
    %swap3A_131 = vector.shape_cast %swap3A_130 : vector<1x1000x32xf32> to vector<1000x32xf32>
    %swap3A_132 = vector.shape_cast %slice3A_126 : vector<1000x32xf32> to vector<1x1000x32xf32>
    tpu.vector_store %arg7[%swap3A_127, %swap3A_128, %swap3A_129], %swap3A_132 {strides = array<i32>} : memref<8x1000x32xf32, #tpu.memory_space<vmem>>, vector<1x1000x32xf32>,
    %slice3A_133 = vector.extract_strided_slice %mul3A_113 {offsets = [0, 96], sizes = [1000, 32], strides = [1, 1]} : vector<1000x256xf32> to vector<1000x32xf32>
    %swap3A_134 = arith.constant 3 : index
    %swap3A_135 = arith.constant 0 : index
    %swap3A_136 = arith.constant 0 : index
    %swap3A_137 = vector.load %arg7[%swap3A_134, %swap3A_135, %swap3A_136] : memref<8x1000x32xf32, #tpu.memory_space<vmem>>, vector<1x1000x32xf32>
    %swap3A_138 = vector.shape_cast %swap3A_137 : vector<1x1000x32xf32> to vector<1000x32xf32>
    %swap3A_139 = vector.shape_cast %slice3A_133 : vector<1000x32xf32> to vector<1x1000x32xf32>
    tpu.vector_store %arg7[%swap3A_134, %swap3A_135, %swap3A_136], %swap3A_139 {strides = array<i32>} : memref<8x1000x32xf32, #tpu.memory_space<vmem>>, vector<1x1000x32xf32>,
    %slice3A_140 = vector.extract_strided_slice %mul3A_113 {offsets = [0, 128], sizes = [1000, 32], strides = [1, 1]} : vector<1000x256xf32> to vector<1000x32xf32>
    %swap3A_141 = arith.constant 4 : index
    %swap3A_142 = arith.constant 0 : index
    %swap3A_143 = arith.constant 0 : index
    %swap3A_144 = vector.load %arg7[%swap3A_141, %swap3A_142, %swap3A_143] : memref<8x1000x32xf32, #tpu.memory_space<vmem>>, vector<1x1000x32xf32>
    %swap3A_145 = vector.shape_cast %swap3A_144 : vector<1x1000x32xf32> to vector<1000x32xf32>
    %swap3A_146 = vector.shape_cast %slice3A_140 : vector<1000x32xf32> to vector<1x1000x32xf32>
    tpu.vector_store %arg7[%swap3A_141, %swap3A_142, %swap3A_143], %swap3A_146 {strides = array<i32>} : memref<8x1000x32xf32, #tpu.memory_space<vmem>>, vector<1x1000x32xf32>,
    %slice3A_147 = vector.extract_strided_slice %mul3A_113 {offsets = [0, 160], sizes = [1000, 32], strides = [1, 1]} : vector<1000x256xf32> to vector<1000x32xf32>
    %swap3A_148 = arith.constant 5 : index
    %swap3A_149 = arith.constant 0 : index
    %swap3A_150 = arith.constant 0 : index
    %swap3A_151 = vector.load %arg7[%swap3A_148, %swap3A_149, %swap3A_150] : memref<8x1000x32xf32, #tpu.memory_space<vmem>>, vector<1x1000x32xf32>
    %swap3A_152 = vector.shape_cast %swap3A_151 : vector<1x1000x32xf32> to vector<1000x32xf32>
    %swap3A_153 = vector.shape_cast %slice3A_147 : vector<1000x32xf32> to vector<1x1000x32xf32>
    tpu.vector_store %arg7[%swap3A_148, %swap3A_149, %swap3A_150], %swap3A_153 {strides = array<i32>} : memref<8x1000x32xf32, #tpu.memory_space<vmem>>, vector<1x1000x32xf32>,
    %slice3A_154 = vector.extract_strided_slice %mul3A_113 {offsets = [0, 192], sizes = [1000, 32], strides = [1, 1]} : vector<1000x256xf32> to vector<1000x32xf32>
    %swap3A_155 = arith.constant 6 : index
    %swap3A_156 = arith.constant 0 : index
    %swap3A_157 = arith.constant 0 : index
    %swap3A_158 = vector.load %arg7[%swap3A_155, %swap3A_156, %swap3A_157] : memref<8x1000x32xf32, #tpu.memory_space<vmem>>, vector<1x1000x32xf32>
    %swap3A_159 = vector.shape_cast %swap3A_158 : vector<1x1000x32xf32> to vector<1000x32xf32>
    %swap3A_160 = vector.shape_cast %slice3A_154 : vector<1000x32xf32> to vector<1x1000x32xf32>
    tpu.vector_store %arg7[%swap3A_155, %swap3A_156, %swap3A_157], %swap3A_160 {strides = array<i32>} : memref<8x1000x32xf32, #tpu.memory_space<vmem>>, vector<1x1000x32xf32>,
    %slice3A_161 = vector.extract_strided_slice %mul3A_113 {offsets = [0, 224], sizes = [1000, 32], strides = [1, 1]} : vector<1000x256xf32> to vector<1000x32xf32>
    %swap3A_162 = arith.constant 7 : index
    %swap3A_163 = arith.constant 0 : index
    %swap3A_164 = arith.constant 0 : index
    %swap3A_165 = vector.load %arg7[%swap3A_162, %swap3A_163, %swap3A_164] : memref<8x1000x32xf32, #tpu.memory_space<vmem>>, vector<1x1000x32xf32>
    %swap3A_166 = vector.shape_cast %swap3A_165 : vector<1x1000x32xf32> to vector<1000x32xf32>
    %swap3A_167 = vector.shape_cast %slice3A_161 : vector<1000x32xf32> to vector<1x1000x32xf32>
    tpu.vector_store %arg7[%swap3A_162, %swap3A_163, %swap3A_164], %swap3A_167 {strides = array<i32>} : memref<8x1000x32xf32, #tpu.memory_space<vmem>>, vector<1x1000x32xf32>,
    return
  }
  func.func @transform_0(%arg0: i32) -> (i32, i32, i32) {
    %c0_i32 = arith.constant 0 : i32
    %c0_i32_0 = arith.constant 0 : i32
    %c0_i32_1 = arith.constant 0 : i32
    return %c0_i32, %arg0, %c0_i32_0 : i32, i32, i32
  }
  func.func @transform_1(%arg0: i32) -> (i32, i32) {
    %c0_i32 = arith.constant 0 : i32
    %c0_i32_0 = arith.constant 0 : i32
    return %arg0, %c0_i32 : i32, i32
  }
  func.func @transform_2(%arg0: i32) -> (i32, i32, i32) {
    %c0_i32 = arith.constant 0 : i32
    %c0_i32_0 = arith.constant 0 : i32
    %c0_i32_1 = arith.constant 0 : i32
    return %c0_i32, %arg0, %c0_i32_0 : i32, i32, i32
  }
  func.func @transform_3(%arg0: i32) -> (i32, i32) {
    %c0_i32 = arith.constant 0 : i32
    %c0_i32_0 = arith.constant 0 : i32
    %c0_i32_1 = arith.constant 0 : i32
    return %c0_i32, %c0_i32_0 : i32, i32
  }
  func.func @transform_4(%arg0: i32) -> (i32, i32) {
    %c0_i32 = arith.constant 0 : i32
    %c0_i32_0 = arith.constant 0 : i32
    %c0_i32_1 = arith.constant 0 : i32
    return %c0_i32, %c0_i32_0 : i32, i32
  }
  func.func @transform_5(%arg0: i32) -> (i32, i32) {
    %c0_i32 = arith.constant 0 : i32
    %c0_i32_0 = arith.constant 0 : i32
    %c0_i32_1 = arith.constant 0 : i32
    return %c0_i32, %c0_i32_0 : i32, i32
  }
  func.func @transform_6(%arg0: i32) -> (i32, i32, i32) {
    %c0_i32 = arith.constant 0 : i32
    %c0_i32_0 = arith.constant 0 : i32
    %c0_i32_1 = arith.constant 0 : i32
    return %c0_i32, %arg0, %c0_i32_0 : i32, i32, i32
  }
}

module attributes {stable_mosaic.version = 14 : i64} {
  func.func @_dense_body(%arg0: i32, %arg1: memref<8x1000x32xf32, #tpu.memory_space<vmem>>, %arg2: memref<1000x8xf32, #tpu.memory_space<vmem>>, %arg3: memref<8x1000x32xf32, #tpu.memory_space<vmem>>, %arg4: memref<256x256xf32, #tpu.memory_space<vmem>>, %arg5: memref<8x256xf32, #tpu.memory_space<vmem>>, %arg6: memref<256x256xf32, #tpu.memory_space<vmem>>, %arg7: memref<1000x256xf32, #tpu.memory_space<vmem>>) attributes {dimension_semantics = [#tpu.dimension_semantics<arbitrary>], iteration_bounds = array<i64: 10>, scalar_prefetch = 0 : i64, scratch_operands = 0 : i64, tpu.core_type = #tpu.core_type<tc>, window_params = [{transform_indices = @transform_0, window_bounds = array<i64: 8, 1000, 32>}, {transform_indices = @transform_1, window_bounds = array<i64: 1000, 8>}, {transform_indices = @transform_2, window_bounds = array<i64: 8, 1000, 32>}, {pipeline_mode = #tpu.pipeline_mode<synchronous>, transform_indices = @transform_3, window_bounds = array<i64: 256, 256>}, {pipeline_mode = #tpu.pipeline_mode<synchronous>, transform_indices = @transform_4, window_bounds = array<i64: 8, 256>}, {pipeline_mode = #tpu.pipeline_mode<synchronous>, transform_indices = @transform_5, window_bounds = array<i64: 256, 256>}, {transform_indices = @transform_6, window_bounds = array<i64: 1000, 256>}]} {
    %get3A = arith.constant 0 : index
    %get3A_0 = arith.constant 0 : index
    %get3A_1 = arith.constant 0 : index
    %get3A_2 = vector.load %arg1[%get3A, %get3A_0, %get3A_1] : memref<8x1000x32xf32, #tpu.memory_space<vmem>>, vector<1x1000x32xf32>
    %get3A_3 = vector.shape_cast %get3A_2 : vector<1x1000x32xf32> to vector<1000x32xf32>
    %get3A_4 = arith.constant 1 : index
    %get3A_5 = arith.constant 0 : index
    %get3A_6 = arith.constant 0 : index
    %get3A_7 = vector.load %arg1[%get3A_4, %get3A_5, %get3A_6] : memref<8x1000x32xf32, #tpu.memory_space<vmem>>, vector<1x1000x32xf32>
    %get3A_8 = vector.shape_cast %get3A_7 : vector<1x1000x32xf32> to vector<1000x32xf32>
    %get3A_9 = arith.constant 2 : index
    %get3A_10 = arith.constant 0 : index
    %get3A_11 = arith.constant 0 : index
    %get3A_12 = vector.load %arg1[%get3A_9, %get3A_10, %get3A_11] : memref<8x1000x32xf32, #tpu.memory_space<vmem>>, vector<1x1000x32xf32>
    %get3A_13 = vector.shape_cast %get3A_12 : vector<1x1000x32xf32> to vector<1000x32xf32>
    %get3A_14 = arith.constant 3 : index
    %get3A_15 = arith.constant 0 : index
    %get3A_16 = arith.constant 0 : index
    %get3A_17 = vector.load %arg1[%get3A_14, %get3A_15, %get3A_16] : memref<8x1000x32xf32, #tpu.memory_space<vmem>>, vector<1x1000x32xf32>
    %get3A_18 = vector.shape_cast %get3A_17 : vector<1x1000x32xf32> to vector<1000x32xf32>
    %get3A_19 = arith.constant 4 : index
    %get3A_20 = arith.constant 0 : index
    %get3A_21 = arith.constant 0 : index
    %get3A_22 = vector.load %arg1[%get3A_19, %get3A_20, %get3A_21] : memref<8x1000x32xf32, #tpu.memory_space<vmem>>, vector<1x1000x32xf32>
    %get3A_23 = vector.shape_cast %get3A_22 : vector<1x1000x32xf32> to vector<1000x32xf32>
    %get3A_24 = arith.constant 5 : index
    %get3A_25 = arith.constant 0 : index
    %get3A_26 = arith.constant 0 : index
    %get3A_27 = vector.load %arg1[%get3A_24, %get3A_25, %get3A_26] : memref<8x1000x32xf32, #tpu.memory_space<vmem>>, vector<1x1000x32xf32>
    %get3A_28 = vector.shape_cast %get3A_27 : vector<1x1000x32xf32> to vector<1000x32xf32>
    %get3A_29 = arith.constant 6 : index
    %get3A_30 = arith.constant 0 : index
    %get3A_31 = arith.constant 0 : index
    %get3A_32 = vector.load %arg1[%get3A_29, %get3A_30, %get3A_31] : memref<8x1000x32xf32, #tpu.memory_space<vmem>>, vector<1x1000x32xf32>
    %get3A_33 = vector.shape_cast %get3A_32 : vector<1x1000x32xf32> to vector<1000x32xf32>
    %get3A_34 = arith.constant 7 : index
    %get3A_35 = arith.constant 0 : index
    %get3A_36 = arith.constant 0 : index
    %get3A_37 = vector.load %arg1[%get3A_34, %get3A_35, %get3A_36] : memref<8x1000x32xf32, #tpu.memory_space<vmem>>, vector<1x1000x32xf32>
    %get3A_38 = vector.shape_cast %get3A_37 : vector<1x1000x32xf32> to vector<1000x32xf32>
    %concatenate3A = tpu.concatenate %get3A_3, %get3A_8, %get3A_13, %get3A_18, %get3A_23, %get3A_28, %get3A_33, %get3A_38 in 1 : vector<1000x32xf32>, vector<1000x32xf32>, vector<1000x32xf32>, vector<1000x32xf32>, vector<1000x32xf32>, vector<1000x32xf32>, vector<1000x32xf32>, vector<1000x32xf32> -> vector<1000x256xf32>
    %get3A_39 = arith.constant 0 : index
    %get3A_40 = arith.constant 0 : index
    %get3A_41 = vector.load %arg2[%get3A_39, %get3A_40] : memref<1000x8xf32, #tpu.memory_space<vmem>>, vector<1000x1xf32>
    %gt3A = arith.constant 0.000000e+00 : f32
    %gt3A_42 = vector.broadcast %gt3A : f32 to vector<1000x1xf32>
    %gt3A_43 = arith.cmpf ogt, %get3A_41, %gt3A_42 : vector<1000x1xf32>
    %max3A = arith.constant 1.000000e+00 : f32
    %max3A_44 = vector.broadcast %max3A : f32 to vector<1000x1xf32>
    %max3A_45 = arith.maximumf %get3A_41, %max3A_44 : vector<1000x1xf32>
    %div3A = arith.constant 1.000000e+00 : f32
    %div3A_46 = vector.broadcast %div3A : f32 to vector<1000x1xf32>
    %div3A_47 = arith.divf %div3A_46, %max3A_45 : vector<1000x1xf32>
    %jit3A = arith.constant 0.000000e+00 : f32
    %broadcast_in_dim3A = vector.broadcast %jit3A : f32 to vector<1000x1xf32>
    %select_n3A = arith.select %gt3A_43, %div3A_47, %broadcast_in_dim3A : vector<1000x1xi1>, vector<1000x1xf32>
    %mul3A = vector.broadcast %select_n3A : vector<1000x1xf32> to vector<1000x256xf32>
    %mul3A_48 = arith.mulf %concatenate3A, %mul3A : vector<1000x256xf32>
    %get3A_49 = arith.constant 0 : index
    %get3A_50 = arith.constant 0 : index
    %get3A_51 = arith.constant 0 : index
    %get3A_52 = vector.load %arg3[%get3A_49, %get3A_50, %get3A_51] : memref<8x1000x32xf32, #tpu.memory_space<vmem>>, vector<1x1000x32xf32>
    %get3A_53 = vector.shape_cast %get3A_52 : vector<1x1000x32xf32> to vector<1000x32xf32>
    %get3A_54 = arith.constant 1 : index
    %get3A_55 = arith.constant 0 : index
    %get3A_56 = arith.constant 0 : index
    %get3A_57 = vector.load %arg3[%get3A_54, %get3A_55, %get3A_56] : memref<8x1000x32xf32, #tpu.memory_space<vmem>>, vector<1x1000x32xf32>
    %get3A_58 = vector.shape_cast %get3A_57 : vector<1x1000x32xf32> to vector<1000x32xf32>
    %get3A_59 = arith.constant 2 : index
    %get3A_60 = arith.constant 0 : index
    %get3A_61 = arith.constant 0 : index
    %get3A_62 = vector.load %arg3[%get3A_59, %get3A_60, %get3A_61] : memref<8x1000x32xf32, #tpu.memory_space<vmem>>, vector<1x1000x32xf32>
    %get3A_63 = vector.shape_cast %get3A_62 : vector<1x1000x32xf32> to vector<1000x32xf32>
    %get3A_64 = arith.constant 3 : index
    %get3A_65 = arith.constant 0 : index
    %get3A_66 = arith.constant 0 : index
    %get3A_67 = vector.load %arg3[%get3A_64, %get3A_65, %get3A_66] : memref<8x1000x32xf32, #tpu.memory_space<vmem>>, vector<1x1000x32xf32>
    %get3A_68 = vector.shape_cast %get3A_67 : vector<1x1000x32xf32> to vector<1000x32xf32>
    %get3A_69 = arith.constant 4 : index
    %get3A_70 = arith.constant 0 : index
    %get3A_71 = arith.constant 0 : index
    %get3A_72 = vector.load %arg3[%get3A_69, %get3A_70, %get3A_71] : memref<8x1000x32xf32, #tpu.memory_space<vmem>>, vector<1x1000x32xf32>
    %get3A_73 = vector.shape_cast %get3A_72 : vector<1x1000x32xf32> to vector<1000x32xf32>
    %get3A_74 = arith.constant 5 : index
    %get3A_75 = arith.constant 0 : index
    %get3A_76 = arith.constant 0 : index
    %get3A_77 = vector.load %arg3[%get3A_74, %get3A_75, %get3A_76] : memref<8x1000x32xf32, #tpu.memory_space<vmem>>, vector<1x1000x32xf32>
    %get3A_78 = vector.shape_cast %get3A_77 : vector<1x1000x32xf32> to vector<1000x32xf32>
    %get3A_79 = arith.constant 6 : index
    %get3A_80 = arith.constant 0 : index
    %get3A_81 = arith.constant 0 : index
    %get3A_82 = vector.load %arg3[%get3A_79, %get3A_80, %get3A_81] : memref<8x1000x32xf32, #tpu.memory_space<vmem>>, vector<1x1000x32xf32>
    %get3A_83 = vector.shape_cast %get3A_82 : vector<1x1000x32xf32> to vector<1000x32xf32>
    %get3A_84 = arith.constant 7 : index
    %get3A_85 = arith.constant 0 : index
    %get3A_86 = arith.constant 0 : index
    %get3A_87 = vector.load %arg3[%get3A_84, %get3A_85, %get3A_86] : memref<8x1000x32xf32, #tpu.memory_space<vmem>>, vector<1x1000x32xf32>
    %get3A_88 = vector.shape_cast %get3A_87 : vector<1x1000x32xf32> to vector<1000x32xf32>
    %concatenate3A_89 = tpu.concatenate %get3A_53, %get3A_58, %get3A_63, %get3A_68, %get3A_73, %get3A_78, %get3A_83, %get3A_88 in 1 : vector<1000x32xf32>, vector<1000x32xf32>, vector<1000x32xf32>, vector<1000x32xf32>, vector<1000x32xf32>, vector<1000x32xf32>, vector<1000x32xf32>, vector<1000x32xf32> -> vector<1000x256xf32>
    %get3A_90 = arith.constant 0 : index
    %get3A_91 = arith.constant 0 : index
    %get3A_92 = vector.load %arg4[%get3A_90, %get3A_91] : memref<256x256xf32, #tpu.memory_space<vmem>>, vector<256x256xf32>
    %dot_general3A = arith.constant dense<0.000000e+00> : vector<1000x256xf32>
    %dot_general3A_93 = tpu.matmul %mul3A_48, %get3A_92, %dot_general3A {dimension_numbers = #tpu.dot_dimension_numbers<[1], [0], [0], [1], [0, 0, 1, 1], [], []>, transpose_lhs_hint = false} : vector<1000x256xf32>, vector<256x256xf32>, vector<1000x256xf32> -> vector<1000x256xf32>
    %get3A_94 = arith.constant 0 : index
    %get3A_95 = arith.constant 0 : index
    %get3A_96 = vector.load %arg5[%get3A_94, %get3A_95] : memref<8x256xf32, #tpu.memory_space<vmem>>, vector<1x256xf32>
    %add3A = vector.broadcast %get3A_96 : vector<1x256xf32> to vector<1000x256xf32>
    %add3A_97 = arith.addf %dot_general3A_93, %add3A : vector<1000x256xf32>
    %get3A_98 = arith.constant 0 : index
    %get3A_99 = arith.constant 0 : index
    %get3A_100 = vector.load %arg6[%get3A_98, %get3A_99] : memref<256x256xf32, #tpu.memory_space<vmem>>, vector<256x256xf32>
    %dot_general3A_101 = arith.constant dense<0.000000e+00> : vector<1000x256xf32>
    %dot_general3A_102 = tpu.matmul %concatenate3A_89, %get3A_100, %dot_general3A_101 {dimension_numbers = #tpu.dot_dimension_numbers<[1], [0], [0], [1], [0, 0, 1, 1], [], []>, transpose_lhs_hint = false} : vector<1000x256xf32>, vector<256x256xf32>, vector<1000x256xf32> -> vector<1000x256xf32>
    %add3A_103 = arith.addf %add3A_97, %dot_general3A_102 : vector<1000x256xf32>
    %swap3A = arith.constant 0 : index
    %swap3A_104 = arith.constant 0 : index
    %swap3A_105 = vector.load %arg7[%swap3A, %swap3A_104] : memref<1000x256xf32, #tpu.memory_space<vmem>>, vector<1000x256xf32>
    tpu.vector_store %arg7[%swap3A, %swap3A_104], %add3A_103 {strides = array<i32>} : memref<1000x256xf32, #tpu.memory_space<vmem>>, vector<1000x256xf32>,
    return
  }
  func.func @transform_0(%arg0: i32) -> (i32, i32, i32) {
    %c0_i32 = arith.constant 0 : i32
    %c0_i32_0 = arith.constant 0 : i32
    %c0_i32_1 = arith.constant 0 : i32
    return %c0_i32, %arg0, %c0_i32_0 : i32, i32, i32
  }
  func.func @transform_1(%arg0: i32) -> (i32, i32) {
    %c0_i32 = arith.constant 0 : i32
    %c0_i32_0 = arith.constant 0 : i32
    return %arg0, %c0_i32 : i32, i32
  }
  func.func @transform_2(%arg0: i32) -> (i32, i32, i32) {
    %c0_i32 = arith.constant 0 : i32
    %c0_i32_0 = arith.constant 0 : i32
    %c0_i32_1 = arith.constant 0 : i32
    return %c0_i32, %arg0, %c0_i32_0 : i32, i32, i32
  }
  func.func @transform_3(%arg0: i32) -> (i32, i32) {
    %c0_i32 = arith.constant 0 : i32
    %c0_i32_0 = arith.constant 0 : i32
    %c0_i32_1 = arith.constant 0 : i32
    return %c0_i32, %c0_i32_0 : i32, i32
  }
  func.func @transform_4(%arg0: i32) -> (i32, i32) {
    %c0_i32 = arith.constant 0 : i32
    %c0_i32_0 = arith.constant 0 : i32
    %c0_i32_1 = arith.constant 0 : i32
    return %c0_i32, %c0_i32_0 : i32, i32
  }
  func.func @transform_5(%arg0: i32) -> (i32, i32) {
    %c0_i32 = arith.constant 0 : i32
    %c0_i32_0 = arith.constant 0 : i32
    %c0_i32_1 = arith.constant 0 : i32
    return %c0_i32, %c0_i32_0 : i32, i32
  }
  func.func @transform_6(%arg0: i32) -> (i32, i32) {
    %c0_i32 = arith.constant 0 : i32
    %c0_i32_0 = arith.constant 0 : i32
    return %arg0, %c0_i32 : i32, i32
  }
}

</mosaic_0001>

<sc_bundles>
// kernel: sage_agg.3.cloned.1.call-start
scs
__scs_entry_jumppad:
0x0: {  	(pc) =	sbr.rel $0x88, $3  }
0x1: {  	(tag) =	ssettag $0x0;
	lr =	simm.s32 $0x1  }
0x2: {  	[smem:$0x3F99] =	sst lr;
	_ =	strace $0xD0000000  }
0x3: {  	_ = 	snop  }
0x4: {  	_ = 	snop  }
0x5: {  	_ = 	snop  }
0x6: {  	_ = 	snop  }
0x7: {  	_ = 	snop  }
__scs_overlays_trampoline_lowered:
0x8: {  	[smem:$0x3FA8] =	sst s0  }
0x9: {  	[smem:$0x3FA9] =	sst s1  }
0xa: {  	[smem:$0x3FAA] =	sst s2  }
0xb: {  	[smem:$0x3FAB] =	sst s3  }
0xc: {  	[smem:$0x3FAC] =	sst s4  }
0xd: {  	[smem:$0x3FAD] =	sst s5  }
0xe: {  	[smem:$0x3FAE] =	sst s6  }
0xf: {  	[smem:$0x3FAF] =	sst s7  }
0x10: {  	[smem:$0x3FB0] =	sst s8  }
0x11: {  	[smem:$0x3FB1] =	sst s9;
	s0 =	simm.s32 @!p0 $0x0  }
0x12: {  	s1 =	sld [smem:$0x3F97];
	s0 =	simm.s32 @p0 $0x1  }
0x13: {  	[smem:$0x3FB2] =	sst s0;
	s0 =	simm.s32 @!p1 $0x0  }
0x14: {  	s2 =	sld [smem:$0x3F96];
	s0 =	simm.s32 @p1 $0x1  }
0x15: {  	[smem:$0x3FB3] =	sst s0;
	s0 =	simm.s32 @!p2 $0x0  }
0x16: {  	s3 =	sld [smem:$0x3FDB];
	s0 =	simm.s32 @p2 $0x1  }
0x17: {  	s4 =	simm.s32 $0x1BF5;
	[smem:$0x3FB5] =	sst s0  }
0x18: {  	s0 =	sld [smem:$0x3F98];
	_ =	swait.ge [sflag:s4], $0x0  }
0x19: {  	s7 =	sld [smem:$0x3F99]  }
0x1a: {  	s8 =	sadd.s32 $0xFFFFE003, lr  }
0x1b: {  	s9 =	sadd.s32 $0xFFFFFEF7, lr;
	s5 =	simm.s32 $0xFFFFFFFF;
	p2 =	slt.u32 s8, $0xFFFFF086  }
0x1c: {  	p1 =	slt.u32 s9, $0xF7A;
	s5 =	simm.s32 @!p2 $0x0  }
0x1d: {  	s5 =	simm.s32 @p1 $0x1;
	p0 =	seq.s32 s7, s2  }
0x1e: {  	s7 =	smul.u32 @!p0 $0xF7A, s2;
	p2 =	seq.s32 @!p0 s5, $0x0  }
0x1f: {  	s9 =	smul.u32 $0xF7A, s1;
	s8 =	simm.s32 @!p0 $0x1BF5;
	p2 =	por !p2, p0  }
0x20: {  	[sflag:s8] =	ssyncset.s32 @!p0 $0xFFFFF086;
	s6 =	sadd.s32 @!p0 s3, s7;
	s7 =	simm.s32 @!p0 $0x108  }
0x21: {  	s3 =	sadd.s32 s3, s9;
	s6 =	sadd.s32 @!p0 $0x88, s6;
	s7 =	simm.s32 @p2 $0x1082  }
0x22: {  	[simem:s7], [sflag:s8] =	dma.local @!p0 [hbm:s6], $0xF7A  }
0x23: {  	s9 =	sor.u32 $0xD0000000, s2;
	s6 =	simm.s32 $0x108;
	_ =	swait.ge @!p0 [sflag:s8], $0x0  }
0x24: {  	s3 =	sadd.s32 $0x88, s3;
	s6 =	simm.s32 @!p1 $0x1082;
	[sflag:s4] =	ssyncset.s32 $0xFFFFF086  }
0x25: {  	[simem:s6], [sflag:s4] =	dma.local [hbm:s3], $0xF7A  }
0x26: {  	[smem:$0x3F99] =	sst s1;
	(tag) =	ssettag s2;
	_ =	strace s9  }
0x27: {  	s1 =	sld [smem:$0x3FA9]  }
0x28: {  	s2 =	sld [smem:$0x3FAA]  }
0x29: {  	s4 =	sld [smem:$0x3FAC]  }
0x2a: {  	p0 =	seq.s32 s5, $0x0;
	s5 =	sld [smem:$0x3FAD]  }
0x2b: {  	s6 =	sld [smem:$0x3FAE]  }
0x2c: {  	s7 =	sld [smem:$0x3FAF]  }
0x2d: {  	s3 =	simm.s32 $0x108;
	s8 =	sld [smem:$0x3FB0]  }
0x2e: {  	s3 =	simm.s32 @!p0 $0x1082;
	s9 =	sld [smem:$0x3FB1]  }
0x2f: {  	lr =	sadd.s32 s0, s3;
	s0 =	sld [smem:$0x3FA8]  }
0x30: {  	s3 =	sld [smem:$0x3FAB]  }
0x31: {  	[smem:$0x3FB4] =	sst s10  }
0x32: {  	s10 =	sld [smem:$0x3FB2];
	_ =	sdelay $0x3  }
0x33: {  	p0 =	seq.s32 s10, $0x1;
	s10 =	sld [smem:$0x3FB4];
	_ =	sdelay $0x3  }
0x34: {  	[smem:$0x3FB4] =	sst s10  }
0x35: {  	s10 =	sld [smem:$0x3FB3];
	_ =	sdelay $0x3  }
0x36: {  	p1 =	seq.s32 s10, $0x1;
	s10 =	sld [smem:$0x3FB4];
	_ =	sdelay $0x3  }
0x37: {  	[smem:$0x3FB4] =	sst s10  }
0x38: {  	s10 =	sld [smem:$0x3FB5]  }
0x39: {  	_ = 	snop;
	(pc) =	sbr.ind lr, $3  }
0x3a: {  	_ = 	snop  }
0x3b: {  	_ = 	snop  }
0x3c: {  	p2 =	seq.s32 s10, $0x1;
	s10 =	sld [smem:$0x3FB4]  }
0x3d: {  	_ =	shalt  }
0x3e: {  	_ =	shalt  }
0x3f: {  	_ =	shalt  }
0x40: {  	_ =	shalt  }
0x41: {  	_ =	shalt  }
0x42: {  	_ =	shalt  }
0x43: {  	_ =	shalt  }
0x44: {  	_ =	shalt  }
0x45: {  	_ =	shalt  }
0x46: {  	_ =	shalt  }
0x47: {  	_ =	shalt  }
0x48: {  	_ =	shalt  }
0x49: {  	_ =	shalt  }
0x4a: {  	_ =	shalt  }
0x4b: {  	_ =	shalt  }
0x4c: {  	_ =	shalt  }
0x4d: {  	_ =	shalt  }
0x4e: {  	_ =	shalt  }
0x4f: {  	_ =	shalt  }
0x50: {  	_ =	shalt  }
0x51: {  	_ =	shalt  }
0x52: {  	_ =	shalt  }
0x53: {  	_ =	shalt  }
0x54: {  	_ =	shalt  }
0x55: {  	_ =	shalt  }
0x56: {  	_ =	shalt  }
0x57: {  	_ =	shalt  }
0x58: {  	_ =	shalt  }
0x59: {  	_ =	shalt  }
0x5a: {  	_ =	shalt  }
0x5b: {  	_ =	shalt  }
0x5c: {  	_ =	shalt  }
0x5d: {  	_ =	shalt  }
0x5e: {  	_ =	shalt  }
0x5f: {  	_ =	shalt  }
0x60: {  	_ =	shalt  }
0x61: {  	_ =	shalt  }
0x62: {  	_ =	shalt  }
0x63: {  	_ =	shalt  }
0x64: {  	_ =	shalt  }
0x65: {  	_ =	shalt  }
0x66: {  	_ =	shalt  }
0x67: {  	_ =	shalt  }
0x68: {  	_ =	shalt  }
0x69: {  	_ =	shalt  }
0x6a: {  	_ =	shalt  }
0x6b: {  	_ =	shalt  }
0x6c: {  	_ =	shalt  }
0x6d: {  	_ =	shalt  }
0x6e: {  	_ =	shalt  }
0x6f: {  	_ =	shalt  }
0x70: {  	_ =	shalt  }
0x71: {  	_ =	shalt  }
0x72: {  	_ =	shalt  }
0x73: {  	_ =	shalt  }
0x74: {  	_ =	shalt  }
0x75: {  	_ =	shalt  }
0x76: {  	_ =	shalt  }
0x77: {  	_ =	shalt  }
0x78: {  	_ =	shalt  }
0x79: {  	_ =	shalt  }
0x7a: {  	_ =	shalt  }
0x7b: {  	_ =	shalt  }
0x7c: {  	_ =	shalt  }
0x7d: {  	_ =	shalt  }
0x7e: {  	_ =	shalt  }
0x7f: {  	_ =	shalt  }
0x80: {  	_ =	shalt  }
0x81: {  	_ =	shalt  }
0x82: {  	_ =	shalt  }
0x83: {  	_ =	shalt  }
0x84: {  	_ =	shalt  }
0x85: {  	_ =	shalt  }
0x86: {  	_ =	shalt  }
0x87: {  	_ =	shalt  }
.Lfunc_end0:
.L_simem_size_0:
called_computation.1_lowered:
.L_overlay_start_0:
0x88: {  	s2 =	sld [smem:$0x3FD9]  }
0x89: {  	s3 =	sld [smem:$0x3FFE];
	_ =	sdelay $0x1  }
0x8a: {  	s1 =	srdreg.scid  }
0x8b: {  	s0 =	sand.u32 $0x1, s1  }
0x8c: {  	s17 =	sshll.u32 s0, $0xA;
	s2 =	sadd.s32 s3, s2  }
0x8d: {  	s2 =	sadd.s32 s2, s17  }
0x8e: {  	[smem:$0x3FC0] =	sst s2  }
0x8f: {  	_ = 	snop  }
0x90: {  	s2 =	sld [smem:$0x3FD0];
	(tm) =	ssettm $0x1  }
0x91: {  	s18 =	sld [smem:$0x3FFB];
	_ =	sdelay $0x3  }
0x92: {  	_ =	strace s18  }
0x93: {  	s3 =	sld [smem:$0x3FFC];
	_ =	sdelay $0x3  }
0x94: {  	_ =	strace s3  }
0x95: {  	s3 =	sld [smem:$0x3FFD];
	_ =	sdelay $0x3  }
0x96: {  	_ =	strace s3  }
0x97: {  	_ =	strace $0x8FFFFFFF  }
0x98: {  	s19 =	sld [smem:$0x3FDB];
	_ =	sdelay $0x1  }
0x99: {  	s4 =	simm.s32 $_scs_section_size  }
0x9a: {  	s5 =	simm.s32 $_size__tile_overlayer_lowered;
	s6 =	simm.s32 $_tile_overlayer_lowered  }
0x9b: {  	s22 =	simm.s32 $0x1BFF;
	s21 =	sshll.u32 s6, $0x1;
	s3 =	sadd.s32 s4, s19  }
0x9c: {  	s7 =	simm.s32 $0x0;
	s20 =	sshll.u32 s5, $0x1;
	s5 =	sadd.s32 s21, s3  }
0x9d: {  	[timem:s7], [sflag:s22] =	dma.local [hbm:s5], s20  }
0x9e: {  	_ =	swait.ge [sflag:s22], s20  }
0x9f: {  	s4 =	ssub.s32 $0x0, s20;
	[sflag:s22] =	ssyncset.done $0x0  }
0xa0: {  	[sflag:s22] =	ssyncadd.s32 s4;
	_ =	sdelay $0x1  }
0xa1: {  	s23 =	simm.s32 $0x1B8B  }
0xa2: {  	_ =	swait.ge [sflag:s23], $0x1  }
0xa3: {  	[sflag:s23] =	ssyncset.done $0x0  }
0xa4: {  	s25 =	simm.s32 $0x1B8E;
	s24 =	sld [smem:$0x3FFE];
	[sflag:s23] =	ssyncadd.s32 $0xFFFFFFFF  }
0xa5: {  	s26 =	simm.s32 $execute0_lowered;
	[smem:$0x3FD2] =	sst s25  }
0xa6: {  	s5 =	sshll.u32 s26, $0x1;
	_ =	strace $0x80000049;
	[dreg:$0x1] =	wrdreg $0xFFFFFFFF  }
0xa7: {  	s28 =	simm.s32 $_size_execute0_lowered;
	s3 =	sadd.s32 s3, s5;
	[dreg:$0x0] =	wrdreg $0x0  }
0xa8: {  	s5 =	sshll.u32 s28, $0x1;
	[dreg:$0x2] =	wrdreg s3  }
0xa9: {  	[dreg:$0x3] =	wrdreg s5  }
0xaa: {  	[dreg:$0x4] =	wrdreg $0xC0  }
0xab: {  	_ =	task [dreg:s7], $0x5FFFF  }
0xac: {  	[dreg:$0x1] =	wrdreg $0xFFFFFFFF  }
0xad: {  	[dreg:$0x0] =	wrdreg $0x60  }
0xae: {  	[dreg:$0x2] =	wrdreg s2  }
0xaf: {  	[dreg:$0x3] =	wrdreg s24  }
0xb0: {  	[dreg:$0x4] =	wrdreg $0xF0000  }
0xb1: {  	[dreg:$0x5] =	wrdreg $0x13E200  }
0xb2: {  	[dreg:$0x6] =	wrdreg $0x9  }
0xb3: {  	_ =	task.clear_ibuf [dreg:s7], $0x7FFFF;
	_ =	strace $0x90000049  }
0xb4: {  	s29 =	simm.s32 $0x9;
	_ =	strace $0x8000004B  }
0xb5: {  	_ =	swait.ge [sflag:s29], $0x1  }
0xb6: {  	[sflag:s29] =	ssyncadd.s32 $0xFFFFFFFF  }
0xb7: {  	_ =	strace $0x9000004B  }
0xb8: {  	_ =	sfence  }
0xb9: {  	s30 =	sld [smem:$0x0];
	_ =	sdelay $0x2  }
0xba: {  	s31 =	sshll.u32 s1, $0xD;
	s1 =	sshrl.u32 s1, $0x2  }
0xbb: {  	s3 =	sand.u32 $0x4000, s31;
	s1 =	sadd.s32 s1, s30  }
0xbc: {  	s0 =	sor.u32 s3, s0;
	s1 =	sshll.u32 s1, $0x11  }
0xbd: {  	s0 =	sor.u32 s1, s0  }
0xbe: {  	s0 =	sadd.s32 $0x8F2B, s0  }
0xbf: {  	[sflag:s0] =	ssyncadd.remote.s32 $0x1  }
0xc0: {  	_ =	sfence.sel $0xFFFF  }
0xc1: {  	[dreg:$0x0] =	wrdreg $0xFFFFFFFF;
	(pc) =	sbr.abs _section_cstart, $3  }
0xc2: {  	[dreg:$0x1] =	wrdreg $0xFFFFFFFF  }
0xc3: {  	_ =	task.clear_ibuf [dreg:s7], $0x2FFFF;
	_ =	strace $0x9FFFFFFF  }
0xc4: {  	(tm) =	ssettm $0x7FFFFFFF  }
0xc5: {  	_ =	shalt  }
tec
execute0_lowered:
.L_overlay_start_1:
0x0: {  	(tag) =	ssettag $0x1  }
0x1: {  	s0 =	rddreg [dreg:$0x0]  }
0x2: {  	s1 =	rddreg [dreg:$0x1]  }
0x3: {  	s2 =	rddreg [dreg:$0x2]  }
0x4: {  	s3 =	rddreg [dreg:$0x3];
	s12 =	stileid.u32  }
0x5: {  	s5 =	simm.s32 $0x0;
	s6 =	srdreg.scid;
	s4 =	smul.u32 $0x500, s12  }
0x6: {  	s28 =	simm.s32 $0x1;
	s29 =	simm.s32 $0x2;
	s7 =	smul.u32 $0x271, s12  }
0x7: {  	s30 =	simm.s32 $0x3;
	s6 =	sand.u32 $0x1, s6;
	s9 =	smul.u32 $0x13880, s12  }
0x8: {  	s31 =	simm.s32 $0x4;
	[smem:$0x7FF] =	sst s5;
	s23 =	smul.u32 $0x2710, s6  }
0x9: {  	s5 =	sadd.s32 $0x143C00, s1;
	s25 =	smul.u32 $0x4F000, s6;
	s26 =	sor.u32 $0x2, s6  }
0xa: {  	_ =	strace $0x8000004A;
	s8 =	ssub.s32 $0x2, s6;
	s13 =	smul.u32 $0x2710, s26  }
0xb: {  	s18 =	sor.u32 $0x4, s6;
	s6 =	sor.u32 $0x6, s6;
	s17 =	smul.u32 $0x4F000, s26  }
0xc: {  	s4 =	sadd.s32 s4, s1;
	s1 =	sadd.s32 $0x1600, s1;
	s20 =	smul.u32 $0x2710, s18  }
0xd: {  	s10 =	sshrl.u32 s8, $0x1;
	s9 =	sshrl.u32 s9, $0x2;
	s22 =	smul.u32 $0x4F000, s18  }
0xe: {  	s11 =	sadd.s32 $0x13EC00, s4;
	s8 =	ssub.s32 s8, s10;
	s4 =	sadd.s32 $0x139C00, s4  }
0xf: {  	s24 =	sadd.s32 s7, s23;
	s23 =	smul.u32 $0x2710, s6;
	[dreg:$0x5] =	wrdreg s11  }
0x10: {  	s9 =	sadd.s32 s9, s2;
	s6 =	smul.u32 $0x4F000, s6;
	[dreg:$0x6] =	wrdreg s4  }
0x11: {  	s4 =	smul.u32 $0x4F00, s12;
	s10 =	sshll.u32 s24, $0x2;
	[dreg:$0x7] =	wrdreg s9  }
0x12: {  	s16 =	sadd.s32 s7, s13;
	s18 =	smax.u32 s8, $0x1;
	s10 =	sadd.s32 s0, s10  }
0x13: {  	s8 =	simm.s32 $0x0;
	[dreg:$0x8] =	wrdreg s10;
	s14 =	sadd.s32 s4, s25  }
0x14: {  	s15 =	sadd.s32 s4, s3;
	s10 =	sshll.u32 s16, $0x2;
	s21 =	sadd.s32 s4, s17  }
0x15: {  	s24 =	sadd.s32 s4, s22;
	s4 =	sadd.s32 s4, s6;
	s22 =	simm.s32 $0x5000  }
0x16: {  	s6 =	simm.s32 $0x9;
	[dreg:$0x9] =	wrdreg s15;
	s9 =	sshrl.u32 s14, $0x3  }
0x17: {  	s19 =	sadd.s32 s0, s10;
	s10 =	sshrl.u32 s21, $0x3;
	s26 =	sshrl.u32 s4, $0x3  }
0x18: {  	s21 =	simm.s32 $0x100;
	s4 =	simm.s32 $0x8;
	s9 =	sadd.s32 s1, s9  }
0x19: {  	[dreg:$0xb] =	wrdreg s19;
	s10 =	sadd.s32 s1, s10;
	s17 =	sadd.s32 s1, s26  }
0x1a: {  	s19 =	simm.s32 $0xB;
	s26 =	simm.s32 $0xD000;
	[dreg:$0xa] =	wrdreg s9  }
0x1b: {  	s9 =	sadd.s32 s7, s20;
	[dreg:$0xc] =	wrdreg s10;
	s7 =	sadd.s32 s7, s23  }
0x1c: {  	s23 =	simm.s32 $0x7000;
	s9 =	sshll.u32 s9, $0x2;
	s7 =	sshll.u32 s7, $0x2  }
0x1d: {  	s20 =	simm.s32 $0x6;
	s9 =	sadd.s32 s0, s9;
	s16 =	sadd.s32 s0, s7  }
0x1e: {  	s0 =	simm.s32 $0x5;
	[dreg:$0xd] =	wrdreg s9;
	s9 =	sshrl.u32 s24, $0x3  }
0x1f: {  	s7 =	simm.s32 $0xA;
	s24 =	simm.s32 $0x9000;
	s25 =	sadd.s32 s1, s9  }
0x20: {  	s1 =	simm.s32 $0x7;
	[dreg:$0xe] =	wrdreg s25;
	s25 =	simm.s32 $0xB000  }
.LBB2_1:
0x21: {  	s9 =	simm.s32 $0x0;
	s10 =	rddreg [dreg:$0x5]  }
0x22: {  	[tilespmem:s9], [sflag:$0xB] =	stream.linear.gather [hbm4b:s10+s9], $0x2800, $0x38;
	[tilespmem:$0x18D20] =	vst v63  }
0x23: {  	_ =	swait.ge [sflag:s19], $0x2800  }
0x24: {  	s11 =	simm.s32 $0x2800;
	[sflag:s19] =	ssyncset.done $0x0  }
0x25: {  	s13 =	stileid.u32;
	s12 =	rddreg [dreg:$0x6];
	[sflag:s19] =	ssyncadd.s32 $0xFFFFD800  }
0x26: {  	[tilespmem:s11], [sflag:$0xB] =	stream.linear.gather [hbm4b:s12+s9], $0x2800, $0x38;
	[tilespmem:$0x18D20] =	vst v63  }
0x27: {  	s9 =	sshll.u32 s13, $0x6;
	_ =	swait.ge [sflag:s19], $0x2800  }
0x28: {  	s9 =	sor.u32 $0x1C0B, s9;
	[sflag:s19] =	ssyncset.done $0x0;
	s14 =	rddreg [dreg:$0x7]  }
0x29: {  	s15 =	rddreg [dreg:$0x8];
	[sflag:s19] =	ssyncadd.s32 $0xFFFFD800;
	s11 =	sshrl.u32 s14, $0x3  }
0x2a: {  	[spmem:s11], [sflag:s9] =	dma.local [hbm:s15], $0x9C4  }
0x2b: {  	_ =	swait.ge [sflag:s19], $0x9C4  }
0x2c: {  	[sflag:s19] =	ssyncset.done $0x0;
	s12 =	rddreg [dreg:$0x9]  }
0x2d: {  	[sflag:s19] =	ssyncadd.s32 $0xFFFFF63C;
	s10 =	sshrl.u32 s12, $0x3  }
0x2e: {  	[spmem:s10], [sflag:s9] =	dma.local [hbm:s5], $0x9E0  }
0x2f: {  	_ =	swait.ge [sflag:s19], $0x9E0  }
0x30: {  	[sflag:s19] =	ssyncset.done $0x0  }
0x31: {  	[sflag:s19] =	ssyncadd.s32 $0xFFFFF620  }
0x32: {  	s12 =	simm.s32 $0x0;
	[bflag:$0x0] =	sbarrier.arrive $0xFFFF  }
0x33: {  	[tilespmem:s22], [sflag:$0x1] =	stream.indirect.gather [spmem:s2], $0x20, s12, s21, $0xb8;
	[tilespmem:$0x18D20] =	vst v63  }
0x34: {  	s13 =	simm.s32 $0x100  }
0x35: {  	[tilespmem:s23], [sflag:$0x2] =	stream.indirect.gather [spmem:s2], $0x20, s13, s21, $0xb8;
	[tilespmem:$0x18D20] =	vst v63  }
0x36: {  	s14 =	simm.s32 $0x200  }
0x37: {  	[tilespmem:s24], [sflag:$0x3] =	stream.indirect.gather [spmem:s2], $0x20, s14, s21, $0xb8;
	[tilespmem:$0x18D20] =	vst v63  }
0x38: {  	s15 =	simm.s32 $0x300  }
0x39: {  	[tilespmem:s25], [sflag:$0x4] =	stream.indirect.gather [spmem:s2], $0x20, s15, s21, $0xb8;
	[tilespmem:$0x18D20] =	vst v63  }
0x3a: {  	s13 =	simm.s32 $0x400  }
0x3b: {  	[tilespmem:s26], [sflag:$0x5] =	stream.indirect.gather [spmem:s2], $0x20, s13, s21, $0xb8;
	[tilespmem:$0x18D20] =	vst v63  }
0x3c: {  	_ =	swait.ge [sflag:s28], $0x2000  }
0x3d: {  	[sflag:s28] =	ssyncset.done $0x0  }
0x3e: {  	s14 =	simm.s32 $0x2800;
	[sflag:s28] =	ssyncadd.s32 $0xFFFFE000  }
0x3f: {  	[spmem:s3] =	stream.indirect.scatter.add.f32 [tilespmem:s22], [sflag:$0x6], $0x20, s14, s21, $0xb8;
	[tilespmem:$0x18D20] =	vst v63  }
0x40: {  	_ =	swait.ge [sflag:s29], $0x2000  }
0x41: {  	[sflag:s29] =	ssyncset.done $0x0  }
0x42: {  	s15 =	simm.s32 $0x2900;
	[sflag:s29] =	ssyncadd.s32 $0xFFFFE000  }
0x43: {  	[spmem:s3] =	stream.indirect.scatter.add.f32 [tilespmem:s23], [sflag:$0x7], $0x20, s15, s21, $0xb8;
	[tilespmem:$0x18D20] =	vst v63  }
0x44: {  	_ =	swait.ge [sflag:s30], $0x2000  }
0x45: {  	[sflag:s30] =	ssyncset.done $0x0  }
0x46: {  	s13 =	simm.s32 $0x2A00;
	[sflag:s30] =	ssyncadd.s32 $0xFFFFE000  }
0x47: {  	[spmem:s3] =	stream.indirect.scatter.add.f32 [tilespmem:s24], [sflag:$0x8], $0x20, s13, s21, $0xb8;
	[tilespmem:$0x18D20] =	vst v63  }
0x48: {  	_ =	swait.ge [sflag:s31], $0x2000  }
0x49: {  	[sflag:s31] =	ssyncset.done $0x0  }
0x4a: {  	s14 =	simm.s32 $0x2B00;
	[sflag:s31] =	ssyncadd.s32 $0xFFFFE000  }
0x4b: {  	[spmem:s3] =	stream.indirect.scatter.add.f32 [tilespmem:s25], [sflag:$0x9], $0x20, s14, s21, $0xb8;
	[tilespmem:$0x18D20] =	vst v63  }
0x4c: {  	_ =	swait.ge [sflag:s0], $0x2000  }
0x4d: {  	[sflag:s0] =	ssyncset.done $0x0  }
0x4e: {  	s15 =	simm.s32 $0x2C00;
	[sflag:s0] =	ssyncadd.s32 $0xFFFFE000  }
0x4f: {  	[spmem:s3] =	stream.indirect.scatter.add.f32 [tilespmem:s26], [sflag:$0xA], $0x20, s15, s21, $0xb8;
	[tilespmem:$0x18D20] =	vst v63  }
0x50: {  	_ =	swait.ge [sflag:s20], $0x2000  }
0x51: {  	[sflag:s20] =	ssyncset.done $0x0  }
0x52: {  	[sflag:s20] =	ssyncadd.s32 $0xFFFFE000  }
0x53: {  	_ =	swait.ge [sflag:s1], $0x2000  }
0x54: {  	[sflag:s1] =	ssyncset.done $0x0  }
0x55: {  	[sflag:s1] =	ssyncadd.s32 $0xFFFFE000  }
0x56: {  	_ =	swait.ge [sflag:s4], $0x2000  }
0x57: {  	[sflag:s4] =	ssyncset.done $0x0  }
0x58: {  	[sflag:s4] =	ssyncadd.s32 $0xFFFFE000  }
0x59: {  	_ =	swait.ge [sflag:s6], $0x2000  }
0x5a: {  	[sflag:s6] =	ssyncset.done $0x0  }
0x5b: {  	[sflag:s6] =	ssyncadd.s32 $0xFFFFE000  }
0x5c: {  	_ =	swait.ge [sflag:s7], $0x2000  }
0x5d: {  	s12 =	simm.s32 $0x1400;
	s13 =	simm.s32 $0x2800;
	[sflag:s7] =	ssyncset.done $0x0  }
.LBB2_2:
0x5e: {  	s14 =	sshra.s32 s12, $0x2  }
0x5f: {  	[sflag:s7] =	ssyncadd.s32 $0xFFFFE000;
	s12 =	smov.u32 s13;
	s15 =	sadd.s32 $0x1400, s13  }
0x60: {  	[tilespmem:s22], [sflag:$0x1] =	stream.indirect.gather [spmem:s2], $0x20, s14, s21, $0xb8;
	[tilespmem:$0x18D20] =	vst v63  }
0x61: {  	p0 =	sne.s32 s13, $0x8C00;
	s13 =	sadd.s32 $0x100, s14  }
0x62: {  	[tilespmem:s23], [sflag:$0x2] =	stream.indirect.gather [spmem:s2], $0x20, s13, s21, $0xb8;
	[tilespmem:$0x18D20] =	vst v63  }
0x63: {  	s13 =	sadd.s32 $0x200, s14  }
0x64: {  	[tilespmem:s24], [sflag:$0x3] =	stream.indirect.gather [spmem:s2], $0x20, s13, s21, $0xb8;
	[tilespmem:$0x18D20] =	vst v63  }
0x65: {  	s13 =	sadd.s32 $0x300, s14  }
0x66: {  	[tilespmem:s25], [sflag:$0x4] =	stream.indirect.gather [spmem:s2], $0x20, s13, s21, $0xb8;
	[tilespmem:$0x18D20] =	vst v63  }
0x67: {  	s13 =	sadd.s32 $0x400, s14  }
0x68: {  	[tilespmem:s26], [sflag:$0x5] =	stream.indirect.gather [spmem:s2], $0x20, s13, s21, $0xb8;
	[tilespmem:$0x18D20] =	vst v63  }
0x69: {  	_ =	swait.ge [sflag:s28], $0x2000  }
0x6a: {  	[sflag:s28] =	ssyncset.done $0x0  }
0x6b: {  	s13 =	sadd.s32 $0x2800, s14;
	[sflag:s28] =	ssyncadd.s32 $0xFFFFE000  }
0x6c: {  	[spmem:s3] =	stream.indirect.scatter.add.f32 [tilespmem:s22], [sflag:$0x6], $0x20, s13, s21, $0xb8;
	[tilespmem:$0x18D20] =	vst v63  }
0x6d: {  	_ =	swait.ge [sflag:s29], $0x2000  }
0x6e: {  	[sflag:s29] =	ssyncset.done $0x0  }
0x6f: {  	s13 =	sadd.s32 $0x2900, s14;
	[sflag:s29] =	ssyncadd.s32 $0xFFFFE000  }
0x70: {  	[spmem:s3] =	stream.indirect.scatter.add.f32 [tilespmem:s23], [sflag:$0x7], $0x20, s13, s21, $0xb8;
	[tilespmem:$0x18D20] =	vst v63  }
0x71: {  	_ =	swait.ge [sflag:s30], $0x2000  }
0x72: {  	[sflag:s30] =	ssyncset.done $0x0  }
0x73: {  	s13 =	sadd.s32 $0x2A00, s14;
	[sflag:s30] =	ssyncadd.s32 $0xFFFFE000  }
0x74: {  	[spmem:s3] =	stream.indirect.scatter.add.f32 [tilespmem:s24], [sflag:$0x8], $0x20, s13, s21, $0xb8;
	[tilespmem:$0x18D20] =	vst v63  }
0x75: {  	_ =	swait.ge [sflag:s31], $0x2000  }
0x76: {  	[sflag:s31] =	ssyncset.done $0x0  }
0x77: {  	s13 =	sadd.s32 $0x2B00, s14;
	[sflag:s31] =	ssyncadd.s32 $0xFFFFE000  }
0x78: {  	[spmem:s3] =	stream.indirect.scatter.add.f32 [tilespmem:s25], [sflag:$0x9], $0x20, s13, s21, $0xb8;
	[tilespmem:$0x18D20] =	vst v63  }
0x79: {  	_ =	swait.ge [sflag:s0], $0x2000  }
0x7a: {  	[sflag:s0] =	ssyncset.done $0x0  }
0x7b: {  	s13 =	sadd.s32 $0x2C00, s14;
	[sflag:s0] =	ssyncadd.s32 $0xFFFFE000  }
0x7c: {  	[spmem:s3] =	stream.indirect.scatter.add.f32 [tilespmem:s26], [sflag:$0xA], $0x20, s13, s21, $0xb8;
	[tilespmem:$0x18D20] =	vst v63  }
0x7d: {  	_ =	swait.ge [sflag:s20], $0x2000  }
0x7e: {  	[sflag:s20] =	ssyncset.done $0x0  }
0x7f: {  	[sflag:s20] =	ssyncadd.s32 $0xFFFFE000  }
0x80: {  	_ =	swait.ge [sflag:s1], $0x2000  }
0x81: {  	[sflag:s1] =	ssyncset.done $0x0  }
0x82: {  	[sflag:s1] =	ssyncadd.s32 $0xFFFFE000  }
0x83: {  	_ =	swait.ge [sflag:s4], $0x2000  }
0x84: {  	[sflag:s4] =	ssyncset.done $0x0  }
0x85: {  	[sflag:s4] =	ssyncadd.s32 $0xFFFFE000  }
.Ltmp0:
0x86: {  	_ =	swait.ge [sflag:s6], $0x2000;
	(pc) =	sbr.rel @p0 .LBB2_2-.Ltmp0, $4  }
0x87: {  	[sflag:s6] =	ssyncset.done $0x0  }
0x88: {  	[sflag:s6] =	ssyncadd.s32 $0xFFFFE000  }
0x89: {  	_ =	swait.ge [sflag:s7], $0x2000  }
0x8a: {  	s13 =	smov.u32 s15;
	[sflag:s7] =	ssyncset.done $0x0  }
0x8b: {  	s12 =	sshra.s32 s12, $0x2;
	[sflag:s7] =	ssyncadd.s32 $0xFFFFE000  }
0x8c: {  	[tilespmem:s22], [sflag:$0x1] =	stream.indirect.gather [spmem:s2], $0x20, s12, s21, $0xb8;
	[tilespmem:$0x18D20] =	vst v63  }
0x8d: {  	s13 =	sadd.s32 $0x100, s12  }
0x8e: {  	[tilespmem:s23], [sflag:$0x2] =	stream.indirect.gather [spmem:s2], $0x20, s13, s21, $0xb8;
	[tilespmem:$0x18D20] =	vst v63  }
0x8f: {  	s15 =	sadd.s32 $0x200, s12  }
0x90: {  	[tilespmem:s24], [sflag:$0x3] =	stream.indirect.gather [spmem:s2], $0x20, s15, s21, $0xb8;
	[tilespmem:$0x18D20] =	vst v63  }
0x91: {  	s14 =	sadd.s32 $0x300, s12  }
0x92: {  	[tilespmem:s25], [sflag:$0x4] =	stream.indirect.gather [spmem:s2], $0x20, s14, s21, $0xb8;
	[tilespmem:$0x18D20] =	vst v63  }
0x93: {  	s15 =	sadd.s32 $0x400, s12  }
0x94: {  	[tilespmem:s26], [sflag:$0x5] =	stream.indirect.gather [spmem:s2], $0x20, s15, s21, $0xb8;
	[tilespmem:$0x18D20] =	vst v63  }
0x95: {  	_ =	swait.ge [sflag:s28], $0x2000  }
0x96: {  	[sflag:s28] =	ssyncset.done $0x0  }
0x97: {  	s14 =	sadd.s32 $0x2800, s12;
	[sflag:s28] =	ssyncadd.s32 $0xFFFFE000  }
0x98: {  	[spmem:s3] =	stream.indirect.scatter.add.f32 [tilespmem:s22], [sflag:$0x6], $0x20, s14, s21, $0xb8;
	[tilespmem:$0x18D20] =	vst v63  }
0x99: {  	_ =	swait.ge [sflag:s29], $0x2000  }
0x9a: {  	[sflag:s29] =	ssyncset.done $0x0  }
0x9b: {  	s15 =	sadd.s32 $0x2900, s12;
	[sflag:s29] =	ssyncadd.s32 $0xFFFFE000  }
0x9c: {  	[spmem:s3] =	stream.indirect.scatter.add.f32 [tilespmem:s23], [sflag:$0x7], $0x20, s15, s21, $0xb8;
	[tilespmem:$0x18D20] =	vst v63  }
0x9d: {  	_ =	swait.ge [sflag:s30], $0x2000  }
0x9e: {  	[sflag:s30] =	ssyncset.done $0x0  }
0x9f: {  	s14 =	sadd.s32 $0x2A00, s12;
	[sflag:s30] =	ssyncadd.s32 $0xFFFFE000  }
0xa0: {  	[spmem:s3] =	stream.indirect.scatter.add.f32 [tilespmem:s24], [sflag:$0x8], $0x20, s14, s21, $0xb8;
	[tilespmem:$0x18D20] =	vst v63  }
0xa1: {  	_ =	swait.ge [sflag:s31], $0x2000  }
0xa2: {  	[sflag:s31] =	ssyncset.done $0x0  }
0xa3: {  	s15 =	sadd.s32 $0x2B00, s12;
	[sflag:s31] =	ssyncadd.s32 $0xFFFFE000  }
0xa4: {  	[spmem:s3] =	stream.indirect.scatter.add.f32 [tilespmem:s25], [sflag:$0x9], $0x20, s15, s21, $0xb8;
	[tilespmem:$0x18D20] =	vst v63  }
0xa5: {  	_ =	swait.ge [sflag:s0], $0x2000  }
0xa6: {  	[sflag:s0] =	ssyncset.done $0x0  }
0xa7: {  	s12 =	sadd.s32 $0x2C00, s12;
	[sflag:s0] =	ssyncadd.s32 $0xFFFFE000  }
0xa8: {  	[spmem:s3] =	stream.indirect.scatter.add.f32 [tilespmem:s26], [sflag:$0xA], $0x20, s12, s21, $0xb8;
	[tilespmem:$0x18D20] =	vst v63  }
0xa9: {  	_ =	swait.ge [sflag:s20], $0x2000  }
0xaa: {  	[sflag:s20] =	ssyncset.done $0x0  }
0xab: {  	[sflag:s20] =	ssyncadd.s32 $0xFFFFE000  }
0xac: {  	_ =	swait.ge [sflag:s1], $0x2000  }
0xad: {  	[sflag:s1] =	ssyncset.done $0x0  }
0xae: {  	[sflag:s1] =	ssyncadd.s32 $0xFFFFE000  }
0xaf: {  	_ =	swait.ge [sflag:s4], $0x2000  }
0xb0: {  	[sflag:s4] =	ssyncset.done $0x0  }
0xb1: {  	[sflag:s4] =	ssyncadd.s32 $0xFFFFE000  }
0xb2: {  	_ =	swait.ge [sflag:s6], $0x2000  }
0xb3: {  	[sflag:s6] =	ssyncset.done $0x0  }
0xb4: {  	[sflag:s6] =	ssyncadd.s32 $0xFFFFE000  }
0xb5: {  	_ =	swait.ge [sflag:s7], $0x2000  }
0xb6: {  	[sflag:s7] =	ssyncset.done $0x0  }
0xb7: {  	[sflag:s7] =	ssyncadd.s32 $0xFFFFE000  }
0xb8: {  	[bflag:$0x0] =	sbarrier.arrive $0xFFFF  }
0xb9: {  	s13 =	rddreg [dreg:$0xa]  }
0xba: {  	[hbm:s13], [sflag:s9] =	dma.local [spmem:s10], $0x9E0  }
0xbb: {  	_ =	swait.ge [sflag:s19], $0x9E0  }
0xbc: {  	[sflag:s19] =	ssyncset.done $0x0  }
0xbd: {  	[sflag:s19] =	ssyncadd.s32 $0xFFFFF620  }
0xbe: {  	[bflag:$0x0] =	sbarrier.arrive $0xFFFF  }
0xbf: {  	s14 =	rddreg [dreg:$0xb]  }
0xc0: {  	[spmem:s11], [sflag:s9] =	dma.local [hbm:s14], $0x9C4  }
0xc1: {  	_ =	swait.ge [sflag:s19], $0x9C4  }
0xc2: {  	[sflag:s19] =	ssyncset.done $0x0  }
0xc3: {  	[sflag:s19] =	ssyncadd.s32 $0xFFFFF63C  }
0xc4: {  	[spmem:s10], [sflag:s9] =	dma.local [hbm:s5], $0x9E0  }
0xc5: {  	_ =	swait.ge [sflag:s19], $0x9E0  }
0xc6: {  	[sflag:s19] =	ssyncset.done $0x0  }
0xc7: {  	[sflag:s19] =	ssyncadd.s32 $0xFFFFF620  }
0xc8: {  	s15 =	simm.s32 $0x0;
	[bflag:$0x0] =	sbarrier.arrive $0xFFFF  }
0xc9: {  	[tilespmem:s22], [sflag:$0x1] =	stream.indirect.gather [spmem:s2], $0x20, s15, s21, $0xb8;
	[tilespmem:$0x18D20] =	vst v63  }
0xca: {  	s13 =	simm.s32 $0x100  }
0xcb: {  	[tilespmem:s23], [sflag:$0x2] =	stream.indirect.gather [spmem:s2], $0x20, s13, s21, $0xb8;
	[tilespmem:$0x18D20] =	vst v63  }
0xcc: {  	s14 =	simm.s32 $0x200  }
0xcd: {  	[tilespmem:s24], [sflag:$0x3] =	stream.indirect.gather [spmem:s2], $0x20, s14, s21, $0xb8;
	[tilespmem:$0x18D20] =	vst v63  }
0xce: {  	s15 =	simm.s32 $0x300  }
0xcf: {  	[tilespmem:s25], [sflag:$0x4] =	stream.indirect.gather [spmem:s2], $0x20, s15, s21, $0xb8;
	[tilespmem:$0x18D20] =	vst v63  }
0xd0: {  	s13 =	simm.s32 $0x400  }
0xd1: {  	[tilespmem:s26], [sflag:$0x5] =	stream.indirect.gather [spmem:s2], $0x20, s13, s21, $0xb8;
	[tilespmem:$0x18D20] =	vst v63  }
0xd2: {  	_ =	swait.ge [sflag:s28], $0x2000  }
0xd3: {  	[sflag:s28] =	ssyncset.done $0x0  }
0xd4: {  	s14 =	simm.s32 $0x2800;
	[sflag:s28] =	ssyncadd.s32 $0xFFFFE000  }
0xd5: {  	[spmem:s3] =	stream.indirect.scatter.add.f32 [tilespmem:s22], [sflag:$0x6], $0x20, s14, s21, $0xb8;
	[tilespmem:$0x18D20] =	vst v63  }
0xd6: {  	_ =	swait.ge [sflag:s29], $0x2000  }
0xd7: {  	[sflag:s29] =	ssyncset.done $0x0  }
0xd8: {  	s15 =	simm.s32 $0x2900;
	[sflag:s29] =	ssyncadd.s32 $0xFFFFE000  }
0xd9: {  	[spmem:s3] =	stream.indirect.scatter.add.f32 [tilespmem:s23], [sflag:$0x7], $0x20, s15, s21, $0xb8;
	[tilespmem:$0x18D20] =	vst v63  }
0xda: {  	_ =	swait.ge [sflag:s30], $0x2000  }
0xdb: {  	[sflag:s30] =	ssyncset.done $0x0  }
0xdc: {  	s13 =	simm.s32 $0x2A00;
	[sflag:s30] =	ssyncadd.s32 $0xFFFFE000  }
0xdd: {  	[spmem:s3] =	stream.indirect.scatter.add.f32 [tilespmem:s24], [sflag:$0x8], $0x20, s13, s21, $0xb8;
	[tilespmem:$0x18D20] =	vst v63  }
0xde: {  	_ =	swait.ge [sflag:s31], $0x2000  }
0xdf: {  	[sflag:s31] =	ssyncset.done $0x0  }
0xe0: {  	s14 =	simm.s32 $0x2B00;
	[sflag:s31] =	ssyncadd.s32 $0xFFFFE000  }
0xe1: {  	[spmem:s3] =	stream.indirect.scatter.add.f32 [tilespmem:s25], [sflag:$0x9], $0x20, s14, s21, $0xb8;
	[tilespmem:$0x18D20] =	vst v63  }
0xe2: {  	_ =	swait.ge [sflag:s0], $0x2000  }
0xe3: {  	[sflag:s0] =	ssyncset.done $0x0  }
0xe4: {  	s15 =	simm.s32 $0x2C00;
	[sflag:s0] =	ssyncadd.s32 $0xFFFFE000  }
0xe5: {  	[spmem:s3] =	stream.indirect.scatter.add.f32 [tilespmem:s26], [sflag:$0xA], $0x20, s15, s21, $0xb8;
	[tilespmem:$0x18D20] =	vst v63  }
0xe6: {  	_ =	swait.ge [sflag:s20], $0x2000  }
0xe7: {  	[sflag:s20] =	ssyncset.done $0x0  }
0xe8: {  	[sflag:s20] =	ssyncadd.s32 $0xFFFFE000  }
0xe9: {  	_ =	swait.ge [sflag:s1], $0x2000  }
0xea: {  	[sflag:s1] =	ssyncset.done $0x0  }
0xeb: {  	[sflag:s1] =	ssyncadd.s32 $0xFFFFE000  }
0xec: {  	_ =	swait.ge [sflag:s4], $0x2000  }
0xed: {  	[sflag:s4] =	ssyncset.done $0x0  }
0xee: {  	[sflag:s4] =	ssyncadd.s32 $0xFFFFE000  }
0xef: {  	_ =	swait.ge [sflag:s6], $0x2000  }
0xf0: {  	[sflag:s6] =	ssyncset.done $0x0  }
0xf1: {  	[sflag:s6] =	ssyncadd.s32 $0xFFFFE000  }
0xf2: {  	_ =	swait.ge [sflag:s7], $0x2000  }
0xf3: {  	s12 =	simm.s32 $0x1400;
	s15 =	simm.s32 $0x2800;
	[sflag:s7] =	ssyncset.done $0x0  }
.LBB2_4:
0xf4: {  	s14 =	sshra.s32 s12, $0x2  }
0xf5: {  	[sflag:s7] =	ssyncadd.s32 $0xFFFFE000;
	s12 =	smov.u32 s15;
	s13 =	sadd.s32 $0x1400, s15  }
0xf6: {  	[tilespmem:s22], [sflag:$0x1] =	stream.indirect.gather [spmem:s2], $0x20, s14, s21, $0xb8;
	[tilespmem:$0x18D20] =	vst v63  }
0xf7: {  	p0 =	sne.s32 s15, $0x8C00;
	s15 =	sadd.s32 $0x100, s14  }
0xf8: {  	[tilespmem:s23], [sflag:$0x2] =	stream.indirect.gather [spmem:s2], $0x20, s15, s21, $0xb8;
	[tilespmem:$0x18D20] =	vst v63  }
0xf9: {  	s15 =	sadd.s32 $0x200, s14  }
0xfa: {  	[tilespmem:s24], [sflag:$0x3] =	stream.indirect.gather [spmem:s2], $0x20, s15, s21, $0xb8;
	[tilespmem:$0x18D20] =	vst v63  }
0xfb: {  	s15 =	sadd.s32 $0x300, s14  }
0xfc: {  	[tilespmem:s25], [sflag:$0x4] =	stream.indirect.gather [spmem:s2], $0x20, s15, s21, $0xb8;
	[tilespmem:$0x18D20] =	vst v63  }
0xfd: {  	s15 =	sadd.s32 $0x400, s14  }
0xfe: {  	[tilespmem:s26], [sflag:$0x5] =	stream.indirect.gather [spmem:s2], $0x20, s15, s21, $0xb8;
	[tilespmem:$0x18D20] =	vst v63  }
0xff: {  	_ =	swait.ge [sflag:s28], $0x2000  }
0x100: {  	[sflag:s28] =	ssyncset.done $0x0  }
0x101: {  	s15 =	sadd.s32 $0x2800, s14;
	[sflag:s28] =	ssyncadd.s32 $0xFFFFE000  }
0x102: {  	[spmem:s3] =	stream.indirect.scatter.add.f32 [tilespmem:s22], [sflag:$0x6], $0x20, s15, s21, $0xb8;
	[tilespmem:$0x18D20] =	vst v63  }
0x103: {  	_ =	swait.ge [sflag:s29], $0x2000  }
0x104: {  	[sflag:s29] =	ssyncset.done $0x0  }
0x105: {  	s15 =	sadd.s32 $0x2900, s14;
	[sflag:s29] =	ssyncadd.s32 $0xFFFFE000  }
0x106: {  	[spmem:s3] =	stream.indirect.scatter.add.f32 [tilespmem:s23], [sflag:$0x7], $0x20, s15, s21, $0xb8;
	[tilespmem:$0x18D20] =	vst v63  }
0x107: {  	_ =	swait.ge [sflag:s30], $0x2000  }
0x108: {  	[sflag:s30] =	ssyncset.done $0x0  }
0x109: {  	s15 =	sadd.s32 $0x2A00, s14;
	[sflag:s30] =	ssyncadd.s32 $0xFFFFE000  }
0x10a: {  	[spmem:s3] =	stream.indirect.scatter.add.f32 [tilespmem:s24], [sflag:$0x8], $0x20, s15, s21, $0xb8;
	[tilespmem:$0x18D20] =	vst v63  }
0x10b: {  	_ =	swait.ge [sflag:s31], $0x2000  }
0x10c: {  	[sflag:s31] =	ssyncset.done $0x0  }
0x10d: {  	s15 =	sadd.s32 $0x2B00, s14;
	[sflag:s31] =	ssyncadd.s32 $0xFFFFE000  }
0x10e: {  	[spmem:s3] =	stream.indirect.scatter.add.f32 [tilespmem:s25], [sflag:$0x9], $0x20, s15, s21, $0xb8;
	[tilespmem:$0x18D20] =	vst v63  }
0x10f: {  	_ =	swait.ge [sflag:s0], $0x2000  }
0x110: {  	[sflag:s0] =	ssyncset.done $0x0  }
0x111: {  	s14 =	sadd.s32 $0x2C00, s14;
	[sflag:s0] =	ssyncadd.s32 $0xFFFFE000  }
0x112: {  	[spmem:s3] =	stream.indirect.scatter.add.f32 [tilespmem:s26], [sflag:$0xA], $0x20, s14, s21, $0xb8;
	[tilespmem:$0x18D20] =	vst v63  }
0x113: {  	_ =	swait.ge [sflag:s20], $0x2000  }
0x114: {  	[sflag:s20] =	ssyncset.done $0x0  }
0x115: {  	[sflag:s20] =	ssyncadd.s32 $0xFFFFE000  }
0x116: {  	_ =	swait.ge [sflag:s1], $0x2000  }
0x117: {  	[sflag:s1] =	ssyncset.done $0x0  }
0x118: {  	[sflag:s1] =	ssyncadd.s32 $0xFFFFE000  }
0x119: {  	_ =	swait.ge [sflag:s4], $0x2000  }
0x11a: {  	[sflag:s4] =	ssyncset.done $0x0  }
0x11b: {  	[sflag:s4] =	ssyncadd.s32 $0xFFFFE000  }
.Ltmp1:
0x11c: {  	_ =	swait.ge [sflag:s6], $0x2000;
	(pc) =	sbr.rel @p0 .LBB2_4-.Ltmp1, $4  }
0x11d: {  	[sflag:s6] =	ssyncset.done $0x0  }
0x11e: {  	[sflag:s6] =	ssyncadd.s32 $0xFFFFE000  }
0x11f: {  	_ =	swait.ge [sflag:s7], $0x2000  }
0x120: {  	s15 =	smov.u32 s13;
	[sflag:s7] =	ssyncset.done $0x0  }
0x121: {  	s12 =	sshra.s32 s12, $0x2;
	[sflag:s7] =	ssyncadd.s32 $0xFFFFE000  }
0x122: {  	[tilespmem:s22], [sflag:$0x1] =	stream.indirect.gather [spmem:s2], $0x20, s12, s21, $0xb8;
	[tilespmem:$0x18D20] =	vst v63  }
0x123: {  	s13 =	sadd.s32 $0x100, s12  }
0x124: {  	[tilespmem:s23], [sflag:$0x2] =	stream.indirect.gather [spmem:s2], $0x20, s13, s21, $0xb8;
	[tilespmem:$0x18D20] =	vst v63  }
0x125: {  	s15 =	sadd.s32 $0x200, s12  }
0x126: {  	[tilespmem:s24], [sflag:$0x3] =	stream.indirect.gather [spmem:s2], $0x20, s15, s21, $0xb8;
	[tilespmem:$0x18D20] =	vst v63  }
0x127: {  	s14 =	sadd.s32 $0x300, s12  }
0x128: {  	[tilespmem:s25], [sflag:$0x4] =	stream.indirect.gather [spmem:s2], $0x20, s14, s21, $0xb8;
	[tilespmem:$0x18D20] =	vst v63  }
0x129: {  	s15 =	sadd.s32 $0x400, s12  }
0x12a: {  	[tilespmem:s26], [sflag:$0x5] =	stream.indirect.gather [spmem:s2], $0x20, s15, s21, $0xb8;
	[tilespmem:$0x18D20] =	vst v63  }
0x12b: {  	_ =	swait.ge [sflag:s28], $0x2000  }
0x12c: {  	[sflag:s28] =	ssyncset.done $0x0  }
0x12d: {  	s14 =	sadd.s32 $0x2800, s12;
	[sflag:s28] =	ssyncadd.s32 $0xFFFFE000  }
0x12e: {  	[spmem:s3] =	stream.indirect.scatter.add.f32 [tilespmem:s22], [sflag:$0x6], $0x20, s14, s21, $0xb8;
	[tilespmem:$0x18D20] =	vst v63  }
0x12f: {  	_ =	swait.ge [sflag:s29], $0x2000  }
0x130: {  	[sflag:s29] =	ssyncset.done $0x0  }
0x131: {  	s15 =	sadd.s32 $0x2900, s12;
	[sflag:s29] =	ssyncadd.s32 $0xFFFFE000  }
0x132: {  	[spmem:s3] =	stream.indirect.scatter.add.f32 [tilespmem:s23], [sflag:$0x7], $0x20, s15, s21, $0xb8;
	[tilespmem:$0x18D20] =	vst v63  }
0x133: {  	_ =	swait.ge [sflag:s30], $0x2000  }
0x134: {  	[sflag:s30] =	ssyncset.done $0x0  }
0x135: {  	s14 =	sadd.s32 $0x2A00, s12;
	[sflag:s30] =	ssyncadd.s32 $0xFFFFE000  }
0x136: {  	[spmem:s3] =	stream.indirect.scatter.add.f32 [tilespmem:s24], [sflag:$0x8], $0x20, s14, s21, $0xb8;
	[tilespmem:$0x18D20] =	vst v63  }
0x137: {  	_ =	swait.ge [sflag:s31], $0x2000  }
0x138: {  	[sflag:s31] =	ssyncset.done $0x0  }
0x139: {  	s15 =	sadd.s32 $0x2B00, s12;
	[sflag:s31] =	ssyncadd.s32 $0xFFFFE000  }
0x13a: {  	[spmem:s3] =	stream.indirect.scatter.add.f32 [tilespmem:s25], [sflag:$0x9], $0x20, s15, s21, $0xb8;
	[tilespmem:$0x18D20] =	vst v63  }
0x13b: {  	_ =	swait.ge [sflag:s0], $0x2000  }
0x13c: {  	[sflag:s0] =	ssyncset.done $0x0  }
0x13d: {  	s12 =	sadd.s32 $0x2C00, s12;
	[sflag:s0] =	ssyncadd.s32 $0xFFFFE000  }
0x13e: {  	[spmem:s3] =	stream.indirect.scatter.add.f32 [tilespmem:s26], [sflag:$0xA], $0x20, s12, s21, $0xb8;
	[tilespmem:$0x18D20] =	vst v63  }
0x13f: {  	_ =	swait.ge [sflag:s20], $0x2000  }
0x140: {  	[sflag:s20] =	ssyncset.done $0x0  }
0x141: {  	[sflag:s20] =	ssyncadd.s32 $0xFFFFE000  }
0x142: {  	_ =	swait.ge [sflag:s1], $0x2000  }
0x143: {  	[sflag:s1] =	ssyncset.done $0x0  }
0x144: {  	[sflag:s1] =	ssyncadd.s32 $0xFFFFE000  }
0x145: {  	_ =	swait.ge [sflag:s4], $0x2000  }
0x146: {  	[sflag:s4] =	ssyncset.done $0x0  }
0x147: {  	[sflag:s4] =	ssyncadd.s32 $0xFFFFE000  }
0x148: {  	_ =	swait.ge [sflag:s6], $0x2000  }
0x149: {  	[sflag:s6] =	ssyncset.done $0x0  }
0x14a: {  	[sflag:s6] =	ssyncadd.s32 $0xFFFFE000  }
0x14b: {  	_ =	swait.ge [sflag:s7], $0x2000  }
0x14c: {  	[sflag:s7] =	ssyncset.done $0x0  }
0x14d: {  	[sflag:s7] =	ssyncadd.s32 $0xFFFFE000  }
0x14e: {  	[bflag:$0x0] =	sbarrier.arrive $0xFFFF  }
0x14f: {  	s13 =	rddreg [dreg:$0xc]  }
0x150: {  	[hbm:s13], [sflag:s9] =	dma.local [spmem:s10], $0x9E0  }
0x151: {  	_ =	swait.ge [sflag:s19], $0x9E0  }
0x152: {  	[sflag:s19] =	ssyncset.done $0x0  }
0x153: {  	[sflag:s19] =	ssyncadd.s32 $0xFFFFF620  }
0x154: {  	[bflag:$0x0] =	sbarrier.arrive $0xFFFF  }
0x155: {  	s14 =	rddreg [dreg:$0xd]  }
0x156: {  	[spmem:s11], [sflag:s9] =	dma.local [hbm:s14], $0x9C4  }
0x157: {  	_ =	swait.ge [sflag:s19], $0x9C4  }
0x158: {  	[sflag:s19] =	ssyncset.done $0x0  }
0x159: {  	[sflag:s19] =	ssyncadd.s32 $0xFFFFF63C  }
0x15a: {  	[spmem:s10], [sflag:s9] =	dma.local [hbm:s5], $0x9E0  }
0x15b: {  	_ =	swait.ge [sflag:s19], $0x9E0  }
0x15c: {  	[sflag:s19] =	ssyncset.done $0x0  }
0x15d: {  	[sflag:s19] =	ssyncadd.s32 $0xFFFFF620  }
0x15e: {  	s15 =	simm.s32 $0x0;
	[bflag:$0x0] =	sbarrier.arrive $0xFFFF  }
0x15f: {  	[tilespmem:s22], [sflag:$0x1] =	stream.indirect.gather [spmem:s2], $0x20, s15, s21, $0xb8;
	[tilespmem:$0x18D20] =	vst v63  }
0x160: {  	s13 =	simm.s32 $0x100  }
0x161: {  	[tilespmem:s23], [sflag:$0x2] =	stream.indirect.gather [spmem:s2], $0x20, s13, s21, $0xb8;
	[tilespmem:$0x18D20] =	vst v63  }
0x162: {  	s14 =	simm.s32 $0x200  }
0x163: {  	[tilespmem:s24], [sflag:$0x3] =	stream.indirect.gather [spmem:s2], $0x20, s14, s21, $0xb8;
	[tilespmem:$0x18D20] =	vst v63  }
0x164: {  	s15 =	simm.s32 $0x300  }
0x165: {  	[tilespmem:s25], [sflag:$0x4] =	stream.indirect.gather [spmem:s2], $0x20, s15, s21, $0xb8;
	[tilespmem:$0x18D20] =	vst v63  }
0x166: {  	s13 =	simm.s32 $0x400  }
0x167: {  	[tilespmem:s26], [sflag:$0x5] =	stream.indirect.gather [spmem:s2], $0x20, s13, s21, $0xb8;
	[tilespmem:$0x18D20] =	vst v63  }
0x168: {  	_ =	swait.ge [sflag:s28], $0x2000  }
0x169: {  	[sflag:s28] =	ssyncset.done $0x0  }
0x16a: {  	s14 =	simm.s32 $0x2800;
	[sflag:s28] =	ssyncadd.s32 $0xFFFFE000  }
0x16b: {  	[spmem:s3] =	stream.indirect.scatter.add.f32 [tilespmem:s22], [sflag:$0x6], $0x20, s14, s21, $0xb8;
	[tilespmem:$0x18D20] =	vst v63  }
0x16c: {  	_ =	swait.ge [sflag:s29], $0x2000  }
0x16d: {  	[sflag:s29] =	ssyncset.done $0x0  }
0x16e: {  	s15 =	simm.s32 $0x2900;
	[sflag:s29] =	ssyncadd.s32 $0xFFFFE000  }
0x16f: {  	[spmem:s3] =	stream.indirect.scatter.add.f32 [tilespmem:s23], [sflag:$0x7], $0x20, s15, s21, $0xb8;
	[tilespmem:$0x18D20] =	vst v63  }
0x170: {  	_ =	swait.ge [sflag:s30], $0x2000  }
0x171: {  	[sflag:s30] =	ssyncset.done $0x0  }
0x172: {  	s13 =	simm.s32 $0x2A00;
	[sflag:s30] =	ssyncadd.s32 $0xFFFFE000  }
0x173: {  	[spmem:s3] =	stream.indirect.scatter.add.f32 [tilespmem:s24], [sflag:$0x8], $0x20, s13, s21, $0xb8;
	[tilespmem:$0x18D20] =	vst v63  }
0x174: {  	_ =	swait.ge [sflag:s31], $0x2000  }
0x175: {  	[sflag:s31] =	ssyncset.done $0x0  }
0x176: {  	s14 =	simm.s32 $0x2B00;
	[sflag:s31] =	ssyncadd.s32 $0xFFFFE000  }
0x177: {  	[spmem:s3] =	stream.indirect.scatter.add.f32 [tilespmem:s25], [sflag:$0x9], $0x20, s14, s21, $0xb8;
	[tilespmem:$0x18D20] =	vst v63  }
0x178: {  	_ =	swait.ge [sflag:s0], $0x2000  }
0x179: {  	[sflag:s0] =	ssyncset.done $0x0  }
0x17a: {  	s15 =	simm.s32 $0x2C00;
	[sflag:s0] =	ssyncadd.s32 $0xFFFFE000  }
0x17b: {  	[spmem:s3] =	stream.indirect.scatter.add.f32 [tilespmem:s26], [sflag:$0xA], $0x20, s15, s21, $0xb8;
	[tilespmem:$0x18D20] =	vst v63  }
0x17c: {  	_ =	swait.ge [sflag:s20], $0x2000  }
0x17d: {  	[sflag:s20] =	ssyncset.done $0x0  }
0x17e: {  	[sflag:s20] =	ssyncadd.s32 $0xFFFFE000  }
0x17f: {  	_ =	swait.ge [sflag:s1], $0x2000  }
0x180: {  	[sflag:s1] =	ssyncset.done $0x0  }
0x181: {  	[sflag:s1] =	ssyncadd.s32 $0xFFFFE000  }
0x182: {  	_ =	swait.ge [sflag:s4], $0x2000  }
0x183: {  	[sflag:s4] =	ssyncset.done $0x0  }
0x184: {  	[sflag:s4] =	ssyncadd.s32 $0xFFFFE000  }
0x185: {  	_ =	swait.ge [sflag:s6], $0x2000  }
0x186: {  	[sflag:s6] =	ssyncset.done $0x0  }
0x187: {  	[sflag:s6] =	ssyncadd.s32 $0xFFFFE000  }
0x188: {  	_ =	swait.ge [sflag:s7], $0x2000  }
0x189: {  	s12 =	simm.s32 $0x1400;
	s15 =	simm.s32 $0x2800;
	[sflag:s7] =	ssyncset.done $0x0  }
.LBB2_6:
0x18a: {  	s14 =	sshra.s32 s12, $0x2  }
0x18b: {  	[sflag:s7] =	ssyncadd.s32 $0xFFFFE000;
	s12 =	smov.u32 s15;
	s13 =	sadd.s32 $0x1400, s15  }
0x18c: {  	[tilespmem:s22], [sflag:$0x1] =	stream.indirect.gather [spmem:s2], $0x20, s14, s21, $0xb8;
	[tilespmem:$0x18D20] =	vst v63  }
0x18d: {  	p0 =	sne.s32 s15, $0x8C00;
	s15 =	sadd.s32 $0x100, s14  }
0x18e: {  	[tilespmem:s23], [sflag:$0x2] =	stream.indirect.gather [spmem:s2], $0x20, s15, s21, $0xb8;
	[tilespmem:$0x18D20] =	vst v63  }
0x18f: {  	s15 =	sadd.s32 $0x200, s14  }
0x190: {  	[tilespmem:s24], [sflag:$0x3] =	stream.indirect.gather [spmem:s2], $0x20, s15, s21, $0xb8;
	[tilespmem:$0x18D20] =	vst v63  }
0x191: {  	s15 =	sadd.s32 $0x300, s14  }
0x192: {  	[tilespmem:s25], [sflag:$0x4] =	stream.indirect.gather [spmem:s2], $0x20, s15, s21, $0xb8;
	[tilespmem:$0x18D20] =	vst v63  }
0x193: {  	s15 =	sadd.s32 $0x400, s14  }
0x194: {  	[tilespmem:s26], [sflag:$0x5] =	stream.indirect.gather [spmem:s2], $0x20, s15, s21, $0xb8;
	[tilespmem:$0x18D20] =	vst v63  }
0x195: {  	_ =	swait.ge [sflag:s28], $0x2000  }
0x196: {  	[sflag:s28] =	ssyncset.done $0x0  }
0x197: {  	s15 =	sadd.s32 $0x2800, s14;
	[sflag:s28] =	ssyncadd.s32 $0xFFFFE000  }
0x198: {  	[spmem:s3] =	stream.indirect.scatter.add.f32 [tilespmem:s22], [sflag:$0x6], $0x20, s15, s21, $0xb8;
	[tilespmem:$0x18D20] =	vst v63  }
0x199: {  	_ =	swait.ge [sflag:s29], $0x2000  }
0x19a: {  	[sflag:s29] =	ssyncset.done $0x0  }
0x19b: {  	s15 =	sadd.s32 $0x2900, s14;
	[sflag:s29] =	ssyncadd.s32 $0xFFFFE000  }
0x19c: {  	[spmem:s3] =	stream.indirect.scatter.add.f32 [tilespmem:s23], [sflag:$0x7], $0x20, s15, s21, $0xb8;
	[tilespmem:$0x18D20] =	vst v63  }
0x19d: {  	_ =	swait.ge [sflag:s30], $0x2000  }
0x19e: {  	[sflag:s30] =	ssyncset.done $0x0  }
0x19f: {  	s15 =	sadd.s32 $0x2A00, s14;
	[sflag:s30] =	ssyncadd.s32 $0xFFFFE000  }
0x1a0: {  	[spmem:s3] =	stream.indirect.scatter.add.f32 [tilespmem:s24], [sflag:$0x8], $0x20, s15, s21, $0xb8;
	[tilespmem:$0x18D20] =	vst v63  }
0x1a1: {  	_ =	swait.ge [sflag:s31], $0x2000  }
0x1a2: {  	[sflag:s31] =	ssyncset.done $0x0  }
0x1a3: {  	s15 =	sadd.s32 $0x2B00, s14;
	[sflag:s31] =	ssyncadd.s32 $0xFFFFE000  }
0x1a4: {  	[spmem:s3] =	stream.indirect.scatter.add.f32 [tilespmem:s25], [sflag:$0x9], $0x20, s15, s21, $0xb8;
	[tilespmem:$0x18D20] =	vst v63  }
0x1a5: {  	_ =	swait.ge [sflag:s0], $0x2000  }
0x1a6: {  	[sflag:s0] =	ssyncset.done $0x0  }
0x1a7: {  	s14 =	sadd.s32 $0x2C00, s14;
	[sflag:s0] =	ssyncadd.s32 $0xFFFFE000  }
0x1a8: {  	[spmem:s3] =	stream.indirect.scatter.add.f32 [tilespmem:s26], [sflag:$0xA], $0x20, s14, s21, $0xb8;
	[tilespmem:$0x18D20] =	vst v63  }
0x1a9: {  	_ =	swait.ge [sflag:s20], $0x2000  }
0x1aa: {  	[sflag:s20] =	ssyncset.done $0x0  }
0x1ab: {  	[sflag:s20] =	ssyncadd.s32 $0xFFFFE000  }
0x1ac: {  	_ =	swait.ge [sflag:s1], $0x2000  }
0x1ad: {  	[sflag:s1] =	ssyncset.done $0x0  }
0x1ae: {  	[sflag:s1] =	ssyncadd.s32 $0xFFFFE000  }
0x1af: {  	_ =	swait.ge [sflag:s4], $0x2000  }
0x1b0: {  	[sflag:s4] =	ssyncset.done $0x0  }
0x1b1: {  	[sflag:s4] =	ssyncadd.s32 $0xFFFFE000  }
.Ltmp2:
0x1b2: {  	_ =	swait.ge [sflag:s6], $0x2000;
	(pc) =	sbr.rel @p0 .LBB2_6-.Ltmp2, $4  }
0x1b3: {  	[sflag:s6] =	ssyncset.done $0x0  }
0x1b4: {  	[sflag:s6] =	ssyncadd.s32 $0xFFFFE000  }
0x1b5: {  	_ =	swait.ge [sflag:s7], $0x2000  }
0x1b6: {  	s15 =	smov.u32 s13;
	[sflag:s7] =	ssyncset.done $0x0  }
0x1b7: {  	s12 =	sshra.s32 s12, $0x2;
	[sflag:s7] =	ssyncadd.s32 $0xFFFFE000  }
0x1b8: {  	[tilespmem:s22], [sflag:$0x1] =	stream.indirect.gather [spmem:s2], $0x20, s12, s21, $0xb8;
	[tilespmem:$0x18D20] =	vst v63  }
0x1b9: {  	s13 =	sadd.s32 $0x100, s12  }
0x1ba: {  	[tilespmem:s23], [sflag:$0x2] =	stream.indirect.gather [spmem:s2], $0x20, s13, s21, $0xb8;
	[tilespmem:$0x18D20] =	vst v63  }
0x1bb: {  	s15 =	sadd.s32 $0x200, s12  }
0x1bc: {  	[tilespmem:s24], [sflag:$0x3] =	stream.indirect.gather [spmem:s2], $0x20, s15, s21, $0xb8;
	[tilespmem:$0x18D20] =	vst v63  }
0x1bd: {  	s14 =	sadd.s32 $0x300, s12  }
0x1be: {  	[tilespmem:s25], [sflag:$0x4] =	stream.indirect.gather [spmem:s2], $0x20, s14, s21, $0xb8;
	[tilespmem:$0x18D20] =	vst v63  }
0x1bf: {  	s15 =	sadd.s32 $0x400, s12  }
0x1c0: {  	[tilespmem:s26], [sflag:$0x5] =	stream.indirect.gather [spmem:s2], $0x20, s15, s21, $0xb8;
	[tilespmem:$0x18D20] =	vst v63  }
0x1c1: {  	_ =	swait.ge [sflag:s28], $0x2000  }
0x1c2: {  	[sflag:s28] =	ssyncset.done $0x0  }
0x1c3: {  	s14 =	sadd.s32 $0x2800, s12;
	[sflag:s28] =	ssyncadd.s32 $0xFFFFE000  }
0x1c4: {  	[spmem:s3] =	stream.indirect.scatter.add.f32 [tilespmem:s22], [sflag:$0x6], $0x20, s14, s21, $0xb8;
	[tilespmem:$0x18D20] =	vst v63  }
0x1c5: {  	_ =	swait.ge [sflag:s29], $0x2000  }
0x1c6: {  	[sflag:s29] =	ssyncset.done $0x0  }
0x1c7: {  	s15 =	sadd.s32 $0x2900, s12;
	[sflag:s29] =	ssyncadd.s32 $0xFFFFE000  }
0x1c8: {  	[spmem:s3] =	stream.indirect.scatter.add.f32 [tilespmem:s23], [sflag:$0x7], $0x20, s15, s21, $0xb8;
	[tilespmem:$0x18D20] =	vst v63  }
0x1c9: {  	_ =	swait.ge [sflag:s30], $0x2000  }
0x1ca: {  	[sflag:s30] =	ssyncset.done $0x0  }
0x1cb: {  	s14 =	sadd.s32 $0x2A00, s12;
	[sflag:s30] =	ssyncadd.s32 $0xFFFFE000  }
0x1cc: {  	[spmem:s3] =	stream.indirect.scatter.add.f32 [tilespmem:s24], [sflag:$0x8], $0x20, s14, s21, $0xb8;
	[tilespmem:$0x18D20] =	vst v63  }
0x1cd: {  	_ =	swait.ge [sflag:s31], $0x2000  }
0x1ce: {  	[sflag:s31] =	ssyncset.done $0x0  }
0x1cf: {  	s15 =	sadd.s32 $0x2B00, s12;
	[sflag:s31] =	ssyncadd.s32 $0xFFFFE000  }
0x1d0: {  	[spmem:s3] =	stream.indirect.scatter.add.f32 [tilespmem:s25], [sflag:$0x9], $0x20, s15, s21, $0xb8;
	[tilespmem:$0x18D20] =	vst v63  }
0x1d1: {  	_ =	swait.ge [sflag:s0], $0x2000  }
0x1d2: {  	[sflag:s0] =	ssyncset.done $0x0  }
0x1d3: {  	s12 =	sadd.s32 $0x2C00, s12;
	[sflag:s0] =	ssyncadd.s32 $0xFFFFE000  }
0x1d4: {  	[spmem:s3] =	stream.indirect.scatter.add.f32 [tilespmem:s26], [sflag:$0xA], $0x20, s12, s21, $0xb8;
	[tilespmem:$0x18D20] =	vst v63  }
0x1d5: {  	_ =	swait.ge [sflag:s20], $0x2000  }
0x1d6: {  	[sflag:s20] =	ssyncset.done $0x0  }
0x1d7: {  	[sflag:s20] =	ssyncadd.s32 $0xFFFFE000  }
0x1d8: {  	_ =	swait.ge [sflag:s1], $0x2000  }
0x1d9: {  	[sflag:s1] =	ssyncset.done $0x0  }
0x1da: {  	[sflag:s1] =	ssyncadd.s32 $0xFFFFE000  }
0x1db: {  	_ =	swait.ge [sflag:s4], $0x2000  }
0x1dc: {  	[sflag:s4] =	ssyncset.done $0x0  }
0x1dd: {  	[sflag:s4] =	ssyncadd.s32 $0xFFFFE000  }
0x1de: {  	_ =	swait.ge [sflag:s6], $0x2000  }
0x1df: {  	[sflag:s6] =	ssyncset.done $0x0  }
0x1e0: {  	[sflag:s6] =	ssyncadd.s32 $0xFFFFE000  }
0x1e1: {  	_ =	swait.ge [sflag:s7], $0x2000  }
0x1e2: {  	[sflag:s7] =	ssyncset.done $0x0  }
0x1e3: {  	[sflag:s7] =	ssyncadd.s32 $0xFFFFE000  }
0x1e4: {  	[bflag:$0x0] =	sbarrier.arrive $0xFFFF  }
0x1e5: {  	s13 =	rddreg [dreg:$0xe]  }
0x1e6: {  	[hbm:s13], [sflag:s9] =	dma.local [spmem:s10], $0x9E0  }
0x1e7: {  	_ =	swait.ge [sflag:s19], $0x9E0  }
0x1e8: {  	[sflag:s19] =	ssyncset.done $0x0  }
0x1e9: {  	[sflag:s19] =	ssyncadd.s32 $0xFFFFF620  }
0x1ea: {  	[bflag:$0x0] =	sbarrier.arrive $0xFFFF  }
0x1eb: {  	[spmem:s11], [sflag:s9] =	dma.local [hbm:s16], $0x9C4  }
0x1ec: {  	_ =	swait.ge [sflag:s19], $0x9C4  }
0x1ed: {  	[sflag:s19] =	ssyncset.done $0x0  }
0x1ee: {  	[sflag:s19] =	ssyncadd.s32 $0xFFFFF63C  }
0x1ef: {  	[spmem:s10], [sflag:s9] =	dma.local [hbm:s5], $0x9E0  }
0x1f0: {  	_ =	swait.ge [sflag:s19], $0x9E0  }
0x1f1: {  	[sflag:s19] =	ssyncset.done $0x0  }
0x1f2: {  	[sflag:s19] =	ssyncadd.s32 $0xFFFFF620  }
0x1f3: {  	s14 =	simm.s32 $0x0;
	[bflag:$0x0] =	sbarrier.arrive $0xFFFF  }
0x1f4: {  	[tilespmem:s22], [sflag:$0x1] =	stream.indirect.gather [spmem:s2], $0x20, s14, s21, $0xb8;
	[tilespmem:$0x18D20] =	vst v63  }
0x1f5: {  	s15 =	simm.s32 $0x100  }
0x1f6: {  	[tilespmem:s23], [sflag:$0x2] =	stream.indirect.gather [spmem:s2], $0x20, s15, s21, $0xb8;
	[tilespmem:$0x18D20] =	vst v63  }
0x1f7: {  	s12 =	simm.s32 $0x200  }
0x1f8: {  	[tilespmem:s24], [sflag:$0x3] =	stream.indirect.gather [spmem:s2], $0x20, s12, s21, $0xb8;
	[tilespmem:$0x18D20] =	vst v63  }
0x1f9: {  	s13 =	simm.s32 $0x300  }
0x1fa: {  	[tilespmem:s25], [sflag:$0x4] =	stream.indirect.gather [spmem:s2], $0x20, s13, s21, $0xb8;
	[tilespmem:$0x18D20] =	vst v63  }
0x1fb: {  	s14 =	simm.s32 $0x400  }
0x1fc: {  	[tilespmem:s26], [sflag:$0x5] =	stream.indirect.gather [spmem:s2], $0x20, s14, s21, $0xb8;
	[tilespmem:$0x18D20] =	vst v63  }
0x1fd: {  	_ =	swait.ge [sflag:s28], $0x2000  }
0x1fe: {  	[sflag:s28] =	ssyncset.done $0x0  }
0x1ff: {  	s15 =	simm.s32 $0x2800;
	[sflag:s28] =	ssyncadd.s32 $0xFFFFE000  }
0x200: {  	[spmem:s3] =	stream.indirect.scatter.add.f32 [tilespmem:s22], [sflag:$0x6], $0x20, s15, s21, $0xb8;
	[tilespmem:$0x18D20] =	vst v63  }
0x201: {  	_ =	swait.ge [sflag:s29], $0x2000  }
0x202: {  	[sflag:s29] =	ssyncset.done $0x0  }
0x203: {  	s12 =	simm.s32 $0x2900;
	[sflag:s29] =	ssyncadd.s32 $0xFFFFE000  }
0x204: {  	[spmem:s3] =	stream.indirect.scatter.add.f32 [tilespmem:s23], [sflag:$0x7], $0x20, s12, s21, $0xb8;
	[tilespmem:$0x18D20] =	vst v63  }
0x205: {  	_ =	swait.ge [sflag:s30], $0x2000  }
0x206: {  	[sflag:s30] =	ssyncset.done $0x0  }
0x207: {  	s13 =	simm.s32 $0x2A00;
	[sflag:s30] =	ssyncadd.s32 $0xFFFFE000  }
0x208: {  	[spmem:s3] =	stream.indirect.scatter.add.f32 [tilespmem:s24], [sflag:$0x8], $0x20, s13, s21, $0xb8;
	[tilespmem:$0x18D20] =	vst v63  }
0x209: {  	_ =	swait.ge [sflag:s31], $0x2000  }
0x20a: {  	[sflag:s31] =	ssyncset.done $0x0  }
0x20b: {  	s14 =	simm.s32 $0x2B00;
	[sflag:s31] =	ssyncadd.s32 $0xFFFFE000  }
0x20c: {  	[spmem:s3] =	stream.indirect.scatter.add.f32 [tilespmem:s25], [sflag:$0x9], $0x20, s14, s21, $0xb8;
	[tilespmem:$0x18D20] =	vst v63  }
0x20d: {  	_ =	swait.ge [sflag:s0], $0x2000  }
0x20e: {  	[sflag:s0] =	ssyncset.done $0x0  }
0x20f: {  	s15 =	simm.s32 $0x2C00;
	[sflag:s0] =	ssyncadd.s32 $0xFFFFE000  }
0x210: {  	[spmem:s3] =	stream.indirect.scatter.add.f32 [tilespmem:s26], [sflag:$0xA], $0x20, s15, s21, $0xb8;
	[tilespmem:$0x18D20] =	vst v63  }
0x211: {  	_ =	swait.ge [sflag:s20], $0x2000  }
0x212: {  	[sflag:s20] =	ssyncset.done $0x0  }
0x213: {  	[sflag:s20] =	ssyncadd.s32 $0xFFFFE000  }
0x214: {  	_ =	swait.ge [sflag:s1], $0x2000  }
0x215: {  	[sflag:s1] =	ssyncset.done $0x0  }
0x216: {  	[sflag:s1] =	ssyncadd.s32 $0xFFFFE000  }
0x217: {  	_ =	swait.ge [sflag:s4], $0x2000  }
0x218: {  	[sflag:s4] =	ssyncset.done $0x0  }
0x219: {  	[sflag:s4] =	ssyncadd.s32 $0xFFFFE000  }
0x21a: {  	_ =	swait.ge [sflag:s6], $0x2000  }
0x21b: {  	[sflag:s6] =	ssyncset.done $0x0  }
0x21c: {  	[sflag:s6] =	ssyncadd.s32 $0xFFFFE000  }
0x21d: {  	_ =	swait.ge [sflag:s7], $0x2000  }
0x21e: {  	s11 =	simm.s32 $0x1400;
	s14 =	simm.s32 $0x2800;
	[sflag:s7] =	ssyncset.done $0x0  }
.LBB2_8:
0x21f: {  	s13 =	sshra.s32 s11, $0x2  }
0x220: {  	[sflag:s7] =	ssyncadd.s32 $0xFFFFE000;
	s11 =	smov.u32 s14;
	s12 =	sadd.s32 $0x1400, s14  }
0x221: {  	[tilespmem:s22], [sflag:$0x1] =	stream.indirect.gather [spmem:s2], $0x20, s13, s21, $0xb8;
	[tilespmem:$0x18D20] =	vst v63  }
0x222: {  	p0 =	sne.s32 s14, $0x8C00;
	s14 =	sadd.s32 $0x100, s13  }
0x223: {  	[tilespmem:s23], [sflag:$0x2] =	stream.indirect.gather [spmem:s2], $0x20, s14, s21, $0xb8;
	[tilespmem:$0x18D20] =	vst v63  }
0x224: {  	s14 =	sadd.s32 $0x200, s13  }
0x225: {  	[tilespmem:s24], [sflag:$0x3] =	stream.indirect.gather [spmem:s2], $0x20, s14, s21, $0xb8;
	[tilespmem:$0x18D20] =	vst v63  }
0x226: {  	s14 =	sadd.s32 $0x300, s13  }
0x227: {  	[tilespmem:s25], [sflag:$0x4] =	stream.indirect.gather [spmem:s2], $0x20, s14, s21, $0xb8;
	[tilespmem:$0x18D20] =	vst v63  }
0x228: {  	s14 =	sadd.s32 $0x400, s13  }
0x229: {  	[tilespmem:s26], [sflag:$0x5] =	stream.indirect.gather [spmem:s2], $0x20, s14, s21, $0xb8;
	[tilespmem:$0x18D20] =	vst v63  }
0x22a: {  	_ =	swait.ge [sflag:s28], $0x2000  }
0x22b: {  	[sflag:s28] =	ssyncset.done $0x0  }
0x22c: {  	s14 =	sadd.s32 $0x2800, s13;
	[sflag:s28] =	ssyncadd.s32 $0xFFFFE000  }
0x22d: {  	[spmem:s3] =	stream.indirect.scatter.add.f32 [tilespmem:s22], [sflag:$0x6], $0x20, s14, s21, $0xb8;
	[tilespmem:$0x18D20] =	vst v63  }
0x22e: {  	_ =	swait.ge [sflag:s29], $0x2000  }
0x22f: {  	[sflag:s29] =	ssyncset.done $0x0  }
0x230: {  	s14 =	sadd.s32 $0x2900, s13;
	[sflag:s29] =	ssyncadd.s32 $0xFFFFE000  }
0x231: {  	[spmem:s3] =	stream.indirect.scatter.add.f32 [tilespmem:s23], [sflag:$0x7], $0x20, s14, s21, $0xb8;
	[tilespmem:$0x18D20] =	vst v63  }
0x232: {  	_ =	swait.ge [sflag:s30], $0x2000  }
0x233: {  	[sflag:s30] =	ssyncset.done $0x0  }
0x234: {  	s14 =	sadd.s32 $0x2A00, s13;
	[sflag:s30] =	ssyncadd.s32 $0xFFFFE000  }
0x235: {  	[spmem:s3] =	stream.indirect.scatter.add.f32 [tilespmem:s24], [sflag:$0x8], $0x20, s14, s21, $0xb8;
	[tilespmem:$0x18D20] =	vst v63  }
0x236: {  	_ =	swait.ge [sflag:s31], $0x2000  }
0x237: {  	[sflag:s31] =	ssyncset.done $0x0  }
0x238: {  	s14 =	sadd.s32 $0x2B00, s13;
	[sflag:s31] =	ssyncadd.s32 $0xFFFFE000  }
0x239: {  	[spmem:s3] =	stream.indirect.scatter.add.f32 [tilespmem:s25], [sflag:$0x9], $0x20, s14, s21, $0xb8;
	[tilespmem:$0x18D20] =	vst v63  }
0x23a: {  	_ =	swait.ge [sflag:s0], $0x2000  }
0x23b: {  	[sflag:s0] =	ssyncset.done $0x0  }
0x23c: {  	s13 =	sadd.s32 $0x2C00, s13;
	[sflag:s0] =	ssyncadd.s32 $0xFFFFE000  }
0x23d: {  	[spmem:s3] =	stream.indirect.scatter.add.f32 [tilespmem:s26], [sflag:$0xA], $0x20, s13, s21, $0xb8;
	[tilespmem:$0x18D20] =	vst v63  }
0x23e: {  	_ =	swait.ge [sflag:s20], $0x2000  }
0x23f: {  	[sflag:s20] =	ssyncset.done $0x0  }
0x240: {  	[sflag:s20] =	ssyncadd.s32 $0xFFFFE000  }
0x241: {  	_ =	swait.ge [sflag:s1], $0x2000  }
0x242: {  	[sflag:s1] =	ssyncset.done $0x0  }
0x243: {  	[sflag:s1] =	ssyncadd.s32 $0xFFFFE000  }
0x244: {  	_ =	swait.ge [sflag:s4], $0x2000  }
0x245: {  	[sflag:s4] =	ssyncset.done $0x0  }
0x246: {  	[sflag:s4] =	ssyncadd.s32 $0xFFFFE000  }
.Ltmp3:
0x247: {  	_ =	swait.ge [sflag:s6], $0x2000;
	(pc) =	sbr.rel @p0 .LBB2_8-.Ltmp3, $4  }
0x248: {  	[sflag:s6] =	ssyncset.done $0x0  }
0x249: {  	[sflag:s6] =	ssyncadd.s32 $0xFFFFE000  }
0x24a: {  	_ =	swait.ge [sflag:s7], $0x2000  }
0x24b: {  	s14 =	smov.u32 s12;
	[sflag:s7] =	ssyncset.done $0x0  }
0x24c: {  	s11 =	sshra.s32 s11, $0x2;
	[sflag:s7] =	ssyncadd.s32 $0xFFFFE000  }
0x24d: {  	[tilespmem:s22], [sflag:$0x1] =	stream.indirect.gather [spmem:s2], $0x20, s11, s21, $0xb8;
	[tilespmem:$0x18D20] =	vst v63  }
0x24e: {  	s12 =	sadd.s32 $0x100, s11  }
0x24f: {  	[tilespmem:s23], [sflag:$0x2] =	stream.indirect.gather [spmem:s2], $0x20, s12, s21, $0xb8;
	[tilespmem:$0x18D20] =	vst v63  }
0x250: {  	s15 =	sadd.s32 $0x200, s11  }
0x251: {  	[tilespmem:s24], [sflag:$0x3] =	stream.indirect.gather [spmem:s2], $0x20, s15, s21, $0xb8;
	[tilespmem:$0x18D20] =	vst v63  }
0x252: {  	s13 =	sadd.s32 $0x300, s11  }
0x253: {  	[tilespmem:s25], [sflag:$0x4] =	stream.indirect.gather [spmem:s2], $0x20, s13, s21, $0xb8;
	[tilespmem:$0x18D20] =	vst v63  }
0x254: {  	s14 =	sadd.s32 $0x400, s11  }
0x255: {  	[tilespmem:s26], [sflag:$0x5] =	stream.indirect.gather [spmem:s2], $0x20, s14, s21, $0xb8;
	[tilespmem:$0x18D20] =	vst v63  }
0x256: {  	_ =	swait.ge [sflag:s28], $0x2000  }
0x257: {  	[sflag:s28] =	ssyncset.done $0x0  }
0x258: {  	s15 =	sadd.s32 $0x2800, s11;
	[sflag:s28] =	ssyncadd.s32 $0xFFFFE000  }
0x259: {  	[spmem:s3] =	stream.indirect.scatter.add.f32 [tilespmem:s22], [sflag:$0x6], $0x20, s15, s21, $0xb8;
	[tilespmem:$0x18D20] =	vst v63  }
0x25a: {  	_ =	swait.ge [sflag:s29], $0x2000  }
0x25b: {  	[sflag:s29] =	ssyncset.done $0x0  }
0x25c: {  	s13 =	sadd.s32 $0x2900, s11;
	[sflag:s29] =	ssyncadd.s32 $0xFFFFE000  }
0x25d: {  	[spmem:s3] =	stream.indirect.scatter.add.f32 [tilespmem:s23], [sflag:$0x7], $0x20, s13, s21, $0xb8;
	[tilespmem:$0x18D20] =	vst v63  }
0x25e: {  	_ =	swait.ge [sflag:s30], $0x2000  }
0x25f: {  	[sflag:s30] =	ssyncset.done $0x0  }
0x260: {  	s14 =	sadd.s32 $0x2A00, s11;
	[sflag:s30] =	ssyncadd.s32 $0xFFFFE000  }
0x261: {  	[spmem:s3] =	stream.indirect.scatter.add.f32 [tilespmem:s24], [sflag:$0x8], $0x20, s14, s21, $0xb8;
	[tilespmem:$0x18D20] =	vst v63  }
0x262: {  	_ =	swait.ge [sflag:s31], $0x2000  }
0x263: {  	[sflag:s31] =	ssyncset.done $0x0  }
0x264: {  	s15 =	sadd.s32 $0x2B00, s11;
	[sflag:s31] =	ssyncadd.s32 $0xFFFFE000  }
0x265: {  	[spmem:s3] =	stream.indirect.scatter.add.f32 [tilespmem:s25], [sflag:$0x9], $0x20, s15, s21, $0xb8;
	[tilespmem:$0x18D20] =	vst v63  }
0x266: {  	_ =	swait.ge [sflag:s0], $0x2000  }
0x267: {  	[sflag:s0] =	ssyncset.done $0x0  }
0x268: {  	s11 =	sadd.s32 $0x2C00, s11;
	[sflag:s0] =	ssyncadd.s32 $0xFFFFE000  }
0x269: {  	[spmem:s3] =	stream.indirect.scatter.add.f32 [tilespmem:s26], [sflag:$0xA], $0x20, s11, s21, $0xb8;
	[tilespmem:$0x18D20] =	vst v63  }
0x26a: {  	_ =	swait.ge [sflag:s20], $0x2000  }
0x26b: {  	[sflag:s20] =	ssyncset.done $0x0  }
0x26c: {  	[sflag:s20] =	ssyncadd.s32 $0xFFFFE000  }
0x26d: {  	_ =	swait.ge [sflag:s1], $0x2000  }
0x26e: {  	[sflag:s1] =	ssyncset.done $0x0  }
0x26f: {  	[sflag:s1] =	ssyncadd.s32 $0xFFFFE000  }
0x270: {  	_ =	swait.ge [sflag:s4], $0x2000  }
0x271: {  	[sflag:s4] =	ssyncset.done $0x0  }
0x272: {  	[sflag:s4] =	ssyncadd.s32 $0xFFFFE000  }
0x273: {  	_ =	swait.ge [sflag:s6], $0x2000  }
0x274: {  	[sflag:s6] =	ssyncset.done $0x0  }
0x275: {  	[sflag:s6] =	ssyncadd.s32 $0xFFFFE000  }
0x276: {  	_ =	swait.ge [sflag:s7], $0x2000  }
0x277: {  	s8 =	sadd.s32 $0x1, s8;
	[sflag:s7] =	ssyncset.done $0x0  }
0x278: {  	p0 =	sne.s32 s8, s18;
	[sflag:s7] =	ssyncadd.s32 $0xFFFFE000  }
.Ltmp4:
0x279: {  	[bflag:$0x0] =	sbarrier.arrive $0xFFFF;
	(pc) =	sbr.rel @p0 .LBB2_1-.Ltmp4, $4  }
0x27a: {  	[hbm:s17], [sflag:s9] =	dma.local [spmem:s10], $0x9E0  }
0x27b: {  	_ =	swait.ge [sflag:s19], $0x9E0  }
0x27c: {  	[sflag:s19] =	ssyncset.done $0x0  }
0x27d: {  	[sflag:s19] =	ssyncadd.s32 $0xFFFFF620  }
0x27e: {  	_ =	sfence.sel $0x180000  }
0x27f: {  	[bflag:$0x0] =	sbarrier.arrive $0xFFFF  }
0x280: {  	_ =	strace $0x9000004A  }
0x281: {  	s0 =	stileid.u32;
	[bflag:$0x2] =	sbarrier.arrive $0xFFFF  }
0x282: {  	p0 =	sne.s32 s0, $0x0;
	s0 =	rddreg [dreg:$0x4]  }
0x283: {  	s0 =	sadd.s32 @!p0 $0x100000, s0  }
0x284: {  	[sflag:s0] =	ssyncadd.tile.s32 @!p0 $0x1;
	_ =	shalt  }
.Lfunc_end2:
_tile_overlayer_lowered:
.L_overlay_start_2:
0x285: {  	(tag) =	ssettag $0x2  }
0x286: {  	s0 =	rddreg [dreg:$0x0];
	s2 =	stileid.u32  }
0x287: {  	s1 =	rddreg [dreg:$0x1];
	p0 =	sne.s32 s2, $0x0  }
0x288: {  	s3 =	rddreg [dreg:$0x2];
	[bflag:$0x3] =	sbarrier.arrive $0xFFFF;
	s2 =	simm.s32 @!p0 $0x1C0B  }
0x289: {  	[timem:s3], [sflag:s2] =	dma.local @!p0 [hbm:s0], s1  }
0x28a: {  	s0 =	simm.s32 @!p0 $0xB  }
0x28b: {  	_ =	swait.ge @!p0 [sflag:s0], s1  }
0x28c: {  	s1 =	ssub.s32 @!p0 $0x0, s1;
	[sflag:s0] =	ssyncset.done @!p0 $0x0  }
0x28d: {  	[sflag:s0] =	ssyncadd.s32 @!p0 s1  }
0x28e: {  	[bflag:$0x3] =	sbarrier.arrive $0xFFFF  }
0x28f: {  	_ =	shalt  }

// kernel: sage_agg_cnt.3.cloned.1.call-start
scs
__scs_entry_jumppad:
0x0: {  	(pc) =	sbr.rel $0x88, $3  }
0x1: {  	(tag) =	ssettag $0x0;
	lr =	simm.s32 $0x1  }
0x2: {  	[smem:$0x3F99] =	sst lr;
	_ =	strace $0xD0000000  }
0x3: {  	_ = 	snop  }
0x4: {  	_ = 	snop  }
0x5: {  	_ = 	snop  }
0x6: {  	_ = 	snop  }
0x7: {  	_ = 	snop  }
__scs_overlays_trampoline_lowered:
0x8: {  	[smem:$0x3FA8] =	sst s0  }
0x9: {  	[smem:$0x3FA9] =	sst s1  }
0xa: {  	[smem:$0x3FAA] =	sst s2  }
0xb: {  	[smem:$0x3FAB] =	sst s3  }
0xc: {  	[smem:$0x3FAC] =	sst s4  }
0xd: {  	[smem:$0x3FAD] =	sst s5  }
0xe: {  	[smem:$0x3FAE] =	sst s6  }
0xf: {  	[smem:$0x3FAF] =	sst s7  }
0x10: {  	[smem:$0x3FB0] =	sst s8  }
0x11: {  	[smem:$0x3FB1] =	sst s9;
	s0 =	simm.s32 @!p0 $0x0  }
0x12: {  	s1 =	sld [smem:$0x3F97];
	s0 =	simm.s32 @p0 $0x1  }
0x13: {  	[smem:$0x3FB2] =	sst s0;
	s0 =	simm.s32 @!p1 $0x0  }
0x14: {  	s2 =	sld [smem:$0x3F96];
	s0 =	simm.s32 @p1 $0x1  }
0x15: {  	[smem:$0x3FB3] =	sst s0;
	s0 =	simm.s32 @!p2 $0x0  }
0x16: {  	s3 =	sld [smem:$0x3FDB];
	s0 =	simm.s32 @p2 $0x1  }
0x17: {  	s4 =	simm.s32 $0x1BF5;
	[smem:$0x3FB5] =	sst s0  }
0x18: {  	s0 =	sld [smem:$0x3F98];
	_ =	swait.ge [sflag:s4], $0x0  }
0x19: {  	s7 =	sld [smem:$0x3F99]  }
0x1a: {  	s8 =	sadd.s32 $0xFFFFE003, lr  }
0x1b: {  	s9 =	sadd.s32 $0xFFFFFEF7, lr;
	s5 =	simm.s32 $0xFFFFFFFF;
	p2 =	slt.u32 s8, $0xFFFFF086  }
0x1c: {  	p1 =	slt.u32 s9, $0xF7A;
	s5 =	simm.s32 @!p2 $0x0  }
0x1d: {  	s5 =	simm.s32 @p1 $0x1;
	p0 =	seq.s32 s7, s2  }
0x1e: {  	s7 =	smul.u32 @!p0 $0xF7A, s2;
	p2 =	seq.s32 @!p0 s5, $0x0  }
0x1f: {  	s9 =	smul.u32 $0xF7A, s1;
	s8 =	simm.s32 @!p0 $0x1BF5;
	p2 =	por !p2, p0  }
0x20: {  	[sflag:s8] =	ssyncset.s32 @!p0 $0xFFFFF086;
	s6 =	sadd.s32 @!p0 s3, s7;
	s7 =	simm.s32 @!p0 $0x108  }
0x21: {  	s3 =	sadd.s32 s3, s9;
	s6 =	sadd.s32 @!p0 $0x88, s6;
	s7 =	simm.s32 @p2 $0x1082  }
0x22: {  	[simem:s7], [sflag:s8] =	dma.local @!p0 [hbm:s6], $0xF7A  }
0x23: {  	s9 =	sor.u32 $0xD0000000, s2;
	s6 =	simm.s32 $0x108;
	_ =	swait.ge @!p0 [sflag:s8], $0x0  }
0x24: {  	s3 =	sadd.s32 $0x88, s3;
	s6 =	simm.s32 @!p1 $0x1082;
	[sflag:s4] =	ssyncset.s32 $0xFFFFF086  }
0x25: {  	[simem:s6], [sflag:s4] =	dma.local [hbm:s3], $0xF7A  }
0x26: {  	[smem:$0x3F99] =	sst s1;
	(tag) =	ssettag s2;
	_ =	strace s9  }
0x27: {  	s1 =	sld [smem:$0x3FA9]  }
0x28: {  	s2 =	sld [smem:$0x3FAA]  }
0x29: {  	s4 =	sld [smem:$0x3FAC]  }
0x2a: {  	p0 =	seq.s32 s5, $0x0;
	s5 =	sld [smem:$0x3FAD]  }
0x2b: {  	s6 =	sld [smem:$0x3FAE]  }
0x2c: {  	s7 =	sld [smem:$0x3FAF]  }
0x2d: {  	s3 =	simm.s32 $0x108;
	s8 =	sld [smem:$0x3FB0]  }
0x2e: {  	s3 =	simm.s32 @!p0 $0x1082;
	s9 =	sld [smem:$0x3FB1]  }
0x2f: {  	lr =	sadd.s32 s0, s3;
	s0 =	sld [smem:$0x3FA8]  }
0x30: {  	s3 =	sld [smem:$0x3FAB]  }
0x31: {  	[smem:$0x3FB4] =	sst s10  }
0x32: {  	s10 =	sld [smem:$0x3FB2];
	_ =	sdelay $0x3  }
0x33: {  	p0 =	seq.s32 s10, $0x1;
	s10 =	sld [smem:$0x3FB4];
	_ =	sdelay $0x3  }
0x34: {  	[smem:$0x3FB4] =	sst s10  }
0x35: {  	s10 =	sld [smem:$0x3FB3];
	_ =	sdelay $0x3  }
0x36: {  	p1 =	seq.s32 s10, $0x1;
	s10 =	sld [smem:$0x3FB4];
	_ =	sdelay $0x3  }
0x37: {  	[smem:$0x3FB4] =	sst s10  }
0x38: {  	s10 =	sld [smem:$0x3FB5]  }
0x39: {  	_ = 	snop;
	(pc) =	sbr.ind lr, $3  }
0x3a: {  	_ = 	snop  }
0x3b: {  	_ = 	snop  }
0x3c: {  	p2 =	seq.s32 s10, $0x1;
	s10 =	sld [smem:$0x3FB4]  }
0x3d: {  	_ =	shalt  }
0x3e: {  	_ =	shalt  }
0x3f: {  	_ =	shalt  }
0x40: {  	_ =	shalt  }
0x41: {  	_ =	shalt  }
0x42: {  	_ =	shalt  }
0x43: {  	_ =	shalt  }
0x44: {  	_ =	shalt  }
0x45: {  	_ =	shalt  }
0x46: {  	_ =	shalt  }
0x47: {  	_ =	shalt  }
0x48: {  	_ =	shalt  }
0x49: {  	_ =	shalt  }
0x4a: {  	_ =	shalt  }
0x4b: {  	_ =	shalt  }
0x4c: {  	_ =	shalt  }
0x4d: {  	_ =	shalt  }
0x4e: {  	_ =	shalt  }
0x4f: {  	_ =	shalt  }
0x50: {  	_ =	shalt  }
0x51: {  	_ =	shalt  }
0x52: {  	_ =	shalt  }
0x53: {  	_ =	shalt  }
0x54: {  	_ =	shalt  }
0x55: {  	_ =	shalt  }
0x56: {  	_ =	shalt  }
0x57: {  	_ =	shalt  }
0x58: {  	_ =	shalt  }
0x59: {  	_ =	shalt  }
0x5a: {  	_ =	shalt  }
0x5b: {  	_ =	shalt  }
0x5c: {  	_ =	shalt  }
0x5d: {  	_ =	shalt  }
0x5e: {  	_ =	shalt  }
0x5f: {  	_ =	shalt  }
0x60: {  	_ =	shalt  }
0x61: {  	_ =	shalt  }
0x62: {  	_ =	shalt  }
0x63: {  	_ =	shalt  }
0x64: {  	_ =	shalt  }
0x65: {  	_ =	shalt  }
0x66: {  	_ =	shalt  }
0x67: {  	_ =	shalt  }
0x68: {  	_ =	shalt  }
0x69: {  	_ =	shalt  }
0x6a: {  	_ =	shalt  }
0x6b: {  	_ =	shalt  }
0x6c: {  	_ =	shalt  }
0x6d: {  	_ =	shalt  }
0x6e: {  	_ =	shalt  }
0x6f: {  	_ =	shalt  }
0x70: {  	_ =	shalt  }
0x71: {  	_ =	shalt  }
0x72: {  	_ =	shalt  }
0x73: {  	_ =	shalt  }
0x74: {  	_ =	shalt  }
0x75: {  	_ =	shalt  }
0x76: {  	_ =	shalt  }
0x77: {  	_ =	shalt  }
0x78: {  	_ =	shalt  }
0x79: {  	_ =	shalt  }
0x7a: {  	_ =	shalt  }
0x7b: {  	_ =	shalt  }
0x7c: {  	_ =	shalt  }
0x7d: {  	_ =	shalt  }
0x7e: {  	_ =	shalt  }
0x7f: {  	_ =	shalt  }
0x80: {  	_ =	shalt  }
0x81: {  	_ =	shalt  }
0x82: {  	_ =	shalt  }
0x83: {  	_ =	shalt  }
0x84: {  	_ =	shalt  }
0x85: {  	_ =	shalt  }
0x86: {  	_ =	shalt  }
0x87: {  	_ =	shalt  }
.Lfunc_end0:
.L_simem_size_0:
called_computation_lowered:
.L_overlay_start_0:
0x88: {  	s2 =	sld [smem:$0x3FD9]  }
0x89: {  	s3 =	sld [smem:$0x3FFE];
	_ =	sdelay $0x1  }
0x8a: {  	s1 =	srdreg.scid  }
0x8b: {  	s0 =	sand.u32 $0x1, s1  }
0x8c: {  	s17 =	sshll.u32 s0, $0xA;
	s2 =	sadd.s32 s3, s2  }
0x8d: {  	s2 =	sadd.s32 s2, s17  }
0x8e: {  	[smem:$0x3FC0] =	sst s2  }
0x8f: {  	_ = 	snop  }
0x90: {  	s2 =	sld [smem:$0x3FD0];
	(tm) =	ssettm $0x1  }
0x91: {  	s18 =	sld [smem:$0x3FFB];
	_ =	sdelay $0x3  }
0x92: {  	_ =	strace s18  }
0x93: {  	s3 =	sld [smem:$0x3FFC];
	_ =	sdelay $0x3  }
0x94: {  	_ =	strace s3  }
0x95: {  	s3 =	sld [smem:$0x3FFD];
	_ =	sdelay $0x3  }
0x96: {  	_ =	strace s3  }
0x97: {  	_ =	strace $0x8FFFFFFF  }
0x98: {  	s19 =	sld [smem:$0x3FDB];
	_ =	sdelay $0x1  }
0x99: {  	s4 =	simm.s32 $_scs_section_size  }
0x9a: {  	s5 =	simm.s32 $_size__tile_overlayer_lowered;
	s6 =	simm.s32 $_tile_overlayer_lowered  }
0x9b: {  	s22 =	simm.s32 $0x1BFF;
	s21 =	sshll.u32 s6, $0x1;
	s3 =	sadd.s32 s4, s19  }
0x9c: {  	s7 =	simm.s32 $0x0;
	s20 =	sshll.u32 s5, $0x1;
	s5 =	sadd.s32 s21, s3  }
0x9d: {  	[timem:s7], [sflag:s22] =	dma.local [hbm:s5], s20  }
0x9e: {  	_ =	swait.ge [sflag:s22], s20  }
0x9f: {  	s4 =	ssub.s32 $0x0, s20;
	[sflag:s22] =	ssyncset.done $0x0  }
0xa0: {  	[sflag:s22] =	ssyncadd.s32 s4;
	_ =	sdelay $0x1  }
0xa1: {  	s23 =	simm.s32 $0x1B8B  }
0xa2: {  	_ =	swait.ge [sflag:s23], $0x1  }
0xa3: {  	[sflag:s23] =	ssyncset.done $0x0  }
0xa4: {  	s25 =	simm.s32 $0x1B8E;
	s24 =	sld [smem:$0x3FFE];
	[sflag:s23] =	ssyncadd.s32 $0xFFFFFFFF  }
0xa5: {  	s26 =	simm.s32 $execute0_lowered;
	[smem:$0x3FD2] =	sst s25  }
0xa6: {  	s5 =	sshll.u32 s26, $0x1;
	_ =	strace $0x80000046;
	[dreg:$0x1] =	wrdreg $0xFFFFFFFF  }
0xa7: {  	s28 =	simm.s32 $_size_execute0_lowered;
	s3 =	sadd.s32 s3, s5;
	[dreg:$0x0] =	wrdreg $0x0  }
0xa8: {  	s5 =	sshll.u32 s28, $0x1;
	[dreg:$0x2] =	wrdreg s3  }
0xa9: {  	[dreg:$0x3] =	wrdreg s5  }
0xaa: {  	[dreg:$0x4] =	wrdreg $0xC0  }
0xab: {  	_ =	task [dreg:s7], $0x5FFFF  }
0xac: {  	[dreg:$0x1] =	wrdreg $0xFFFFFFFF  }
0xad: {  	[dreg:$0x0] =	wrdreg $0x60  }
0xae: {  	[dreg:$0x2] =	wrdreg s2  }
0xaf: {  	[dreg:$0x3] =	wrdreg s24  }
0xb0: {  	[dreg:$0x4] =	wrdreg $0xF8000  }
0xb1: {  	[dreg:$0x5] =	wrdreg $0x146200  }
0xb2: {  	[dreg:$0x6] =	wrdreg $0x195200  }
0xb3: {  	[dreg:$0x7] =	wrdreg $0x9  }
0xb4: {  	_ =	task.clear_ibuf [dreg:s7], $0x8FFFF;
	_ =	strace $0x90000046  }
0xb5: {  	s29 =	simm.s32 $0x9;
	_ =	strace $0x80000048  }
0xb6: {  	_ =	swait.ge [sflag:s29], $0x1  }
0xb7: {  	[sflag:s29] =	ssyncadd.s32 $0xFFFFFFFF  }
0xb8: {  	_ =	strace $0x90000048  }
0xb9: {  	_ =	sfence  }
0xba: {  	s30 =	sld [smem:$0x0];
	_ =	sdelay $0x2  }
0xbb: {  	s31 =	sshll.u32 s1, $0xD;
	s1 =	sshrl.u32 s1, $0x2  }
0xbc: {  	s3 =	sand.u32 $0x4000, s31;
	s1 =	sadd.s32 s1, s30  }
0xbd: {  	s0 =	sor.u32 s3, s0;
	s1 =	sshll.u32 s1, $0x11  }
0xbe: {  	s0 =	sor.u32 s1, s0  }
0xbf: {  	s0 =	sadd.s32 $0x8F2B, s0  }
0xc0: {  	[sflag:s0] =	ssyncadd.remote.s32 $0x1  }
0xc1: {  	_ =	sfence.sel $0xFFFF  }
0xc2: {  	[dreg:$0x0] =	wrdreg $0xFFFFFFFF;
	(pc) =	sbr.abs _section_cstart, $3  }
0xc3: {  	[dreg:$0x1] =	wrdreg $0xFFFFFFFF  }
0xc4: {  	_ =	task.clear_ibuf [dreg:s7], $0x2FFFF;
	_ =	strace $0x9FFFFFFF  }
0xc5: {  	(tm) =	ssettm $0x7FFFFFFF  }
tec
execute0_lowered:
.L_overlay_start_1:
0x0: {  	(tag) =	ssettag $0x1  }
0x1: {  	s0 =	rddreg [dreg:$0x0]  }
0x2: {  	s2 =	rddreg [dreg:$0x1]  }
0x3: {  	s1 =	rddreg [dreg:$0x2]  }
0x4: {  	s3 =	rddreg [dreg:$0x3]  }
0x5: {  	s4 =	rddreg [dreg:$0x4];
	s5 =	simm.s32 $0x0  }
0x6: {  	s19 =	stileid.u32;
	s24 =	srdreg.scid;
	s30 =	simm.s32 $0x5000  }
0x7: {  	s31 =	simm.s32 $0x7000;
	s28 =	simm.s32 $0xD000;
	s22 =	smul.u32 $0x500, s19  }
0x8: {  	[smem:$0x7FF] =	sst s5;
	s6 =	smul.u32 $0x13C0, s19;
	s7 =	sadd.s32 $0x144600, s2  }
0x9: {  	s29 =	simm.s32 $0x100;
	s23 =	sadd.s32 $0x144A00, s2;
	s8 =	sadd.s32 $0x147400, s2  }
0xa: {  	s10 =	smul.u32 $0x271, s19;
	_ =	strace $0x80000047;
	[dreg:$0x7] =	wrdreg s7  }
0xb: {  	s18 =	smul.u32 $0x13880, s19;
	[dreg:$0x8] =	wrdreg s23;
	s7 =	sand.u32 $0x1, s24  }
0xc: {  	s5 =	sadd.s32 s22, s2;
	s22 =	sadd.s32 $0x143C00, s2;
	s9 =	sshrl.u32 s6, $0x3  }
0xd: {  	s25 =	ssub.s32 $0x2, s7;
	s12 =	smul.u32 $0x2710, s7;
	s13 =	sor.u32 $0x2, s7  }
0xe: {  	s14 =	sor.u32 $0x4, s7;
	s16 =	sor.u32 $0x6, s7;
	s24 =	smul.u32 $0x4F000, s7  }
0xf: {  	p0 =	sne.s32 s7, $0x0;
	s7 =	simm.s32 $0x2;
	s26 =	smul.u32 $0x2710, s13  }
0x10: {  	s2 =	sadd.s32 s9, s2;
	s11 =	sshrl.u32 s25, $0x1;
	s15 =	smul.u32 $0x2710, s14  }
0x11: {  	s17 =	sadd.s32 $0x13EC00, s5;
	s20 =	smul.u32 $0x2710, s16;
	[dreg:$0x6] =	wrdreg s22  }
0x12: {  	s9 =	ssub.s32 s25, s11;
	s12 =	sadd.s32 s10, s12;
	s25 =	sadd.s32 $0x139C00, s5  }
0x13: {  	[dreg:$0x9] =	wrdreg s17;
	s17 =	smul.u32 $0x4F000, s14;
	s2 =	sadd.s32 $0x144C00, s2  }
0x14: {  	s14 =	simm.s32 $0x9;
	s21 =	sadd.s32 s10, s15;
	s15 =	smul.u32 $0x4F00, s19  }
0x15: {  	s12 =	sshll.u32 s12, $0x2;
	s11 =	sadd.s32 s10, s26;
	s26 =	smul.u32 $0x4F000, s13  }
0x16: {  	s10 =	sadd.s32 s10, s20;
	[dreg:$0xe] =	wrdreg s25;
	s19 =	smul.u32 $0x4F000, s16  }
0x17: {  	[dreg:$0x15] =	wrdreg s2;
	s2 =	sadd.s32 s6, s4;
	s6 =	simm.s32 $0x0  }
0x18: {  	s12 =	sadd.s32 s0, s12;
	s11 =	sshll.u32 s11, $0x2;
	s23 =	sshll.u32 s21, $0x2  }
0x19: {  	s10 =	sshll.u32 s10, $0x2;
	[dreg:$0xa] =	wrdreg s12;
	s11 =	sadd.s32 s0, s11  }
0x1a: {  	s12 =	sshrl.u32 s18, $0x2;
	s13 =	sadd.s32 s15, s24;
	s20 =	sadd.s32 s15, s17  }
0x1b: {  	s24 =	sadd.s32 s15, s3;
	s25 =	sshrl.u32 s15, $0x2;
	[dreg:$0xb] =	wrdreg s11  }
0x1c: {  	s11 =	sadd.s32 s0, s23;
	s0 =	sadd.s32 s0, s10;
	[dreg:$0x14] =	wrdreg s24  }
0x1d: {  	s5 =	sadd.s32 s12, s1;
	s18 =	sshrl.u32 s13, $0x3;
	[dreg:$0xc] =	wrdreg s11  }
0x1e: {  	s10 =	sadd.s32 s15, s19;
	s12 =	simm.s32 $0x7;
	[dreg:$0xd] =	wrdreg s0  }
0x1f: {  	s13 =	simm.s32 $0x8;
	[dreg:$0xf] =	wrdreg s5;
	s5 =	sadd.s32 s8, s18  }
0x20: {  	s0 =	sadd.s32 s15, s26;
	s23 =	sshrl.u32 s10, $0x3;
	s26 =	smax.u32 s9, $0x1  }
0x21: {  	s9 =	simm.s32 $0x4;
	s10 =	simm.s32 $0x5;
	s11 =	simm.s32 $0x6  }
0x22: {  	s15 =	simm.s32 $0xA;
	[dreg:$0x10] =	wrdreg s5;
	s0 =	sshrl.u32 s0, $0x3  }
0x23: {  	s5 =	sshrl.u32 s20, $0x3;
	[dreg:$0x16] =	wrdreg s26;
	s0 =	sadd.s32 s8, s0  }
0x24: {  	s26 =	simm.s32 $0xB000;
	[dreg:$0x11] =	wrdreg s0;
	s0 =	sadd.s32 s8, s23  }
0x25: {  	s21 =	sadd.s32 s8, s5;
	[dreg:$0x13] =	wrdreg s0;
	s0 =	sadd.s32 s25, s4  }
0x26: {  	[dreg:$0x12] =	wrdreg s21;
	s23 =	simm.s32 $0xD;
	s0 =	sshrl.u32 @!p0 s0, $0x3  }
0x27: {  	s8 =	simm.s32 $0x3;
	[dreg:$0x17] =	wrdreg s0;
	s0 =	sshrl.u32 @!p0 s2, $0x3  }
0x28: {  	s2 =	simm.s32 $0x1;
	[dreg:$0x18] =	wrdreg s0;
	s0 =	simm.s32 $0x9000  }
.LBB2_1:
0x29: {  	[dreg:$0x19] =	wrdreg s6  }
0x2a: {  	s5 =	simm.s32 $0x0;
	s19 =	rddreg [dreg:$0x9]  }
0x2b: {  	[tilespmem:s5], [sflag:$0xD] =	stream.linear.gather [hbm4b:s19+s5], $0x2800, $0x38;
	[tilespmem:$0x1A8E0] =	vst v63  }
0x2c: {  	_ =	swait.ge [sflag:s23], $0x2800  }
0x2d: {  	[sflag:s23] =	ssyncset.done $0x0  }
0x2e: {  	s16 =	simm.s32 $0x2800;
	s20 =	rddreg [dreg:$0xe];
	[sflag:s23] =	ssyncadd.s32 $0xFFFFD800  }
0x2f: {  	[tilespmem:s16], [sflag:$0xD] =	stream.linear.gather [hbm4b:s20+s5], $0x2800, $0x38;
	[tilespmem:$0x1A8E0] =	vst v63  }
0x30: {  	_ =	swait.ge [sflag:s23], $0x2800  }
0x31: {  	[sflag:s23] =	ssyncset.done $0x0  }
0x32: {  	s24 =	simm.s32 $0xF000;
	s21 =	rddreg [dreg:$0x8];
	[sflag:s23] =	ssyncadd.s32 $0xFFFFD800  }
0x33: {  	[tilespmem:s24], [sflag:$0xD] =	stream.linear.gather [hbm4b:s21+s5], $0x800, $0x38;
	[tilespmem:$0x1A8E0] =	vst v63  }
0x34: {  	s25 =	stileid.u32;
	_ =	swait.ge [sflag:s23], $0x800  }
0x35: {  	s5 =	sshll.u32 s25, $0x6;
	s6 =	rddreg [dreg:$0xf]  }
0x36: {  	[sflag:s23] =	ssyncset.done $0x0;
	s18 =	rddreg [dreg:$0xa];
	s17 =	sshrl.u32 s6, $0x3  }
0x37: {  	s16 =	sor.u32 $0x1C0D, s5;
	[sflag:s23] =	ssyncadd.s32 $0xFFFFF800;
	[dreg:$0x1c] =	wrdreg s17  }
0x38: {  	[spmem:s17], [sflag:s16] =	dma.local [hbm:s18], $0x9C4  }
0x39: {  	_ =	swait.ge [sflag:s23], $0x9C4  }
0x3a: {  	s19 =	rddreg [dreg:$0x14]  }
0x3b: {  	[sflag:s23] =	ssyncset.done $0x0;
	s5 =	sshrl.u32 s19, $0x3  }
0x3c: {  	[sflag:s23] =	ssyncadd.s32 $0xFFFFF63C;
	[dreg:$0x1b] =	wrdreg s5  }
0x3d: {  	[spmem:s5], [sflag:s16] =	dma.local [hbm:s22], $0x9E0  }
0x3e: {  	_ =	swait.ge [sflag:s23], $0x9E0;
	[dreg:$0x1a] =	wrdreg s16  }
0x3f: {  	[sflag:s23] =	ssyncset.done $0x0;
	s5 =	rddreg [dreg:$0x7]  }
0x40: {  	s6 =	rddreg [dreg:$0x17];
	[sflag:s23] =	ssyncadd.s32 $0xFFFFF620  }
0x41: {  	[spmem:s6], [sflag:s16] =	dma.local @!p0 [hbm:s5], $0x278  }
0x42: {  	s5 =	simm.s32 @!p0 $0xD  }
0x43: {  	_ =	swait.ge @!p0 [sflag:s5], $0x278  }
0x44: {  	[sflag:s5] =	ssyncset.done @!p0 $0x0  }
0x45: {  	[sflag:s5] =	ssyncadd.s32 @!p0 $0xFFFFFD88  }
0x46: {  	s20 =	simm.s32 $0x0;
	[bflag:$0x0] =	sbarrier.arrive $0xFFFF  }
0x47: {  	[tilespmem:s30], [sflag:$0x1] =	stream.indirect.gather [spmem:s1], $0x20, s20, s29, $0xb8;
	[tilespmem:$0x1A8E0] =	vst v63  }
0x48: {  	s21 =	simm.s32 $0x100  }
0x49: {  	[tilespmem:s31], [sflag:$0x2] =	stream.indirect.gather [spmem:s1], $0x20, s21, s29, $0xb8;
	[tilespmem:$0x1A8E0] =	vst v63  }
0x4a: {  	s22 =	simm.s32 $0x200  }
0x4b: {  	[tilespmem:s0], [sflag:$0x3] =	stream.indirect.gather [spmem:s1], $0x20, s22, s29, $0xb8;
	[tilespmem:$0x1A8E0] =	vst v63  }
0x4c: {  	s24 =	simm.s32 $0x300  }
0x4d: {  	[tilespmem:s26], [sflag:$0x4] =	stream.indirect.gather [spmem:s1], $0x20, s24, s29, $0xb8;
	[tilespmem:$0x1A8E0] =	vst v63  }
0x4e: {  	s25 =	simm.s32 $0x400  }
0x4f: {  	[tilespmem:s28], [sflag:$0x5] =	stream.indirect.gather [spmem:s1], $0x20, s25, s29, $0xb8;
	[tilespmem:$0x1A8E0] =	vst v63  }
0x50: {  	_ =	swait.ge [sflag:s2], $0x2000  }
0x51: {  	[sflag:s2] =	ssyncset.done $0x0  }
0x52: {  	s5 =	simm.s32 $0x2800;
	[sflag:s2] =	ssyncadd.s32 $0xFFFFE000  }
0x53: {  	[spmem:s3] =	stream.indirect.scatter.add.f32 [tilespmem:s30], [sflag:$0x6], $0x20, s5, s29, $0xb8;
	[tilespmem:$0x1A8E0] =	vst v63  }
0x54: {  	_ =	swait.ge [sflag:s7], $0x2000  }
0x55: {  	[sflag:s7] =	ssyncset.done $0x0  }
0x56: {  	s6 =	simm.s32 $0x2900;
	[sflag:s7] =	ssyncadd.s32 $0xFFFFE000  }
0x57: {  	[spmem:s3] =	stream.indirect.scatter.add.f32 [tilespmem:s31], [sflag:$0x7], $0x20, s6, s29, $0xb8;
	[tilespmem:$0x1A8E0] =	vst v63  }
0x58: {  	_ =	swait.ge [sflag:s8], $0x2000  }
0x59: {  	[sflag:s8] =	ssyncset.done $0x0  }
0x5a: {  	s22 =	simm.s32 $0x2A00;
	[sflag:s8] =	ssyncadd.s32 $0xFFFFE000  }
0x5b: {  	[spmem:s3] =	stream.indirect.scatter.add.f32 [tilespmem:s0], [sflag:$0x8], $0x20, s22, s29, $0xb8;
	[tilespmem:$0x1A8E0] =	vst v63  }
0x5c: {  	_ =	swait.ge [sflag:s9], $0x2000  }
0x5d: {  	[sflag:s9] =	ssyncset.done $0x0  }
0x5e: {  	s24 =	simm.s32 $0x2B00;
	[sflag:s9] =	ssyncadd.s32 $0xFFFFE000  }
0x5f: {  	[spmem:s3] =	stream.indirect.scatter.add.f32 [tilespmem:s26], [sflag:$0x9], $0x20, s24, s29, $0xb8;
	[tilespmem:$0x1A8E0] =	vst v63  }
0x60: {  	_ =	swait.ge [sflag:s10], $0x2000  }
0x61: {  	[sflag:s10] =	ssyncset.done $0x0  }
0x62: {  	s25 =	simm.s32 $0x2C00;
	[sflag:s10] =	ssyncadd.s32 $0xFFFFE000  }
0x63: {  	[spmem:s3] =	stream.indirect.scatter.add.f32 [tilespmem:s28], [sflag:$0xA], $0x20, s25, s29, $0xb8;
	[tilespmem:$0x1A8E0] =	vst v63  }
0x64: {  	s20 =	simm.s32 @!p0 $0x100;
	s21 =	simm.s32 @!p0 $0xF000  }
0x65: {  	[spmem:s4] =	stream.indirect.scatter.add.f32 @!p0 [tilespmem:s21], [sflag:$0xB], $0x8, s5, s20, $0xb8;
	[tilespmem:$0x1A8E0] =	vst v63  }
0x66: {  	_ = 	snop  }
0x67: {  	[spmem:s4] =	stream.indirect.scatter.add.f32 @!p0 [tilespmem:s21], [sflag:$0xC], $0x8, s6, s20, $0xb8;
	[tilespmem:$0x1A8E0] =	vst v63  }
0x68: {  	_ = 	snop  }
0x69: {  	[spmem:s4] =	stream.indirect.scatter.add.f32 @!p0 [tilespmem:s21], [sflag:$0xB], $0x8, s22, s20, $0xb8;
	[tilespmem:$0x1A8E0] =	vst v63  }
0x6a: {  	_ = 	snop  }
0x6b: {  	[spmem:s4] =	stream.indirect.scatter.add.f32 @!p0 [tilespmem:s21], [sflag:$0xC], $0x8, s24, s20, $0xb8;
	[tilespmem:$0x1A8E0] =	vst v63  }
0x6c: {  	s22 =	simm.s32 @!p0 $0xB  }
0x6d: {  	[spmem:s4] =	stream.indirect.scatter.add.f32 @!p0 [tilespmem:s21], [sflag:$0xB], $0x8, s25, s20, $0xb8;
	[tilespmem:$0x1A8E0] =	vst v63  }
0x6e: {  	_ =	swait.ge @!p0 [sflag:s22], $0x800  }
0x6f: {  	[sflag:s22] =	ssyncset.done @!p0 $0x0  }
0x70: {  	s24 =	simm.s32 @!p0 $0xC;
	[sflag:s22] =	ssyncadd.s32 @!p0 $0xFFFFF800  }
0x71: {  	_ =	swait.ge @!p0 [sflag:s24], $0x800  }
0x72: {  	[sflag:s24] =	ssyncset.done @!p0 $0x0  }
0x73: {  	[sflag:s24] =	ssyncadd.s32 @!p0 $0xFFFFF800  }
0x74: {  	_ =	swait.ge @!p0 [sflag:s22], $0x800  }
0x75: {  	[sflag:s22] =	ssyncset.done @!p0 $0x0  }
0x76: {  	[sflag:s22] =	ssyncadd.s32 @!p0 $0xFFFFF800  }
0x77: {  	_ =	swait.ge @!p0 [sflag:s24], $0x800  }
0x78: {  	[sflag:s24] =	ssyncset.done @!p0 $0x0  }
0x79: {  	[sflag:s24] =	ssyncadd.s32 @!p0 $0xFFFFF800  }
0x7a: {  	_ =	swait.ge @!p0 [sflag:s22], $0x800  }
0x7b: {  	[sflag:s22] =	ssyncset.done @!p0 $0x0  }
0x7c: {  	[sflag:s22] =	ssyncadd.s32 @!p0 $0xFFFFF800  }
0x7d: {  	_ =	swait.ge [sflag:s11], $0x2000  }
0x7e: {  	[sflag:s11] =	ssyncset.done $0x0  }
0x7f: {  	[sflag:s11] =	ssyncadd.s32 $0xFFFFE000  }
0x80: {  	_ =	swait.ge [sflag:s12], $0x2000  }
0x81: {  	[sflag:s12] =	ssyncset.done $0x0  }
0x82: {  	[sflag:s12] =	ssyncadd.s32 $0xFFFFE000  }
0x83: {  	_ =	swait.ge [sflag:s13], $0x2000  }
0x84: {  	[sflag:s13] =	ssyncset.done $0x0  }
0x85: {  	[sflag:s13] =	ssyncadd.s32 $0xFFFFE000  }
0x86: {  	_ =	swait.ge [sflag:s14], $0x2000  }
0x87: {  	[sflag:s14] =	ssyncset.done $0x0  }
0x88: {  	[sflag:s14] =	ssyncadd.s32 $0xFFFFE000  }
0x89: {  	_ =	swait.ge [sflag:s15], $0x2000  }
0x8a: {  	s5 =	simm.s32 $0x2800;
	s25 =	simm.s32 $0x1400;
	[sflag:s15] =	ssyncset.done $0x0  }
.LBB2_2:
0x8b: {  	s6 =	sshra.s32 s25, $0x2  }
0x8c: {  	[sflag:s15] =	ssyncadd.s32 $0xFFFFE000;
	s25 =	smov.u32 s5;
	s5 =	sadd.s32 $0x1400, s5  }
0x8d: {  	[tilespmem:s30], [sflag:$0x1] =	stream.indirect.gather [spmem:s1], $0x20, s6, s29, $0xb8;
	[tilespmem:$0x1A8E0] =	vst v63  }
0x8e: {  	p1 =	sne.s32 s5, $0xA000;
	s19 =	sadd.s32 $0x100, s6  }
0x8f: {  	[tilespmem:s31], [sflag:$0x2] =	stream.indirect.gather [spmem:s1], $0x20, s19, s29, $0xb8;
	[tilespmem:$0x1A8E0] =	vst v63  }
0x90: {  	s19 =	sadd.s32 $0x200, s6  }
0x91: {  	[tilespmem:s0], [sflag:$0x3] =	stream.indirect.gather [spmem:s1], $0x20, s19, s29, $0xb8;
	[tilespmem:$0x1A8E0] =	vst v63  }
0x92: {  	s19 =	sadd.s32 $0x300, s6  }
0x93: {  	[tilespmem:s26], [sflag:$0x4] =	stream.indirect.gather [spmem:s1], $0x20, s19, s29, $0xb8;
	[tilespmem:$0x1A8E0] =	vst v63  }
0x94: {  	s19 =	sadd.s32 $0x400, s6  }
0x95: {  	[tilespmem:s28], [sflag:$0x5] =	stream.indirect.gather [spmem:s1], $0x20, s19, s29, $0xb8;
	[tilespmem:$0x1A8E0] =	vst v63  }
0x96: {  	_ =	swait.ge [sflag:s2], $0x2000  }
0x97: {  	[sflag:s2] =	ssyncset.done $0x0  }
0x98: {  	s19 =	sadd.s32 $0x2800, s6;
	[sflag:s2] =	ssyncadd.s32 $0xFFFFE000  }
0x99: {  	[spmem:s3] =	stream.indirect.scatter.add.f32 [tilespmem:s30], [sflag:$0x6], $0x20, s19, s29, $0xb8;
	[tilespmem:$0x1A8E0] =	vst v63  }
0x9a: {  	_ =	swait.ge [sflag:s7], $0x2000  }
0x9b: {  	[sflag:s7] =	ssyncset.done $0x0  }
0x9c: {  	s16 =	sadd.s32 $0x2900, s6;
	[sflag:s7] =	ssyncadd.s32 $0xFFFFE000  }
0x9d: {  	[spmem:s3] =	stream.indirect.scatter.add.f32 [tilespmem:s31], [sflag:$0x7], $0x20, s16, s29, $0xb8;
	[tilespmem:$0x1A8E0] =	vst v63  }
0x9e: {  	_ =	swait.ge [sflag:s8], $0x2000  }
0x9f: {  	[sflag:s8] =	ssyncset.done $0x0  }
0xa0: {  	s18 =	sadd.s32 $0x2A00, s6;
	[sflag:s8] =	ssyncadd.s32 $0xFFFFE000  }
0xa1: {  	[spmem:s3] =	stream.indirect.scatter.add.f32 [tilespmem:s0], [sflag:$0x8], $0x20, s18, s29, $0xb8;
	[tilespmem:$0x1A8E0] =	vst v63  }
0xa2: {  	_ =	swait.ge [sflag:s9], $0x2000  }
0xa3: {  	[sflag:s9] =	ssyncset.done $0x0  }
0xa4: {  	s17 =	sadd.s32 $0x2B00, s6;
	[sflag:s9] =	ssyncadd.s32 $0xFFFFE000  }
0xa5: {  	[spmem:s3] =	stream.indirect.scatter.add.f32 [tilespmem:s26], [sflag:$0x9], $0x20, s17, s29, $0xb8;
	[tilespmem:$0x1A8E0] =	vst v63  }
0xa6: {  	_ =	swait.ge [sflag:s10], $0x2000  }
0xa7: {  	[sflag:s10] =	ssyncset.done $0x0  }
0xa8: {  	s6 =	sadd.s32 $0x2C00, s6;
	[sflag:s10] =	ssyncadd.s32 $0xFFFFE000  }
0xa9: {  	[spmem:s3] =	stream.indirect.scatter.add.f32 [tilespmem:s28], [sflag:$0xA], $0x20, s6, s29, $0xb8;
	[tilespmem:$0x1A8E0] =	vst v63  }
0xaa: {  	_ = 	snop  }
0xab: {  	[spmem:s4] =	stream.indirect.scatter.add.f32 @!p0 [tilespmem:s21], [sflag:$0xB], $0x8, s19, s20, $0xb8;
	[tilespmem:$0x1A8E0] =	vst v63  }
0xac: {  	_ = 	snop  }
0xad: {  	[spmem:s4] =	stream.indirect.scatter.add.f32 @!p0 [tilespmem:s21], [sflag:$0xC], $0x8, s16, s20, $0xb8;
	[tilespmem:$0x1A8E0] =	vst v63  }
0xae: {  	_ = 	snop  }
0xaf: {  	[spmem:s4] =	stream.indirect.scatter.add.f32 @!p0 [tilespmem:s21], [sflag:$0xB], $0x8, s18, s20, $0xb8;
	[tilespmem:$0x1A8E0] =	vst v63  }
0xb0: {  	_ = 	snop  }
0xb1: {  	[spmem:s4] =	stream.indirect.scatter.add.f32 @!p0 [tilespmem:s21], [sflag:$0xC], $0x8, s17, s20, $0xb8;
	[tilespmem:$0x1A8E0] =	vst v63  }
0xb2: {  	_ = 	snop  }
0xb3: {  	[spmem:s4] =	stream.indirect.scatter.add.f32 @!p0 [tilespmem:s21], [sflag:$0xB], $0x8, s6, s20, $0xb8;
	[tilespmem:$0x1A8E0] =	vst v63  }
0xb4: {  	_ =	swait.ge @!p0 [sflag:s22], $0x800  }
0xb5: {  	[sflag:s22] =	ssyncset.done @!p0 $0x0  }
0xb6: {  	[sflag:s22] =	ssyncadd.s32 @!p0 $0xFFFFF800  }
0xb7: {  	_ =	swait.ge @!p0 [sflag:s24], $0x800  }
0xb8: {  	[sflag:s24] =	ssyncset.done @!p0 $0x0  }
0xb9: {  	[sflag:s24] =	ssyncadd.s32 @!p0 $0xFFFFF800  }
0xba: {  	_ =	swait.ge @!p0 [sflag:s22], $0x800  }
0xbb: {  	[sflag:s22] =	ssyncset.done @!p0 $0x0  }
0xbc: {  	[sflag:s22] =	ssyncadd.s32 @!p0 $0xFFFFF800  }
0xbd: {  	_ =	swait.ge @!p0 [sflag:s24], $0x800  }
0xbe: {  	[sflag:s24] =	ssyncset.done @!p0 $0x0  }
0xbf: {  	[sflag:s24] =	ssyncadd.s32 @!p0 $0xFFFFF800  }
0xc0: {  	_ =	swait.ge @!p0 [sflag:s22], $0x800  }
0xc1: {  	[sflag:s22] =	ssyncset.done @!p0 $0x0  }
0xc2: {  	[sflag:s22] =	ssyncadd.s32 @!p0 $0xFFFFF800  }
0xc3: {  	_ =	swait.ge [sflag:s11], $0x2000  }
0xc4: {  	[sflag:s11] =	ssyncset.done $0x0  }
0xc5: {  	[sflag:s11] =	ssyncadd.s32 $0xFFFFE000  }
0xc6: {  	_ =	swait.ge [sflag:s12], $0x2000  }
0xc7: {  	[sflag:s12] =	ssyncset.done $0x0  }
0xc8: {  	[sflag:s12] =	ssyncadd.s32 $0xFFFFE000  }
0xc9: {  	_ =	swait.ge [sflag:s13], $0x2000  }
0xca: {  	[sflag:s13] =	ssyncset.done $0x0  }
0xcb: {  	[sflag:s13] =	ssyncadd.s32 $0xFFFFE000  }
.Ltmp0:
0xcc: {  	_ =	swait.ge [sflag:s14], $0x2000;
	(pc) =	sbr.rel @p1 .LBB2_2-.Ltmp0, $4  }
0xcd: {  	[sflag:s14] =	ssyncset.done $0x0  }
0xce: {  	[sflag:s14] =	ssyncadd.s32 $0xFFFFE000  }
0xcf: {  	_ =	swait.ge [sflag:s15], $0x2000  }
0xd0: {  	[sflag:s15] =	ssyncset.done $0x0  }
0xd1: {  	s5 =	sshra.s32 s25, $0x2;
	[sflag:s15] =	ssyncadd.s32 $0xFFFFE000  }
0xd2: {  	[tilespmem:s30], [sflag:$0x1] =	stream.indirect.gather [spmem:s1], $0x20, s5, s29, $0xb8;
	[tilespmem:$0x1A8E0] =	vst v63  }
0xd3: {  	s6 =	sadd.s32 $0x100, s5  }
0xd4: {  	[tilespmem:s31], [sflag:$0x2] =	stream.indirect.gather [spmem:s1], $0x20, s6, s29, $0xb8;
	[tilespmem:$0x1A8E0] =	vst v63  }
0xd5: {  	s22 =	sadd.s32 $0x200, s5  }
0xd6: {  	[tilespmem:s0], [sflag:$0x3] =	stream.indirect.gather [spmem:s1], $0x20, s22, s29, $0xb8;
	[tilespmem:$0x1A8E0] =	vst v63  }
0xd7: {  	s24 =	sadd.s32 $0x300, s5  }
0xd8: {  	[tilespmem:s26], [sflag:$0x4] =	stream.indirect.gather [spmem:s1], $0x20, s24, s29, $0xb8;
	[tilespmem:$0x1A8E0] =	vst v63  }
0xd9: {  	s25 =	sadd.s32 $0x400, s5  }
0xda: {  	[tilespmem:s28], [sflag:$0x5] =	stream.indirect.gather [spmem:s1], $0x20, s25, s29, $0xb8;
	[tilespmem:$0x1A8E0] =	vst v63  }
0xdb: {  	_ =	swait.ge [sflag:s2], $0x2000  }
0xdc: {  	[sflag:s2] =	ssyncset.done $0x0  }
0xdd: {  	s6 =	sadd.s32 $0x2800, s5;
	[sflag:s2] =	ssyncadd.s32 $0xFFFFE000  }
0xde: {  	[spmem:s3] =	stream.indirect.scatter.add.f32 [tilespmem:s30], [sflag:$0x6], $0x20, s6, s29, $0xb8;
	[tilespmem:$0x1A8E0] =	vst v63  }
0xdf: {  	_ =	swait.ge [sflag:s7], $0x2000  }
0xe0: {  	[sflag:s7] =	ssyncset.done $0x0  }
0xe1: {  	s16 =	sadd.s32 $0x2900, s5;
	[sflag:s7] =	ssyncadd.s32 $0xFFFFE000  }
0xe2: {  	[spmem:s3] =	stream.indirect.scatter.add.f32 [tilespmem:s31], [sflag:$0x7], $0x20, s16, s29, $0xb8;
	[tilespmem:$0x1A8E0] =	vst v63  }
0xe3: {  	_ =	swait.ge [sflag:s8], $0x2000  }
0xe4: {  	[sflag:s8] =	ssyncset.done $0x0  }
0xe5: {  	s17 =	sadd.s32 $0x2A00, s5;
	[sflag:s8] =	ssyncadd.s32 $0xFFFFE000  }
0xe6: {  	[spmem:s3] =	stream.indirect.scatter.add.f32 [tilespmem:s0], [sflag:$0x8], $0x20, s17, s29, $0xb8;
	[tilespmem:$0x1A8E0] =	vst v63  }
0xe7: {  	_ =	swait.ge [sflag:s9], $0x2000  }
0xe8: {  	[sflag:s9] =	ssyncset.done $0x0  }
0xe9: {  	s18 =	sadd.s32 $0x2B00, s5;
	[sflag:s9] =	ssyncadd.s32 $0xFFFFE000  }
0xea: {  	[spmem:s3] =	stream.indirect.scatter.add.f32 [tilespmem:s26], [sflag:$0x9], $0x20, s18, s29, $0xb8;
	[tilespmem:$0x1A8E0] =	vst v63  }
0xeb: {  	_ =	swait.ge [sflag:s10], $0x2000  }
0xec: {  	[sflag:s10] =	ssyncset.done $0x0  }
0xed: {  	s5 =	sadd.s32 $0x2C00, s5;
	[sflag:s10] =	ssyncadd.s32 $0xFFFFE000  }
0xee: {  	[spmem:s3] =	stream.indirect.scatter.add.f32 [tilespmem:s28], [sflag:$0xA], $0x20, s5, s29, $0xb8;
	[tilespmem:$0x1A8E0] =	vst v63  }
0xef: {  	s19 =	simm.s32 @!p0 $0x100;
	s20 =	simm.s32 @!p0 $0xF000  }
0xf0: {  	[spmem:s4] =	stream.indirect.scatter.add.f32 @!p0 [tilespmem:s20], [sflag:$0xB], $0x8, s6, s19, $0xb8;
	[tilespmem:$0x1A8E0] =	vst v63  }
0xf1: {  	_ = 	snop  }
0xf2: {  	[spmem:s4] =	stream.indirect.scatter.add.f32 @!p0 [tilespmem:s20], [sflag:$0xC], $0x8, s16, s19, $0xb8;
	[tilespmem:$0x1A8E0] =	vst v63  }
0xf3: {  	_ = 	snop  }
0xf4: {  	[spmem:s4] =	stream.indirect.scatter.add.f32 @!p0 [tilespmem:s20], [sflag:$0xB], $0x8, s17, s19, $0xb8;
	[tilespmem:$0x1A8E0] =	vst v63  }
0xf5: {  	_ = 	snop  }
0xf6: {  	[spmem:s4] =	stream.indirect.scatter.add.f32 @!p0 [tilespmem:s20], [sflag:$0xC], $0x8, s18, s19, $0xb8;
	[tilespmem:$0x1A8E0] =	vst v63  }
0xf7: {  	_ = 	snop  }
0xf8: {  	[spmem:s4] =	stream.indirect.scatter.add.f32 @!p0 [tilespmem:s20], [sflag:$0xB], $0x8, s5, s19, $0xb8;
	[tilespmem:$0x1A8E0] =	vst v63  }
0xf9: {  	s5 =	simm.s32 @!p0 $0xB  }
0xfa: {  	_ =	swait.ge @!p0 [sflag:s5], $0x800  }
0xfb: {  	[sflag:s5] =	ssyncset.done @!p0 $0x0  }
0xfc: {  	s6 =	simm.s32 @!p0 $0xC;
	[sflag:s5] =	ssyncadd.s32 @!p0 $0xFFFFF800  }
0xfd: {  	_ =	swait.ge @!p0 [sflag:s6], $0x800  }
0xfe: {  	[sflag:s6] =	ssyncset.done @!p0 $0x0  }
0xff: {  	[sflag:s6] =	ssyncadd.s32 @!p0 $0xFFFFF800  }
0x100: {  	_ =	swait.ge @!p0 [sflag:s5], $0x800  }
0x101: {  	[sflag:s5] =	ssyncset.done @!p0 $0x0  }
0x102: {  	[sflag:s5] =	ssyncadd.s32 @!p0 $0xFFFFF800  }
0x103: {  	_ =	swait.ge @!p0 [sflag:s6], $0x800  }
0x104: {  	[sflag:s6] =	ssyncset.done @!p0 $0x0  }
0x105: {  	[sflag:s6] =	ssyncadd.s32 @!p0 $0xFFFFF800  }
0x106: {  	_ =	swait.ge @!p0 [sflag:s5], $0x800  }
0x107: {  	[sflag:s5] =	ssyncset.done @!p0 $0x0  }
0x108: {  	[sflag:s5] =	ssyncadd.s32 @!p0 $0xFFFFF800  }
0x109: {  	_ =	swait.ge [sflag:s11], $0x2000  }
0x10a: {  	[sflag:s11] =	ssyncset.done $0x0  }
0x10b: {  	[sflag:s11] =	ssyncadd.s32 $0xFFFFE000  }
0x10c: {  	_ =	swait.ge [sflag:s12], $0x2000  }
0x10d: {  	[sflag:s12] =	ssyncset.done $0x0  }
0x10e: {  	[sflag:s12] =	ssyncadd.s32 $0xFFFFE000  }
0x10f: {  	_ =	swait.ge [sflag:s13], $0x2000  }
0x110: {  	[sflag:s13] =	ssyncset.done $0x0  }
0x111: {  	[sflag:s13] =	ssyncadd.s32 $0xFFFFE000  }
0x112: {  	_ =	swait.ge [sflag:s14], $0x2000  }
0x113: {  	[sflag:s14] =	ssyncset.done $0x0  }
0x114: {  	[sflag:s14] =	ssyncadd.s32 $0xFFFFE000  }
0x115: {  	_ =	swait.ge [sflag:s15], $0x2000  }
0x116: {  	[sflag:s15] =	ssyncset.done $0x0  }
0x117: {  	[sflag:s15] =	ssyncadd.s32 $0xFFFFE000  }
0x118: {  	[bflag:$0x0] =	sbarrier.arrive $0xFFFF  }
0x119: {  	s6 =	rddreg [dreg:$0x10]  }
0x11a: {  	s17 =	rddreg [dreg:$0x1a]  }
0x11b: {  	s18 =	rddreg [dreg:$0x1b]  }
0x11c: {  	[hbm:s6], [sflag:s17] =	dma.local [spmem:s18], $0x9E0  }
0x11d: {  	_ =	swait.ge [sflag:s23], $0x9E0  }
0x11e: {  	[sflag:s23] =	ssyncset.done $0x0;
	s5 =	rddreg [dreg:$0x15]  }
0x11f: {  	s6 =	rddreg [dreg:$0x18];
	[sflag:s23] =	ssyncadd.s32 $0xFFFFF620  }
0x120: {  	[hbm:s5], [sflag:s17] =	dma.local @!p0 [spmem:s6], $0x278  }
0x121: {  	s5 =	simm.s32 @!p0 $0xD  }
0x122: {  	_ =	swait.ge @!p0 [sflag:s5], $0x278  }
0x123: {  	[sflag:s5] =	ssyncset.done @!p0 $0x0  }
0x124: {  	[sflag:s5] =	ssyncadd.s32 @!p0 $0xFFFFFD88  }
0x125: {  	[bflag:$0x0] =	sbarrier.arrive $0xFFFF  }
0x126: {  	s16 =	rddreg [dreg:$0xb]  }
0x127: {  	s19 =	rddreg [dreg:$0x1c]  }
0x128: {  	[spmem:s19], [sflag:s17] =	dma.local [hbm:s16], $0x9C4  }
0x129: {  	_ =	swait.ge [sflag:s23], $0x9C4  }
0x12a: {  	[sflag:s23] =	ssyncset.done $0x0  }
0x12b: {  	s22 =	rddreg [dreg:$0x6];
	[sflag:s23] =	ssyncadd.s32 $0xFFFFF63C  }
0x12c: {  	[spmem:s18], [sflag:s17] =	dma.local [hbm:s22], $0x9E0  }
0x12d: {  	_ =	swait.ge [sflag:s23], $0x9E0  }
0x12e: {  	[sflag:s23] =	ssyncset.done $0x0  }
0x12f: {  	[sflag:s23] =	ssyncadd.s32 $0xFFFFF620  }
0x130: {  	s20 =	simm.s32 $0x0;
	[bflag:$0x0] =	sbarrier.arrive $0xFFFF  }
0x131: {  	[tilespmem:s30], [sflag:$0x1] =	stream.indirect.gather [spmem:s1], $0x20, s20, s29, $0xb8;
	[tilespmem:$0x1A8E0] =	vst v63  }
0x132: {  	s21 =	simm.s32 $0x100  }
0x133: {  	[tilespmem:s31], [sflag:$0x2] =	stream.indirect.gather [spmem:s1], $0x20, s21, s29, $0xb8;
	[tilespmem:$0x1A8E0] =	vst v63  }
0x134: {  	s24 =	simm.s32 $0x200  }
0x135: {  	[tilespmem:s0], [sflag:$0x3] =	stream.indirect.gather [spmem:s1], $0x20, s24, s29, $0xb8;
	[tilespmem:$0x1A8E0] =	vst v63  }
0x136: {  	s25 =	simm.s32 $0x300  }
0x137: {  	[tilespmem:s26], [sflag:$0x4] =	stream.indirect.gather [spmem:s1], $0x20, s25, s29, $0xb8;
	[tilespmem:$0x1A8E0] =	vst v63  }
0x138: {  	s6 =	simm.s32 $0x400  }
0x139: {  	[tilespmem:s28], [sflag:$0x5] =	stream.indirect.gather [spmem:s1], $0x20, s6, s29, $0xb8;
	[tilespmem:$0x1A8E0] =	vst v63  }
0x13a: {  	_ =	swait.ge [sflag:s2], $0x2000  }
0x13b: {  	[sflag:s2] =	ssyncset.done $0x0  }
0x13c: {  	s16 =	simm.s32 $0x2800;
	[sflag:s2] =	ssyncadd.s32 $0xFFFFE000  }
0x13d: {  	[spmem:s3] =	stream.indirect.scatter.add.f32 [tilespmem:s30], [sflag:$0x6], $0x20, s16, s29, $0xb8;
	[tilespmem:$0x1A8E0] =	vst v63  }
0x13e: {  	_ =	swait.ge [sflag:s7], $0x2000  }
0x13f: {  	[sflag:s7] =	ssyncset.done $0x0  }
0x140: {  	s20 =	simm.s32 $0x2900;
	[sflag:s7] =	ssyncadd.s32 $0xFFFFE000  }
0x141: {  	[spmem:s3] =	stream.indirect.scatter.add.f32 [tilespmem:s31], [sflag:$0x7], $0x20, s20, s29, $0xb8;
	[tilespmem:$0x1A8E0] =	vst v63  }
0x142: {  	_ =	swait.ge [sflag:s8], $0x2000  }
0x143: {  	[sflag:s8] =	ssyncset.done $0x0  }
0x144: {  	s21 =	simm.s32 $0x2A00;
	[sflag:s8] =	ssyncadd.s32 $0xFFFFE000  }
0x145: {  	[spmem:s3] =	stream.indirect.scatter.add.f32 [tilespmem:s0], [sflag:$0x8], $0x20, s21, s29, $0xb8;
	[tilespmem:$0x1A8E0] =	vst v63  }
0x146: {  	_ =	swait.ge [sflag:s9], $0x2000  }
0x147: {  	[sflag:s9] =	ssyncset.done $0x0  }
0x148: {  	s24 =	simm.s32 $0x2B00;
	[sflag:s9] =	ssyncadd.s32 $0xFFFFE000  }
0x149: {  	[spmem:s3] =	stream.indirect.scatter.add.f32 [tilespmem:s26], [sflag:$0x9], $0x20, s24, s29, $0xb8;
	[tilespmem:$0x1A8E0] =	vst v63  }
0x14a: {  	_ =	swait.ge [sflag:s10], $0x2000  }
0x14b: {  	[sflag:s10] =	ssyncset.done $0x0  }
0x14c: {  	s25 =	simm.s32 $0x2C00;
	[sflag:s10] =	ssyncadd.s32 $0xFFFFE000  }
0x14d: {  	[spmem:s3] =	stream.indirect.scatter.add.f32 [tilespmem:s28], [sflag:$0xA], $0x20, s25, s29, $0xb8;
	[tilespmem:$0x1A8E0] =	vst v63  }
0x14e: {  	_ =	swait.ge [sflag:s11], $0x2000  }
0x14f: {  	[sflag:s11] =	ssyncset.done $0x0  }
0x150: {  	[sflag:s11] =	ssyncadd.s32 $0xFFFFE000  }
0x151: {  	_ =	swait.ge [sflag:s12], $0x2000  }
0x152: {  	[sflag:s12] =	ssyncset.done $0x0  }
0x153: {  	[sflag:s12] =	ssyncadd.s32 $0xFFFFE000  }
0x154: {  	_ =	swait.ge [sflag:s13], $0x2000  }
0x155: {  	[sflag:s13] =	ssyncset.done $0x0  }
0x156: {  	[sflag:s13] =	ssyncadd.s32 $0xFFFFE000  }
0x157: {  	_ =	swait.ge [sflag:s14], $0x2000  }
0x158: {  	[sflag:s14] =	ssyncset.done $0x0  }
0x159: {  	[sflag:s14] =	ssyncadd.s32 $0xFFFFE000  }
0x15a: {  	_ =	swait.ge [sflag:s15], $0x2000  }
0x15b: {  	s5 =	simm.s32 $0x1400;
	s21 =	simm.s32 $0x2800;
	[sflag:s15] =	ssyncset.done $0x0  }
.LBB2_4:
0x15c: {  	s6 =	sshra.s32 s5, $0x2  }
0x15d: {  	[sflag:s15] =	ssyncadd.s32 $0xFFFFE000;
	s5 =	smov.u32 s21;
	s20 =	sadd.s32 $0x1400, s21  }
0x15e: {  	[tilespmem:s30], [sflag:$0x1] =	stream.indirect.gather [spmem:s1], $0x20, s6, s29, $0xb8;
	[tilespmem:$0x1A8E0] =	vst v63  }
0x15f: {  	p1 =	sne.s32 s21, $0x8C00;
	s16 =	sadd.s32 $0x100, s6  }
0x160: {  	[tilespmem:s31], [sflag:$0x2] =	stream.indirect.gather [spmem:s1], $0x20, s16, s29, $0xb8;
	[tilespmem:$0x1A8E0] =	vst v63  }
0x161: {  	s16 =	sadd.s32 $0x200, s6  }
0x162: {  	[tilespmem:s0], [sflag:$0x3] =	stream.indirect.gather [spmem:s1], $0x20, s16, s29, $0xb8;
	[tilespmem:$0x1A8E0] =	vst v63  }
0x163: {  	s16 =	sadd.s32 $0x300, s6  }
0x164: {  	[tilespmem:s26], [sflag:$0x4] =	stream.indirect.gather [spmem:s1], $0x20, s16, s29, $0xb8;
	[tilespmem:$0x1A8E0] =	vst v63  }
0x165: {  	s16 =	sadd.s32 $0x400, s6  }
0x166: {  	[tilespmem:s28], [sflag:$0x5] =	stream.indirect.gather [spmem:s1], $0x20, s16, s29, $0xb8;
	[tilespmem:$0x1A8E0] =	vst v63  }
0x167: {  	_ =	swait.ge [sflag:s2], $0x2000  }
0x168: {  	[sflag:s2] =	ssyncset.done $0x0  }
0x169: {  	s16 =	sadd.s32 $0x2800, s6;
	[sflag:s2] =	ssyncadd.s32 $0xFFFFE000  }
0x16a: {  	[spmem:s3] =	stream.indirect.scatter.add.f32 [tilespmem:s30], [sflag:$0x6], $0x20, s16, s29, $0xb8;
	[tilespmem:$0x1A8E0] =	vst v63  }
0x16b: {  	_ =	swait.ge [sflag:s7], $0x2000  }
0x16c: {  	[sflag:s7] =	ssyncset.done $0x0  }
0x16d: {  	s16 =	sadd.s32 $0x2900, s6;
	[sflag:s7] =	ssyncadd.s32 $0xFFFFE000  }
0x16e: {  	[spmem:s3] =	stream.indirect.scatter.add.f32 [tilespmem:s31], [sflag:$0x7], $0x20, s16, s29, $0xb8;
	[tilespmem:$0x1A8E0] =	vst v63  }
0x16f: {  	_ =	swait.ge [sflag:s8], $0x2000  }
0x170: {  	[sflag:s8] =	ssyncset.done $0x0  }
0x171: {  	s16 =	sadd.s32 $0x2A00, s6;
	[sflag:s8] =	ssyncadd.s32 $0xFFFFE000  }
0x172: {  	[spmem:s3] =	stream.indirect.scatter.add.f32 [tilespmem:s0], [sflag:$0x8], $0x20, s16, s29, $0xb8;
	[tilespmem:$0x1A8E0] =	vst v63  }
0x173: {  	_ =	swait.ge [sflag:s9], $0x2000  }
0x174: {  	[sflag:s9] =	ssyncset.done $0x0  }
0x175: {  	s16 =	sadd.s32 $0x2B00, s6;
	[sflag:s9] =	ssyncadd.s32 $0xFFFFE000  }
0x176: {  	[spmem:s3] =	stream.indirect.scatter.add.f32 [tilespmem:s26], [sflag:$0x9], $0x20, s16, s29, $0xb8;
	[tilespmem:$0x1A8E0] =	vst v63  }
0x177: {  	_ =	swait.ge [sflag:s10], $0x2000  }
0x178: {  	[sflag:s10] =	ssyncset.done $0x0  }
0x179: {  	s6 =	sadd.s32 $0x2C00, s6;
	[sflag:s10] =	ssyncadd.s32 $0xFFFFE000  }
0x17a: {  	[spmem:s3] =	stream.indirect.scatter.add.f32 [tilespmem:s28], [sflag:$0xA], $0x20, s6, s29, $0xb8;
	[tilespmem:$0x1A8E0] =	vst v63  }
0x17b: {  	_ =	swait.ge [sflag:s11], $0x2000  }
0x17c: {  	[sflag:s11] =	ssyncset.done $0x0  }
0x17d: {  	[sflag:s11] =	ssyncadd.s32 $0xFFFFE000  }
0x17e: {  	_ =	swait.ge [sflag:s12], $0x2000  }
0x17f: {  	[sflag:s12] =	ssyncset.done $0x0  }
0x180: {  	[sflag:s12] =	ssyncadd.s32 $0xFFFFE000  }
0x181: {  	_ =	swait.ge [sflag:s13], $0x2000  }
0x182: {  	[sflag:s13] =	ssyncset.done $0x0  }
0x183: {  	[sflag:s13] =	ssyncadd.s32 $0xFFFFE000  }
.Ltmp1:
0x184: {  	_ =	swait.ge [sflag:s14], $0x2000;
	(pc) =	sbr.rel @p1 .LBB2_4-.Ltmp1, $4  }
0x185: {  	[sflag:s14] =	ssyncset.done $0x0  }
0x186: {  	[sflag:s14] =	ssyncadd.s32 $0xFFFFE000  }
0x187: {  	_ =	swait.ge [sflag:s15], $0x2000  }
0x188: {  	s21 =	smov.u32 s20;
	[sflag:s15] =	ssyncset.done $0x0  }
0x189: {  	s5 =	sshra.s32 s5, $0x2;
	[sflag:s15] =	ssyncadd.s32 $0xFFFFE000  }
0x18a: {  	[tilespmem:s30], [sflag:$0x1] =	stream.indirect.gather [spmem:s1], $0x20, s5, s29, $0xb8;
	[tilespmem:$0x1A8E0] =	vst v63  }
0x18b: {  	s6 =	sadd.s32 $0x100, s5  }
0x18c: {  	[tilespmem:s31], [sflag:$0x2] =	stream.indirect.gather [spmem:s1], $0x20, s6, s29, $0xb8;
	[tilespmem:$0x1A8E0] =	vst v63  }
0x18d: {  	s24 =	sadd.s32 $0x200, s5  }
0x18e: {  	[tilespmem:s0], [sflag:$0x3] =	stream.indirect.gather [spmem:s1], $0x20, s24, s29, $0xb8;
	[tilespmem:$0x1A8E0] =	vst v63  }
0x18f: {  	s25 =	sadd.s32 $0x300, s5  }
0x190: {  	[tilespmem:s26], [sflag:$0x4] =	stream.indirect.gather [spmem:s1], $0x20, s25, s29, $0xb8;
	[tilespmem:$0x1A8E0] =	vst v63  }
0x191: {  	s16 =	sadd.s32 $0x400, s5  }
0x192: {  	[tilespmem:s28], [sflag:$0x5] =	stream.indirect.gather [spmem:s1], $0x20, s16, s29, $0xb8;
	[tilespmem:$0x1A8E0] =	vst v63  }
0x193: {  	_ =	swait.ge [sflag:s2], $0x2000  }
0x194: {  	[sflag:s2] =	ssyncset.done $0x0  }
0x195: {  	s20 =	sadd.s32 $0x2800, s5;
	[sflag:s2] =	ssyncadd.s32 $0xFFFFE000  }
0x196: {  	[spmem:s3] =	stream.indirect.scatter.add.f32 [tilespmem:s30], [sflag:$0x6], $0x20, s20, s29, $0xb8;
	[tilespmem:$0x1A8E0] =	vst v63  }
0x197: {  	_ =	swait.ge [sflag:s7], $0x2000  }
0x198: {  	[sflag:s7] =	ssyncset.done $0x0  }
0x199: {  	s21 =	sadd.s32 $0x2900, s5;
	[sflag:s7] =	ssyncadd.s32 $0xFFFFE000  }
0x19a: {  	[spmem:s3] =	stream.indirect.scatter.add.f32 [tilespmem:s31], [sflag:$0x7], $0x20, s21, s29, $0xb8;
	[tilespmem:$0x1A8E0] =	vst v63  }
0x19b: {  	_ =	swait.ge [sflag:s8], $0x2000  }
0x19c: {  	[sflag:s8] =	ssyncset.done $0x0  }
0x19d: {  	s24 =	sadd.s32 $0x2A00, s5;
	[sflag:s8] =	ssyncadd.s32 $0xFFFFE000  }
0x19e: {  	[spmem:s3] =	stream.indirect.scatter.add.f32 [tilespmem:s0], [sflag:$0x8], $0x20, s24, s29, $0xb8;
	[tilespmem:$0x1A8E0] =	vst v63  }
0x19f: {  	_ =	swait.ge [sflag:s9], $0x2000  }
0x1a0: {  	[sflag:s9] =	ssyncset.done $0x0  }
0x1a1: {  	s25 =	sadd.s32 $0x2B00, s5;
	[sflag:s9] =	ssyncadd.s32 $0xFFFFE000  }
0x1a2: {  	[spmem:s3] =	stream.indirect.scatter.add.f32 [tilespmem:s26], [sflag:$0x9], $0x20, s25, s29, $0xb8;
	[tilespmem:$0x1A8E0] =	vst v63  }
0x1a3: {  	_ =	swait.ge [sflag:s10], $0x2000  }
0x1a4: {  	[sflag:s10] =	ssyncset.done $0x0  }
0x1a5: {  	s5 =	sadd.s32 $0x2C00, s5;
	[sflag:s10] =	ssyncadd.s32 $0xFFFFE000  }
0x1a6: {  	[spmem:s3] =	stream.indirect.scatter.add.f32 [tilespmem:s28], [sflag:$0xA], $0x20, s5, s29, $0xb8;
	[tilespmem:$0x1A8E0] =	vst v63  }
0x1a7: {  	_ =	swait.ge [sflag:s11], $0x2000  }
0x1a8: {  	[sflag:s11] =	ssyncset.done $0x0  }
0x1a9: {  	[sflag:s11] =	ssyncadd.s32 $0xFFFFE000  }
0x1aa: {  	_ =	swait.ge [sflag:s12], $0x2000  }
0x1ab: {  	[sflag:s12] =	ssyncset.done $0x0  }
0x1ac: {  	[sflag:s12] =	ssyncadd.s32 $0xFFFFE000  }
0x1ad: {  	_ =	swait.ge [sflag:s13], $0x2000  }
0x1ae: {  	[sflag:s13] =	ssyncset.done $0x0  }
0x1af: {  	[sflag:s13] =	ssyncadd.s32 $0xFFFFE000  }
0x1b0: {  	_ =	swait.ge [sflag:s14], $0x2000  }
0x1b1: {  	[sflag:s14] =	ssyncset.done $0x0  }
0x1b2: {  	[sflag:s14] =	ssyncadd.s32 $0xFFFFE000  }
0x1b3: {  	_ =	swait.ge [sflag:s15], $0x2000  }
0x1b4: {  	[sflag:s15] =	ssyncset.done $0x0  }
0x1b5: {  	[sflag:s15] =	ssyncadd.s32 $0xFFFFE000  }
0x1b6: {  	[bflag:$0x0] =	sbarrier.arrive $0xFFFF  }
0x1b7: {  	s6 =	rddreg [dreg:$0x11]  }
0x1b8: {  	[hbm:s6], [sflag:s17] =	dma.local [spmem:s18], $0x9E0  }
0x1b9: {  	_ =	swait.ge [sflag:s23], $0x9E0  }
0x1ba: {  	[sflag:s23] =	ssyncset.done $0x0  }
0x1bb: {  	[sflag:s23] =	ssyncadd.s32 $0xFFFFF620  }
0x1bc: {  	[bflag:$0x0] =	sbarrier.arrive $0xFFFF  }
0x1bd: {  	s16 =	rddreg [dreg:$0xc]  }
0x1be: {  	[spmem:s19], [sflag:s17] =	dma.local [hbm:s16], $0x9C4  }
0x1bf: {  	_ =	swait.ge [sflag:s23], $0x9C4  }
0x1c0: {  	[sflag:s23] =	ssyncset.done $0x0  }
0x1c1: {  	[sflag:s23] =	ssyncadd.s32 $0xFFFFF63C  }
0x1c2: {  	[spmem:s18], [sflag:s17] =	dma.local [hbm:s22], $0x9E0  }
0x1c3: {  	_ =	swait.ge [sflag:s23], $0x9E0  }
0x1c4: {  	[sflag:s23] =	ssyncset.done $0x0  }
0x1c5: {  	[sflag:s23] =	ssyncadd.s32 $0xFFFFF620  }
0x1c6: {  	s20 =	simm.s32 $0x0;
	[bflag:$0x0] =	sbarrier.arrive $0xFFFF  }
0x1c7: {  	[tilespmem:s30], [sflag:$0x1] =	stream.indirect.gather [spmem:s1], $0x20, s20, s29, $0xb8;
	[tilespmem:$0x1A8E0] =	vst v63  }
0x1c8: {  	s21 =	simm.s32 $0x100  }
0x1c9: {  	[tilespmem:s31], [sflag:$0x2] =	stream.indirect.gather [spmem:s1], $0x20, s21, s29, $0xb8;
	[tilespmem:$0x1A8E0] =	vst v63  }
0x1ca: {  	s24 =	simm.s32 $0x200  }
0x1cb: {  	[tilespmem:s0], [sflag:$0x3] =	stream.indirect.gather [spmem:s1], $0x20, s24, s29, $0xb8;
	[tilespmem:$0x1A8E0] =	vst v63  }
0x1cc: {  	s25 =	simm.s32 $0x300  }
0x1cd: {  	[tilespmem:s26], [sflag:$0x4] =	stream.indirect.gather [spmem:s1], $0x20, s25, s29, $0xb8;
	[tilespmem:$0x1A8E0] =	vst v63  }
0x1ce: {  	s6 =	simm.s32 $0x400  }
0x1cf: {  	[tilespmem:s28], [sflag:$0x5] =	stream.indirect.gather [spmem:s1], $0x20, s6, s29, $0xb8;
	[tilespmem:$0x1A8E0] =	vst v63  }
0x1d0: {  	_ =	swait.ge [sflag:s2], $0x2000  }
0x1d1: {  	[sflag:s2] =	ssyncset.done $0x0  }
0x1d2: {  	s16 =	simm.s32 $0x2800;
	[sflag:s2] =	ssyncadd.s32 $0xFFFFE000  }
0x1d3: {  	[spmem:s3] =	stream.indirect.scatter.add.f32 [tilespmem:s30], [sflag:$0x6], $0x20, s16, s29, $0xb8;
	[tilespmem:$0x1A8E0] =	vst v63  }
0x1d4: {  	_ =	swait.ge [sflag:s7], $0x2000  }
0x1d5: {  	[sflag:s7] =	ssyncset.done $0x0  }
0x1d6: {  	s20 =	simm.s32 $0x2900;
	[sflag:s7] =	ssyncadd.s32 $0xFFFFE000  }
0x1d7: {  	[spmem:s3] =	stream.indirect.scatter.add.f32 [tilespmem:s31], [sflag:$0x7], $0x20, s20, s29, $0xb8;
	[tilespmem:$0x1A8E0] =	vst v63  }
0x1d8: {  	_ =	swait.ge [sflag:s8], $0x2000  }
0x1d9: {  	[sflag:s8] =	ssyncset.done $0x0  }
0x1da: {  	s21 =	simm.s32 $0x2A00;
	[sflag:s8] =	ssyncadd.s32 $0xFFFFE000  }
0x1db: {  	[spmem:s3] =	stream.indirect.scatter.add.f32 [tilespmem:s0], [sflag:$0x8], $0x20, s21, s29, $0xb8;
	[tilespmem:$0x1A8E0] =	vst v63  }
0x1dc: {  	_ =	swait.ge [sflag:s9], $0x2000  }
0x1dd: {  	[sflag:s9] =	ssyncset.done $0x0  }
0x1de: {  	s24 =	simm.s32 $0x2B00;
	[sflag:s9] =	ssyncadd.s32 $0xFFFFE000  }
0x1df: {  	[spmem:s3] =	stream.indirect.scatter.add.f32 [tilespmem:s26], [sflag:$0x9], $0x20, s24, s29, $0xb8;
	[tilespmem:$0x1A8E0] =	vst v63  }
0x1e0: {  	_ =	swait.ge [sflag:s10], $0x2000  }
0x1e1: {  	[sflag:s10] =	ssyncset.done $0x0  }
0x1e2: {  	s25 =	simm.s32 $0x2C00;
	[sflag:s10] =	ssyncadd.s32 $0xFFFFE000  }
0x1e3: {  	[spmem:s3] =	stream.indirect.scatter.add.f32 [tilespmem:s28], [sflag:$0xA], $0x20, s25, s29, $0xb8;
	[tilespmem:$0x1A8E0] =	vst v63  }
0x1e4: {  	_ =	swait.ge [sflag:s11], $0x2000  }
0x1e5: {  	[sflag:s11] =	ssyncset.done $0x0  }
0x1e6: {  	[sflag:s11] =	ssyncadd.s32 $0xFFFFE000  }
0x1e7: {  	_ =	swait.ge [sflag:s12], $0x2000  }
0x1e8: {  	[sflag:s12] =	ssyncset.done $0x0  }
0x1e9: {  	[sflag:s12] =	ssyncadd.s32 $0xFFFFE000  }
0x1ea: {  	_ =	swait.ge [sflag:s13], $0x2000  }
0x1eb: {  	[sflag:s13] =	ssyncset.done $0x0  }
0x1ec: {  	[sflag:s13] =	ssyncadd.s32 $0xFFFFE000  }
0x1ed: {  	_ =	swait.ge [sflag:s14], $0x2000  }
0x1ee: {  	[sflag:s14] =	ssyncset.done $0x0  }
0x1ef: {  	[sflag:s14] =	ssyncadd.s32 $0xFFFFE000  }
0x1f0: {  	_ =	swait.ge [sflag:s15], $0x2000  }
0x1f1: {  	s5 =	simm.s32 $0x1400;
	s21 =	simm.s32 $0x2800;
	[sflag:s15] =	ssyncset.done $0x0  }
.LBB2_6:
0x1f2: {  	s6 =	sshra.s32 s5, $0x2  }
0x1f3: {  	[sflag:s15] =	ssyncadd.s32 $0xFFFFE000;
	s5 =	smov.u32 s21;
	s20 =	sadd.s32 $0x1400, s21  }
0x1f4: {  	[tilespmem:s30], [sflag:$0x1] =	stream.indirect.gather [spmem:s1], $0x20, s6, s29, $0xb8;
	[tilespmem:$0x1A8E0] =	vst v63  }
0x1f5: {  	p1 =	sne.s32 s21, $0x8C00;
	s16 =	sadd.s32 $0x100, s6  }
0x1f6: {  	[tilespmem:s31], [sflag:$0x2] =	stream.indirect.gather [spmem:s1], $0x20, s16, s29, $0xb8;
	[tilespmem:$0x1A8E0] =	vst v63  }
0x1f7: {  	s16 =	sadd.s32 $0x200, s6  }
0x1f8: {  	[tilespmem:s0], [sflag:$0x3] =	stream.indirect.gather [spmem:s1], $0x20, s16, s29, $0xb8;
	[tilespmem:$0x1A8E0] =	vst v63  }
0x1f9: {  	s16 =	sadd.s32 $0x300, s6  }
0x1fa: {  	[tilespmem:s26], [sflag:$0x4] =	stream.indirect.gather [spmem:s1], $0x20, s16, s29, $0xb8;
	[tilespmem:$0x1A8E0] =	vst v63  }
0x1fb: {  	s16 =	sadd.s32 $0x400, s6  }
0x1fc: {  	[tilespmem:s28], [sflag:$0x5] =	stream.indirect.gather [spmem:s1], $0x20, s16, s29, $0xb8;
	[tilespmem:$0x1A8E0] =	vst v63  }
0x1fd: {  	_ =	swait.ge [sflag:s2], $0x2000  }
0x1fe: {  	[sflag:s2] =	ssyncset.done $0x0  }
0x1ff: {  	s16 =	sadd.s32 $0x2800, s6;
	[sflag:s2] =	ssyncadd.s32 $0xFFFFE000  }
0x200: {  	[spmem:s3] =	stream.indirect.scatter.add.f32 [tilespmem:s30], [sflag:$0x6], $0x20, s16, s29, $0xb8;
	[tilespmem:$0x1A8E0] =	vst v63  }
0x201: {  	_ =	swait.ge [sflag:s7], $0x2000  }
0x202: {  	[sflag:s7] =	ssyncset.done $0x0  }
0x203: {  	s16 =	sadd.s32 $0x2900, s6;
	[sflag:s7] =	ssyncadd.s32 $0xFFFFE000  }
0x204: {  	[spmem:s3] =	stream.indirect.scatter.add.f32 [tilespmem:s31], [sflag:$0x7], $0x20, s16, s29, $0xb8;
	[tilespmem:$0x1A8E0] =	vst v63  }
0x205: {  	_ =	swait.ge [sflag:s8], $0x2000  }
0x206: {  	[sflag:s8] =	ssyncset.done $0x0  }
0x207: {  	s16 =	sadd.s32 $0x2A00, s6;
	[sflag:s8] =	ssyncadd.s32 $0xFFFFE000  }
0x208: {  	[spmem:s3] =	stream.indirect.scatter.add.f32 [tilespmem:s0], [sflag:$0x8], $0x20, s16, s29, $0xb8;
	[tilespmem:$0x1A8E0] =	vst v63  }
0x209: {  	_ =	swait.ge [sflag:s9], $0x2000  }
0x20a: {  	[sflag:s9] =	ssyncset.done $0x0  }
0x20b: {  	s16 =	sadd.s32 $0x2B00, s6;
	[sflag:s9] =	ssyncadd.s32 $0xFFFFE000  }
0x20c: {  	[spmem:s3] =	stream.indirect.scatter.add.f32 [tilespmem:s26], [sflag:$0x9], $0x20, s16, s29, $0xb8;
	[tilespmem:$0x1A8E0] =	vst v63  }
0x20d: {  	_ =	swait.ge [sflag:s10], $0x2000  }
0x20e: {  	[sflag:s10] =	ssyncset.done $0x0  }
0x20f: {  	s6 =	sadd.s32 $0x2C00, s6;
	[sflag:s10] =	ssyncadd.s32 $0xFFFFE000  }
0x210: {  	[spmem:s3] =	stream.indirect.scatter.add.f32 [tilespmem:s28], [sflag:$0xA], $0x20, s6, s29, $0xb8;
	[tilespmem:$0x1A8E0] =	vst v63  }
0x211: {  	_ =	swait.ge [sflag:s11], $0x2000  }
0x212: {  	[sflag:s11] =	ssyncset.done $0x0  }
0x213: {  	[sflag:s11] =	ssyncadd.s32 $0xFFFFE000  }
0x214: {  	_ =	swait.ge [sflag:s12], $0x2000  }
0x215: {  	[sflag:s12] =	ssyncset.done $0x0  }
0x216: {  	[sflag:s12] =	ssyncadd.s32 $0xFFFFE000  }
0x217: {  	_ =	swait.ge [sflag:s13], $0x2000  }
0x218: {  	[sflag:s13] =	ssyncset.done $0x0  }
0x219: {  	[sflag:s13] =	ssyncadd.s32 $0xFFFFE000  }
.Ltmp2:
0x21a: {  	_ =	swait.ge [sflag:s14], $0x2000;
	(pc) =	sbr.rel @p1 .LBB2_6-.Ltmp2, $4  }
0x21b: {  	[sflag:s14] =	ssyncset.done $0x0  }
0x21c: {  	[sflag:s14] =	ssyncadd.s32 $0xFFFFE000  }
0x21d: {  	_ =	swait.ge [sflag:s15], $0x2000  }
0x21e: {  	s21 =	smov.u32 s20;
	[sflag:s15] =	ssyncset.done $0x0  }
0x21f: {  	s5 =	sshra.s32 s5, $0x2;
	[sflag:s15] =	ssyncadd.s32 $0xFFFFE000  }
0x220: {  	[tilespmem:s30], [sflag:$0x1] =	stream.indirect.gather [spmem:s1], $0x20, s5, s29, $0xb8;
	[tilespmem:$0x1A8E0] =	vst v63  }
0x221: {  	s6 =	sadd.s32 $0x100, s5  }
0x222: {  	[tilespmem:s31], [sflag:$0x2] =	stream.indirect.gather [spmem:s1], $0x20, s6, s29, $0xb8;
	[tilespmem:$0x1A8E0] =	vst v63  }
0x223: {  	s24 =	sadd.s32 $0x200, s5  }
0x224: {  	[tilespmem:s0], [sflag:$0x3] =	stream.indirect.gather [spmem:s1], $0x20, s24, s29, $0xb8;
	[tilespmem:$0x1A8E0] =	vst v63  }
0x225: {  	s25 =	sadd.s32 $0x300, s5  }
0x226: {  	[tilespmem:s26], [sflag:$0x4] =	stream.indirect.gather [spmem:s1], $0x20, s25, s29, $0xb8;
	[tilespmem:$0x1A8E0] =	vst v63  }
0x227: {  	s16 =	sadd.s32 $0x400, s5  }
0x228: {  	[tilespmem:s28], [sflag:$0x5] =	stream.indirect.gather [spmem:s1], $0x20, s16, s29, $0xb8;
	[tilespmem:$0x1A8E0] =	vst v63  }
0x229: {  	_ =	swait.ge [sflag:s2], $0x2000  }
0x22a: {  	[sflag:s2] =	ssyncset.done $0x0  }
0x22b: {  	s20 =	sadd.s32 $0x2800, s5;
	[sflag:s2] =	ssyncadd.s32 $0xFFFFE000  }
0x22c: {  	[spmem:s3] =	stream.indirect.scatter.add.f32 [tilespmem:s30], [sflag:$0x6], $0x20, s20, s29, $0xb8;
	[tilespmem:$0x1A8E0] =	vst v63  }
0x22d: {  	_ =	swait.ge [sflag:s7], $0x2000  }
0x22e: {  	[sflag:s7] =	ssyncset.done $0x0  }
0x22f: {  	s21 =	sadd.s32 $0x2900, s5;
	[sflag:s7] =	ssyncadd.s32 $0xFFFFE000  }
0x230: {  	[spmem:s3] =	stream.indirect.scatter.add.f32 [tilespmem:s31], [sflag:$0x7], $0x20, s21, s29, $0xb8;
	[tilespmem:$0x1A8E0] =	vst v63  }
0x231: {  	_ =	swait.ge [sflag:s8], $0x2000  }
0x232: {  	[sflag:s8] =	ssyncset.done $0x0  }
0x233: {  	s24 =	sadd.s32 $0x2A00, s5;
	[sflag:s8] =	ssyncadd.s32 $0xFFFFE000  }
0x234: {  	[spmem:s3] =	stream.indirect.scatter.add.f32 [tilespmem:s0], [sflag:$0x8], $0x20, s24, s29, $0xb8;
	[tilespmem:$0x1A8E0] =	vst v63  }
0x235: {  	_ =	swait.ge [sflag:s9], $0x2000  }
0x236: {  	[sflag:s9] =	ssyncset.done $0x0  }
0x237: {  	s25 =	sadd.s32 $0x2B00, s5;
	[sflag:s9] =	ssyncadd.s32 $0xFFFFE000  }
0x238: {  	[spmem:s3] =	stream.indirect.scatter.add.f32 [tilespmem:s26], [sflag:$0x9], $0x20, s25, s29, $0xb8;
	[tilespmem:$0x1A8E0] =	vst v63  }
0x239: {  	_ =	swait.ge [sflag:s10], $0x2000  }
0x23a: {  	[sflag:s10] =	ssyncset.done $0x0  }
0x23b: {  	s5 =	sadd.s32 $0x2C00, s5;
	[sflag:s10] =	ssyncadd.s32 $0xFFFFE000  }
0x23c: {  	[spmem:s3] =	stream.indirect.scatter.add.f32 [tilespmem:s28], [sflag:$0xA], $0x20, s5, s29, $0xb8;
	[tilespmem:$0x1A8E0] =	vst v63  }
0x23d: {  	_ =	swait.ge [sflag:s11], $0x2000  }
0x23e: {  	[sflag:s11] =	ssyncset.done $0x0  }
0x23f: {  	[sflag:s11] =	ssyncadd.s32 $0xFFFFE000  }
0x240: {  	_ =	swait.ge [sflag:s12], $0x2000  }
0x241: {  	[sflag:s12] =	ssyncset.done $0x0  }
0x242: {  	[sflag:s12] =	ssyncadd.s32 $0xFFFFE000  }
0x243: {  	_ =	swait.ge [sflag:s13], $0x2000  }
0x244: {  	[sflag:s13] =	ssyncset.done $0x0  }
0x245: {  	[sflag:s13] =	ssyncadd.s32 $0xFFFFE000  }
0x246: {  	_ =	swait.ge [sflag:s14], $0x2000  }
0x247: {  	[sflag:s14] =	ssyncset.done $0x0  }
0x248: {  	[sflag:s14] =	ssyncadd.s32 $0xFFFFE000  }
0x249: {  	_ =	swait.ge [sflag:s15], $0x2000  }
0x24a: {  	[sflag:s15] =	ssyncset.done $0x0  }
0x24b: {  	[sflag:s15] =	ssyncadd.s32 $0xFFFFE000  }
0x24c: {  	[bflag:$0x0] =	sbarrier.arrive $0xFFFF  }
0x24d: {  	s16 =	rddreg [dreg:$0x12]  }
0x24e: {  	[hbm:s16], [sflag:s17] =	dma.local [spmem:s18], $0x9E0  }
0x24f: {  	_ =	swait.ge [sflag:s23], $0x9E0  }
0x250: {  	[sflag:s23] =	ssyncset.done $0x0  }
0x251: {  	[sflag:s23] =	ssyncadd.s32 $0xFFFFF620  }
0x252: {  	[bflag:$0x0] =	sbarrier.arrive $0xFFFF  }
0x253: {  	s20 =	rddreg [dreg:$0xd]  }
0x254: {  	[spmem:s19], [sflag:s17] =	dma.local [hbm:s20], $0x9C4  }
0x255: {  	_ =	swait.ge [sflag:s23], $0x9C4  }
0x256: {  	[sflag:s23] =	ssyncset.done $0x0  }
0x257: {  	[sflag:s23] =	ssyncadd.s32 $0xFFFFF63C  }
0x258: {  	[spmem:s18], [sflag:s17] =	dma.local [hbm:s22], $0x9E0  }
0x259: {  	_ =	swait.ge [sflag:s23], $0x9E0  }
0x25a: {  	[sflag:s23] =	ssyncset.done $0x0  }
0x25b: {  	[sflag:s23] =	ssyncadd.s32 $0xFFFFF620  }
0x25c: {  	s21 =	simm.s32 $0x0;
	[bflag:$0x0] =	sbarrier.arrive $0xFFFF  }
0x25d: {  	[tilespmem:s30], [sflag:$0x1] =	stream.indirect.gather [spmem:s1], $0x20, s21, s29, $0xb8;
	[tilespmem:$0x1A8E0] =	vst v63  }
0x25e: {  	s24 =	simm.s32 $0x100  }
0x25f: {  	[tilespmem:s31], [sflag:$0x2] =	stream.indirect.gather [spmem:s1], $0x20, s24, s29, $0xb8;
	[tilespmem:$0x1A8E0] =	vst v63  }
0x260: {  	s25 =	simm.s32 $0x200  }
0x261: {  	[tilespmem:s0], [sflag:$0x3] =	stream.indirect.gather [spmem:s1], $0x20, s25, s29, $0xb8;
	[tilespmem:$0x1A8E0] =	vst v63  }
0x262: {  	s6 =	simm.s32 $0x300  }
0x263: {  	[tilespmem:s26], [sflag:$0x4] =	stream.indirect.gather [spmem:s1], $0x20, s6, s29, $0xb8;
	[tilespmem:$0x1A8E0] =	vst v63  }
0x264: {  	s16 =	simm.s32 $0x400  }
0x265: {  	[tilespmem:s28], [sflag:$0x5] =	stream.indirect.gather [spmem:s1], $0x20, s16, s29, $0xb8;
	[tilespmem:$0x1A8E0] =	vst v63  }
0x266: {  	_ =	swait.ge [sflag:s2], $0x2000  }
0x267: {  	[sflag:s2] =	ssyncset.done $0x0  }
0x268: {  	s19 =	simm.s32 $0x2800;
	[sflag:s2] =	ssyncadd.s32 $0xFFFFE000  }
0x269: {  	[spmem:s3] =	stream.indirect.scatter.add.f32 [tilespmem:s30], [sflag:$0x6], $0x20, s19, s29, $0xb8;
	[tilespmem:$0x1A8E0] =	vst v63  }
0x26a: {  	_ =	swait.ge [sflag:s7], $0x2000  }
0x26b: {  	[sflag:s7] =	ssyncset.done $0x0  }
0x26c: {  	s20 =	simm.s32 $0x2900;
	[sflag:s7] =	ssyncadd.s32 $0xFFFFE000  }
0x26d: {  	[spmem:s3] =	stream.indirect.scatter.add.f32 [tilespmem:s31], [sflag:$0x7], $0x20, s20, s29, $0xb8;
	[tilespmem:$0x1A8E0] =	vst v63  }
0x26e: {  	_ =	swait.ge [sflag:s8], $0x2000  }
0x26f: {  	[sflag:s8] =	ssyncset.done $0x0  }
0x270: {  	s21 =	simm.s32 $0x2A00;
	[sflag:s8] =	ssyncadd.s32 $0xFFFFE000  }
0x271: {  	[spmem:s3] =	stream.indirect.scatter.add.f32 [tilespmem:s0], [sflag:$0x8], $0x20, s21, s29, $0xb8;
	[tilespmem:$0x1A8E0] =	vst v63  }
0x272: {  	_ =	swait.ge [sflag:s9], $0x2000  }
0x273: {  	[sflag:s9] =	ssyncset.done $0x0  }
0x274: {  	s24 =	simm.s32 $0x2B00;
	[sflag:s9] =	ssyncadd.s32 $0xFFFFE000  }
0x275: {  	[spmem:s3] =	stream.indirect.scatter.add.f32 [tilespmem:s26], [sflag:$0x9], $0x20, s24, s29, $0xb8;
	[tilespmem:$0x1A8E0] =	vst v63  }
0x276: {  	_ =	swait.ge [sflag:s10], $0x2000  }
0x277: {  	[sflag:s10] =	ssyncset.done $0x0  }
0x278: {  	s25 =	simm.s32 $0x2C00;
	[sflag:s10] =	ssyncadd.s32 $0xFFFFE000  }
0x279: {  	[spmem:s3] =	stream.indirect.scatter.add.f32 [tilespmem:s28], [sflag:$0xA], $0x20, s25, s29, $0xb8;
	[tilespmem:$0x1A8E0] =	vst v63  }
0x27a: {  	_ =	swait.ge [sflag:s11], $0x2000  }
0x27b: {  	[sflag:s11] =	ssyncset.done $0x0  }
0x27c: {  	[sflag:s11] =	ssyncadd.s32 $0xFFFFE000  }
0x27d: {  	_ =	swait.ge [sflag:s12], $0x2000  }
0x27e: {  	[sflag:s12] =	ssyncset.done $0x0  }
0x27f: {  	[sflag:s12] =	ssyncadd.s32 $0xFFFFE000  }
0x280: {  	_ =	swait.ge [sflag:s13], $0x2000  }
0x281: {  	[sflag:s13] =	ssyncset.done $0x0  }
0x282: {  	[sflag:s13] =	ssyncadd.s32 $0xFFFFE000  }
0x283: {  	_ =	swait.ge [sflag:s14], $0x2000  }
0x284: {  	[sflag:s14] =	ssyncset.done $0x0  }
0x285: {  	[sflag:s14] =	ssyncadd.s32 $0xFFFFE000  }
0x286: {  	_ =	swait.ge [sflag:s15], $0x2000  }
0x287: {  	s5 =	simm.s32 $0x1400;
	s20 =	simm.s32 $0x2800;
	[sflag:s15] =	ssyncset.done $0x0  }
.LBB2_8:
0x288: {  	s6 =	sshra.s32 s5, $0x2  }
0x289: {  	[sflag:s15] =	ssyncadd.s32 $0xFFFFE000;
	s5 =	smov.u32 s20;
	s19 =	sadd.s32 $0x1400, s20  }
0x28a: {  	[tilespmem:s30], [sflag:$0x1] =	stream.indirect.gather [spmem:s1], $0x20, s6, s29, $0xb8;
	[tilespmem:$0x1A8E0] =	vst v63  }
0x28b: {  	p1 =	sne.s32 s20, $0x8C00;
	s16 =	sadd.s32 $0x100, s6  }
0x28c: {  	[tilespmem:s31], [sflag:$0x2] =	stream.indirect.gather [spmem:s1], $0x20, s16, s29, $0xb8;
	[tilespmem:$0x1A8E0] =	vst v63  }
0x28d: {  	s16 =	sadd.s32 $0x200, s6  }
0x28e: {  	[tilespmem:s0], [sflag:$0x3] =	stream.indirect.gather [spmem:s1], $0x20, s16, s29, $0xb8;
	[tilespmem:$0x1A8E0] =	vst v63  }
0x28f: {  	s16 =	sadd.s32 $0x300, s6  }
0x290: {  	[tilespmem:s26], [sflag:$0x4] =	stream.indirect.gather [spmem:s1], $0x20, s16, s29, $0xb8;
	[tilespmem:$0x1A8E0] =	vst v63  }
0x291: {  	s16 =	sadd.s32 $0x400, s6  }
0x292: {  	[tilespmem:s28], [sflag:$0x5] =	stream.indirect.gather [spmem:s1], $0x20, s16, s29, $0xb8;
	[tilespmem:$0x1A8E0] =	vst v63  }
0x293: {  	_ =	swait.ge [sflag:s2], $0x2000  }
0x294: {  	[sflag:s2] =	ssyncset.done $0x0  }
0x295: {  	s16 =	sadd.s32 $0x2800, s6;
	[sflag:s2] =	ssyncadd.s32 $0xFFFFE000  }
0x296: {  	[spmem:s3] =	stream.indirect.scatter.add.f32 [tilespmem:s30], [sflag:$0x6], $0x20, s16, s29, $0xb8;
	[tilespmem:$0x1A8E0] =	vst v63  }
0x297: {  	_ =	swait.ge [sflag:s7], $0x2000  }
0x298: {  	[sflag:s7] =	ssyncset.done $0x0  }
0x299: {  	s16 =	sadd.s32 $0x2900, s6;
	[sflag:s7] =	ssyncadd.s32 $0xFFFFE000  }
0x29a: {  	[spmem:s3] =	stream.indirect.scatter.add.f32 [tilespmem:s31], [sflag:$0x7], $0x20, s16, s29, $0xb8;
	[tilespmem:$0x1A8E0] =	vst v63  }
0x29b: {  	_ =	swait.ge [sflag:s8], $0x2000  }
0x29c: {  	[sflag:s8] =	ssyncset.done $0x0  }
0x29d: {  	s16 =	sadd.s32 $0x2A00, s6;
	[sflag:s8] =	ssyncadd.s32 $0xFFFFE000  }
0x29e: {  	[spmem:s3] =	stream.indirect.scatter.add.f32 [tilespmem:s0], [sflag:$0x8], $0x20, s16, s29, $0xb8;
	[tilespmem:$0x1A8E0] =	vst v63  }
0x29f: {  	_ =	swait.ge [sflag:s9], $0x2000  }
0x2a0: {  	[sflag:s9] =	ssyncset.done $0x0  }
0x2a1: {  	s16 =	sadd.s32 $0x2B00, s6;
	[sflag:s9] =	ssyncadd.s32 $0xFFFFE000  }
0x2a2: {  	[spmem:s3] =	stream.indirect.scatter.add.f32 [tilespmem:s26], [sflag:$0x9], $0x20, s16, s29, $0xb8;
	[tilespmem:$0x1A8E0] =	vst v63  }
0x2a3: {  	_ =	swait.ge [sflag:s10], $0x2000  }
0x2a4: {  	[sflag:s10] =	ssyncset.done $0x0  }
0x2a5: {  	s6 =	sadd.s32 $0x2C00, s6;
	[sflag:s10] =	ssyncadd.s32 $0xFFFFE000  }
0x2a6: {  	[spmem:s3] =	stream.indirect.scatter.add.f32 [tilespmem:s28], [sflag:$0xA], $0x20, s6, s29, $0xb8;
	[tilespmem:$0x1A8E0] =	vst v63  }
0x2a7: {  	_ =	swait.ge [sflag:s11], $0x2000  }
0x2a8: {  	[sflag:s11] =	ssyncset.done $0x0  }
0x2a9: {  	[sflag:s11] =	ssyncadd.s32 $0xFFFFE000  }
0x2aa: {  	_ =	swait.ge [sflag:s12], $0x2000  }
0x2ab: {  	[sflag:s12] =	ssyncset.done $0x0  }
0x2ac: {  	[sflag:s12] =	ssyncadd.s32 $0xFFFFE000  }
0x2ad: {  	_ =	swait.ge [sflag:s13], $0x2000  }
0x2ae: {  	[sflag:s13] =	ssyncset.done $0x0  }
0x2af: {  	[sflag:s13] =	ssyncadd.s32 $0xFFFFE000  }
.Ltmp3:
0x2b0: {  	_ =	swait.ge [sflag:s14], $0x2000;
	(pc) =	sbr.rel @p1 .LBB2_8-.Ltmp3, $4  }
0x2b1: {  	[sflag:s14] =	ssyncset.done $0x0  }
0x2b2: {  	[sflag:s14] =	ssyncadd.s32 $0xFFFFE000  }
0x2b3: {  	_ =	swait.ge [sflag:s15], $0x2000  }
0x2b4: {  	s20 =	smov.u32 s19;
	[sflag:s15] =	ssyncset.done $0x0  }
0x2b5: {  	s5 =	sshra.s32 s5, $0x2;
	[sflag:s15] =	ssyncadd.s32 $0xFFFFE000  }
0x2b6: {  	[tilespmem:s30], [sflag:$0x1] =	stream.indirect.gather [spmem:s1], $0x20, s5, s29, $0xb8;
	[tilespmem:$0x1A8E0] =	vst v63  }
0x2b7: {  	s6 =	sadd.s32 $0x100, s5  }
0x2b8: {  	[tilespmem:s31], [sflag:$0x2] =	stream.indirect.gather [spmem:s1], $0x20, s6, s29, $0xb8;
	[tilespmem:$0x1A8E0] =	vst v63  }
0x2b9: {  	s20 =	sadd.s32 $0x200, s5  }
0x2ba: {  	[tilespmem:s0], [sflag:$0x3] =	stream.indirect.gather [spmem:s1], $0x20, s20, s29, $0xb8;
	[tilespmem:$0x1A8E0] =	vst v63  }
0x2bb: {  	s21 =	sadd.s32 $0x300, s5  }
0x2bc: {  	[tilespmem:s26], [sflag:$0x4] =	stream.indirect.gather [spmem:s1], $0x20, s21, s29, $0xb8;
	[tilespmem:$0x1A8E0] =	vst v63  }
0x2bd: {  	s24 =	sadd.s32 $0x400, s5  }
0x2be: {  	[tilespmem:s28], [sflag:$0x5] =	stream.indirect.gather [spmem:s1], $0x20, s24, s29, $0xb8;
	[tilespmem:$0x1A8E0] =	vst v63  }
0x2bf: {  	_ =	swait.ge [sflag:s2], $0x2000  }
0x2c0: {  	[sflag:s2] =	ssyncset.done $0x0  }
0x2c1: {  	s25 =	sadd.s32 $0x2800, s5;
	[sflag:s2] =	ssyncadd.s32 $0xFFFFE000  }
0x2c2: {  	[spmem:s3] =	stream.indirect.scatter.add.f32 [tilespmem:s30], [sflag:$0x6], $0x20, s25, s29, $0xb8;
	[tilespmem:$0x1A8E0] =	vst v63  }
0x2c3: {  	_ =	swait.ge [sflag:s7], $0x2000  }
0x2c4: {  	[sflag:s7] =	ssyncset.done $0x0  }
0x2c5: {  	s16 =	sadd.s32 $0x2900, s5;
	[sflag:s7] =	ssyncadd.s32 $0xFFFFE000  }
0x2c6: {  	[spmem:s3] =	stream.indirect.scatter.add.f32 [tilespmem:s31], [sflag:$0x7], $0x20, s16, s29, $0xb8;
	[tilespmem:$0x1A8E0] =	vst v63  }
0x2c7: {  	_ =	swait.ge [sflag:s8], $0x2000  }
0x2c8: {  	[sflag:s8] =	ssyncset.done $0x0  }
0x2c9: {  	s19 =	sadd.s32 $0x2A00, s5;
	[sflag:s8] =	ssyncadd.s32 $0xFFFFE000  }
0x2ca: {  	[spmem:s3] =	stream.indirect.scatter.add.f32 [tilespmem:s0], [sflag:$0x8], $0x20, s19, s29, $0xb8;
	[tilespmem:$0x1A8E0] =	vst v63  }
0x2cb: {  	_ =	swait.ge [sflag:s9], $0x2000  }
0x2cc: {  	[sflag:s9] =	ssyncset.done $0x0  }
0x2cd: {  	s20 =	sadd.s32 $0x2B00, s5;
	[sflag:s9] =	ssyncadd.s32 $0xFFFFE000  }
0x2ce: {  	[spmem:s3] =	stream.indirect.scatter.add.f32 [tilespmem:s26], [sflag:$0x9], $0x20, s20, s29, $0xb8;
	[tilespmem:$0x1A8E0] =	vst v63  }
0x2cf: {  	_ =	swait.ge [sflag:s10], $0x2000  }
0x2d0: {  	[sflag:s10] =	ssyncset.done $0x0  }
0x2d1: {  	s5 =	sadd.s32 $0x2C00, s5;
	[sflag:s10] =	ssyncadd.s32 $0xFFFFE000  }
0x2d2: {  	[spmem:s3] =	stream.indirect.scatter.add.f32 [tilespmem:s28], [sflag:$0xA], $0x20, s5, s29, $0xb8;
	[tilespmem:$0x1A8E0] =	vst v63  }
0x2d3: {  	_ =	swait.ge [sflag:s11], $0x2000  }
0x2d4: {  	[sflag:s11] =	ssyncset.done $0x0  }
0x2d5: {  	[sflag:s11] =	ssyncadd.s32 $0xFFFFE000  }
0x2d6: {  	_ =	swait.ge [sflag:s12], $0x2000  }
0x2d7: {  	[sflag:s12] =	ssyncset.done $0x0  }
0x2d8: {  	[sflag:s12] =	ssyncadd.s32 $0xFFFFE000  }
0x2d9: {  	_ =	swait.ge [sflag:s13], $0x2000  }
0x2da: {  	[sflag:s13] =	ssyncset.done $0x0  }
0x2db: {  	[sflag:s13] =	ssyncadd.s32 $0xFFFFE000  }
0x2dc: {  	_ =	swait.ge [sflag:s14], $0x2000  }
0x2dd: {  	[sflag:s14] =	ssyncset.done $0x0  }
0x2de: {  	[sflag:s14] =	ssyncadd.s32 $0xFFFFE000  }
0x2df: {  	_ =	swait.ge [sflag:s15], $0x2000  }
0x2e0: {  	[sflag:s15] =	ssyncset.done $0x0  }
0x2e1: {  	[sflag:s15] =	ssyncadd.s32 $0xFFFFE000  }
0x2e2: {  	[bflag:$0x0] =	sbarrier.arrive $0xFFFF  }
0x2e3: {  	s21 =	rddreg [dreg:$0x13]  }
0x2e4: {  	[hbm:s21], [sflag:s17] =	dma.local [spmem:s18], $0x9E0  }
0x2e5: {  	_ =	swait.ge [sflag:s23], $0x9E0  }
0x2e6: {  	s24 =	rddreg [dreg:$0x19]  }
0x2e7: {  	s25 =	rddreg [dreg:$0x16];
	s6 =	sadd.s32 $0x1, s24  }
0x2e8: {  	p1 =	sne.s32 s6, s25  }
.Ltmp4:
0x2e9: {  	_ = 	snop;
	(pc) =	sbr.rel @p1 .LBB2_1-.Ltmp4, $3  }
0x2ea: {  	_ =	sdelay $0x1  }
0x2eb: {  	[sflag:s23] =	ssyncset.done $0x0  }
0x2ec: {  	[sflag:s23] =	ssyncadd.s32 $0xFFFFF620  }
0x2ed: {  	_ =	sfence.sel $0x180000  }
0x2ee: {  	[bflag:$0x0] =	sbarrier.arrive $0xFFFF  }
0x2ef: {  	_ =	strace $0x90000047  }
0x2f0: {  	s0 =	stileid.u32;
	[bflag:$0x2] =	sbarrier.arrive $0xFFFF  }
0x2f1: {  	p0 =	sne.s32 s0, $0x0;
	s0 =	rddreg [dreg:$0x5]  }
0x2f2: {  	s0 =	sadd.s32 @!p0 $0x100000, s0  }
0x2f3: {  	[sflag:s0] =	ssyncadd.tile.s32 @!p0 $0x1;
	_ =	shalt  }
.Lfunc_end2:
_tile_overlayer_lowered:
.L_overlay_start_2:
0x2f4: {  	(tag) =	ssettag $0x2  }
0x2f5: {  	s0 =	rddreg [dreg:$0x0];
	s2 =	stileid.u32  }
0x2f6: {  	s1 =	rddreg [dreg:$0x1];
	p0 =	sne.s32 s2, $0x0  }
0x2f7: {  	s3 =	rddreg [dreg:$0x2];
	[bflag:$0x3] =	sbarrier.arrive $0xFFFF;
	s2 =	simm.s32 @!p0 $0x1C0D  }
0x2f8: {  	[timem:s3], [sflag:s2] =	dma.local @!p0 [hbm:s0], s1  }
0x2f9: {  	s0 =	simm.s32 @!p0 $0xD  }
0x2fa: {  	_ =	swait.ge @!p0 [sflag:s0], s1  }
0x2fb: {  	s1 =	ssub.s32 @!p0 $0x0, s1;
	[sflag:s0] =	ssyncset.done @!p0 $0x0  }
0x2fc: {  	[sflag:s0] =	ssyncadd.s32 @!p0 s1  }
0x2fd: {  	[bflag:$0x3] =	sbarrier.arrive $0xFFFF  }
0x2fe: {  	_ =	shalt  }

</sc_bundles>
